<compile_context>
chip_gen: v7x
topology: tpu7x:2x2x1
jax: 0.10.2.dev20260603
libtpu: 0.0.44.dev20260713+nightly
codegen_flags: <defaults>
</compile_context>

<pallas_src>
import functools
import math

import jax
import jax.numpy as jnp
from jax import lax
from jax.experimental import pallas as pl
from jax.experimental.pallas import tpu as pltpu
from jax.experimental.pallas import tpu_sc as plsc

D_EMB = 64
SCALE = math.sqrt(D_EMB)
NUM_CORES = 2
NUM_SUBCORES = 16
NUM_WORKERS = NUM_CORES * NUM_SUBCORES
CHUNK = 128
NBUF = 4


@functools.partial(jax.jit, static_argnums=(2,))
def _emb_lookup(x_flat, table, n_total):
    per_w = n_total // NUM_WORKERS
    n_chunks = per_w // CHUNK
    n_outer = n_chunks // NBUF
    assert n_chunks % NBUF == 0 and n_outer >= 2
    mesh = plsc.VectorSubcoreMesh(
        core_axis_name="c", subcore_axis_name="s",
        num_cores=NUM_CORES, num_subcores=NUM_SUBCORES,
    )

    @functools.partial(
        pl.kernel,
        out_type=jax.ShapeDtypeStruct((n_total, D_EMB), jnp.float32),
        mesh=mesh,
        compiler_params=pltpu.CompilerParams(use_tc_tiling_on_sc=False),
        scratch_types=[
            pltpu.VMEM((per_w,), jnp.int32),
            pltpu.VMEM((NBUF, CHUNK, D_EMB), jnp.float32),
            pltpu.VMEM((NBUF, CHUNK, D_EMB), jnp.float32),
            pltpu.SemaphoreType.DMA((NBUF,)),
            pltpu.SemaphoreType.DMA((NBUF,)),
        ],
    )
    def emb_kernel(idx_hbm, table_hbm, out_hbm, idx_all, rows, obuf,
                   gsem, osem):
        wid = lax.axis_index("s") * NUM_CORES + lax.axis_index("c")
        base = wid * per_w
        pltpu.sync_copy(idx_hbm.at[pl.ds(base, per_w)], idx_all)

        def g_copy(c, b):
            return pltpu.make_async_copy(
                table_hbm.at[idx_all.at[pl.ds(c * CHUNK, CHUNK)]],
                rows.at[b], gsem.at[b])

        def o_copy(c, b):
            return pltpu.make_async_copy(
                obuf.at[b], out_hbm.at[pl.ds(base + c * CHUNK, CHUNK)],
                osem.at[b])

        def compute(b):
            def row_body(i, carry):
                for j in range(D_EMB // 16):
                    obuf[b, i, pl.ds(16 * j, 16)] = (
                        rows[b, i, pl.ds(16 * j, 16)] * SCALE
                    )
                return carry
            lax.fori_loop(0, CHUNK, row_body, 0, unroll=4)

        for b in range(NBUF):
            g_copy(b, b).start()
        for b in range(NBUF):
            g_copy(b, b).wait()
            compute(b)
            g_copy(NBUF + b, b).start()
            o_copy(b, b).start()

        def outer(co, carry):
            c0 = co * NBUF
            for b in range(NBUF):
                c = c0 + b
                g_copy(c, b).wait()
                o_copy(c - NBUF, b).wait()
                compute(b)
                g_copy(c + NBUF, b).start()
                o_copy(c, b).start()
            return carry

        lax.fori_loop(1, n_outer - 1, outer, 0)

        for b in range(NBUF):
            c = (n_outer - 1) * NBUF + b
            g_copy(c, b).wait()
            o_copy(c - NBUF, b).wait()
            compute(b)
            o_copy(c, b).start()
        for b in range(NBUF):
            o_copy((n_outer - 1) * NBUF + b, b).wait()

    return emb_kernel(x_flat, table)


def kernel(x, table):
    x_flat = x.reshape(-1).astype(jnp.int32)
    out = _emb_lookup(x_flat, table, x_flat.shape[0])
    return out.reshape(x.shape + (D_EMB,))

# --- scband reference (transcript-rebuilt; emitter-appended) ---
"""Pipeline reference for scband-embedding-37538014167781 (READ-ONLY COPY).

The authoritative reference and input builder live on the scoring server;
editing this copy changes nothing except your own understanding.
"""

import jax, jax.numpy as jnp
import numpy as np
import math

D_MODEL = 64
VOCAB = 1000000

def setup_inputs(seed: int = 0) -> dict:
    key = jax.random.key(seed)
    k1, k2 = jax.random.split(key)
    x = jax.random.randint(k1, (4096, 200), 0, VOCAB, dtype=jnp.int64) if jax.config.jax_enable_x64 else jax.random.randint(k1, (4096, 200), 0, VOCAB, dtype=jnp.int32)
    table = jax.random.normal(k2, (VOCAB, D_MODEL), dtype=jnp.float32)
    return {"x": x, "table": table}

def reference(x, table):
    # Faithful translation of: self.lut(x) * math.sqrt(self.d_model)
    emb = jnp.take(table, x, axis=0)
    return emb * math.sqrt(D_MODEL)

if __name__ == "__main__":
    import jax
    _d = setup_inputs()
    print(jax.jit(kernel)(*tuple(_d.values())))

</pallas_src>

<mosaic_0001>
#map = affine_map<(d0, d1) -> (0)>
#map1 = affine_map<(d0, d1) -> (0, 0)>
module attributes {stable_mosaic.version = 14 : i64} {
  func.func @emb_kernel(%arg0: i32, %arg1: i32, %arg2: memref<819200xi32, #tpu.memory_space<hbm>>, %arg3: memref<1000000x64xf32, #tpu.memory_space<hbm>>, %arg4: memref<819200x64xf32, #tpu.memory_space<hbm>>, %arg5: memref<25600xi32, #tpu.memory_space<vmem>>, %arg6: memref<4x128x64xf32, #tpu.memory_space<vmem>>, %arg7: memref<4x128x64xf32, #tpu.memory_space<vmem>>, %arg8: memref<4x!tpu.dma_semaphore, #tpu.memory_space<semaphore_mem>>, %arg9: memref<4x!tpu.dma_semaphore, #tpu.memory_space<semaphore_mem>>) attributes {dimension_semantics = [#tpu.dimension_semantics<core_parallel>, #tpu.dimension_semantics<subcore_parallel>], iteration_bounds = array<i64: 2, 16>, scalar_prefetch = 0 : i64, scratch_operands = 5 : i64, tpu.core_type = #tpu.core_type<sc_vector_subcore>, window_params = [{transform_indices = #map}, {transform_indices = #map1}, {transform_indices = #map1}]} {
    %mul3A = arith.constant 2 : i32
    %mul3A_0 = arith.muli %arg1, %mul3A : i32
    %add3A = arith.addi %mul3A_0, %arg0 : i32
    %mul3A_1 = arith.constant 25600 : i32
    %mul3A_2 = arith.muli %add3A, %mul3A_1 : i32
    "tpu.region"() ({
      %run_scoped3A = tpu.sem_alloc : memref<!tpu.dma_semaphore, #tpu.memory_space<semaphore_mem>>
      %dma_start3A_550 = tpu.memref_slice %arg2[%mul3A_2] : memref<819200xi32, #tpu.memory_space<hbm>> -> memref<25600xi32, #tpu.memory_space<hbm>>
      %dma_start3A_551 = tpu.memref_slice %arg2[%mul3A_2] : memref<819200xi32, #tpu.memory_space<hbm>> -> memref<25600xi32, #tpu.memory_space<hbm>>
      tpu.enqueue_dma source(%dma_start3A_551 : memref<25600xi32, #tpu.memory_space<hbm>>) target(%arg5 : memref<25600xi32, #tpu.memory_space<vmem>>) target_semaphore(%run_scoped3A : memref<!tpu.dma_semaphore, #tpu.memory_space<semaphore_mem>>)
      %dma_wait3A_552 = tpu.memref_slice %arg2[%mul3A_2] : memref<819200xi32, #tpu.memory_space<hbm>> -> memref<25600xi32, #tpu.memory_space<hbm>>
      %dma_wait3A_553 = tpu.memref_slice %arg2[%mul3A_2] : memref<819200xi32, #tpu.memory_space<hbm>> -> memref<25600xi32, #tpu.memory_space<hbm>>
      tpu.wait_dma2 semaphore(%run_scoped3A : memref<!tpu.dma_semaphore, #tpu.memory_space<semaphore_mem>>) src(%dma_wait3A_553 : memref<25600xi32, #tpu.memory_space<hbm>>) dst(%arg5 : memref<25600xi32, #tpu.memory_space<vmem>>)
      tpu.yield
    }) : () -> ()
    %dma_start3A = arith.constant 0 : i32
    %dma_start3A_3 = arith.constant 0 : i32
    %dma_start3A_4 = arith.constant 0 : i32
    %dma_start3A_5 = arith.constant 0 : i32
    %dma_start3A_6 = tpu.memref_slice %arg6[%dma_start3A, %dma_start3A_4, %dma_start3A_5] : memref<4x128x64xf32, #tpu.memory_space<vmem>> -> memref<1x128x64xf32, #tpu.memory_space<vmem>>
    %dma_start3A_7 = tpu.memref_squeeze %dma_start3A_6 : memref<1x128x64xf32, #tpu.memory_space<vmem>> -> memref<128x64xf32, #tpu.memory_space<vmem>>
    %dma_start3A_8 = arith.constant 0 : i32
    %dma_start3A_9 = tpu.memref_slice %arg5[%dma_start3A_8] : memref<25600xi32, #tpu.memory_space<vmem>> -> memref<128xi32, #tpu.memory_space<vmem>>
    %dma_start3A_10 = arith.constant 0 : i32
    %dma_start3A_11 = arith.constant 0 : i32
    %dma_start3A_12 = tpu.memref_slice %arg3[%dma_start3A_10, %dma_start3A_11] : memref<1000000x64xf32, #tpu.memory_space<hbm>> -> memref<1000000x64xf32, #tpu.memory_space<hbm>>
    %dma_start3A_13 = tpu.memref_slice %arg8[%dma_start3A_3] : memref<4x!tpu.dma_semaphore, #tpu.memory_space<semaphore_mem>> -> memref<1x!tpu.dma_semaphore, #tpu.memory_space<semaphore_mem>>
    %dma_start3A_14 = tpu.memref_squeeze %dma_start3A_13 : memref<1x!tpu.dma_semaphore, #tpu.memory_space<semaphore_mem>> -> memref<!tpu.dma_semaphore, #tpu.memory_space<semaphore_mem>>
    tpu.enqueue_indirect_dma source(%dma_start3A_12 : memref<1000000x64xf32, #tpu.memory_space<hbm>>) target(%dma_start3A_7 : memref<128x64xf32, #tpu.memory_space<vmem>>) offsets(%dma_start3A_9 : memref<128xi32, #tpu.memory_space<vmem>>) semaphore(%dma_start3A_14 : memref<!tpu.dma_semaphore, #tpu.memory_space<semaphore_mem>>)
    %dma_start3A_15 = arith.constant 1 : i32
    %dma_start3A_16 = arith.constant 1 : i32
    %dma_start3A_17 = arith.constant 0 : i32
    %dma_start3A_18 = arith.constant 0 : i32
    %dma_start3A_19 = tpu.memref_slice %arg6[%dma_start3A_15, %dma_start3A_17, %dma_start3A_18] : memref<4x128x64xf32, #tpu.memory_space<vmem>> -> memref<1x128x64xf32, #tpu.memory_space<vmem>>
    %dma_start3A_20 = tpu.memref_squeeze %dma_start3A_19 : memref<1x128x64xf32, #tpu.memory_space<vmem>> -> memref<128x64xf32, #tpu.memory_space<vmem>>
    %dma_start3A_21 = arith.constant 128 : i32
    %dma_start3A_22 = tpu.memref_slice %arg5[%dma_start3A_21] : memref<25600xi32, #tpu.memory_space<vmem>> -> memref<128xi32, #tpu.memory_space<vmem>>
    %dma_start3A_23 = arith.constant 0 : i32
    %dma_start3A_24 = arith.constant 0 : i32
    %dma_start3A_25 = tpu.memref_slice %arg3[%dma_start3A_23, %dma_start3A_24] : memref<1000000x64xf32, #tpu.memory_space<hbm>> -> memref<1000000x64xf32, #tpu.memory_space<hbm>>
    %dma_start3A_26 = tpu.memref_slice %arg8[%dma_start3A_16] : memref<4x!tpu.dma_semaphore, #tpu.memory_space<semaphore_mem>> -> memref<1x!tpu.dma_semaphore, #tpu.memory_space<semaphore_mem>>
    %dma_start3A_27 = tpu.memref_squeeze %dma_start3A_26 : memref<1x!tpu.dma_semaphore, #tpu.memory_space<semaphore_mem>> -> memref<!tpu.dma_semaphore, #tpu.memory_space<semaphore_mem>>
    tpu.enqueue_indirect_dma source(%dma_start3A_25 : memref<1000000x64xf32, #tpu.memory_space<hbm>>) target(%dma_start3A_20 : memref<128x64xf32, #tpu.memory_space<vmem>>) offsets(%dma_start3A_22 : memref<128xi32, #tpu.memory_space<vmem>>) semaphore(%dma_start3A_27 : memref<!tpu.dma_semaphore, #tpu.memory_space<semaphore_mem>>)
    %dma_start3A_28 = arith.constant 2 : i32
    %dma_start3A_29 = arith.constant 2 : i32
    %dma_start3A_30 = arith.constant 0 : i32
    %dma_start3A_31 = arith.constant 0 : i32
    %dma_start3A_32 = tpu.memref_slice %arg6[%dma_start3A_28, %dma_start3A_30, %dma_start3A_31] : memref<4x128x64xf32, #tpu.memory_space<vmem>> -> memref<1x128x64xf32, #tpu.memory_space<vmem>>
    %dma_start3A_33 = tpu.memref_squeeze %dma_start3A_32 : memref<1x128x64xf32, #tpu.memory_space<vmem>> -> memref<128x64xf32, #tpu.memory_space<vmem>>
    %dma_start3A_34 = arith.constant 256 : i32
    %dma_start3A_35 = tpu.memref_slice %arg5[%dma_start3A_34] : memref<25600xi32, #tpu.memory_space<vmem>> -> memref<128xi32, #tpu.memory_space<vmem>>
    %dma_start3A_36 = arith.constant 0 : i32
    %dma_start3A_37 = arith.constant 0 : i32
    %dma_start3A_38 = tpu.memref_slice %arg3[%dma_start3A_36, %dma_start3A_37] : memref<1000000x64xf32, #tpu.memory_space<hbm>> -> memref<1000000x64xf32, #tpu.memory_space<hbm>>
    %dma_start3A_39 = tpu.memref_slice %arg8[%dma_start3A_29] : memref<4x!tpu.dma_semaphore, #tpu.memory_space<semaphore_mem>> -> memref<1x!tpu.dma_semaphore, #tpu.memory_space<semaphore_mem>>
    %dma_start3A_40 = tpu.memref_squeeze %dma_start3A_39 : memref<1x!tpu.dma_semaphore, #tpu.memory_space<semaphore_mem>> -> memref<!tpu.dma_semaphore, #tpu.memory_space<semaphore_mem>>
    tpu.enqueue_indirect_dma source(%dma_start3A_38 : memref<1000000x64xf32, #tpu.memory_space<hbm>>) target(%dma_start3A_33 : memref<128x64xf32, #tpu.memory_space<vmem>>) offsets(%dma_start3A_35 : memref<128xi32, #tpu.memory_space<vmem>>) semaphore(%dma_start3A_40 : memref<!tpu.dma_semaphore, #tpu.memory_space<semaphore_mem>>)
    %dma_start3A_41 = arith.constant 3 : i32
    %dma_start3A_42 = arith.constant 3 : i32
    %dma_start3A_43 = arith.constant 0 : i32
    %dma_start3A_44 = arith.constant 0 : i32
    %dma_start3A_45 = tpu.memref_slice %arg6[%dma_start3A_41, %dma_start3A_43, %dma_start3A_44] : memref<4x128x64xf32, #tpu.memory_space<vmem>> -> memref<1x128x64xf32, #tpu.memory_space<vmem>>
    %dma_start3A_46 = tpu.memref_squeeze %dma_start3A_45 : memref<1x128x64xf32, #tpu.memory_space<vmem>> -> memref<128x64xf32, #tpu.memory_space<vmem>>
    %dma_start3A_47 = arith.constant 384 : i32
    %dma_start3A_48 = tpu.memref_slice %arg5[%dma_start3A_47] : memref<25600xi32, #tpu.memory_space<vmem>> -> memref<128xi32, #tpu.memory_space<vmem>>
    %dma_start3A_49 = arith.constant 0 : i32
    %dma_start3A_50 = arith.constant 0 : i32
    %dma_start3A_51 = tpu.memref_slice %arg3[%dma_start3A_49, %dma_start3A_50] : memref<1000000x64xf32, #tpu.memory_space<hbm>> -> memref<1000000x64xf32, #tpu.memory_space<hbm>>
    %dma_start3A_52 = tpu.memref_slice %arg8[%dma_start3A_42] : memref<4x!tpu.dma_semaphore, #tpu.memory_space<semaphore_mem>> -> memref<1x!tpu.dma_semaphore, #tpu.memory_space<semaphore_mem>>
    %dma_start3A_53 = tpu.memref_squeeze %dma_start3A_52 : memref<1x!tpu.dma_semaphore, #tpu.memory_space<semaphore_mem>> -> memref<!tpu.dma_semaphore, #tpu.memory_space<semaphore_mem>>
    tpu.enqueue_indirect_dma source(%dma_start3A_51 : memref<1000000x64xf32, #tpu.memory_space<hbm>>) target(%dma_start3A_46 : memref<128x64xf32, #tpu.memory_space<vmem>>) offsets(%dma_start3A_48 : memref<128xi32, #tpu.memory_space<vmem>>) semaphore(%dma_start3A_53 : memref<!tpu.dma_semaphore, #tpu.memory_space<semaphore_mem>>)
    %dma_wait3A = arith.constant 0 : i32
    %dma_wait3A_54 = arith.constant 0 : i32
    %dma_wait3A_55 = arith.constant 0 : i32
    %dma_wait3A_56 = arith.constant 0 : i32
    %dma_wait3A_57 = tpu.memref_slice %arg6[%dma_wait3A, %dma_wait3A_55, %dma_wait3A_56] : memref<4x128x64xf32, #tpu.memory_space<vmem>> -> memref<1x128x64xf32, #tpu.memory_space<vmem>>
    %dma_wait3A_58 = tpu.memref_squeeze %dma_wait3A_57 : memref<1x128x64xf32, #tpu.memory_space<vmem>> -> memref<128x64xf32, #tpu.memory_space<vmem>>
    %dma_wait3A_59 = arith.constant 0 : i32
    %dma_wait3A_60 = tpu.memref_slice %arg5[%dma_wait3A_59] : memref<25600xi32, #tpu.memory_space<vmem>> -> memref<128xi32, #tpu.memory_space<vmem>>
    %dma_wait3A_61 = arith.constant 0 : i32
    %dma_wait3A_62 = arith.constant 0 : i32
    %dma_wait3A_63 = tpu.memref_slice %arg3[%dma_wait3A_61, %dma_wait3A_62] : memref<1000000x64xf32, #tpu.memory_space<hbm>> -> memref<1000000x64xf32, #tpu.memory_space<hbm>>
    %dma_wait3A_64 = tpu.memref_slice %arg8[%dma_wait3A_54] : memref<4x!tpu.dma_semaphore, #tpu.memory_space<semaphore_mem>> -> memref<1x!tpu.dma_semaphore, #tpu.memory_space<semaphore_mem>>
    %dma_wait3A_65 = tpu.memref_squeeze %dma_wait3A_64 : memref<1x!tpu.dma_semaphore, #tpu.memory_space<semaphore_mem>> -> memref<!tpu.dma_semaphore, #tpu.memory_space<semaphore_mem>>
    tpu.wait_indirect_dma semaphore(%dma_wait3A_65 : memref<!tpu.dma_semaphore, #tpu.memory_space<semaphore_mem>>) src(%dma_wait3A_63 : memref<1000000x64xf32, #tpu.memory_space<hbm>>) dst(%dma_wait3A_58 : memref<128x64xf32, #tpu.memory_space<vmem>>)
    %scan3A = arith.constant 0 : i32
    %scan3A_66 = arith.constant 0 : i32
    %scan3A_67 = arith.constant 128 : i32
    %scan3A_68 = arith.addi %scan3A_66, %scan3A_67 : i32
    %scan3A_69 = arith.constant 4 : i32
    scf.for %scan3A_550 = %scan3A_66 to %scan3A_68 step %scan3A_69  : i32 {
      %get3A = arith.constant 0 : i32
      %get3A_551 = arith.index_cast %get3A : i32 to index
      %get3A_552 = arith.index_cast %scan3A_550 : i32 to index
      %get3A_553 = arith.constant 0 : index
      %get3A_554 = tpu.vector_load %arg6[%get3A_551, %get3A_552, %get3A_553] {strides = array<i32>} : memref<4x128x64xf32, #tpu.memory_space<vmem>>, vector<1x1x16xf32>,
      %get3A_555 = vector.shape_cast %get3A_554 : vector<1x1x16xf32> to vector<16xf32>
      %mul3A_556 = arith.constant 8.000000e+00 : f32
      %mul3A_557 = vector.broadcast %mul3A_556 : f32 to vector<16xf32>
      %mul3A_558 = arith.mulf %get3A_555, %mul3A_557 : vector<16xf32>
      %swap3A = arith.constant 0 : i32
      %swap3A_559 = arith.index_cast %swap3A : i32 to index
      %swap3A_560 = arith.index_cast %scan3A_550 : i32 to index
      %swap3A_561 = arith.constant 0 : index
      %swap3A_562 = tpu.vector_load %arg7[%swap3A_559, %swap3A_560, %swap3A_561] {strides = array<i32>} : memref<4x128x64xf32, #tpu.memory_space<vmem>>, vector<1x1x16xf32>,
      %swap3A_563 = vector.shape_cast %swap3A_562 : vector<1x1x16xf32> to vector<16xf32>
      %swap3A_564 = vector.shape_cast %mul3A_558 : vector<16xf32> to vector<1x1x16xf32>
      tpu.vector_store %arg7[%swap3A_559, %swap3A_560, %swap3A_561], %swap3A_564 {strides = array<i32>} : memref<4x128x64xf32, #tpu.memory_space<vmem>>, vector<1x1x16xf32>,
      %get3A_565 = arith.constant 0 : i32
      %get3A_566 = arith.index_cast %get3A_565 : i32 to index
      %get3A_567 = arith.index_cast %scan3A_550 : i32 to index
      %get3A_568 = arith.constant 16 : index
      %get3A_569 = tpu.vector_load %arg6[%get3A_566, %get3A_567, %get3A_568] {strides = array<i32>} : memref<4x128x64xf32, #tpu.memory_space<vmem>>, vector<1x1x16xf32>,
      %get3A_570 = vector.shape_cast %get3A_569 : vector<1x1x16xf32> to vector<16xf32>
      %mul3A_571 = arith.constant 8.000000e+00 : f32
      %mul3A_572 = vector.broadcast %mul3A_571 : f32 to vector<16xf32>
      %mul3A_573 = arith.mulf %get3A_570, %mul3A_572 : vector<16xf32>
      %swap3A_574 = arith.constant 0 : i32
      %swap3A_575 = arith.index_cast %swap3A_574 : i32 to index
      %swap3A_576 = arith.index_cast %scan3A_550 : i32 to index
      %swap3A_577 = arith.constant 16 : index
      %swap3A_578 = tpu.vector_load %arg7[%swap3A_575, %swap3A_576, %swap3A_577] {strides = array<i32>} : memref<4x128x64xf32, #tpu.memory_space<vmem>>, vector<1x1x16xf32>,
      %swap3A_579 = vector.shape_cast %swap3A_578 : vector<1x1x16xf32> to vector<16xf32>
      %swap3A_580 = vector.shape_cast %mul3A_573 : vector<16xf32> to vector<1x1x16xf32>
      tpu.vector_store %arg7[%swap3A_575, %swap3A_576, %swap3A_577], %swap3A_580 {strides = array<i32>} : memref<4x128x64xf32, #tpu.memory_space<vmem>>, vector<1x1x16xf32>,
      %get3A_581 = arith.constant 0 : i32
      %get3A_582 = arith.index_cast %get3A_581 : i32 to index
      %get3A_583 = arith.index_cast %scan3A_550 : i32 to index
      %get3A_584 = arith.constant 32 : index
      %get3A_585 = tpu.vector_load %arg6[%get3A_582, %get3A_583, %get3A_584] {strides = array<i32>} : memref<4x128x64xf32, #tpu.memory_space<vmem>>, vector<1x1x16xf32>,
      %get3A_586 = vector.shape_cast %get3A_585 : vector<1x1x16xf32> to vector<16xf32>
      %mul3A_587 = arith.constant 8.000000e+00 : f32
      %mul3A_588 = vector.broadcast %mul3A_587 : f32 to vector<16xf32>
      %mul3A_589 = arith.mulf %get3A_586, %mul3A_588 : vector<16xf32>
      %swap3A_590 = arith.constant 0 : i32
      %swap3A_591 = arith.index_cast %swap3A_590 : i32 to index
      %swap3A_592 = arith.index_cast %scan3A_550 : i32 to index
      %swap3A_593 = arith.constant 32 : index
      %swap3A_594 = tpu.vector_load %arg7[%swap3A_591, %swap3A_592, %swap3A_593] {strides = array<i32>} : memref<4x128x64xf32, #tpu.memory_space<vmem>>, vector<1x1x16xf32>,
      %swap3A_595 = vector.shape_cast %swap3A_594 : vector<1x1x16xf32> to vector<16xf32>
      %swap3A_596 = vector.shape_cast %mul3A_589 : vector<16xf32> to vector<1x1x16xf32>
      tpu.vector_store %arg7[%swap3A_591, %swap3A_592, %swap3A_593], %swap3A_596 {strides = array<i32>} : memref<4x128x64xf32, #tpu.memory_space<vmem>>, vector<1x1x16xf32>,
      %get3A_597 = arith.constant 0 : i32
      %get3A_598 = arith.index_cast %get3A_597 : i32 to index
      %get3A_599 = arith.index_cast %scan3A_550 : i32 to index
      %get3A_600 = arith.constant 48 : index
      %get3A_601 = tpu.vector_load %arg6[%get3A_598, %get3A_599, %get3A_600] {strides = array<i32>} : memref<4x128x64xf32, #tpu.memory_space<vmem>>, vector<1x1x16xf32>,
      %get3A_602 = vector.shape_cast %get3A_601 : vector<1x1x16xf32> to vector<16xf32>
      %mul3A_603 = arith.constant 8.000000e+00 : f32
      %mul3A_604 = vector.broadcast %mul3A_603 : f32 to vector<16xf32>
      %mul3A_605 = arith.mulf %get3A_602, %mul3A_604 : vector<16xf32>
      %swap3A_606 = arith.constant 0 : i32
      %swap3A_607 = arith.index_cast %swap3A_606 : i32 to index
      %swap3A_608 = arith.index_cast %scan3A_550 : i32 to index
      %swap3A_609 = arith.constant 48 : index
      %swap3A_610 = tpu.vector_load %arg7[%swap3A_607, %swap3A_608, %swap3A_609] {strides = array<i32>} : memref<4x128x64xf32, #tpu.memory_space<vmem>>, vector<1x1x16xf32>,
      %swap3A_611 = vector.shape_cast %swap3A_610 : vector<1x1x16xf32> to vector<16xf32>
      %swap3A_612 = vector.shape_cast %mul3A_605 : vector<16xf32> to vector<1x1x16xf32>
      tpu.vector_store %arg7[%swap3A_607, %swap3A_608, %swap3A_609], %swap3A_612 {strides = array<i32>} : memref<4x128x64xf32, #tpu.memory_space<vmem>>, vector<1x1x16xf32>,
      %scan3A_613 = arith.constant 1 : i32
      %scan3A_614 = arith.addi %scan3A_550, %scan3A_613 : i32
      %get3A_615 = arith.constant 0 : i32
      %get3A_616 = arith.index_cast %get3A_615 : i32 to index
      %get3A_617 = arith.index_cast %scan3A_614 : i32 to index
      %get3A_618 = arith.constant 0 : index
      %get3A_619 = tpu.vector_load %arg6[%get3A_616, %get3A_617, %get3A_618] {strides = array<i32>} : memref<4x128x64xf32, #tpu.memory_space<vmem>>, vector<1x1x16xf32>,
      %get3A_620 = vector.shape_cast %get3A_619 : vector<1x1x16xf32> to vector<16xf32>
      %mul3A_621 = arith.constant 8.000000e+00 : f32
      %mul3A_622 = vector.broadcast %mul3A_621 : f32 to vector<16xf32>
      %mul3A_623 = arith.mulf %get3A_620, %mul3A_622 : vector<16xf32>
      %swap3A_624 = arith.constant 0 : i32
      %swap3A_625 = arith.index_cast %swap3A_624 : i32 to index
      %swap3A_626 = arith.index_cast %scan3A_614 : i32 to index
      %swap3A_627 = arith.constant 0 : index
      %swap3A_628 = tpu.vector_load %arg7[%swap3A_625, %swap3A_626, %swap3A_627] {strides = array<i32>} : memref<4x128x64xf32, #tpu.memory_space<vmem>>, vector<1x1x16xf32>,
      %swap3A_629 = vector.shape_cast %swap3A_628 : vector<1x1x16xf32> to vector<16xf32>
      %swap3A_630 = vector.shape_cast %mul3A_623 : vector<16xf32> to vector<1x1x16xf32>
      tpu.vector_store %arg7[%swap3A_625, %swap3A_626, %swap3A_627], %swap3A_630 {strides = array<i32>} : memref<4x128x64xf32, #tpu.memory_space<vmem>>, vector<1x1x16xf32>,
      %get3A_631 = arith.constant 0 : i32
      %get3A_632 = arith.index_cast %get3A_631 : i32 to index
      %get3A_633 = arith.index_cast %scan3A_614 : i32 to index
      %get3A_634 = arith.constant 16 : index
      %get3A_635 = tpu.vector_load %arg6[%get3A_632, %get3A_633, %get3A_634] {strides = array<i32>} : memref<4x128x64xf32, #tpu.memory_space<vmem>>, vector<1x1x16xf32>,
      %get3A_636 = vector.shape_cast %get3A_635 : vector<1x1x16xf32> to vector<16xf32>
      %mul3A_637 = arith.constant 8.000000e+00 : f32
      %mul3A_638 = vector.broadcast %mul3A_637 : f32 to vector<16xf32>
      %mul3A_639 = arith.mulf %get3A_636, %mul3A_638 : vector<16xf32>
      %swap3A_640 = arith.constant 0 : i32
      %swap3A_641 = arith.index_cast %swap3A_640 : i32 to index
      %swap3A_642 = arith.index_cast %scan3A_614 : i32 to index
      %swap3A_643 = arith.constant 16 : index
      %swap3A_644 = tpu.vector_load %arg7[%swap3A_641, %swap3A_642, %swap3A_643] {strides = array<i32>} : memref<4x128x64xf32, #tpu.memory_space<vmem>>, vector<1x1x16xf32>,
      %swap3A_645 = vector.shape_cast %swap3A_644 : vector<1x1x16xf32> to vector<16xf32>
      %swap3A_646 = vector.shape_cast %mul3A_639 : vector<16xf32> to vector<1x1x16xf32>
      tpu.vector_store %arg7[%swap3A_641, %swap3A_642, %swap3A_643], %swap3A_646 {strides = array<i32>} : memref<4x128x64xf32, #tpu.memory_space<vmem>>, vector<1x1x16xf32>,
      %get3A_647 = arith.constant 0 : i32
      %get3A_648 = arith.index_cast %get3A_647 : i32 to index
      %get3A_649 = arith.index_cast %scan3A_614 : i32 to index
      %get3A_650 = arith.constant 32 : index
      %get3A_651 = tpu.vector_load %arg6[%get3A_648, %get3A_649, %get3A_650] {strides = array<i32>} : memref<4x128x64xf32, #tpu.memory_space<vmem>>, vector<1x1x16xf32>,
      %get3A_652 = vector.shape_cast %get3A_651 : vector<1x1x16xf32> to vector<16xf32>
      %mul3A_653 = arith.constant 8.000000e+00 : f32
      %mul3A_654 = vector.broadcast %mul3A_653 : f32 to vector<16xf32>
      %mul3A_655 = arith.mulf %get3A_652, %mul3A_654 : vector<16xf32>
      %swap3A_656 = arith.constant 0 : i32
      %swap3A_657 = arith.index_cast %swap3A_656 : i32 to index
      %swap3A_658 = arith.index_cast %scan3A_614 : i32 to index
      %swap3A_659 = arith.constant 32 : index
      %swap3A_660 = tpu.vector_load %arg7[%swap3A_657, %swap3A_658, %swap3A_659] {strides = array<i32>} : memref<4x128x64xf32, #tpu.memory_space<vmem>>, vector<1x1x16xf32>,
      %swap3A_661 = vector.shape_cast %swap3A_660 : vector<1x1x16xf32> to vector<16xf32>
      %swap3A_662 = vector.shape_cast %mul3A_655 : vector<16xf32> to vector<1x1x16xf32>
      tpu.vector_store %arg7[%swap3A_657, %swap3A_658, %swap3A_659], %swap3A_662 {strides = array<i32>} : memref<4x128x64xf32, #tpu.memory_space<vmem>>, vector<1x1x16xf32>,
      %get3A_663 = arith.constant 0 : i32
      %get3A_664 = arith.index_cast %get3A_663 : i32 to index
      %get3A_665 = arith.index_cast %scan3A_614 : i32 to index
      %get3A_666 = arith.constant 48 : index
      %get3A_667 = tpu.vector_load %arg6[%get3A_664, %get3A_665, %get3A_666] {strides = array<i32>} : memref<4x128x64xf32, #tpu.memory_space<vmem>>, vector<1x1x16xf32>,
      %get3A_668 = vector.shape_cast %get3A_667 : vector<1x1x16xf32> to vector<16xf32>
      %mul3A_669 = arith.constant 8.000000e+00 : f32
      %mul3A_670 = vector.broadcast %mul3A_669 : f32 to vector<16xf32>
      %mul3A_671 = arith.mulf %get3A_668, %mul3A_670 : vector<16xf32>
      %swap3A_672 = arith.constant 0 : i32
      %swap3A_673 = arith.index_cast %swap3A_672 : i32 to index
      %swap3A_674 = arith.index_cast %scan3A_614 : i32 to index
      %swap3A_675 = arith.constant 48 : index
      %swap3A_676 = tpu.vector_load %arg7[%swap3A_673, %swap3A_674, %swap3A_675] {strides = array<i32>} : memref<4x128x64xf32, #tpu.memory_space<vmem>>, vector<1x1x16xf32>,
      %swap3A_677 = vector.shape_cast %swap3A_676 : vector<1x1x16xf32> to vector<16xf32>
      %swap3A_678 = vector.shape_cast %mul3A_671 : vector<16xf32> to vector<1x1x16xf32>
      tpu.vector_store %arg7[%swap3A_673, %swap3A_674, %swap3A_675], %swap3A_678 {strides = array<i32>} : memref<4x128x64xf32, #tpu.memory_space<vmem>>, vector<1x1x16xf32>,
      %scan3A_679 = arith.constant 2 : i32
      %scan3A_680 = arith.addi %scan3A_550, %scan3A_679 : i32
      %get3A_681 = arith.constant 0 : i32
      %get3A_682 = arith.index_cast %get3A_681 : i32 to index
      %get3A_683 = arith.index_cast %scan3A_680 : i32 to index
      %get3A_684 = arith.constant 0 : index
      %get3A_685 = tpu.vector_load %arg6[%get3A_682, %get3A_683, %get3A_684] {strides = array<i32>} : memref<4x128x64xf32, #tpu.memory_space<vmem>>, vector<1x1x16xf32>,
      %get3A_686 = vector.shape_cast %get3A_685 : vector<1x1x16xf32> to vector<16xf32>
      %mul3A_687 = arith.constant 8.000000e+00 : f32
      %mul3A_688 = vector.broadcast %mul3A_687 : f32 to vector<16xf32>
      %mul3A_689 = arith.mulf %get3A_686, %mul3A_688 : vector<16xf32>
      %swap3A_690 = arith.constant 0 : i32
      %swap3A_691 = arith.index_cast %swap3A_690 : i32 to index
      %swap3A_692 = arith.index_cast %scan3A_680 : i32 to index
      %swap3A_693 = arith.constant 0 : index
      %swap3A_694 = tpu.vector_load %arg7[%swap3A_691, %swap3A_692, %swap3A_693] {strides = array<i32>} : memref<4x128x64xf32, #tpu.memory_space<vmem>>, vector<1x1x16xf32>,
      %swap3A_695 = vector.shape_cast %swap3A_694 : vector<1x1x16xf32> to vector<16xf32>
      %swap3A_696 = vector.shape_cast %mul3A_689 : vector<16xf32> to vector<1x1x16xf32>
      tpu.vector_store %arg7[%swap3A_691, %swap3A_692, %swap3A_693], %swap3A_696 {strides = array<i32>} : memref<4x128x64xf32, #tpu.memory_space<vmem>>, vector<1x1x16xf32>,
      %get3A_697 = arith.constant 0 : i32
      %get3A_698 = arith.index_cast %get3A_697 : i32 to index
      %get3A_699 = arith.index_cast %scan3A_680 : i32 to index
      %get3A_700 = arith.constant 16 : index
      %get3A_701 = tpu.vector_load %arg6[%get3A_698, %get3A_699, %get3A_700] {strides = array<i32>} : memref<4x128x64xf32, #tpu.memory_space<vmem>>, vector<1x1x16xf32>,
      %get3A_702 = vector.shape_cast %get3A_701 : vector<1x1x16xf32> to vector<16xf32>
      %mul3A_703 = arith.constant 8.000000e+00 : f32
      %mul3A_704 = vector.broadcast %mul3A_703 : f32 to vector<16xf32>
      %mul3A_705 = arith.mulf %get3A_702, %mul3A_704 : vector<16xf32>
      %swap3A_706 = arith.constant 0 : i32
      %swap3A_707 = arith.index_cast %swap3A_706 : i32 to index
      %swap3A_708 = arith.index_cast %scan3A_680 : i32 to index
      %swap3A_709 = arith.constant 16 : index
      %swap3A_710 = tpu.vector_load %arg7[%swap3A_707, %swap3A_708, %swap3A_709] {strides = array<i32>} : memref<4x128x64xf32, #tpu.memory_space<vmem>>, vector<1x1x16xf32>,
      %swap3A_711 = vector.shape_cast %swap3A_710 : vector<1x1x16xf32> to vector<16xf32>
      %swap3A_712 = vector.shape_cast %mul3A_705 : vector<16xf32> to vector<1x1x16xf32>
      tpu.vector_store %arg7[%swap3A_707, %swap3A_708, %swap3A_709], %swap3A_712 {strides = array<i32>} : memref<4x128x64xf32, #tpu.memory_space<vmem>>, vector<1x1x16xf32>,
      %get3A_713 = arith.constant 0 : i32
      %get3A_714 = arith.index_cast %get3A_713 : i32 to index
      %get3A_715 = arith.index_cast %scan3A_680 : i32 to index
      %get3A_716 = arith.constant 32 : index
      %get3A_717 = tpu.vector_load %arg6[%get3A_714, %get3A_715, %get3A_716] {strides = array<i32>} : memref<4x128x64xf32, #tpu.memory_space<vmem>>, vector<1x1x16xf32>,
      %get3A_718 = vector.shape_cast %get3A_717 : vector<1x1x16xf32> to vector<16xf32>
      %mul3A_719 = arith.constant 8.000000e+00 : f32
      %mul3A_720 = vector.broadcast %mul3A_719 : f32 to vector<16xf32>
      %mul3A_721 = arith.mulf %get3A_718, %mul3A_720 : vector<16xf32>
      %swap3A_722 = arith.constant 0 : i32
      %swap3A_723 = arith.index_cast %swap3A_722 : i32 to index
      %swap3A_724 = arith.index_cast %scan3A_680 : i32 to index
      %swap3A_725 = arith.constant 32 : index
      %swap3A_726 = tpu.vector_load %arg7[%swap3A_723, %swap3A_724, %swap3A_725] {strides = array<i32>} : memref<4x128x64xf32, #tpu.memory_space<vmem>>, vector<1x1x16xf32>,
      %swap3A_727 = vector.shape_cast %swap3A_726 : vector<1x1x16xf32> to vector<16xf32>
      %swap3A_728 = vector.shape_cast %mul3A_721 : vector<16xf32> to vector<1x1x16xf32>
      tpu.vector_store %arg7[%swap3A_723, %swap3A_724, %swap3A_725], %swap3A_728 {strides = array<i32>} : memref<4x128x64xf32, #tpu.memory_space<vmem>>, vector<1x1x16xf32>,
      %get3A_729 = arith.constant 0 : i32
      %get3A_730 = arith.index_cast %get3A_729 : i32 to index
      %get3A_731 = arith.index_cast %scan3A_680 : i32 to index
      %get3A_732 = arith.constant 48 : index
      %get3A_733 = tpu.vector_load %arg6[%get3A_730, %get3A_731, %get3A_732] {strides = array<i32>} : memref<4x128x64xf32, #tpu.memory_space<vmem>>, vector<1x1x16xf32>,
      %get3A_734 = vector.shape_cast %get3A_733 : vector<1x1x16xf32> to vector<16xf32>
      %mul3A_735 = arith.constant 8.000000e+00 : f32
      %mul3A_736 = vector.broadcast %mul3A_735 : f32 to vector<16xf32>
      %mul3A_737 = arith.mulf %get3A_734, %mul3A_736 : vector<16xf32>
      %swap3A_738 = arith.constant 0 : i32
      %swap3A_739 = arith.index_cast %swap3A_738 : i32 to index
      %swap3A_740 = arith.index_cast %scan3A_680 : i32 to index
      %swap3A_741 = arith.constant 48 : index
      %swap3A_742 = tpu.vector_load %arg7[%swap3A_739, %swap3A_740, %swap3A_741] {strides = array<i32>} : memref<4x128x64xf32, #tpu.memory_space<vmem>>, vector<1x1x16xf32>,
      %swap3A_743 = vector.shape_cast %swap3A_742 : vector<1x1x16xf32> to vector<16xf32>
      %swap3A_744 = vector.shape_cast %mul3A_737 : vector<16xf32> to vector<1x1x16xf32>
      tpu.vector_store %arg7[%swap3A_739, %swap3A_740, %swap3A_741], %swap3A_744 {strides = array<i32>} : memref<4x128x64xf32, #tpu.memory_space<vmem>>, vector<1x1x16xf32>,
      %scan3A_745 = arith.constant 3 : i32
      %scan3A_746 = arith.addi %scan3A_550, %scan3A_745 : i32
      %get3A_747 = arith.constant 0 : i32
      %get3A_748 = arith.index_cast %get3A_747 : i32 to index
      %get3A_749 = arith.index_cast %scan3A_746 : i32 to index
      %get3A_750 = arith.constant 0 : index
      %get3A_751 = tpu.vector_load %arg6[%get3A_748, %get3A_749, %get3A_750] {strides = array<i32>} : memref<4x128x64xf32, #tpu.memory_space<vmem>>, vector<1x1x16xf32>,
      %get3A_752 = vector.shape_cast %get3A_751 : vector<1x1x16xf32> to vector<16xf32>
      %mul3A_753 = arith.constant 8.000000e+00 : f32
      %mul3A_754 = vector.broadcast %mul3A_753 : f32 to vector<16xf32>
      %mul3A_755 = arith.mulf %get3A_752, %mul3A_754 : vector<16xf32>
      %swap3A_756 = arith.constant 0 : i32
      %swap3A_757 = arith.index_cast %swap3A_756 : i32 to index
      %swap3A_758 = arith.index_cast %scan3A_746 : i32 to index
      %swap3A_759 = arith.constant 0 : index
      %swap3A_760 = tpu.vector_load %arg7[%swap3A_757, %swap3A_758, %swap3A_759] {strides = array<i32>} : memref<4x128x64xf32, #tpu.memory_space<vmem>>, vector<1x1x16xf32>,
      %swap3A_761 = vector.shape_cast %swap3A_760 : vector<1x1x16xf32> to vector<16xf32>
      %swap3A_762 = vector.shape_cast %mul3A_755 : vector<16xf32> to vector<1x1x16xf32>
      tpu.vector_store %arg7[%swap3A_757, %swap3A_758, %swap3A_759], %swap3A_762 {strides = array<i32>} : memref<4x128x64xf32, #tpu.memory_space<vmem>>, vector<1x1x16xf32>,
      %get3A_763 = arith.constant 0 : i32
      %get3A_764 = arith.index_cast %get3A_763 : i32 to index
      %get3A_765 = arith.index_cast %scan3A_746 : i32 to index
      %get3A_766 = arith.constant 16 : index
      %get3A_767 = tpu.vector_load %arg6[%get3A_764, %get3A_765, %get3A_766] {strides = array<i32>} : memref<4x128x64xf32, #tpu.memory_space<vmem>>, vector<1x1x16xf32>,
      %get3A_768 = vector.shape_cast %get3A_767 : vector<1x1x16xf32> to vector<16xf32>
      %mul3A_769 = arith.constant 8.000000e+00 : f32
      %mul3A_770 = vector.broadcast %mul3A_769 : f32 to vector<16xf32>
      %mul3A_771 = arith.mulf %get3A_768, %mul3A_770 : vector<16xf32>
      %swap3A_772 = arith.constant 0 : i32
      %swap3A_773 = arith.index_cast %swap3A_772 : i32 to index
      %swap3A_774 = arith.index_cast %scan3A_746 : i32 to index
      %swap3A_775 = arith.constant 16 : index
      %swap3A_776 = tpu.vector_load %arg7[%swap3A_773, %swap3A_774, %swap3A_775] {strides = array<i32>} : memref<4x128x64xf32, #tpu.memory_space<vmem>>, vector<1x1x16xf32>,
      %swap3A_777 = vector.shape_cast %swap3A_776 : vector<1x1x16xf32> to vector<16xf32>
      %swap3A_778 = vector.shape_cast %mul3A_771 : vector<16xf32> to vector<1x1x16xf32>
      tpu.vector_store %arg7[%swap3A_773, %swap3A_774, %swap3A_775], %swap3A_778 {strides = array<i32>} : memref<4x128x64xf32, #tpu.memory_space<vmem>>, vector<1x1x16xf32>,
      %get3A_779 = arith.constant 0 : i32
      %get3A_780 = arith.index_cast %get3A_779 : i32 to index
      %get3A_781 = arith.index_cast %scan3A_746 : i32 to index
      %get3A_782 = arith.constant 32 : index
      %get3A_783 = tpu.vector_load %arg6[%get3A_780, %get3A_781, %get3A_782] {strides = array<i32>} : memref<4x128x64xf32, #tpu.memory_space<vmem>>, vector<1x1x16xf32>,
      %get3A_784 = vector.shape_cast %get3A_783 : vector<1x1x16xf32> to vector<16xf32>
      %mul3A_785 = arith.constant 8.000000e+00 : f32
      %mul3A_786 = vector.broadcast %mul3A_785 : f32 to vector<16xf32>
      %mul3A_787 = arith.mulf %get3A_784, %mul3A_786 : vector<16xf32>
      %swap3A_788 = arith.constant 0 : i32
      %swap3A_789 = arith.index_cast %swap3A_788 : i32 to index
      %swap3A_790 = arith.index_cast %scan3A_746 : i32 to index
      %swap3A_791 = arith.constant 32 : index
      %swap3A_792 = tpu.vector_load %arg7[%swap3A_789, %swap3A_790, %swap3A_791] {strides = array<i32>} : memref<4x128x64xf32, #tpu.memory_space<vmem>>, vector<1x1x16xf32>,
      %swap3A_793 = vector.shape_cast %swap3A_792 : vector<1x1x16xf32> to vector<16xf32>
      %swap3A_794 = vector.shape_cast %mul3A_787 : vector<16xf32> to vector<1x1x16xf32>
      tpu.vector_store %arg7[%swap3A_789, %swap3A_790, %swap3A_791], %swap3A_794 {strides = array<i32>} : memref<4x128x64xf32, #tpu.memory_space<vmem>>, vector<1x1x16xf32>,
      %get3A_795 = arith.constant 0 : i32
      %get3A_796 = arith.index_cast %get3A_795 : i32 to index
      %get3A_797 = arith.index_cast %scan3A_746 : i32 to index
      %get3A_798 = arith.constant 48 : index
      %get3A_799 = tpu.vector_load %arg6[%get3A_796, %get3A_797, %get3A_798] {strides = array<i32>} : memref<4x128x64xf32, #tpu.memory_space<vmem>>, vector<1x1x16xf32>,
      %get3A_800 = vector.shape_cast %get3A_799 : vector<1x1x16xf32> to vector<16xf32>
      %mul3A_801 = arith.constant 8.000000e+00 : f32
      %mul3A_802 = vector.broadcast %mul3A_801 : f32 to vector<16xf32>
      %mul3A_803 = arith.mulf %get3A_800, %mul3A_802 : vector<16xf32>
      %swap3A_804 = arith.constant 0 : i32
      %swap3A_805 = arith.index_cast %swap3A_804 : i32 to index
      %swap3A_806 = arith.index_cast %scan3A_746 : i32 to index
      %swap3A_807 = arith.constant 48 : index
      %swap3A_808 = tpu.vector_load %arg7[%swap3A_805, %swap3A_806, %swap3A_807] {strides = array<i32>} : memref<4x128x64xf32, #tpu.memory_space<vmem>>, vector<1x1x16xf32>,
      %swap3A_809 = vector.shape_cast %swap3A_808 : vector<1x1x16xf32> to vector<16xf32>
      %swap3A_810 = vector.shape_cast %mul3A_803 : vector<16xf32> to vector<1x1x16xf32>
      tpu.vector_store %arg7[%swap3A_805, %swap3A_806, %swap3A_807], %swap3A_810 {strides = array<i32>} : memref<4x128x64xf32, #tpu.memory_space<vmem>>, vector<1x1x16xf32>,
    }
    %scan3A_70 = arith.constant 128 : i32
    %dma_start3A_71 = arith.constant 0 : i32
    %dma_start3A_72 = arith.constant 0 : i32
    %dma_start3A_73 = arith.constant 0 : i32
    %dma_start3A_74 = arith.constant 0 : i32
    %dma_start3A_75 = tpu.memref_slice %arg6[%dma_start3A_71, %dma_start3A_73, %dma_start3A_74] : memref<4x128x64xf32, #tpu.memory_space<vmem>> -> memref<1x128x64xf32, #tpu.memory_space<vmem>>
    %dma_start3A_76 = tpu.memref_squeeze %dma_start3A_75 : memref<1x128x64xf32, #tpu.memory_space<vmem>> -> memref<128x64xf32, #tpu.memory_space<vmem>>
    %dma_start3A_77 = arith.constant 512 : i32
    %dma_start3A_78 = tpu.memref_slice %arg5[%dma_start3A_77] : memref<25600xi32, #tpu.memory_space<vmem>> -> memref<128xi32, #tpu.memory_space<vmem>>
    %dma_start3A_79 = arith.constant 0 : i32
    %dma_start3A_80 = arith.constant 0 : i32
    %dma_start3A_81 = tpu.memref_slice %arg3[%dma_start3A_79, %dma_start3A_80] : memref<1000000x64xf32, #tpu.memory_space<hbm>> -> memref<1000000x64xf32, #tpu.memory_space<hbm>>
    %dma_start3A_82 = tpu.memref_slice %arg8[%dma_start3A_72] : memref<4x!tpu.dma_semaphore, #tpu.memory_space<semaphore_mem>> -> memref<1x!tpu.dma_semaphore, #tpu.memory_space<semaphore_mem>>
    %dma_start3A_83 = tpu.memref_squeeze %dma_start3A_82 : memref<1x!tpu.dma_semaphore, #tpu.memory_space<semaphore_mem>> -> memref<!tpu.dma_semaphore, #tpu.memory_space<semaphore_mem>>
    tpu.enqueue_indirect_dma source(%dma_start3A_81 : memref<1000000x64xf32, #tpu.memory_space<hbm>>) target(%dma_start3A_76 : memref<128x64xf32, #tpu.memory_space<vmem>>) offsets(%dma_start3A_78 : memref<128xi32, #tpu.memory_space<vmem>>) semaphore(%dma_start3A_83 : memref<!tpu.dma_semaphore, #tpu.memory_space<semaphore_mem>>)
    %add3A_84 = arith.constant 0 : i32
    %add3A_85 = arith.addi %mul3A_2, %add3A_84 : i32
    %dma_start3A_86 = arith.constant 0 : i32
    %dma_start3A_87 = arith.constant 0 : i32
    %dma_start3A_88 = arith.constant 0 : i32
    %dma_start3A_89 = arith.constant 0 : i32
    %dma_start3A_90 = tpu.memref_slice %arg7[%dma_start3A_86, %dma_start3A_88, %dma_start3A_89] : memref<4x128x64xf32, #tpu.memory_space<vmem>> -> memref<1x128x64xf32, #tpu.memory_space<vmem>>
    %dma_start3A_91 = tpu.memref_squeeze %dma_start3A_90 : memref<1x128x64xf32, #tpu.memory_space<vmem>> -> memref<128x64xf32, #tpu.memory_space<vmem>>
    %dma_start3A_92 = arith.constant 0 : i32
    %dma_start3A_93 = tpu.memref_slice %arg4[%add3A_85, %dma_start3A_92] : memref<819200x64xf32, #tpu.memory_space<hbm>> -> memref<128x64xf32, #tpu.memory_space<hbm>>
    %dma_start3A_94 = tpu.memref_slice %arg9[%dma_start3A_87] : memref<4x!tpu.dma_semaphore, #tpu.memory_space<semaphore_mem>> -> memref<1x!tpu.dma_semaphore, #tpu.memory_space<semaphore_mem>>
    %dma_start3A_95 = tpu.memref_squeeze %dma_start3A_94 : memref<1x!tpu.dma_semaphore, #tpu.memory_space<semaphore_mem>> -> memref<!tpu.dma_semaphore, #tpu.memory_space<semaphore_mem>>
    %dma_start3A_96 = arith.constant 0 : i32
    %dma_start3A_97 = tpu.memref_slice %arg4[%add3A_85, %dma_start3A_96] : memref<819200x64xf32, #tpu.memory_space<hbm>> -> memref<128x64xf32, #tpu.memory_space<hbm>>
    %dma_start3A_98 = arith.constant 0 : i32
    %dma_start3A_99 = arith.constant 0 : i32
    %dma_start3A_100 = tpu.memref_slice %arg7[%dma_start3A_86, %dma_start3A_98, %dma_start3A_99] : memref<4x128x64xf32, #tpu.memory_space<vmem>> -> memref<1x128x64xf32, #tpu.memory_space<vmem>>
    %dma_start3A_101 = tpu.memref_squeeze %dma_start3A_100 : memref<1x128x64xf32, #tpu.memory_space<vmem>> -> memref<128x64xf32, #tpu.memory_space<vmem>>
    tpu.enqueue_dma source(%dma_start3A_101 : memref<128x64xf32, #tpu.memory_space<vmem>>) target(%dma_start3A_97 : memref<128x64xf32, #tpu.memory_space<hbm>>) target_semaphore(%dma_start3A_95 : memref<!tpu.dma_semaphore, #tpu.memory_space<semaphore_mem>>)
    %dma_wait3A_102 = arith.constant 1 : i32
    %dma_wait3A_103 = arith.constant 1 : i32
    %dma_wait3A_104 = arith.constant 0 : i32
    %dma_wait3A_105 = arith.constant 0 : i32
    %dma_wait3A_106 = tpu.memref_slice %arg6[%dma_wait3A_102, %dma_wait3A_104, %dma_wait3A_105] : memref<4x128x64xf32, #tpu.memory_space<vmem>> -> memref<1x128x64xf32, #tpu.memory_space<vmem>>
    %dma_wait3A_107 = tpu.memref_squeeze %dma_wait3A_106 : memref<1x128x64xf32, #tpu.memory_space<vmem>> -> memref<128x64xf32, #tpu.memory_space<vmem>>
    %dma_wait3A_108 = arith.constant 128 : i32
    %dma_wait3A_109 = tpu.memref_slice %arg5[%dma_wait3A_108] : memref<25600xi32, #tpu.memory_space<vmem>> -> memref<128xi32, #tpu.memory_space<vmem>>
    %dma_wait3A_110 = arith.constant 0 : i32
    %dma_wait3A_111 = arith.constant 0 : i32
    %dma_wait3A_112 = tpu.memref_slice %arg3[%dma_wait3A_110, %dma_wait3A_111] : memref<1000000x64xf32, #tpu.memory_space<hbm>> -> memref<1000000x64xf32, #tpu.memory_space<hbm>>
    %dma_wait3A_113 = tpu.memref_slice %arg8[%dma_wait3A_103] : memref<4x!tpu.dma_semaphore, #tpu.memory_space<semaphore_mem>> -> memref<1x!tpu.dma_semaphore, #tpu.memory_space<semaphore_mem>>
    %dma_wait3A_114 = tpu.memref_squeeze %dma_wait3A_113 : memref<1x!tpu.dma_semaphore, #tpu.memory_space<semaphore_mem>> -> memref<!tpu.dma_semaphore, #tpu.memory_space<semaphore_mem>>
    tpu.wait_indirect_dma semaphore(%dma_wait3A_114 : memref<!tpu.dma_semaphore, #tpu.memory_space<semaphore_mem>>) src(%dma_wait3A_112 : memref<1000000x64xf32, #tpu.memory_space<hbm>>) dst(%dma_wait3A_107 : memref<128x64xf32, #tpu.memory_space<vmem>>)
    %scan3A_115 = arith.constant 0 : i32
    %scan3A_116 = arith.constant 0 : i32
    %scan3A_117 = arith.constant 128 : i32
    %scan3A_118 = arith.addi %scan3A_116, %scan3A_117 : i32
    %scan3A_119 = arith.constant 4 : i32
    scf.for %scan3A_550 = %scan3A_116 to %scan3A_118 step %scan3A_119  : i32 {
      %get3A = arith.constant 1 : i32
      %get3A_551 = arith.index_cast %get3A : i32 to index
      %get3A_552 = arith.index_cast %scan3A_550 : i32 to index
      %get3A_553 = arith.constant 0 : index
      %get3A_554 = tpu.vector_load %arg6[%get3A_551, %get3A_552, %get3A_553] {strides = array<i32>} : memref<4x128x64xf32, #tpu.memory_space<vmem>>, vector<1x1x16xf32>,
      %get3A_555 = vector.shape_cast %get3A_554 : vector<1x1x16xf32> to vector<16xf32>
      %mul3A_556 = arith.constant 8.000000e+00 : f32
      %mul3A_557 = vector.broadcast %mul3A_556 : f32 to vector<16xf32>
      %mul3A_558 = arith.mulf %get3A_555, %mul3A_557 : vector<16xf32>
      %swap3A = arith.constant 1 : i32
      %swap3A_559 = arith.index_cast %swap3A : i32 to index
      %swap3A_560 = arith.index_cast %scan3A_550 : i32 to index
      %swap3A_561 = arith.constant 0 : index
      %swap3A_562 = tpu.vector_load %arg7[%swap3A_559, %swap3A_560, %swap3A_561] {strides = array<i32>} : memref<4x128x64xf32, #tpu.memory_space<vmem>>, vector<1x1x16xf32>,
      %swap3A_563 = vector.shape_cast %swap3A_562 : vector<1x1x16xf32> to vector<16xf32>
      %swap3A_564 = vector.shape_cast %mul3A_558 : vector<16xf32> to vector<1x1x16xf32>
      tpu.vector_store %arg7[%swap3A_559, %swap3A_560, %swap3A_561], %swap3A_564 {strides = array<i32>} : memref<4x128x64xf32, #tpu.memory_space<vmem>>, vector<1x1x16xf32>,
      %get3A_565 = arith.constant 1 : i32
      %get3A_566 = arith.index_cast %get3A_565 : i32 to index
      %get3A_567 = arith.index_cast %scan3A_550 : i32 to index
      %get3A_568 = arith.constant 16 : index
      %get3A_569 = tpu.vector_load %arg6[%get3A_566, %get3A_567, %get3A_568] {strides = array<i32>} : memref<4x128x64xf32, #tpu.memory_space<vmem>>, vector<1x1x16xf32>,
      %get3A_570 = vector.shape_cast %get3A_569 : vector<1x1x16xf32> to vector<16xf32>
      %mul3A_571 = arith.constant 8.000000e+00 : f32
      %mul3A_572 = vector.broadcast %mul3A_571 : f32 to vector<16xf32>
      %mul3A_573 = arith.mulf %get3A_570, %mul3A_572 : vector<16xf32>
      %swap3A_574 = arith.constant 1 : i32
      %swap3A_575 = arith.index_cast %swap3A_574 : i32 to index
      %swap3A_576 = arith.index_cast %scan3A_550 : i32 to index
      %swap3A_577 = arith.constant 16 : index
      %swap3A_578 = tpu.vector_load %arg7[%swap3A_575, %swap3A_576, %swap3A_577] {strides = array<i32>} : memref<4x128x64xf32, #tpu.memory_space<vmem>>, vector<1x1x16xf32>,
      %swap3A_579 = vector.shape_cast %swap3A_578 : vector<1x1x16xf32> to vector<16xf32>
      %swap3A_580 = vector.shape_cast %mul3A_573 : vector<16xf32> to vector<1x1x16xf32>
      tpu.vector_store %arg7[%swap3A_575, %swap3A_576, %swap3A_577], %swap3A_580 {strides = array<i32>} : memref<4x128x64xf32, #tpu.memory_space<vmem>>, vector<1x1x16xf32>,
      %get3A_581 = arith.constant 1 : i32
      %get3A_582 = arith.index_cast %get3A_581 : i32 to index
      %get3A_583 = arith.index_cast %scan3A_550 : i32 to index
      %get3A_584 = arith.constant 32 : index
      %get3A_585 = tpu.vector_load %arg6[%get3A_582, %get3A_583, %get3A_584] {strides = array<i32>} : memref<4x128x64xf32, #tpu.memory_space<vmem>>, vector<1x1x16xf32>,
      %get3A_586 = vector.shape_cast %get3A_585 : vector<1x1x16xf32> to vector<16xf32>
      %mul3A_587 = arith.constant 8.000000e+00 : f32
      %mul3A_588 = vector.broadcast %mul3A_587 : f32 to vector<16xf32>
      %mul3A_589 = arith.mulf %get3A_586, %mul3A_588 : vector<16xf32>
      %swap3A_590 = arith.constant 1 : i32
      %swap3A_591 = arith.index_cast %swap3A_590 : i32 to index
      %swap3A_592 = arith.index_cast %scan3A_550 : i32 to index
      %swap3A_593 = arith.constant 32 : index
      %swap3A_594 = tpu.vector_load %arg7[%swap3A_591, %swap3A_592, %swap3A_593] {strides = array<i32>} : memref<4x128x64xf32, #tpu.memory_space<vmem>>, vector<1x1x16xf32>,
      %swap3A_595 = vector.shape_cast %swap3A_594 : vector<1x1x16xf32> to vector<16xf32>
      %swap3A_596 = vector.shape_cast %mul3A_589 : vector<16xf32> to vector<1x1x16xf32>
      tpu.vector_store %arg7[%swap3A_591, %swap3A_592, %swap3A_593], %swap3A_596 {strides = array<i32>} : memref<4x128x64xf32, #tpu.memory_space<vmem>>, vector<1x1x16xf32>,
      %get3A_597 = arith.constant 1 : i32
      %get3A_598 = arith.index_cast %get3A_597 : i32 to index
      %get3A_599 = arith.index_cast %scan3A_550 : i32 to index
      %get3A_600 = arith.constant 48 : index
      %get3A_601 = tpu.vector_load %arg6[%get3A_598, %get3A_599, %get3A_600] {strides = array<i32>} : memref<4x128x64xf32, #tpu.memory_space<vmem>>, vector<1x1x16xf32>,
      %get3A_602 = vector.shape_cast %get3A_601 : vector<1x1x16xf32> to vector<16xf32>
      %mul3A_603 = arith.constant 8.000000e+00 : f32
      %mul3A_604 = vector.broadcast %mul3A_603 : f32 to vector<16xf32>
      %mul3A_605 = arith.mulf %get3A_602, %mul3A_604 : vector<16xf32>
      %swap3A_606 = arith.constant 1 : i32
      %swap3A_607 = arith.index_cast %swap3A_606 : i32 to index
      %swap3A_608 = arith.index_cast %scan3A_550 : i32 to index
      %swap3A_609 = arith.constant 48 : index
      %swap3A_610 = tpu.vector_load %arg7[%swap3A_607, %swap3A_608, %swap3A_609] {strides = array<i32>} : memref<4x128x64xf32, #tpu.memory_space<vmem>>, vector<1x1x16xf32>,
      %swap3A_611 = vector.shape_cast %swap3A_610 : vector<1x1x16xf32> to vector<16xf32>
      %swap3A_612 = vector.shape_cast %mul3A_605 : vector<16xf32> to vector<1x1x16xf32>
      tpu.vector_store %arg7[%swap3A_607, %swap3A_608, %swap3A_609], %swap3A_612 {strides = array<i32>} : memref<4x128x64xf32, #tpu.memory_space<vmem>>, vector<1x1x16xf32>,
      %scan3A_613 = arith.constant 1 : i32
      %scan3A_614 = arith.addi %scan3A_550, %scan3A_613 : i32
      %get3A_615 = arith.constant 1 : i32
      %get3A_616 = arith.index_cast %get3A_615 : i32 to index
      %get3A_617 = arith.index_cast %scan3A_614 : i32 to index
      %get3A_618 = arith.constant 0 : index
      %get3A_619 = tpu.vector_load %arg6[%get3A_616, %get3A_617, %get3A_618] {strides = array<i32>} : memref<4x128x64xf32, #tpu.memory_space<vmem>>, vector<1x1x16xf32>,
      %get3A_620 = vector.shape_cast %get3A_619 : vector<1x1x16xf32> to vector<16xf32>
      %mul3A_621 = arith.constant 8.000000e+00 : f32
      %mul3A_622 = vector.broadcast %mul3A_621 : f32 to vector<16xf32>
      %mul3A_623 = arith.mulf %get3A_620, %mul3A_622 : vector<16xf32>
      %swap3A_624 = arith.constant 1 : i32
      %swap3A_625 = arith.index_cast %swap3A_624 : i32 to index
      %swap3A_626 = arith.index_cast %scan3A_614 : i32 to index
      %swap3A_627 = arith.constant 0 : index
      %swap3A_628 = tpu.vector_load %arg7[%swap3A_625, %swap3A_626, %swap3A_627] {strides = array<i32>} : memref<4x128x64xf32, #tpu.memory_space<vmem>>, vector<1x1x16xf32>,
      %swap3A_629 = vector.shape_cast %swap3A_628 : vector<1x1x16xf32> to vector<16xf32>
      %swap3A_630 = vector.shape_cast %mul3A_623 : vector<16xf32> to vector<1x1x16xf32>
      tpu.vector_store %arg7[%swap3A_625, %swap3A_626, %swap3A_627], %swap3A_630 {strides = array<i32>} : memref<4x128x64xf32, #tpu.memory_space<vmem>>, vector<1x1x16xf32>,
      %get3A_631 = arith.constant 1 : i32
      %get3A_632 = arith.index_cast %get3A_631 : i32 to index
      %get3A_633 = arith.index_cast %scan3A_614 : i32 to index
      %get3A_634 = arith.constant 16 : index
      %get3A_635 = tpu.vector_load %arg6[%get3A_632, %get3A_633, %get3A_634] {strides = array<i32>} : memref<4x128x64xf32, #tpu.memory_space<vmem>>, vector<1x1x16xf32>,
      %get3A_636 = vector.shape_cast %get3A_635 : vector<1x1x16xf32> to vector<16xf32>
      %mul3A_637 = arith.constant 8.000000e+00 : f32
      %mul3A_638 = vector.broadcast %mul3A_637 : f32 to vector<16xf32>
      %mul3A_639 = arith.mulf %get3A_636, %mul3A_638 : vector<16xf32>
      %swap3A_640 = arith.constant 1 : i32
      %swap3A_641 = arith.index_cast %swap3A_640 : i32 to index
      %swap3A_642 = arith.index_cast %scan3A_614 : i32 to index
      %swap3A_643 = arith.constant 16 : index
      %swap3A_644 = tpu.vector_load %arg7[%swap3A_641, %swap3A_642, %swap3A_643] {strides = array<i32>} : memref<4x128x64xf32, #tpu.memory_space<vmem>>, vector<1x1x16xf32>,
      %swap3A_645 = vector.shape_cast %swap3A_644 : vector<1x1x16xf32> to vector<16xf32>
      %swap3A_646 = vector.shape_cast %mul3A_639 : vector<16xf32> to vector<1x1x16xf32>
      tpu.vector_store %arg7[%swap3A_641, %swap3A_642, %swap3A_643], %swap3A_646 {strides = array<i32>} : memref<4x128x64xf32, #tpu.memory_space<vmem>>, vector<1x1x16xf32>,
      %get3A_647 = arith.constant 1 : i32
      %get3A_648 = arith.index_cast %get3A_647 : i32 to index
      %get3A_649 = arith.index_cast %scan3A_614 : i32 to index
      %get3A_650 = arith.constant 32 : index
      %get3A_651 = tpu.vector_load %arg6[%get3A_648, %get3A_649, %get3A_650] {strides = array<i32>} : memref<4x128x64xf32, #tpu.memory_space<vmem>>, vector<1x1x16xf32>,
      %get3A_652 = vector.shape_cast %get3A_651 : vector<1x1x16xf32> to vector<16xf32>
      %mul3A_653 = arith.constant 8.000000e+00 : f32
      %mul3A_654 = vector.broadcast %mul3A_653 : f32 to vector<16xf32>
      %mul3A_655 = arith.mulf %get3A_652, %mul3A_654 : vector<16xf32>
      %swap3A_656 = arith.constant 1 : i32
      %swap3A_657 = arith.index_cast %swap3A_656 : i32 to index
      %swap3A_658 = arith.index_cast %scan3A_614 : i32 to index
      %swap3A_659 = arith.constant 32 : index
      %swap3A_660 = tpu.vector_load %arg7[%swap3A_657, %swap3A_658, %swap3A_659] {strides = array<i32>} : memref<4x128x64xf32, #tpu.memory_space<vmem>>, vector<1x1x16xf32>,
      %swap3A_661 = vector.shape_cast %swap3A_660 : vector<1x1x16xf32> to vector<16xf32>
      %swap3A_662 = vector.shape_cast %mul3A_655 : vector<16xf32> to vector<1x1x16xf32>
      tpu.vector_store %arg7[%swap3A_657, %swap3A_658, %swap3A_659], %swap3A_662 {strides = array<i32>} : memref<4x128x64xf32, #tpu.memory_space<vmem>>, vector<1x1x16xf32>,
      %get3A_663 = arith.constant 1 : i32
      %get3A_664 = arith.index_cast %get3A_663 : i32 to index
      %get3A_665 = arith.index_cast %scan3A_614 : i32 to index
      %get3A_666 = arith.constant 48 : index
      %get3A_667 = tpu.vector_load %arg6[%get3A_664, %get3A_665, %get3A_666] {strides = array<i32>} : memref<4x128x64xf32, #tpu.memory_space<vmem>>, vector<1x1x16xf32>,
      %get3A_668 = vector.shape_cast %get3A_667 : vector<1x1x16xf32> to vector<16xf32>
      %mul3A_669 = arith.constant 8.000000e+00 : f32
      %mul3A_670 = vector.broadcast %mul3A_669 : f32 to vector<16xf32>
      %mul3A_671 = arith.mulf %get3A_668, %mul3A_670 : vector<16xf32>
      %swap3A_672 = arith.constant 1 : i32
      %swap3A_673 = arith.index_cast %swap3A_672 : i32 to index
      %swap3A_674 = arith.index_cast %scan3A_614 : i32 to index
      %swap3A_675 = arith.constant 48 : index
      %swap3A_676 = tpu.vector_load %arg7[%swap3A_673, %swap3A_674, %swap3A_675] {strides = array<i32>} : memref<4x128x64xf32, #tpu.memory_space<vmem>>, vector<1x1x16xf32>,
      %swap3A_677 = vector.shape_cast %swap3A_676 : vector<1x1x16xf32> to vector<16xf32>
      %swap3A_678 = vector.shape_cast %mul3A_671 : vector<16xf32> to vector<1x1x16xf32>
      tpu.vector_store %arg7[%swap3A_673, %swap3A_674, %swap3A_675], %swap3A_678 {strides = array<i32>} : memref<4x128x64xf32, #tpu.memory_space<vmem>>, vector<1x1x16xf32>,
      %scan3A_679 = arith.constant 2 : i32
      %scan3A_680 = arith.addi %scan3A_550, %scan3A_679 : i32
      %get3A_681 = arith.constant 1 : i32
      %get3A_682 = arith.index_cast %get3A_681 : i32 to index
      %get3A_683 = arith.index_cast %scan3A_680 : i32 to index
      %get3A_684 = arith.constant 0 : index
      %get3A_685 = tpu.vector_load %arg6[%get3A_682, %get3A_683, %get3A_684] {strides = array<i32>} : memref<4x128x64xf32, #tpu.memory_space<vmem>>, vector<1x1x16xf32>,
      %get3A_686 = vector.shape_cast %get3A_685 : vector<1x1x16xf32> to vector<16xf32>
      %mul3A_687 = arith.constant 8.000000e+00 : f32
      %mul3A_688 = vector.broadcast %mul3A_687 : f32 to vector<16xf32>
      %mul3A_689 = arith.mulf %get3A_686, %mul3A_688 : vector<16xf32>
      %swap3A_690 = arith.constant 1 : i32
      %swap3A_691 = arith.index_cast %swap3A_690 : i32 to index
      %swap3A_692 = arith.index_cast %scan3A_680 : i32 to index
      %swap3A_693 = arith.constant 0 : index
      %swap3A_694 = tpu.vector_load %arg7[%swap3A_691, %swap3A_692, %swap3A_693] {strides = array<i32>} : memref<4x128x64xf32, #tpu.memory_space<vmem>>, vector<1x1x16xf32>,
      %swap3A_695 = vector.shape_cast %swap3A_694 : vector<1x1x16xf32> to vector<16xf32>
      %swap3A_696 = vector.shape_cast %mul3A_689 : vector<16xf32> to vector<1x1x16xf32>
      tpu.vector_store %arg7[%swap3A_691, %swap3A_692, %swap3A_693], %swap3A_696 {strides = array<i32>} : memref<4x128x64xf32, #tpu.memory_space<vmem>>, vector<1x1x16xf32>,
      %get3A_697 = arith.constant 1 : i32
      %get3A_698 = arith.index_cast %get3A_697 : i32 to index
      %get3A_699 = arith.index_cast %scan3A_680 : i32 to index
      %get3A_700 = arith.constant 16 : index
      %get3A_701 = tpu.vector_load %arg6[%get3A_698, %get3A_699, %get3A_700] {strides = array<i32>} : memref<4x128x64xf32, #tpu.memory_space<vmem>>, vector<1x1x16xf32>,
      %get3A_702 = vector.shape_cast %get3A_701 : vector<1x1x16xf32> to vector<16xf32>
      %mul3A_703 = arith.constant 8.000000e+00 : f32
      %mul3A_704 = vector.broadcast %mul3A_703 : f32 to vector<16xf32>
      %mul3A_705 = arith.mulf %get3A_702, %mul3A_704 : vector<16xf32>
      %swap3A_706 = arith.constant 1 : i32
      %swap3A_707 = arith.index_cast %swap3A_706 : i32 to index
      %swap3A_708 = arith.index_cast %scan3A_680 : i32 to index
      %swap3A_709 = arith.constant 16 : index
      %swap3A_710 = tpu.vector_load %arg7[%swap3A_707, %swap3A_708, %swap3A_709] {strides = array<i32>} : memref<4x128x64xf32, #tpu.memory_space<vmem>>, vector<1x1x16xf32>,
      %swap3A_711 = vector.shape_cast %swap3A_710 : vector<1x1x16xf32> to vector<16xf32>
      %swap3A_712 = vector.shape_cast %mul3A_705 : vector<16xf32> to vector<1x1x16xf32>
      tpu.vector_store %arg7[%swap3A_707, %swap3A_708, %swap3A_709], %swap3A_712 {strides = array<i32>} : memref<4x128x64xf32, #tpu.memory_space<vmem>>, vector<1x1x16xf32>,
      %get3A_713 = arith.constant 1 : i32
      %get3A_714 = arith.index_cast %get3A_713 : i32 to index
      %get3A_715 = arith.index_cast %scan3A_680 : i32 to index
      %get3A_716 = arith.constant 32 : index
      %get3A_717 = tpu.vector_load %arg6[%get3A_714, %get3A_715, %get3A_716] {strides = array<i32>} : memref<4x128x64xf32, #tpu.memory_space<vmem>>, vector<1x1x16xf32>,
      %get3A_718 = vector.shape_cast %get3A_717 : vector<1x1x16xf32> to vector<16xf32>
      %mul3A_719 = arith.constant 8.000000e+00 : f32
      %mul3A_720 = vector.broadcast %mul3A_719 : f32 to vector<16xf32>
      %mul3A_721 = arith.mulf %get3A_718, %mul3A_720 : vector<16xf32>
      %swap3A_722 = arith.constant 1 : i32
      %swap3A_723 = arith.index_cast %swap3A_722 : i32 to index
      %swap3A_724 = arith.index_cast %scan3A_680 : i32 to index
      %swap3A_725 = arith.constant 32 : index
      %swap3A_726 = tpu.vector_load %arg7[%swap3A_723, %swap3A_724, %swap3A_725] {strides = array<i32>} : memref<4x128x64xf32, #tpu.memory_space<vmem>>, vector<1x1x16xf32>,
      %swap3A_727 = vector.shape_cast %swap3A_726 : vector<1x1x16xf32> to vector<16xf32>
      %swap3A_728 = vector.shape_cast %mul3A_721 : vector<16xf32> to vector<1x1x16xf32>
      tpu.vector_store %arg7[%swap3A_723, %swap3A_724, %swap3A_725], %swap3A_728 {strides = array<i32>} : memref<4x128x64xf32, #tpu.memory_space<vmem>>, vector<1x1x16xf32>,
      %get3A_729 = arith.constant 1 : i32
      %get3A_730 = arith.index_cast %get3A_729 : i32 to index
      %get3A_731 = arith.index_cast %scan3A_680 : i32 to index
      %get3A_732 = arith.constant 48 : index
      %get3A_733 = tpu.vector_load %arg6[%get3A_730, %get3A_731, %get3A_732] {strides = array<i32>} : memref<4x128x64xf32, #tpu.memory_space<vmem>>, vector<1x1x16xf32>,
      %get3A_734 = vector.shape_cast %get3A_733 : vector<1x1x16xf32> to vector<16xf32>
      %mul3A_735 = arith.constant 8.000000e+00 : f32
      %mul3A_736 = vector.broadcast %mul3A_735 : f32 to vector<16xf32>
      %mul3A_737 = arith.mulf %get3A_734, %mul3A_736 : vector<16xf32>
      %swap3A_738 = arith.constant 1 : i32
      %swap3A_739 = arith.index_cast %swap3A_738 : i32 to index
      %swap3A_740 = arith.index_cast %scan3A_680 : i32 to index
      %swap3A_741 = arith.constant 48 : index
      %swap3A_742 = tpu.vector_load %arg7[%swap3A_739, %swap3A_740, %swap3A_741] {strides = array<i32>} : memref<4x128x64xf32, #tpu.memory_space<vmem>>, vector<1x1x16xf32>,
      %swap3A_743 = vector.shape_cast %swap3A_742 : vector<1x1x16xf32> to vector<16xf32>
      %swap3A_744 = vector.shape_cast %mul3A_737 : vector<16xf32> to vector<1x1x16xf32>
      tpu.vector_store %arg7[%swap3A_739, %swap3A_740, %swap3A_741], %swap3A_744 {strides = array<i32>} : memref<4x128x64xf32, #tpu.memory_space<vmem>>, vector<1x1x16xf32>,
      %scan3A_745 = arith.constant 3 : i32
      %scan3A_746 = arith.addi %scan3A_550, %scan3A_745 : i32
      %get3A_747 = arith.constant 1 : i32
      %get3A_748 = arith.index_cast %get3A_747 : i32 to index
      %get3A_749 = arith.index_cast %scan3A_746 : i32 to index
      %get3A_750 = arith.constant 0 : index
      %get3A_751 = tpu.vector_load %arg6[%get3A_748, %get3A_749, %get3A_750] {strides = array<i32>} : memref<4x128x64xf32, #tpu.memory_space<vmem>>, vector<1x1x16xf32>,
      %get3A_752 = vector.shape_cast %get3A_751 : vector<1x1x16xf32> to vector<16xf32>
      %mul3A_753 = arith.constant 8.000000e+00 : f32
      %mul3A_754 = vector.broadcast %mul3A_753 : f32 to vector<16xf32>
      %mul3A_755 = arith.mulf %get3A_752, %mul3A_754 : vector<16xf32>
      %swap3A_756 = arith.constant 1 : i32
      %swap3A_757 = arith.index_cast %swap3A_756 : i32 to index
      %swap3A_758 = arith.index_cast %scan3A_746 : i32 to index
      %swap3A_759 = arith.constant 0 : index
      %swap3A_760 = tpu.vector_load %arg7[%swap3A_757, %swap3A_758, %swap3A_759] {strides = array<i32>} : memref<4x128x64xf32, #tpu.memory_space<vmem>>, vector<1x1x16xf32>,
      %swap3A_761 = vector.shape_cast %swap3A_760 : vector<1x1x16xf32> to vector<16xf32>
      %swap3A_762 = vector.shape_cast %mul3A_755 : vector<16xf32> to vector<1x1x16xf32>
      tpu.vector_store %arg7[%swap3A_757, %swap3A_758, %swap3A_759], %swap3A_762 {strides = array<i32>} : memref<4x128x64xf32, #tpu.memory_space<vmem>>, vector<1x1x16xf32>,
      %get3A_763 = arith.constant 1 : i32
      %get3A_764 = arith.index_cast %get3A_763 : i32 to index
      %get3A_765 = arith.index_cast %scan3A_746 : i32 to index
      %get3A_766 = arith.constant 16 : index
      %get3A_767 = tpu.vector_load %arg6[%get3A_764, %get3A_765, %get3A_766] {strides = array<i32>} : memref<4x128x64xf32, #tpu.memory_space<vmem>>, vector<1x1x16xf32>,
      %get3A_768 = vector.shape_cast %get3A_767 : vector<1x1x16xf32> to vector<16xf32>
      %mul3A_769 = arith.constant 8.000000e+00 : f32
      %mul3A_770 = vector.broadcast %mul3A_769 : f32 to vector<16xf32>
      %mul3A_771 = arith.mulf %get3A_768, %mul3A_770 : vector<16xf32>
      %swap3A_772 = arith.constant 1 : i32
      %swap3A_773 = arith.index_cast %swap3A_772 : i32 to index
      %swap3A_774 = arith.index_cast %scan3A_746 : i32 to index
      %swap3A_775 = arith.constant 16 : index
      %swap3A_776 = tpu.vector_load %arg7[%swap3A_773, %swap3A_774, %swap3A_775] {strides = array<i32>} : memref<4x128x64xf32, #tpu.memory_space<vmem>>, vector<1x1x16xf32>,
      %swap3A_777 = vector.shape_cast %swap3A_776 : vector<1x1x16xf32> to vector<16xf32>
      %swap3A_778 = vector.shape_cast %mul3A_771 : vector<16xf32> to vector<1x1x16xf32>
      tpu.vector_store %arg7[%swap3A_773, %swap3A_774, %swap3A_775], %swap3A_778 {strides = array<i32>} : memref<4x128x64xf32, #tpu.memory_space<vmem>>, vector<1x1x16xf32>,
      %get3A_779 = arith.constant 1 : i32
      %get3A_780 = arith.index_cast %get3A_779 : i32 to index
      %get3A_781 = arith.index_cast %scan3A_746 : i32 to index
      %get3A_782 = arith.constant 32 : index
      %get3A_783 = tpu.vector_load %arg6[%get3A_780, %get3A_781, %get3A_782] {strides = array<i32>} : memref<4x128x64xf32, #tpu.memory_space<vmem>>, vector<1x1x16xf32>,
      %get3A_784 = vector.shape_cast %get3A_783 : vector<1x1x16xf32> to vector<16xf32>
      %mul3A_785 = arith.constant 8.000000e+00 : f32
      %mul3A_786 = vector.broadcast %mul3A_785 : f32 to vector<16xf32>
      %mul3A_787 = arith.mulf %get3A_784, %mul3A_786 : vector<16xf32>
      %swap3A_788 = arith.constant 1 : i32
      %swap3A_789 = arith.index_cast %swap3A_788 : i32 to index
      %swap3A_790 = arith.index_cast %scan3A_746 : i32 to index
      %swap3A_791 = arith.constant 32 : index
      %swap3A_792 = tpu.vector_load %arg7[%swap3A_789, %swap3A_790, %swap3A_791] {strides = array<i32>} : memref<4x128x64xf32, #tpu.memory_space<vmem>>, vector<1x1x16xf32>,
      %swap3A_793 = vector.shape_cast %swap3A_792 : vector<1x1x16xf32> to vector<16xf32>
      %swap3A_794 = vector.shape_cast %mul3A_787 : vector<16xf32> to vector<1x1x16xf32>
      tpu.vector_store %arg7[%swap3A_789, %swap3A_790, %swap3A_791], %swap3A_794 {strides = array<i32>} : memref<4x128x64xf32, #tpu.memory_space<vmem>>, vector<1x1x16xf32>,
      %get3A_795 = arith.constant 1 : i32
      %get3A_796 = arith.index_cast %get3A_795 : i32 to index
      %get3A_797 = arith.index_cast %scan3A_746 : i32 to index
      %get3A_798 = arith.constant 48 : index
      %get3A_799 = tpu.vector_load %arg6[%get3A_796, %get3A_797, %get3A_798] {strides = array<i32>} : memref<4x128x64xf32, #tpu.memory_space<vmem>>, vector<1x1x16xf32>,
      %get3A_800 = vector.shape_cast %get3A_799 : vector<1x1x16xf32> to vector<16xf32>
      %mul3A_801 = arith.constant 8.000000e+00 : f32
      %mul3A_802 = vector.broadcast %mul3A_801 : f32 to vector<16xf32>
      %mul3A_803 = arith.mulf %get3A_800, %mul3A_802 : vector<16xf32>
      %swap3A_804 = arith.constant 1 : i32
      %swap3A_805 = arith.index_cast %swap3A_804 : i32 to index
      %swap3A_806 = arith.index_cast %scan3A_746 : i32 to index
      %swap3A_807 = arith.constant 48 : index
      %swap3A_808 = tpu.vector_load %arg7[%swap3A_805, %swap3A_806, %swap3A_807] {strides = array<i32>} : memref<4x128x64xf32, #tpu.memory_space<vmem>>, vector<1x1x16xf32>,
      %swap3A_809 = vector.shape_cast %swap3A_808 : vector<1x1x16xf32> to vector<16xf32>
      %swap3A_810 = vector.shape_cast %mul3A_803 : vector<16xf32> to vector<1x1x16xf32>
      tpu.vector_store %arg7[%swap3A_805, %swap3A_806, %swap3A_807], %swap3A_810 {strides = array<i32>} : memref<4x128x64xf32, #tpu.memory_space<vmem>>, vector<1x1x16xf32>,
    }
    %scan3A_120 = arith.constant 128 : i32
    %dma_start3A_121 = arith.constant 1 : i32
    %dma_start3A_122 = arith.constant 1 : i32
    %dma_start3A_123 = arith.constant 0 : i32
    %dma_start3A_124 = arith.constant 0 : i32
    %dma_start3A_125 = tpu.memref_slice %arg6[%dma_start3A_121, %dma_start3A_123, %dma_start3A_124] : memref<4x128x64xf32, #tpu.memory_space<vmem>> -> memref<1x128x64xf32, #tpu.memory_space<vmem>>
    %dma_start3A_126 = tpu.memref_squeeze %dma_start3A_125 : memref<1x128x64xf32, #tpu.memory_space<vmem>> -> memref<128x64xf32, #tpu.memory_space<vmem>>
    %dma_start3A_127 = arith.constant 640 : i32
    %dma_start3A_128 = tpu.memref_slice %arg5[%dma_start3A_127] : memref<25600xi32, #tpu.memory_space<vmem>> -> memref<128xi32, #tpu.memory_space<vmem>>
    %dma_start3A_129 = arith.constant 0 : i32
    %dma_start3A_130 = arith.constant 0 : i32
    %dma_start3A_131 = tpu.memref_slice %arg3[%dma_start3A_129, %dma_start3A_130] : memref<1000000x64xf32, #tpu.memory_space<hbm>> -> memref<1000000x64xf32, #tpu.memory_space<hbm>>
    %dma_start3A_132 = tpu.memref_slice %arg8[%dma_start3A_122] : memref<4x!tpu.dma_semaphore, #tpu.memory_space<semaphore_mem>> -> memref<1x!tpu.dma_semaphore, #tpu.memory_space<semaphore_mem>>
    %dma_start3A_133 = tpu.memref_squeeze %dma_start3A_132 : memref<1x!tpu.dma_semaphore, #tpu.memory_space<semaphore_mem>> -> memref<!tpu.dma_semaphore, #tpu.memory_space<semaphore_mem>>
    tpu.enqueue_indirect_dma source(%dma_start3A_131 : memref<1000000x64xf32, #tpu.memory_space<hbm>>) target(%dma_start3A_126 : memref<128x64xf32, #tpu.memory_space<vmem>>) offsets(%dma_start3A_128 : memref<128xi32, #tpu.memory_space<vmem>>) semaphore(%dma_start3A_133 : memref<!tpu.dma_semaphore, #tpu.memory_space<semaphore_mem>>)
    %add3A_134 = arith.constant 128 : i32
    %add3A_135 = arith.addi %mul3A_2, %add3A_134 : i32
    %dma_start3A_136 = arith.constant 1 : i32
    %dma_start3A_137 = arith.constant 1 : i32
    %dma_start3A_138 = arith.constant 0 : i32
    %dma_start3A_139 = arith.constant 0 : i32
    %dma_start3A_140 = tpu.memref_slice %arg7[%dma_start3A_136, %dma_start3A_138, %dma_start3A_139] : memref<4x128x64xf32, #tpu.memory_space<vmem>> -> memref<1x128x64xf32, #tpu.memory_space<vmem>>
    %dma_start3A_141 = tpu.memref_squeeze %dma_start3A_140 : memref<1x128x64xf32, #tpu.memory_space<vmem>> -> memref<128x64xf32, #tpu.memory_space<vmem>>
    %dma_start3A_142 = arith.constant 0 : i32
    %dma_start3A_143 = tpu.memref_slice %arg4[%add3A_135, %dma_start3A_142] : memref<819200x64xf32, #tpu.memory_space<hbm>> -> memref<128x64xf32, #tpu.memory_space<hbm>>
    %dma_start3A_144 = tpu.memref_slice %arg9[%dma_start3A_137] : memref<4x!tpu.dma_semaphore, #tpu.memory_space<semaphore_mem>> -> memref<1x!tpu.dma_semaphore, #tpu.memory_space<semaphore_mem>>
    %dma_start3A_145 = tpu.memref_squeeze %dma_start3A_144 : memref<1x!tpu.dma_semaphore, #tpu.memory_space<semaphore_mem>> -> memref<!tpu.dma_semaphore, #tpu.memory_space<semaphore_mem>>
    %dma_start3A_146 = arith.constant 0 : i32
    %dma_start3A_147 = tpu.memref_slice %arg4[%add3A_135, %dma_start3A_146] : memref<819200x64xf32, #tpu.memory_space<hbm>> -> memref<128x64xf32, #tpu.memory_space<hbm>>
    %dma_start3A_148 = arith.constant 0 : i32
    %dma_start3A_149 = arith.constant 0 : i32
    %dma_start3A_150 = tpu.memref_slice %arg7[%dma_start3A_136, %dma_start3A_148, %dma_start3A_149] : memref<4x128x64xf32, #tpu.memory_space<vmem>> -> memref<1x128x64xf32, #tpu.memory_space<vmem>>
    %dma_start3A_151 = tpu.memref_squeeze %dma_start3A_150 : memref<1x128x64xf32, #tpu.memory_space<vmem>> -> memref<128x64xf32, #tpu.memory_space<vmem>>
    tpu.enqueue_dma source(%dma_start3A_151 : memref<128x64xf32, #tpu.memory_space<vmem>>) target(%dma_start3A_147 : memref<128x64xf32, #tpu.memory_space<hbm>>) target_semaphore(%dma_start3A_145 : memref<!tpu.dma_semaphore, #tpu.memory_space<semaphore_mem>>)
    %dma_wait3A_152 = arith.constant 2 : i32
    %dma_wait3A_153 = arith.constant 2 : i32
    %dma_wait3A_154 = arith.constant 0 : i32
    %dma_wait3A_155 = arith.constant 0 : i32
    %dma_wait3A_156 = tpu.memref_slice %arg6[%dma_wait3A_152, %dma_wait3A_154, %dma_wait3A_155] : memref<4x128x64xf32, #tpu.memory_space<vmem>> -> memref<1x128x64xf32, #tpu.memory_space<vmem>>
    %dma_wait3A_157 = tpu.memref_squeeze %dma_wait3A_156 : memref<1x128x64xf32, #tpu.memory_space<vmem>> -> memref<128x64xf32, #tpu.memory_space<vmem>>
    %dma_wait3A_158 = arith.constant 256 : i32
    %dma_wait3A_159 = tpu.memref_slice %arg5[%dma_wait3A_158] : memref<25600xi32, #tpu.memory_space<vmem>> -> memref<128xi32, #tpu.memory_space<vmem>>
    %dma_wait3A_160 = arith.constant 0 : i32
    %dma_wait3A_161 = arith.constant 0 : i32
    %dma_wait3A_162 = tpu.memref_slice %arg3[%dma_wait3A_160, %dma_wait3A_161] : memref<1000000x64xf32, #tpu.memory_space<hbm>> -> memref<1000000x64xf32, #tpu.memory_space<hbm>>
    %dma_wait3A_163 = tpu.memref_slice %arg8[%dma_wait3A_153] : memref<4x!tpu.dma_semaphore, #tpu.memory_space<semaphore_mem>> -> memref<1x!tpu.dma_semaphore, #tpu.memory_space<semaphore_mem>>
    %dma_wait3A_164 = tpu.memref_squeeze %dma_wait3A_163 : memref<1x!tpu.dma_semaphore, #tpu.memory_space<semaphore_mem>> -> memref<!tpu.dma_semaphore, #tpu.memory_space<semaphore_mem>>
    tpu.wait_indirect_dma semaphore(%dma_wait3A_164 : memref<!tpu.dma_semaphore, #tpu.memory_space<semaphore_mem>>) src(%dma_wait3A_162 : memref<1000000x64xf32, #tpu.memory_space<hbm>>) dst(%dma_wait3A_157 : memref<128x64xf32, #tpu.memory_space<vmem>>)
    %scan3A_165 = arith.constant 0 : i32
    %scan3A_166 = arith.constant 0 : i32
    %scan3A_167 = arith.constant 128 : i32
    %scan3A_168 = arith.addi %scan3A_166, %scan3A_167 : i32
    %scan3A_169 = arith.constant 4 : i32
    scf.for %scan3A_550 = %scan3A_166 to %scan3A_168 step %scan3A_169  : i32 {
      %get3A = arith.constant 2 : i32
      %get3A_551 = arith.index_cast %get3A : i32 to index
      %get3A_552 = arith.index_cast %scan3A_550 : i32 to index
      %get3A_553 = arith.constant 0 : index
      %get3A_554 = tpu.vector_load %arg6[%get3A_551, %get3A_552, %get3A_553] {strides = array<i32>} : memref<4x128x64xf32, #tpu.memory_space<vmem>>, vector<1x1x16xf32>,
      %get3A_555 = vector.shape_cast %get3A_554 : vector<1x1x16xf32> to vector<16xf32>
      %mul3A_556 = arith.constant 8.000000e+00 : f32
      %mul3A_557 = vector.broadcast %mul3A_556 : f32 to vector<16xf32>
      %mul3A_558 = arith.mulf %get3A_555, %mul3A_557 : vector<16xf32>
      %swap3A = arith.constant 2 : i32
      %swap3A_559 = arith.index_cast %swap3A : i32 to index
      %swap3A_560 = arith.index_cast %scan3A_550 : i32 to index
      %swap3A_561 = arith.constant 0 : index
      %swap3A_562 = tpu.vector_load %arg7[%swap3A_559, %swap3A_560, %swap3A_561] {strides = array<i32>} : memref<4x128x64xf32, #tpu.memory_space<vmem>>, vector<1x1x16xf32>,
      %swap3A_563 = vector.shape_cast %swap3A_562 : vector<1x1x16xf32> to vector<16xf32>
      %swap3A_564 = vector.shape_cast %mul3A_558 : vector<16xf32> to vector<1x1x16xf32>
      tpu.vector_store %arg7[%swap3A_559, %swap3A_560, %swap3A_561], %swap3A_564 {strides = array<i32>} : memref<4x128x64xf32, #tpu.memory_space<vmem>>, vector<1x1x16xf32>,
      %get3A_565 = arith.constant 2 : i32
      %get3A_566 = arith.index_cast %get3A_565 : i32 to index
      %get3A_567 = arith.index_cast %scan3A_550 : i32 to index
      %get3A_568 = arith.constant 16 : index
      %get3A_569 = tpu.vector_load %arg6[%get3A_566, %get3A_567, %get3A_568] {strides = array<i32>} : memref<4x128x64xf32, #tpu.memory_space<vmem>>, vector<1x1x16xf32>,
      %get3A_570 = vector.shape_cast %get3A_569 : vector<1x1x16xf32> to vector<16xf32>
      %mul3A_571 = arith.constant 8.000000e+00 : f32
      %mul3A_572 = vector.broadcast %mul3A_571 : f32 to vector<16xf32>
      %mul3A_573 = arith.mulf %get3A_570, %mul3A_572 : vector<16xf32>
      %swap3A_574 = arith.constant 2 : i32
      %swap3A_575 = arith.index_cast %swap3A_574 : i32 to index
      %swap3A_576 = arith.index_cast %scan3A_550 : i32 to index
      %swap3A_577 = arith.constant 16 : index
      %swap3A_578 = tpu.vector_load %arg7[%swap3A_575, %swap3A_576, %swap3A_577] {strides = array<i32>} : memref<4x128x64xf32, #tpu.memory_space<vmem>>, vector<1x1x16xf32>,
      %swap3A_579 = vector.shape_cast %swap3A_578 : vector<1x1x16xf32> to vector<16xf32>
      %swap3A_580 = vector.shape_cast %mul3A_573 : vector<16xf32> to vector<1x1x16xf32>
      tpu.vector_store %arg7[%swap3A_575, %swap3A_576, %swap3A_577], %swap3A_580 {strides = array<i32>} : memref<4x128x64xf32, #tpu.memory_space<vmem>>, vector<1x1x16xf32>,
      %get3A_581 = arith.constant 2 : i32
      %get3A_582 = arith.index_cast %get3A_581 : i32 to index
      %get3A_583 = arith.index_cast %scan3A_550 : i32 to index
      %get3A_584 = arith.constant 32 : index
      %get3A_585 = tpu.vector_load %arg6[%get3A_582, %get3A_583, %get3A_584] {strides = array<i32>} : memref<4x128x64xf32, #tpu.memory_space<vmem>>, vector<1x1x16xf32>,
      %get3A_586 = vector.shape_cast %get3A_585 : vector<1x1x16xf32> to vector<16xf32>
      %mul3A_587 = arith.constant 8.000000e+00 : f32
      %mul3A_588 = vector.broadcast %mul3A_587 : f32 to vector<16xf32>
      %mul3A_589 = arith.mulf %get3A_586, %mul3A_588 : vector<16xf32>
      %swap3A_590 = arith.constant 2 : i32
      %swap3A_591 = arith.index_cast %swap3A_590 : i32 to index
      %swap3A_592 = arith.index_cast %scan3A_550 : i32 to index
      %swap3A_593 = arith.constant 32 : index
      %swap3A_594 = tpu.vector_load %arg7[%swap3A_591, %swap3A_592, %swap3A_593] {strides = array<i32>} : memref<4x128x64xf32, #tpu.memory_space<vmem>>, vector<1x1x16xf32>,
      %swap3A_595 = vector.shape_cast %swap3A_594 : vector<1x1x16xf32> to vector<16xf32>
      %swap3A_596 = vector.shape_cast %mul3A_589 : vector<16xf32> to vector<1x1x16xf32>
      tpu.vector_store %arg7[%swap3A_591, %swap3A_592, %swap3A_593], %swap3A_596 {strides = array<i32>} : memref<4x128x64xf32, #tpu.memory_space<vmem>>, vector<1x1x16xf32>,
      %get3A_597 = arith.constant 2 : i32
      %get3A_598 = arith.index_cast %get3A_597 : i32 to index
      %get3A_599 = arith.index_cast %scan3A_550 : i32 to index
      %get3A_600 = arith.constant 48 : index
      %get3A_601 = tpu.vector_load %arg6[%get3A_598, %get3A_599, %get3A_600] {strides = array<i32>} : memref<4x128x64xf32, #tpu.memory_space<vmem>>, vector<1x1x16xf32>,
      %get3A_602 = vector.shape_cast %get3A_601 : vector<1x1x16xf32> to vector<16xf32>
      %mul3A_603 = arith.constant 8.000000e+00 : f32
      %mul3A_604 = vector.broadcast %mul3A_603 : f32 to vector<16xf32>
      %mul3A_605 = arith.mulf %get3A_602, %mul3A_604 : vector<16xf32>
      %swap3A_606 = arith.constant 2 : i32
      %swap3A_607 = arith.index_cast %swap3A_606 : i32 to index
      %swap3A_608 = arith.index_cast %scan3A_550 : i32 to index
      %swap3A_609 = arith.constant 48 : index
      %swap3A_610 = tpu.vector_load %arg7[%swap3A_607, %swap3A_608, %swap3A_609] {strides = array<i32>} : memref<4x128x64xf32, #tpu.memory_space<vmem>>, vector<1x1x16xf32>,
      %swap3A_611 = vector.shape_cast %swap3A_610 : vector<1x1x16xf32> to vector<16xf32>
      %swap3A_612 = vector.shape_cast %mul3A_605 : vector<16xf32> to vector<1x1x16xf32>
      tpu.vector_store %arg7[%swap3A_607, %swap3A_608, %swap3A_609], %swap3A_612 {strides = array<i32>} : memref<4x128x64xf32, #tpu.memory_space<vmem>>, vector<1x1x16xf32>,
      %scan3A_613 = arith.constant 1 : i32
      %scan3A_614 = arith.addi %scan3A_550, %scan3A_613 : i32
      %get3A_615 = arith.constant 2 : i32
      %get3A_616 = arith.index_cast %get3A_615 : i32 to index
      %get3A_617 = arith.index_cast %scan3A_614 : i32 to index
      %get3A_618 = arith.constant 0 : index
      %get3A_619 = tpu.vector_load %arg6[%get3A_616, %get3A_617, %get3A_618] {strides = array<i32>} : memref<4x128x64xf32, #tpu.memory_space<vmem>>, vector<1x1x16xf32>,
      %get3A_620 = vector.shape_cast %get3A_619 : vector<1x1x16xf32> to vector<16xf32>
      %mul3A_621 = arith.constant 8.000000e+00 : f32
      %mul3A_622 = vector.broadcast %mul3A_621 : f32 to vector<16xf32>
      %mul3A_623 = arith.mulf %get3A_620, %mul3A_622 : vector<16xf32>
      %swap3A_624 = arith.constant 2 : i32
      %swap3A_625 = arith.index_cast %swap3A_624 : i32 to index
      %swap3A_626 = arith.index_cast %scan3A_614 : i32 to index
      %swap3A_627 = arith.constant 0 : index
      %swap3A_628 = tpu.vector_load %arg7[%swap3A_625, %swap3A_626, %swap3A_627] {strides = array<i32>} : memref<4x128x64xf32, #tpu.memory_space<vmem>>, vector<1x1x16xf32>,
      %swap3A_629 = vector.shape_cast %swap3A_628 : vector<1x1x16xf32> to vector<16xf32>
      %swap3A_630 = vector.shape_cast %mul3A_623 : vector<16xf32> to vector<1x1x16xf32>
      tpu.vector_store %arg7[%swap3A_625, %swap3A_626, %swap3A_627], %swap3A_630 {strides = array<i32>} : memref<4x128x64xf32, #tpu.memory_space<vmem>>, vector<1x1x16xf32>,
      %get3A_631 = arith.constant 2 : i32
      %get3A_632 = arith.index_cast %get3A_631 : i32 to index
      %get3A_633 = arith.index_cast %scan3A_614 : i32 to index
      %get3A_634 = arith.constant 16 : index
      %get3A_635 = tpu.vector_load %arg6[%get3A_632, %get3A_633, %get3A_634] {strides = array<i32>} : memref<4x128x64xf32, #tpu.memory_space<vmem>>, vector<1x1x16xf32>,
      %get3A_636 = vector.shape_cast %get3A_635 : vector<1x1x16xf32> to vector<16xf32>
      %mul3A_637 = arith.constant 8.000000e+00 : f32
      %mul3A_638 = vector.broadcast %mul3A_637 : f32 to vector<16xf32>
      %mul3A_639 = arith.mulf %get3A_636, %mul3A_638 : vector<16xf32>
      %swap3A_640 = arith.constant 2 : i32
      %swap3A_641 = arith.index_cast %swap3A_640 : i32 to index
      %swap3A_642 = arith.index_cast %scan3A_614 : i32 to index
      %swap3A_643 = arith.constant 16 : index
      %swap3A_644 = tpu.vector_load %arg7[%swap3A_641, %swap3A_642, %swap3A_643] {strides = array<i32>} : memref<4x128x64xf32, #tpu.memory_space<vmem>>, vector<1x1x16xf32>,
      %swap3A_645 = vector.shape_cast %swap3A_644 : vector<1x1x16xf32> to vector<16xf32>
      %swap3A_646 = vector.shape_cast %mul3A_639 : vector<16xf32> to vector<1x1x16xf32>
      tpu.vector_store %arg7[%swap3A_641, %swap3A_642, %swap3A_643], %swap3A_646 {strides = array<i32>} : memref<4x128x64xf32, #tpu.memory_space<vmem>>, vector<1x1x16xf32>,
      %get3A_647 = arith.constant 2 : i32
      %get3A_648 = arith.index_cast %get3A_647 : i32 to index
      %get3A_649 = arith.index_cast %scan3A_614 : i32 to index
      %get3A_650 = arith.constant 32 : index
      %get3A_651 = tpu.vector_load %arg6[%get3A_648, %get3A_649, %get3A_650] {strides = array<i32>} : memref<4x128x64xf32, #tpu.memory_space<vmem>>, vector<1x1x16xf32>,
      %get3A_652 = vector.shape_cast %get3A_651 : vector<1x1x16xf32> to vector<16xf32>
      %mul3A_653 = arith.constant 8.000000e+00 : f32
      %mul3A_654 = vector.broadcast %mul3A_653 : f32 to vector<16xf32>
      %mul3A_655 = arith.mulf %get3A_652, %mul3A_654 : vector<16xf32>
      %swap3A_656 = arith.constant 2 : i32
      %swap3A_657 = arith.index_cast %swap3A_656 : i32 to index
      %swap3A_658 = arith.index_cast %scan3A_614 : i32 to index
      %swap3A_659 = arith.constant 32 : index
      %swap3A_660 = tpu.vector_load %arg7[%swap3A_657, %swap3A_658, %swap3A_659] {strides = array<i32>} : memref<4x128x64xf32, #tpu.memory_space<vmem>>, vector<1x1x16xf32>,
      %swap3A_661 = vector.shape_cast %swap3A_660 : vector<1x1x16xf32> to vector<16xf32>
      %swap3A_662 = vector.shape_cast %mul3A_655 : vector<16xf32> to vector<1x1x16xf32>
      tpu.vector_store %arg7[%swap3A_657, %swap3A_658, %swap3A_659], %swap3A_662 {strides = array<i32>} : memref<4x128x64xf32, #tpu.memory_space<vmem>>, vector<1x1x16xf32>,
      %get3A_663 = arith.constant 2 : i32
      %get3A_664 = arith.index_cast %get3A_663 : i32 to index
      %get3A_665 = arith.index_cast %scan3A_614 : i32 to index
      %get3A_666 = arith.constant 48 : index
      %get3A_667 = tpu.vector_load %arg6[%get3A_664, %get3A_665, %get3A_666] {strides = array<i32>} : memref<4x128x64xf32, #tpu.memory_space<vmem>>, vector<1x1x16xf32>,
      %get3A_668 = vector.shape_cast %get3A_667 : vector<1x1x16xf32> to vector<16xf32>
      %mul3A_669 = arith.constant 8.000000e+00 : f32
      %mul3A_670 = vector.broadcast %mul3A_669 : f32 to vector<16xf32>
      %mul3A_671 = arith.mulf %get3A_668, %mul3A_670 : vector<16xf32>
      %swap3A_672 = arith.constant 2 : i32
      %swap3A_673 = arith.index_cast %swap3A_672 : i32 to index
      %swap3A_674 = arith.index_cast %scan3A_614 : i32 to index
      %swap3A_675 = arith.constant 48 : index
      %swap3A_676 = tpu.vector_load %arg7[%swap3A_673, %swap3A_674, %swap3A_675] {strides = array<i32>} : memref<4x128x64xf32, #tpu.memory_space<vmem>>, vector<1x1x16xf32>,
      %swap3A_677 = vector.shape_cast %swap3A_676 : vector<1x1x16xf32> to vector<16xf32>
      %swap3A_678 = vector.shape_cast %mul3A_671 : vector<16xf32> to vector<1x1x16xf32>
      tpu.vector_store %arg7[%swap3A_673, %swap3A_674, %swap3A_675], %swap3A_678 {strides = array<i32>} : memref<4x128x64xf32, #tpu.memory_space<vmem>>, vector<1x1x16xf32>,
      %scan3A_679 = arith.constant 2 : i32
      %scan3A_680 = arith.addi %scan3A_550, %scan3A_679 : i32
      %get3A_681 = arith.constant 2 : i32
      %get3A_682 = arith.index_cast %get3A_681 : i32 to index
      %get3A_683 = arith.index_cast %scan3A_680 : i32 to index
      %get3A_684 = arith.constant 0 : index
      %get3A_685 = tpu.vector_load %arg6[%get3A_682, %get3A_683, %get3A_684] {strides = array<i32>} : memref<4x128x64xf32, #tpu.memory_space<vmem>>, vector<1x1x16xf32>,
      %get3A_686 = vector.shape_cast %get3A_685 : vector<1x1x16xf32> to vector<16xf32>
      %mul3A_687 = arith.constant 8.000000e+00 : f32
      %mul3A_688 = vector.broadcast %mul3A_687 : f32 to vector<16xf32>
      %mul3A_689 = arith.mulf %get3A_686, %mul3A_688 : vector<16xf32>
      %swap3A_690 = arith.constant 2 : i32
      %swap3A_691 = arith.index_cast %swap3A_690 : i32 to index
      %swap3A_692 = arith.index_cast %scan3A_680 : i32 to index
      %swap3A_693 = arith.constant 0 : index
      %swap3A_694 = tpu.vector_load %arg7[%swap3A_691, %swap3A_692, %swap3A_693] {strides = array<i32>} : memref<4x128x64xf32, #tpu.memory_space<vmem>>, vector<1x1x16xf32>,
      %swap3A_695 = vector.shape_cast %swap3A_694 : vector<1x1x16xf32> to vector<16xf32>
      %swap3A_696 = vector.shape_cast %mul3A_689 : vector<16xf32> to vector<1x1x16xf32>
      tpu.vector_store %arg7[%swap3A_691, %swap3A_692, %swap3A_693], %swap3A_696 {strides = array<i32>} : memref<4x128x64xf32, #tpu.memory_space<vmem>>, vector<1x1x16xf32>,
      %get3A_697 = arith.constant 2 : i32
      %get3A_698 = arith.index_cast %get3A_697 : i32 to index
      %get3A_699 = arith.index_cast %scan3A_680 : i32 to index
      %get3A_700 = arith.constant 16 : index
      %get3A_701 = tpu.vector_load %arg6[%get3A_698, %get3A_699, %get3A_700] {strides = array<i32>} : memref<4x128x64xf32, #tpu.memory_space<vmem>>, vector<1x1x16xf32>,
      %get3A_702 = vector.shape_cast %get3A_701 : vector<1x1x16xf32> to vector<16xf32>
      %mul3A_703 = arith.constant 8.000000e+00 : f32
      %mul3A_704 = vector.broadcast %mul3A_703 : f32 to vector<16xf32>
      %mul3A_705 = arith.mulf %get3A_702, %mul3A_704 : vector<16xf32>
      %swap3A_706 = arith.constant 2 : i32
      %swap3A_707 = arith.index_cast %swap3A_706 : i32 to index
      %swap3A_708 = arith.index_cast %scan3A_680 : i32 to index
      %swap3A_709 = arith.constant 16 : index
      %swap3A_710 = tpu.vector_load %arg7[%swap3A_707, %swap3A_708, %swap3A_709] {strides = array<i32>} : memref<4x128x64xf32, #tpu.memory_space<vmem>>, vector<1x1x16xf32>,
      %swap3A_711 = vector.shape_cast %swap3A_710 : vector<1x1x16xf32> to vector<16xf32>
      %swap3A_712 = vector.shape_cast %mul3A_705 : vector<16xf32> to vector<1x1x16xf32>
      tpu.vector_store %arg7[%swap3A_707, %swap3A_708, %swap3A_709], %swap3A_712 {strides = array<i32>} : memref<4x128x64xf32, #tpu.memory_space<vmem>>, vector<1x1x16xf32>,
      %get3A_713 = arith.constant 2 : i32
      %get3A_714 = arith.index_cast %get3A_713 : i32 to index
      %get3A_715 = arith.index_cast %scan3A_680 : i32 to index
      %get3A_716 = arith.constant 32 : index
      %get3A_717 = tpu.vector_load %arg6[%get3A_714, %get3A_715, %get3A_716] {strides = array<i32>} : memref<4x128x64xf32, #tpu.memory_space<vmem>>, vector<1x1x16xf32>,
      %get3A_718 = vector.shape_cast %get3A_717 : vector<1x1x16xf32> to vector<16xf32>
      %mul3A_719 = arith.constant 8.000000e+00 : f32
      %mul3A_720 = vector.broadcast %mul3A_719 : f32 to vector<16xf32>
      %mul3A_721 = arith.mulf %get3A_718, %mul3A_720 : vector<16xf32>
      %swap3A_722 = arith.constant 2 : i32
      %swap3A_723 = arith.index_cast %swap3A_722 : i32 to index
      %swap3A_724 = arith.index_cast %scan3A_680 : i32 to index
      %swap3A_725 = arith.constant 32 : index
      %swap3A_726 = tpu.vector_load %arg7[%swap3A_723, %swap3A_724, %swap3A_725] {strides = array<i32>} : memref<4x128x64xf32, #tpu.memory_space<vmem>>, vector<1x1x16xf32>,
      %swap3A_727 = vector.shape_cast %swap3A_726 : vector<1x1x16xf32> to vector<16xf32>
      %swap3A_728 = vector.shape_cast %mul3A_721 : vector<16xf32> to vector<1x1x16xf32>
      tpu.vector_store %arg7[%swap3A_723, %swap3A_724, %swap3A_725], %swap3A_728 {strides = array<i32>} : memref<4x128x64xf32, #tpu.memory_space<vmem>>, vector<1x1x16xf32>,
      %get3A_729 = arith.constant 2 : i32
      %get3A_730 = arith.index_cast %get3A_729 : i32 to index
      %get3A_731 = arith.index_cast %scan3A_680 : i32 to index
      %get3A_732 = arith.constant 48 : index
      %get3A_733 = tpu.vector_load %arg6[%get3A_730, %get3A_731, %get3A_732] {strides = array<i32>} : memref<4x128x64xf32, #tpu.memory_space<vmem>>, vector<1x1x16xf32>,
      %get3A_734 = vector.shape_cast %get3A_733 : vector<1x1x16xf32> to vector<16xf32>
      %mul3A_735 = arith.constant 8.000000e+00 : f32
      %mul3A_736 = vector.broadcast %mul3A_735 : f32 to vector<16xf32>
      %mul3A_737 = arith.mulf %get3A_734, %mul3A_736 : vector<16xf32>
      %swap3A_738 = arith.constant 2 : i32
      %swap3A_739 = arith.index_cast %swap3A_738 : i32 to index
      %swap3A_740 = arith.index_cast %scan3A_680 : i32 to index
      %swap3A_741 = arith.constant 48 : index
      %swap3A_742 = tpu.vector_load %arg7[%swap3A_739, %swap3A_740, %swap3A_741] {strides = array<i32>} : memref<4x128x64xf32, #tpu.memory_space<vmem>>, vector<1x1x16xf32>,
      %swap3A_743 = vector.shape_cast %swap3A_742 : vector<1x1x16xf32> to vector<16xf32>
      %swap3A_744 = vector.shape_cast %mul3A_737 : vector<16xf32> to vector<1x1x16xf32>
      tpu.vector_store %arg7[%swap3A_739, %swap3A_740, %swap3A_741], %swap3A_744 {strides = array<i32>} : memref<4x128x64xf32, #tpu.memory_space<vmem>>, vector<1x1x16xf32>,
      %scan3A_745 = arith.constant 3 : i32
      %scan3A_746 = arith.addi %scan3A_550, %scan3A_745 : i32
      %get3A_747 = arith.constant 2 : i32
      %get3A_748 = arith.index_cast %get3A_747 : i32 to index
      %get3A_749 = arith.index_cast %scan3A_746 : i32 to index
      %get3A_750 = arith.constant 0 : index
      %get3A_751 = tpu.vector_load %arg6[%get3A_748, %get3A_749, %get3A_750] {strides = array<i32>} : memref<4x128x64xf32, #tpu.memory_space<vmem>>, vector<1x1x16xf32>,
      %get3A_752 = vector.shape_cast %get3A_751 : vector<1x1x16xf32> to vector<16xf32>
      %mul3A_753 = arith.constant 8.000000e+00 : f32
      %mul3A_754 = vector.broadcast %mul3A_753 : f32 to vector<16xf32>
      %mul3A_755 = arith.mulf %get3A_752, %mul3A_754 : vector<16xf32>
      %swap3A_756 = arith.constant 2 : i32
      %swap3A_757 = arith.index_cast %swap3A_756 : i32 to index
      %swap3A_758 = arith.index_cast %scan3A_746 : i32 to index
      %swap3A_759 = arith.constant 0 : index
      %swap3A_760 = tpu.vector_load %arg7[%swap3A_757, %swap3A_758, %swap3A_759] {strides = array<i32>} : memref<4x128x64xf32, #tpu.memory_space<vmem>>, vector<1x1x16xf32>,
      %swap3A_761 = vector.shape_cast %swap3A_760 : vector<1x1x16xf32> to vector<16xf32>
      %swap3A_762 = vector.shape_cast %mul3A_755 : vector<16xf32> to vector<1x1x16xf32>
      tpu.vector_store %arg7[%swap3A_757, %swap3A_758, %swap3A_759], %swap3A_762 {strides = array<i32>} : memref<4x128x64xf32, #tpu.memory_space<vmem>>, vector<1x1x16xf32>,
      %get3A_763 = arith.constant 2 : i32
      %get3A_764 = arith.index_cast %get3A_763 : i32 to index
      %get3A_765 = arith.index_cast %scan3A_746 : i32 to index
      %get3A_766 = arith.constant 16 : index
      %get3A_767 = tpu.vector_load %arg6[%get3A_764, %get3A_765, %get3A_766] {strides = array<i32>} : memref<4x128x64xf32, #tpu.memory_space<vmem>>, vector<1x1x16xf32>,
      %get3A_768 = vector.shape_cast %get3A_767 : vector<1x1x16xf32> to vector<16xf32>
      %mul3A_769 = arith.constant 8.000000e+00 : f32
      %mul3A_770 = vector.broadcast %mul3A_769 : f32 to vector<16xf32>
      %mul3A_771 = arith.mulf %get3A_768, %mul3A_770 : vector<16xf32>
      %swap3A_772 = arith.constant 2 : i32
      %swap3A_773 = arith.index_cast %swap3A_772 : i32 to index
      %swap3A_774 = arith.index_cast %scan3A_746 : i32 to index
      %swap3A_775 = arith.constant 16 : index
      %swap3A_776 = tpu.vector_load %arg7[%swap3A_773, %swap3A_774, %swap3A_775] {strides = array<i32>} : memref<4x128x64xf32, #tpu.memory_space<vmem>>, vector<1x1x16xf32>,
      %swap3A_777 = vector.shape_cast %swap3A_776 : vector<1x1x16xf32> to vector<16xf32>
      %swap3A_778 = vector.shape_cast %mul3A_771 : vector<16xf32> to vector<1x1x16xf32>
      tpu.vector_store %arg7[%swap3A_773, %swap3A_774, %swap3A_775], %swap3A_778 {strides = array<i32>} : memref<4x128x64xf32, #tpu.memory_space<vmem>>, vector<1x1x16xf32>,
      %get3A_779 = arith.constant 2 : i32
      %get3A_780 = arith.index_cast %get3A_779 : i32 to index
      %get3A_781 = arith.index_cast %scan3A_746 : i32 to index
      %get3A_782 = arith.constant 32 : index
      %get3A_783 = tpu.vector_load %arg6[%get3A_780, %get3A_781, %get3A_782] {strides = array<i32>} : memref<4x128x64xf32, #tpu.memory_space<vmem>>, vector<1x1x16xf32>,
      %get3A_784 = vector.shape_cast %get3A_783 : vector<1x1x16xf32> to vector<16xf32>
      %mul3A_785 = arith.constant 8.000000e+00 : f32
      %mul3A_786 = vector.broadcast %mul3A_785 : f32 to vector<16xf32>
      %mul3A_787 = arith.mulf %get3A_784, %mul3A_786 : vector<16xf32>
      %swap3A_788 = arith.constant 2 : i32
      %swap3A_789 = arith.index_cast %swap3A_788 : i32 to index
      %swap3A_790 = arith.index_cast %scan3A_746 : i32 to index
      %swap3A_791 = arith.constant 32 : index
      %swap3A_792 = tpu.vector_load %arg7[%swap3A_789, %swap3A_790, %swap3A_791] {strides = array<i32>} : memref<4x128x64xf32, #tpu.memory_space<vmem>>, vector<1x1x16xf32>,
      %swap3A_793 = vector.shape_cast %swap3A_792 : vector<1x1x16xf32> to vector<16xf32>
      %swap3A_794 = vector.shape_cast %mul3A_787 : vector<16xf32> to vector<1x1x16xf32>
      tpu.vector_store %arg7[%swap3A_789, %swap3A_790, %swap3A_791], %swap3A_794 {strides = array<i32>} : memref<4x128x64xf32, #tpu.memory_space<vmem>>, vector<1x1x16xf32>,
      %get3A_795 = arith.constant 2 : i32
      %get3A_796 = arith.index_cast %get3A_795 : i32 to index
      %get3A_797 = arith.index_cast %scan3A_746 : i32 to index
      %get3A_798 = arith.constant 48 : index
      %get3A_799 = tpu.vector_load %arg6[%get3A_796, %get3A_797, %get3A_798] {strides = array<i32>} : memref<4x128x64xf32, #tpu.memory_space<vmem>>, vector<1x1x16xf32>,
      %get3A_800 = vector.shape_cast %get3A_799 : vector<1x1x16xf32> to vector<16xf32>
      %mul3A_801 = arith.constant 8.000000e+00 : f32
      %mul3A_802 = vector.broadcast %mul3A_801 : f32 to vector<16xf32>
      %mul3A_803 = arith.mulf %get3A_800, %mul3A_802 : vector<16xf32>
      %swap3A_804 = arith.constant 2 : i32
      %swap3A_805 = arith.index_cast %swap3A_804 : i32 to index
      %swap3A_806 = arith.index_cast %scan3A_746 : i32 to index
      %swap3A_807 = arith.constant 48 : index
      %swap3A_808 = tpu.vector_load %arg7[%swap3A_805, %swap3A_806, %swap3A_807] {strides = array<i32>} : memref<4x128x64xf32, #tpu.memory_space<vmem>>, vector<1x1x16xf32>,
      %swap3A_809 = vector.shape_cast %swap3A_808 : vector<1x1x16xf32> to vector<16xf32>
      %swap3A_810 = vector.shape_cast %mul3A_803 : vector<16xf32> to vector<1x1x16xf32>
      tpu.vector_store %arg7[%swap3A_805, %swap3A_806, %swap3A_807], %swap3A_810 {strides = array<i32>} : memref<4x128x64xf32, #tpu.memory_space<vmem>>, vector<1x1x16xf32>,
    }
    %scan3A_170 = arith.constant 128 : i32
    %dma_start3A_171 = arith.constant 2 : i32
    %dma_start3A_172 = arith.constant 2 : i32
    %dma_start3A_173 = arith.constant 0 : i32
    %dma_start3A_174 = arith.constant 0 : i32
    %dma_start3A_175 = tpu.memref_slice %arg6[%dma_start3A_171, %dma_start3A_173, %dma_start3A_174] : memref<4x128x64xf32, #tpu.memory_space<vmem>> -> memref<1x128x64xf32, #tpu.memory_space<vmem>>
    %dma_start3A_176 = tpu.memref_squeeze %dma_start3A_175 : memref<1x128x64xf32, #tpu.memory_space<vmem>> -> memref<128x64xf32, #tpu.memory_space<vmem>>
    %dma_start3A_177 = arith.constant 768 : i32
    %dma_start3A_178 = tpu.memref_slice %arg5[%dma_start3A_177] : memref<25600xi32, #tpu.memory_space<vmem>> -> memref<128xi32, #tpu.memory_space<vmem>>
    %dma_start3A_179 = arith.constant 0 : i32
    %dma_start3A_180 = arith.constant 0 : i32
    %dma_start3A_181 = tpu.memref_slice %arg3[%dma_start3A_179, %dma_start3A_180] : memref<1000000x64xf32, #tpu.memory_space<hbm>> -> memref<1000000x64xf32, #tpu.memory_space<hbm>>
    %dma_start3A_182 = tpu.memref_slice %arg8[%dma_start3A_172] : memref<4x!tpu.dma_semaphore, #tpu.memory_space<semaphore_mem>> -> memref<1x!tpu.dma_semaphore, #tpu.memory_space<semaphore_mem>>
    %dma_start3A_183 = tpu.memref_squeeze %dma_start3A_182 : memref<1x!tpu.dma_semaphore, #tpu.memory_space<semaphore_mem>> -> memref<!tpu.dma_semaphore, #tpu.memory_space<semaphore_mem>>
    tpu.enqueue_indirect_dma source(%dma_start3A_181 : memref<1000000x64xf32, #tpu.memory_space<hbm>>) target(%dma_start3A_176 : memref<128x64xf32, #tpu.memory_space<vmem>>) offsets(%dma_start3A_178 : memref<128xi32, #tpu.memory_space<vmem>>) semaphore(%dma_start3A_183 : memref<!tpu.dma_semaphore, #tpu.memory_space<semaphore_mem>>)
    %add3A_184 = arith.constant 256 : i32
    %add3A_185 = arith.addi %mul3A_2, %add3A_184 : i32
    %dma_start3A_186 = arith.constant 2 : i32
    %dma_start3A_187 = arith.constant 2 : i32
    %dma_start3A_188 = arith.constant 0 : i32
    %dma_start3A_189 = arith.constant 0 : i32
    %dma_start3A_190 = tpu.memref_slice %arg7[%dma_start3A_186, %dma_start3A_188, %dma_start3A_189] : memref<4x128x64xf32, #tpu.memory_space<vmem>> -> memref<1x128x64xf32, #tpu.memory_space<vmem>>
    %dma_start3A_191 = tpu.memref_squeeze %dma_start3A_190 : memref<1x128x64xf32, #tpu.memory_space<vmem>> -> memref<128x64xf32, #tpu.memory_space<vmem>>
    %dma_start3A_192 = arith.constant 0 : i32
    %dma_start3A_193 = tpu.memref_slice %arg4[%add3A_185, %dma_start3A_192] : memref<819200x64xf32, #tpu.memory_space<hbm>> -> memref<128x64xf32, #tpu.memory_space<hbm>>
    %dma_start3A_194 = tpu.memref_slice %arg9[%dma_start3A_187] : memref<4x!tpu.dma_semaphore, #tpu.memory_space<semaphore_mem>> -> memref<1x!tpu.dma_semaphore, #tpu.memory_space<semaphore_mem>>
    %dma_start3A_195 = tpu.memref_squeeze %dma_start3A_194 : memref<1x!tpu.dma_semaphore, #tpu.memory_space<semaphore_mem>> -> memref<!tpu.dma_semaphore, #tpu.memory_space<semaphore_mem>>
    %dma_start3A_196 = arith.constant 0 : i32
    %dma_start3A_197 = tpu.memref_slice %arg4[%add3A_185, %dma_start3A_196] : memref<819200x64xf32, #tpu.memory_space<hbm>> -> memref<128x64xf32, #tpu.memory_space<hbm>>
    %dma_start3A_198 = arith.constant 0 : i32
    %dma_start3A_199 = arith.constant 0 : i32
    %dma_start3A_200 = tpu.memref_slice %arg7[%dma_start3A_186, %dma_start3A_198, %dma_start3A_199] : memref<4x128x64xf32, #tpu.memory_space<vmem>> -> memref<1x128x64xf32, #tpu.memory_space<vmem>>
    %dma_start3A_201 = tpu.memref_squeeze %dma_start3A_200 : memref<1x128x64xf32, #tpu.memory_space<vmem>> -> memref<128x64xf32, #tpu.memory_space<vmem>>
    tpu.enqueue_dma source(%dma_start3A_201 : memref<128x64xf32, #tpu.memory_space<vmem>>) target(%dma_start3A_197 : memref<128x64xf32, #tpu.memory_space<hbm>>) target_semaphore(%dma_start3A_195 : memref<!tpu.dma_semaphore, #tpu.memory_space<semaphore_mem>>)
    %dma_wait3A_202 = arith.constant 3 : i32
    %dma_wait3A_203 = arith.constant 3 : i32
    %dma_wait3A_204 = arith.constant 0 : i32
    %dma_wait3A_205 = arith.constant 0 : i32
    %dma_wait3A_206 = tpu.memref_slice %arg6[%dma_wait3A_202, %dma_wait3A_204, %dma_wait3A_205] : memref<4x128x64xf32, #tpu.memory_space<vmem>> -> memref<1x128x64xf32, #tpu.memory_space<vmem>>
    %dma_wait3A_207 = tpu.memref_squeeze %dma_wait3A_206 : memref<1x128x64xf32, #tpu.memory_space<vmem>> -> memref<128x64xf32, #tpu.memory_space<vmem>>
    %dma_wait3A_208 = arith.constant 384 : i32
    %dma_wait3A_209 = tpu.memref_slice %arg5[%dma_wait3A_208] : memref<25600xi32, #tpu.memory_space<vmem>> -> memref<128xi32, #tpu.memory_space<vmem>>
    %dma_wait3A_210 = arith.constant 0 : i32
    %dma_wait3A_211 = arith.constant 0 : i32
    %dma_wait3A_212 = tpu.memref_slice %arg3[%dma_wait3A_210, %dma_wait3A_211] : memref<1000000x64xf32, #tpu.memory_space<hbm>> -> memref<1000000x64xf32, #tpu.memory_space<hbm>>
    %dma_wait3A_213 = tpu.memref_slice %arg8[%dma_wait3A_203] : memref<4x!tpu.dma_semaphore, #tpu.memory_space<semaphore_mem>> -> memref<1x!tpu.dma_semaphore, #tpu.memory_space<semaphore_mem>>
    %dma_wait3A_214 = tpu.memref_squeeze %dma_wait3A_213 : memref<1x!tpu.dma_semaphore, #tpu.memory_space<semaphore_mem>> -> memref<!tpu.dma_semaphore, #tpu.memory_space<semaphore_mem>>
    tpu.wait_indirect_dma semaphore(%dma_wait3A_214 : memref<!tpu.dma_semaphore, #tpu.memory_space<semaphore_mem>>) src(%dma_wait3A_212 : memref<1000000x64xf32, #tpu.memory_space<hbm>>) dst(%dma_wait3A_207 : memref<128x64xf32, #tpu.memory_space<vmem>>)
    %scan3A_215 = arith.constant 0 : i32
    %scan3A_216 = arith.constant 0 : i32
    %scan3A_217 = arith.constant 128 : i32
    %scan3A_218 = arith.addi %scan3A_216, %scan3A_217 : i32
    %scan3A_219 = arith.constant 4 : i32
    scf.for %scan3A_550 = %scan3A_216 to %scan3A_218 step %scan3A_219  : i32 {
      %get3A = arith.constant 3 : i32
      %get3A_551 = arith.index_cast %get3A : i32 to index
      %get3A_552 = arith.index_cast %scan3A_550 : i32 to index
      %get3A_553 = arith.constant 0 : index
      %get3A_554 = tpu.vector_load %arg6[%get3A_551, %get3A_552, %get3A_553] {strides = array<i32>} : memref<4x128x64xf32, #tpu.memory_space<vmem>>, vector<1x1x16xf32>,
      %get3A_555 = vector.shape_cast %get3A_554 : vector<1x1x16xf32> to vector<16xf32>
      %mul3A_556 = arith.constant 8.000000e+00 : f32
      %mul3A_557 = vector.broadcast %mul3A_556 : f32 to vector<16xf32>
      %mul3A_558 = arith.mulf %get3A_555, %mul3A_557 : vector<16xf32>
      %swap3A = arith.constant 3 : i32
      %swap3A_559 = arith.index_cast %swap3A : i32 to index
      %swap3A_560 = arith.index_cast %scan3A_550 : i32 to index
      %swap3A_561 = arith.constant 0 : index
      %swap3A_562 = tpu.vector_load %arg7[%swap3A_559, %swap3A_560, %swap3A_561] {strides = array<i32>} : memref<4x128x64xf32, #tpu.memory_space<vmem>>, vector<1x1x16xf32>,
      %swap3A_563 = vector.shape_cast %swap3A_562 : vector<1x1x16xf32> to vector<16xf32>
      %swap3A_564 = vector.shape_cast %mul3A_558 : vector<16xf32> to vector<1x1x16xf32>
      tpu.vector_store %arg7[%swap3A_559, %swap3A_560, %swap3A_561], %swap3A_564 {strides = array<i32>} : memref<4x128x64xf32, #tpu.memory_space<vmem>>, vector<1x1x16xf32>,
      %get3A_565 = arith.constant 3 : i32
      %get3A_566 = arith.index_cast %get3A_565 : i32 to index
      %get3A_567 = arith.index_cast %scan3A_550 : i32 to index
      %get3A_568 = arith.constant 16 : index
      %get3A_569 = tpu.vector_load %arg6[%get3A_566, %get3A_567, %get3A_568] {strides = array<i32>} : memref<4x128x64xf32, #tpu.memory_space<vmem>>, vector<1x1x16xf32>,
      %get3A_570 = vector.shape_cast %get3A_569 : vector<1x1x16xf32> to vector<16xf32>
      %mul3A_571 = arith.constant 8.000000e+00 : f32
      %mul3A_572 = vector.broadcast %mul3A_571 : f32 to vector<16xf32>
      %mul3A_573 = arith.mulf %get3A_570, %mul3A_572 : vector<16xf32>
      %swap3A_574 = arith.constant 3 : i32
      %swap3A_575 = arith.index_cast %swap3A_574 : i32 to index
      %swap3A_576 = arith.index_cast %scan3A_550 : i32 to index
      %swap3A_577 = arith.constant 16 : index
      %swap3A_578 = tpu.vector_load %arg7[%swap3A_575, %swap3A_576, %swap3A_577] {strides = array<i32>} : memref<4x128x64xf32, #tpu.memory_space<vmem>>, vector<1x1x16xf32>,
      %swap3A_579 = vector.shape_cast %swap3A_578 : vector<1x1x16xf32> to vector<16xf32>
      %swap3A_580 = vector.shape_cast %mul3A_573 : vector<16xf32> to vector<1x1x16xf32>
      tpu.vector_store %arg7[%swap3A_575, %swap3A_576, %swap3A_577], %swap3A_580 {strides = array<i32>} : memref<4x128x64xf32, #tpu.memory_space<vmem>>, vector<1x1x16xf32>,
      %get3A_581 = arith.constant 3 : i32
      %get3A_582 = arith.index_cast %get3A_581 : i32 to index
      %get3A_583 = arith.index_cast %scan3A_550 : i32 to index
      %get3A_584 = arith.constant 32 : index
      %get3A_585 = tpu.vector_load %arg6[%get3A_582, %get3A_583, %get3A_584] {strides = array<i32>} : memref<4x128x64xf32, #tpu.memory_space<vmem>>, vector<1x1x16xf32>,
      %get3A_586 = vector.shape_cast %get3A_585 : vector<1x1x16xf32> to vector<16xf32>
      %mul3A_587 = arith.constant 8.000000e+00 : f32
      %mul3A_588 = vector.broadcast %mul3A_587 : f32 to vector<16xf32>
      %mul3A_589 = arith.mulf %get3A_586, %mul3A_588 : vector<16xf32>
      %swap3A_590 = arith.constant 3 : i32
      %swap3A_591 = arith.index_cast %swap3A_590 : i32 to index
      %swap3A_592 = arith.index_cast %scan3A_550 : i32 to index
      %swap3A_593 = arith.constant 32 : index
      %swap3A_594 = tpu.vector_load %arg7[%swap3A_591, %swap3A_592, %swap3A_593] {strides = array<i32>} : memref<4x128x64xf32, #tpu.memory_space<vmem>>, vector<1x1x16xf32>,
      %swap3A_595 = vector.shape_cast %swap3A_594 : vector<1x1x16xf32> to vector<16xf32>
      %swap3A_596 = vector.shape_cast %mul3A_589 : vector<16xf32> to vector<1x1x16xf32>
      tpu.vector_store %arg7[%swap3A_591, %swap3A_592, %swap3A_593], %swap3A_596 {strides = array<i32>} : memref<4x128x64xf32, #tpu.memory_space<vmem>>, vector<1x1x16xf32>,
      %get3A_597 = arith.constant 3 : i32
      %get3A_598 = arith.index_cast %get3A_597 : i32 to index
      %get3A_599 = arith.index_cast %scan3A_550 : i32 to index
      %get3A_600 = arith.constant 48 : index
      %get3A_601 = tpu.vector_load %arg6[%get3A_598, %get3A_599, %get3A_600] {strides = array<i32>} : memref<4x128x64xf32, #tpu.memory_space<vmem>>, vector<1x1x16xf32>,
      %get3A_602 = vector.shape_cast %get3A_601 : vector<1x1x16xf32> to vector<16xf32>
      %mul3A_603 = arith.constant 8.000000e+00 : f32
      %mul3A_604 = vector.broadcast %mul3A_603 : f32 to vector<16xf32>
      %mul3A_605 = arith.mulf %get3A_602, %mul3A_604 : vector<16xf32>
      %swap3A_606 = arith.constant 3 : i32
      %swap3A_607 = arith.index_cast %swap3A_606 : i32 to index
      %swap3A_608 = arith.index_cast %scan3A_550 : i32 to index
      %swap3A_609 = arith.constant 48 : index
      %swap3A_610 = tpu.vector_load %arg7[%swap3A_607, %swap3A_608, %swap3A_609] {strides = array<i32>} : memref<4x128x64xf32, #tpu.memory_space<vmem>>, vector<1x1x16xf32>,
      %swap3A_611 = vector.shape_cast %swap3A_610 : vector<1x1x16xf32> to vector<16xf32>
      %swap3A_612 = vector.shape_cast %mul3A_605 : vector<16xf32> to vector<1x1x16xf32>
      tpu.vector_store %arg7[%swap3A_607, %swap3A_608, %swap3A_609], %swap3A_612 {strides = array<i32>} : memref<4x128x64xf32, #tpu.memory_space<vmem>>, vector<1x1x16xf32>,
      %scan3A_613 = arith.constant 1 : i32
      %scan3A_614 = arith.addi %scan3A_550, %scan3A_613 : i32
      %get3A_615 = arith.constant 3 : i32
      %get3A_616 = arith.index_cast %get3A_615 : i32 to index
      %get3A_617 = arith.index_cast %scan3A_614 : i32 to index
      %get3A_618 = arith.constant 0 : index
      %get3A_619 = tpu.vector_load %arg6[%get3A_616, %get3A_617, %get3A_618] {strides = array<i32>} : memref<4x128x64xf32, #tpu.memory_space<vmem>>, vector<1x1x16xf32>,
      %get3A_620 = vector.shape_cast %get3A_619 : vector<1x1x16xf32> to vector<16xf32>
      %mul3A_621 = arith.constant 8.000000e+00 : f32
      %mul3A_622 = vector.broadcast %mul3A_621 : f32 to vector<16xf32>
      %mul3A_623 = arith.mulf %get3A_620, %mul3A_622 : vector<16xf32>
      %swap3A_624 = arith.constant 3 : i32
      %swap3A_625 = arith.index_cast %swap3A_624 : i32 to index
      %swap3A_626 = arith.index_cast %scan3A_614 : i32 to index
      %swap3A_627 = arith.constant 0 : index
      %swap3A_628 = tpu.vector_load %arg7[%swap3A_625, %swap3A_626, %swap3A_627] {strides = array<i32>} : memref<4x128x64xf32, #tpu.memory_space<vmem>>, vector<1x1x16xf32>,
      %swap3A_629 = vector.shape_cast %swap3A_628 : vector<1x1x16xf32> to vector<16xf32>
      %swap3A_630 = vector.shape_cast %mul3A_623 : vector<16xf32> to vector<1x1x16xf32>
      tpu.vector_store %arg7[%swap3A_625, %swap3A_626, %swap3A_627], %swap3A_630 {strides = array<i32>} : memref<4x128x64xf32, #tpu.memory_space<vmem>>, vector<1x1x16xf32>,
      %get3A_631 = arith.constant 3 : i32
      %get3A_632 = arith.index_cast %get3A_631 : i32 to index
      %get3A_633 = arith.index_cast %scan3A_614 : i32 to index
      %get3A_634 = arith.constant 16 : index
      %get3A_635 = tpu.vector_load %arg6[%get3A_632, %get3A_633, %get3A_634] {strides = array<i32>} : memref<4x128x64xf32, #tpu.memory_space<vmem>>, vector<1x1x16xf32>,
      %get3A_636 = vector.shape_cast %get3A_635 : vector<1x1x16xf32> to vector<16xf32>
      %mul3A_637 = arith.constant 8.000000e+00 : f32
      %mul3A_638 = vector.broadcast %mul3A_637 : f32 to vector<16xf32>
      %mul3A_639 = arith.mulf %get3A_636, %mul3A_638 : vector<16xf32>
      %swap3A_640 = arith.constant 3 : i32
      %swap3A_641 = arith.index_cast %swap3A_640 : i32 to index
      %swap3A_642 = arith.index_cast %scan3A_614 : i32 to index
      %swap3A_643 = arith.constant 16 : index
      %swap3A_644 = tpu.vector_load %arg7[%swap3A_641, %swap3A_642, %swap3A_643] {strides = array<i32>} : memref<4x128x64xf32, #tpu.memory_space<vmem>>, vector<1x1x16xf32>,
      %swap3A_645 = vector.shape_cast %swap3A_644 : vector<1x1x16xf32> to vector<16xf32>
      %swap3A_646 = vector.shape_cast %mul3A_639 : vector<16xf32> to vector<1x1x16xf32>
      tpu.vector_store %arg7[%swap3A_641, %swap3A_642, %swap3A_643], %swap3A_646 {strides = array<i32>} : memref<4x128x64xf32, #tpu.memory_space<vmem>>, vector<1x1x16xf32>,
      %get3A_647 = arith.constant 3 : i32
      %get3A_648 = arith.index_cast %get3A_647 : i32 to index
      %get3A_649 = arith.index_cast %scan3A_614 : i32 to index
      %get3A_650 = arith.constant 32 : index
      %get3A_651 = tpu.vector_load %arg6[%get3A_648, %get3A_649, %get3A_650] {strides = array<i32>} : memref<4x128x64xf32, #tpu.memory_space<vmem>>, vector<1x1x16xf32>,
      %get3A_652 = vector.shape_cast %get3A_651 : vector<1x1x16xf32> to vector<16xf32>
      %mul3A_653 = arith.constant 8.000000e+00 : f32
      %mul3A_654 = vector.broadcast %mul3A_653 : f32 to vector<16xf32>
      %mul3A_655 = arith.mulf %get3A_652, %mul3A_654 : vector<16xf32>
      %swap3A_656 = arith.constant 3 : i32
      %swap3A_657 = arith.index_cast %swap3A_656 : i32 to index
      %swap3A_658 = arith.index_cast %scan3A_614 : i32 to index
      %swap3A_659 = arith.constant 32 : index
      %swap3A_660 = tpu.vector_load %arg7[%swap3A_657, %swap3A_658, %swap3A_659] {strides = array<i32>} : memref<4x128x64xf32, #tpu.memory_space<vmem>>, vector<1x1x16xf32>,
      %swap3A_661 = vector.shape_cast %swap3A_660 : vector<1x1x16xf32> to vector<16xf32>
      %swap3A_662 = vector.shape_cast %mul3A_655 : vector<16xf32> to vector<1x1x16xf32>
      tpu.vector_store %arg7[%swap3A_657, %swap3A_658, %swap3A_659], %swap3A_662 {strides = array<i32>} : memref<4x128x64xf32, #tpu.memory_space<vmem>>, vector<1x1x16xf32>,
      %get3A_663 = arith.constant 3 : i32
      %get3A_664 = arith.index_cast %get3A_663 : i32 to index
      %get3A_665 = arith.index_cast %scan3A_614 : i32 to index
      %get3A_666 = arith.constant 48 : index
      %get3A_667 = tpu.vector_load %arg6[%get3A_664, %get3A_665, %get3A_666] {strides = array<i32>} : memref<4x128x64xf32, #tpu.memory_space<vmem>>, vector<1x1x16xf32>,
      %get3A_668 = vector.shape_cast %get3A_667 : vector<1x1x16xf32> to vector<16xf32>
      %mul3A_669 = arith.constant 8.000000e+00 : f32
      %mul3A_670 = vector.broadcast %mul3A_669 : f32 to vector<16xf32>
      %mul3A_671 = arith.mulf %get3A_668, %mul3A_670 : vector<16xf32>
      %swap3A_672 = arith.constant 3 : i32
      %swap3A_673 = arith.index_cast %swap3A_672 : i32 to index
      %swap3A_674 = arith.index_cast %scan3A_614 : i32 to index
      %swap3A_675 = arith.constant 48 : index
      %swap3A_676 = tpu.vector_load %arg7[%swap3A_673, %swap3A_674, %swap3A_675] {strides = array<i32>} : memref<4x128x64xf32, #tpu.memory_space<vmem>>, vector<1x1x16xf32>,
      %swap3A_677 = vector.shape_cast %swap3A_676 : vector<1x1x16xf32> to vector<16xf32>
      %swap3A_678 = vector.shape_cast %mul3A_671 : vector<16xf32> to vector<1x1x16xf32>
      tpu.vector_store %arg7[%swap3A_673, %swap3A_674, %swap3A_675], %swap3A_678 {strides = array<i32>} : memref<4x128x64xf32, #tpu.memory_space<vmem>>, vector<1x1x16xf32>,
      %scan3A_679 = arith.constant 2 : i32
      %scan3A_680 = arith.addi %scan3A_550, %scan3A_679 : i32
      %get3A_681 = arith.constant 3 : i32
      %get3A_682 = arith.index_cast %get3A_681 : i32 to index
      %get3A_683 = arith.index_cast %scan3A_680 : i32 to index
      %get3A_684 = arith.constant 0 : index
      %get3A_685 = tpu.vector_load %arg6[%get3A_682, %get3A_683, %get3A_684] {strides = array<i32>} : memref<4x128x64xf32, #tpu.memory_space<vmem>>, vector<1x1x16xf32>,
      %get3A_686 = vector.shape_cast %get3A_685 : vector<1x1x16xf32> to vector<16xf32>
      %mul3A_687 = arith.constant 8.000000e+00 : f32
      %mul3A_688 = vector.broadcast %mul3A_687 : f32 to vector<16xf32>
      %mul3A_689 = arith.mulf %get3A_686, %mul3A_688 : vector<16xf32>
      %swap3A_690 = arith.constant 3 : i32
      %swap3A_691 = arith.index_cast %swap3A_690 : i32 to index
      %swap3A_692 = arith.index_cast %scan3A_680 : i32 to index
      %swap3A_693 = arith.constant 0 : index
      %swap3A_694 = tpu.vector_load %arg7[%swap3A_691, %swap3A_692, %swap3A_693] {strides = array<i32>} : memref<4x128x64xf32, #tpu.memory_space<vmem>>, vector<1x1x16xf32>,
      %swap3A_695 = vector.shape_cast %swap3A_694 : vector<1x1x16xf32> to vector<16xf32>
      %swap3A_696 = vector.shape_cast %mul3A_689 : vector<16xf32> to vector<1x1x16xf32>
      tpu.vector_store %arg7[%swap3A_691, %swap3A_692, %swap3A_693], %swap3A_696 {strides = array<i32>} : memref<4x128x64xf32, #tpu.memory_space<vmem>>, vector<1x1x16xf32>,
      %get3A_697 = arith.constant 3 : i32
      %get3A_698 = arith.index_cast %get3A_697 : i32 to index
      %get3A_699 = arith.index_cast %scan3A_680 : i32 to index
      %get3A_700 = arith.constant 16 : index
      %get3A_701 = tpu.vector_load %arg6[%get3A_698, %get3A_699, %get3A_700] {strides = array<i32>} : memref<4x128x64xf32, #tpu.memory_space<vmem>>, vector<1x1x16xf32>,
      %get3A_702 = vector.shape_cast %get3A_701 : vector<1x1x16xf32> to vector<16xf32>
      %mul3A_703 = arith.constant 8.000000e+00 : f32
      %mul3A_704 = vector.broadcast %mul3A_703 : f32 to vector<16xf32>
      %mul3A_705 = arith.mulf %get3A_702, %mul3A_704 : vector<16xf32>
      %swap3A_706 = arith.constant 3 : i32
      %swap3A_707 = arith.index_cast %swap3A_706 : i32 to index
      %swap3A_708 = arith.index_cast %scan3A_680 : i32 to index
      %swap3A_709 = arith.constant 16 : index
      %swap3A_710 = tpu.vector_load %arg7[%swap3A_707, %swap3A_708, %swap3A_709] {strides = array<i32>} : memref<4x128x64xf32, #tpu.memory_space<vmem>>, vector<1x1x16xf32>,
      %swap3A_711 = vector.shape_cast %swap3A_710 : vector<1x1x16xf32> to vector<16xf32>
      %swap3A_712 = vector.shape_cast %mul3A_705 : vector<16xf32> to vector<1x1x16xf32>
      tpu.vector_store %arg7[%swap3A_707, %swap3A_708, %swap3A_709], %swap3A_712 {strides = array<i32>} : memref<4x128x64xf32, #tpu.memory_space<vmem>>, vector<1x1x16xf32>,
      %get3A_713 = arith.constant 3 : i32
      %get3A_714 = arith.index_cast %get3A_713 : i32 to index
      %get3A_715 = arith.index_cast %scan3A_680 : i32 to index
      %get3A_716 = arith.constant 32 : index
      %get3A_717 = tpu.vector_load %arg6[%get3A_714, %get3A_715, %get3A_716] {strides = array<i32>} : memref<4x128x64xf32, #tpu.memory_space<vmem>>, vector<1x1x16xf32>,
      %get3A_718 = vector.shape_cast %get3A_717 : vector<1x1x16xf32> to vector<16xf32>
      %mul3A_719 = arith.constant 8.000000e+00 : f32
      %mul3A_720 = vector.broadcast %mul3A_719 : f32 to vector<16xf32>
      %mul3A_721 = arith.mulf %get3A_718, %mul3A_720 : vector<16xf32>
      %swap3A_722 = arith.constant 3 : i32
      %swap3A_723 = arith.index_cast %swap3A_722 : i32 to index
      %swap3A_724 = arith.index_cast %scan3A_680 : i32 to index
      %swap3A_725 = arith.constant 32 : index
      %swap3A_726 = tpu.vector_load %arg7[%swap3A_723, %swap3A_724, %swap3A_725] {strides = array<i32>} : memref<4x128x64xf32, #tpu.memory_space<vmem>>, vector<1x1x16xf32>,
      %swap3A_727 = vector.shape_cast %swap3A_726 : vector<1x1x16xf32> to vector<16xf32>
      %swap3A_728 = vector.shape_cast %mul3A_721 : vector<16xf32> to vector<1x1x16xf32>
      tpu.vector_store %arg7[%swap3A_723, %swap3A_724, %swap3A_725], %swap3A_728 {strides = array<i32>} : memref<4x128x64xf32, #tpu.memory_space<vmem>>, vector<1x1x16xf32>,
      %get3A_729 = arith.constant 3 : i32
      %get3A_730 = arith.index_cast %get3A_729 : i32 to index
      %get3A_731 = arith.index_cast %scan3A_680 : i32 to index
      %get3A_732 = arith.constant 48 : index
      %get3A_733 = tpu.vector_load %arg6[%get3A_730, %get3A_731, %get3A_732] {strides = array<i32>} : memref<4x128x64xf32, #tpu.memory_space<vmem>>, vector<1x1x16xf32>,
      %get3A_734 = vector.shape_cast %get3A_733 : vector<1x1x16xf32> to vector<16xf32>
      %mul3A_735 = arith.constant 8.000000e+00 : f32
      %mul3A_736 = vector.broadcast %mul3A_735 : f32 to vector<16xf32>
      %mul3A_737 = arith.mulf %get3A_734, %mul3A_736 : vector<16xf32>
      %swap3A_738 = arith.constant 3 : i32
      %swap3A_739 = arith.index_cast %swap3A_738 : i32 to index
      %swap3A_740 = arith.index_cast %scan3A_680 : i32 to index
      %swap3A_741 = arith.constant 48 : index
      %swap3A_742 = tpu.vector_load %arg7[%swap3A_739, %swap3A_740, %swap3A_741] {strides = array<i32>} : memref<4x128x64xf32, #tpu.memory_space<vmem>>, vector<1x1x16xf32>,
      %swap3A_743 = vector.shape_cast %swap3A_742 : vector<1x1x16xf32> to vector<16xf32>
      %swap3A_744 = vector.shape_cast %mul3A_737 : vector<16xf32> to vector<1x1x16xf32>
      tpu.vector_store %arg7[%swap3A_739, %swap3A_740, %swap3A_741], %swap3A_744 {strides = array<i32>} : memref<4x128x64xf32, #tpu.memory_space<vmem>>, vector<1x1x16xf32>,
      %scan3A_745 = arith.constant 3 : i32
      %scan3A_746 = arith.addi %scan3A_550, %scan3A_745 : i32
      %get3A_747 = arith.constant 3 : i32
      %get3A_748 = arith.index_cast %get3A_747 : i32 to index
      %get3A_749 = arith.index_cast %scan3A_746 : i32 to index
      %get3A_750 = arith.constant 0 : index
      %get3A_751 = tpu.vector_load %arg6[%get3A_748, %get3A_749, %get3A_750] {strides = array<i32>} : memref<4x128x64xf32, #tpu.memory_space<vmem>>, vector<1x1x16xf32>,
      %get3A_752 = vector.shape_cast %get3A_751 : vector<1x1x16xf32> to vector<16xf32>
      %mul3A_753 = arith.constant 8.000000e+00 : f32
      %mul3A_754 = vector.broadcast %mul3A_753 : f32 to vector<16xf32>
      %mul3A_755 = arith.mulf %get3A_752, %mul3A_754 : vector<16xf32>
      %swap3A_756 = arith.constant 3 : i32
      %swap3A_757 = arith.index_cast %swap3A_756 : i32 to index
      %swap3A_758 = arith.index_cast %scan3A_746 : i32 to index
      %swap3A_759 = arith.constant 0 : index
      %swap3A_760 = tpu.vector_load %arg7[%swap3A_757, %swap3A_758, %swap3A_759] {strides = array<i32>} : memref<4x128x64xf32, #tpu.memory_space<vmem>>, vector<1x1x16xf32>,
      %swap3A_761 = vector.shape_cast %swap3A_760 : vector<1x1x16xf32> to vector<16xf32>
      %swap3A_762 = vector.shape_cast %mul3A_755 : vector<16xf32> to vector<1x1x16xf32>
      tpu.vector_store %arg7[%swap3A_757, %swap3A_758, %swap3A_759], %swap3A_762 {strides = array<i32>} : memref<4x128x64xf32, #tpu.memory_space<vmem>>, vector<1x1x16xf32>,
      %get3A_763 = arith.constant 3 : i32
      %get3A_764 = arith.index_cast %get3A_763 : i32 to index
      %get3A_765 = arith.index_cast %scan3A_746 : i32 to index
      %get3A_766 = arith.constant 16 : index
      %get3A_767 = tpu.vector_load %arg6[%get3A_764, %get3A_765, %get3A_766] {strides = array<i32>} : memref<4x128x64xf32, #tpu.memory_space<vmem>>, vector<1x1x16xf32>,
      %get3A_768 = vector.shape_cast %get3A_767 : vector<1x1x16xf32> to vector<16xf32>
      %mul3A_769 = arith.constant 8.000000e+00 : f32
      %mul3A_770 = vector.broadcast %mul3A_769 : f32 to vector<16xf32>
      %mul3A_771 = arith.mulf %get3A_768, %mul3A_770 : vector<16xf32>
      %swap3A_772 = arith.constant 3 : i32
      %swap3A_773 = arith.index_cast %swap3A_772 : i32 to index
      %swap3A_774 = arith.index_cast %scan3A_746 : i32 to index
      %swap3A_775 = arith.constant 16 : index
      %swap3A_776 = tpu.vector_load %arg7[%swap3A_773, %swap3A_774, %swap3A_775] {strides = array<i32>} : memref<4x128x64xf32, #tpu.memory_space<vmem>>, vector<1x1x16xf32>,
      %swap3A_777 = vector.shape_cast %swap3A_776 : vector<1x1x16xf32> to vector<16xf32>
      %swap3A_778 = vector.shape_cast %mul3A_771 : vector<16xf32> to vector<1x1x16xf32>
      tpu.vector_store %arg7[%swap3A_773, %swap3A_774, %swap3A_775], %swap3A_778 {strides = array<i32>} : memref<4x128x64xf32, #tpu.memory_space<vmem>>, vector<1x1x16xf32>,
      %get3A_779 = arith.constant 3 : i32
      %get3A_780 = arith.index_cast %get3A_779 : i32 to index
      %get3A_781 = arith.index_cast %scan3A_746 : i32 to index
      %get3A_782 = arith.constant 32 : index
      %get3A_783 = tpu.vector_load %arg6[%get3A_780, %get3A_781, %get3A_782] {strides = array<i32>} : memref<4x128x64xf32, #tpu.memory_space<vmem>>, vector<1x1x16xf32>,
      %get3A_784 = vector.shape_cast %get3A_783 : vector<1x1x16xf32> to vector<16xf32>
      %mul3A_785 = arith.constant 8.000000e+00 : f32
      %mul3A_786 = vector.broadcast %mul3A_785 : f32 to vector<16xf32>
      %mul3A_787 = arith.mulf %get3A_784, %mul3A_786 : vector<16xf32>
      %swap3A_788 = arith.constant 3 : i32
      %swap3A_789 = arith.index_cast %swap3A_788 : i32 to index
      %swap3A_790 = arith.index_cast %scan3A_746 : i32 to index
      %swap3A_791 = arith.constant 32 : index
      %swap3A_792 = tpu.vector_load %arg7[%swap3A_789, %swap3A_790, %swap3A_791] {strides = array<i32>} : memref<4x128x64xf32, #tpu.memory_space<vmem>>, vector<1x1x16xf32>,
      %swap3A_793 = vector.shape_cast %swap3A_792 : vector<1x1x16xf32> to vector<16xf32>
      %swap3A_794 = vector.shape_cast %mul3A_787 : vector<16xf32> to vector<1x1x16xf32>
      tpu.vector_store %arg7[%swap3A_789, %swap3A_790, %swap3A_791], %swap3A_794 {strides = array<i32>} : memref<4x128x64xf32, #tpu.memory_space<vmem>>, vector<1x1x16xf32>,
      %get3A_795 = arith.constant 3 : i32
      %get3A_796 = arith.index_cast %get3A_795 : i32 to index
      %get3A_797 = arith.index_cast %scan3A_746 : i32 to index
      %get3A_798 = arith.constant 48 : index
      %get3A_799 = tpu.vector_load %arg6[%get3A_796, %get3A_797, %get3A_798] {strides = array<i32>} : memref<4x128x64xf32, #tpu.memory_space<vmem>>, vector<1x1x16xf32>,
      %get3A_800 = vector.shape_cast %get3A_799 : vector<1x1x16xf32> to vector<16xf32>
      %mul3A_801 = arith.constant 8.000000e+00 : f32
      %mul3A_802 = vector.broadcast %mul3A_801 : f32 to vector<16xf32>
      %mul3A_803 = arith.mulf %get3A_800, %mul3A_802 : vector<16xf32>
      %swap3A_804 = arith.constant 3 : i32
      %swap3A_805 = arith.index_cast %swap3A_804 : i32 to index
      %swap3A_806 = arith.index_cast %scan3A_746 : i32 to index
      %swap3A_807 = arith.constant 48 : index
      %swap3A_808 = tpu.vector_load %arg7[%swap3A_805, %swap3A_806, %swap3A_807] {strides = array<i32>} : memref<4x128x64xf32, #tpu.memory_space<vmem>>, vector<1x1x16xf32>,
      %swap3A_809 = vector.shape_cast %swap3A_808 : vector<1x1x16xf32> to vector<16xf32>
      %swap3A_810 = vector.shape_cast %mul3A_803 : vector<16xf32> to vector<1x1x16xf32>
      tpu.vector_store %arg7[%swap3A_805, %swap3A_806, %swap3A_807], %swap3A_810 {strides = array<i32>} : memref<4x128x64xf32, #tpu.memory_space<vmem>>, vector<1x1x16xf32>,
    }
    %scan3A_220 = arith.constant 128 : i32
    %dma_start3A_221 = arith.constant 3 : i32
    %dma_start3A_222 = arith.constant 3 : i32
    %dma_start3A_223 = arith.constant 0 : i32
    %dma_start3A_224 = arith.constant 0 : i32
    %dma_start3A_225 = tpu.memref_slice %arg6[%dma_start3A_221, %dma_start3A_223, %dma_start3A_224] : memref<4x128x64xf32, #tpu.memory_space<vmem>> -> memref<1x128x64xf32, #tpu.memory_space<vmem>>
    %dma_start3A_226 = tpu.memref_squeeze %dma_start3A_225 : memref<1x128x64xf32, #tpu.memory_space<vmem>> -> memref<128x64xf32, #tpu.memory_space<vmem>>
    %dma_start3A_227 = arith.constant 896 : i32
    %dma_start3A_228 = tpu.memref_slice %arg5[%dma_start3A_227] : memref<25600xi32, #tpu.memory_space<vmem>> -> memref<128xi32, #tpu.memory_space<vmem>>
    %dma_start3A_229 = arith.constant 0 : i32
    %dma_start3A_230 = arith.constant 0 : i32
    %dma_start3A_231 = tpu.memref_slice %arg3[%dma_start3A_229, %dma_start3A_230] : memref<1000000x64xf32, #tpu.memory_space<hbm>> -> memref<1000000x64xf32, #tpu.memory_space<hbm>>
    %dma_start3A_232 = tpu.memref_slice %arg8[%dma_start3A_222] : memref<4x!tpu.dma_semaphore, #tpu.memory_space<semaphore_mem>> -> memref<1x!tpu.dma_semaphore, #tpu.memory_space<semaphore_mem>>
    %dma_start3A_233 = tpu.memref_squeeze %dma_start3A_232 : memref<1x!tpu.dma_semaphore, #tpu.memory_space<semaphore_mem>> -> memref<!tpu.dma_semaphore, #tpu.memory_space<semaphore_mem>>
    tpu.enqueue_indirect_dma source(%dma_start3A_231 : memref<1000000x64xf32, #tpu.memory_space<hbm>>) target(%dma_start3A_226 : memref<128x64xf32, #tpu.memory_space<vmem>>) offsets(%dma_start3A_228 : memref<128xi32, #tpu.memory_space<vmem>>) semaphore(%dma_start3A_233 : memref<!tpu.dma_semaphore, #tpu.memory_space<semaphore_mem>>)
    %add3A_234 = arith.constant 384 : i32
    %add3A_235 = arith.addi %mul3A_2, %add3A_234 : i32
    %dma_start3A_236 = arith.constant 3 : i32
    %dma_start3A_237 = arith.constant 3 : i32
    %dma_start3A_238 = arith.constant 0 : i32
    %dma_start3A_239 = arith.constant 0 : i32
    %dma_start3A_240 = tpu.memref_slice %arg7[%dma_start3A_236, %dma_start3A_238, %dma_start3A_239] : memref<4x128x64xf32, #tpu.memory_space<vmem>> -> memref<1x128x64xf32, #tpu.memory_space<vmem>>
    %dma_start3A_241 = tpu.memref_squeeze %dma_start3A_240 : memref<1x128x64xf32, #tpu.memory_space<vmem>> -> memref<128x64xf32, #tpu.memory_space<vmem>>
    %dma_start3A_242 = arith.constant 0 : i32
    %dma_start3A_243 = tpu.memref_slice %arg4[%add3A_235, %dma_start3A_242] : memref<819200x64xf32, #tpu.memory_space<hbm>> -> memref<128x64xf32, #tpu.memory_space<hbm>>
    %dma_start3A_244 = tpu.memref_slice %arg9[%dma_start3A_237] : memref<4x!tpu.dma_semaphore, #tpu.memory_space<semaphore_mem>> -> memref<1x!tpu.dma_semaphore, #tpu.memory_space<semaphore_mem>>
    %dma_start3A_245 = tpu.memref_squeeze %dma_start3A_244 : memref<1x!tpu.dma_semaphore, #tpu.memory_space<semaphore_mem>> -> memref<!tpu.dma_semaphore, #tpu.memory_space<semaphore_mem>>
    %dma_start3A_246 = arith.constant 0 : i32
    %dma_start3A_247 = tpu.memref_slice %arg4[%add3A_235, %dma_start3A_246] : memref<819200x64xf32, #tpu.memory_space<hbm>> -> memref<128x64xf32, #tpu.memory_space<hbm>>
    %dma_start3A_248 = arith.constant 0 : i32
    %dma_start3A_249 = arith.constant 0 : i32
    %dma_start3A_250 = tpu.memref_slice %arg7[%dma_start3A_236, %dma_start3A_248, %dma_start3A_249] : memref<4x128x64xf32, #tpu.memory_space<vmem>> -> memref<1x128x64xf32, #tpu.memory_space<vmem>>
    %dma_start3A_251 = tpu.memref_squeeze %dma_start3A_250 : memref<1x128x64xf32, #tpu.memory_space<vmem>> -> memref<128x64xf32, #tpu.memory_space<vmem>>
    tpu.enqueue_dma source(%dma_start3A_251 : memref<128x64xf32, #tpu.memory_space<vmem>>) target(%dma_start3A_247 : memref<128x64xf32, #tpu.memory_space<hbm>>) target_semaphore(%dma_start3A_245 : memref<!tpu.dma_semaphore, #tpu.memory_space<semaphore_mem>>)
    %scan3A_252 = arith.constant 0 : i32
    %scan3A_253 = arith.constant 1 : i32
    %scan3A_254 = arith.constant 48 : i32
    %scan3A_255 = arith.addi %scan3A_253, %scan3A_254 : i32
    %scan3A_256 = arith.constant 1 : i32
    scf.for %scan3A_550 = %scan3A_253 to %scan3A_255 step %scan3A_256  : i32 {
      %mul3A_551 = arith.constant 4 : i32
      %mul3A_552 = arith.muli %scan3A_550, %mul3A_551 : i32
      %add3A_553 = arith.constant 0 : i32
      %add3A_554 = arith.addi %mul3A_552, %add3A_553 : i32
      %mul3A_555 = arith.constant 128 : i32
      %mul3A_556 = arith.muli %add3A_554, %mul3A_555 : i32
      %dma_wait3A_557 = arith.constant 0 : i32
      %dma_wait3A_558 = arith.constant 0 : i32
      %dma_wait3A_559 = arith.constant 0 : i32
      %dma_wait3A_560 = arith.constant 0 : i32
      %dma_wait3A_561 = tpu.memref_slice %arg6[%dma_wait3A_557, %dma_wait3A_559, %dma_wait3A_560] : memref<4x128x64xf32, #tpu.memory_space<vmem>> -> memref<1x128x64xf32, #tpu.memory_space<vmem>>
      %dma_wait3A_562 = tpu.memref_squeeze %dma_wait3A_561 : memref<1x128x64xf32, #tpu.memory_space<vmem>> -> memref<128x64xf32, #tpu.memory_space<vmem>>
      %dma_wait3A_563 = tpu.memref_slice %arg5[%mul3A_556] : memref<25600xi32, #tpu.memory_space<vmem>> -> memref<128xi32, #tpu.memory_space<vmem>>
      %dma_wait3A_564 = arith.constant 0 : i32
      %dma_wait3A_565 = arith.constant 0 : i32
      %dma_wait3A_566 = tpu.memref_slice %arg3[%dma_wait3A_564, %dma_wait3A_565] : memref<1000000x64xf32, #tpu.memory_space<hbm>> -> memref<1000000x64xf32, #tpu.memory_space<hbm>>
      %dma_wait3A_567 = tpu.memref_slice %arg8[%dma_wait3A_558] : memref<4x!tpu.dma_semaphore, #tpu.memory_space<semaphore_mem>> -> memref<1x!tpu.dma_semaphore, #tpu.memory_space<semaphore_mem>>
      %dma_wait3A_568 = tpu.memref_squeeze %dma_wait3A_567 : memref<1x!tpu.dma_semaphore, #tpu.memory_space<semaphore_mem>> -> memref<!tpu.dma_semaphore, #tpu.memory_space<semaphore_mem>>
      tpu.wait_indirect_dma semaphore(%dma_wait3A_568 : memref<!tpu.dma_semaphore, #tpu.memory_space<semaphore_mem>>) src(%dma_wait3A_566 : memref<1000000x64xf32, #tpu.memory_space<hbm>>) dst(%dma_wait3A_562 : memref<128x64xf32, #tpu.memory_space<vmem>>)
      %sub3A = arith.constant 4 : i32
      %sub3A_569 = arith.subi %add3A_554, %sub3A : i32
      %mul3A_570 = arith.constant 128 : i32
      %mul3A_571 = arith.muli %sub3A_569, %mul3A_570 : i32
      %add3A_572 = arith.addi %mul3A_2, %mul3A_571 : i32
      %dma_wait3A_573 = arith.constant 0 : i32
      %dma_wait3A_574 = arith.constant 0 : i32
      %dma_wait3A_575 = arith.constant 0 : i32
      %dma_wait3A_576 = arith.constant 0 : i32
      %dma_wait3A_577 = tpu.memref_slice %arg7[%dma_wait3A_573, %dma_wait3A_575, %dma_wait3A_576] : memref<4x128x64xf32, #tpu.memory_space<vmem>> -> memref<1x128x64xf32, #tpu.memory_space<vmem>>
      %dma_wait3A_578 = tpu.memref_squeeze %dma_wait3A_577 : memref<1x128x64xf32, #tpu.memory_space<vmem>> -> memref<128x64xf32, #tpu.memory_space<vmem>>
      %dma_wait3A_579 = arith.constant 0 : i32
      %dma_wait3A_580 = tpu.memref_slice %arg4[%add3A_572, %dma_wait3A_579] : memref<819200x64xf32, #tpu.memory_space<hbm>> -> memref<128x64xf32, #tpu.memory_space<hbm>>
      %dma_wait3A_581 = tpu.memref_slice %arg9[%dma_wait3A_574] : memref<4x!tpu.dma_semaphore, #tpu.memory_space<semaphore_mem>> -> memref<1x!tpu.dma_semaphore, #tpu.memory_space<semaphore_mem>>
      %dma_wait3A_582 = tpu.memref_squeeze %dma_wait3A_581 : memref<1x!tpu.dma_semaphore, #tpu.memory_space<semaphore_mem>> -> memref<!tpu.dma_semaphore, #tpu.memory_space<semaphore_mem>>
      %dma_wait3A_583 = arith.constant 0 : i32
      %dma_wait3A_584 = tpu.memref_slice %arg4[%add3A_572, %dma_wait3A_583] : memref<819200x64xf32, #tpu.memory_space<hbm>> -> memref<128x64xf32, #tpu.memory_space<hbm>>
      %dma_wait3A_585 = arith.constant 0 : i32
      %dma_wait3A_586 = arith.constant 0 : i32
      %dma_wait3A_587 = tpu.memref_slice %arg7[%dma_wait3A_573, %dma_wait3A_585, %dma_wait3A_586] : memref<4x128x64xf32, #tpu.memory_space<vmem>> -> memref<1x128x64xf32, #tpu.memory_space<vmem>>
      %dma_wait3A_588 = tpu.memref_squeeze %dma_wait3A_587 : memref<1x128x64xf32, #tpu.memory_space<vmem>> -> memref<128x64xf32, #tpu.memory_space<vmem>>
      tpu.wait_dma2 semaphore(%dma_wait3A_582 : memref<!tpu.dma_semaphore, #tpu.memory_space<semaphore_mem>>) src(%dma_wait3A_588 : memref<128x64xf32, #tpu.memory_space<vmem>>) dst(%dma_wait3A_584 : memref<128x64xf32, #tpu.memory_space<hbm>>)
      %scan3A_589 = arith.constant 0 : i32
      %scan3A_590 = arith.constant 0 : i32
      %scan3A_591 = arith.constant 128 : i32
      %scan3A_592 = arith.addi %scan3A_590, %scan3A_591 : i32
      %scan3A_593 = arith.constant 4 : i32
      scf.for %scan3A_864 = %scan3A_590 to %scan3A_592 step %scan3A_593  : i32 {
        %get3A = arith.constant 0 : i32
        %get3A_865 = arith.index_cast %get3A : i32 to index
        %get3A_866 = arith.index_cast %scan3A_864 : i32 to index
        %get3A_867 = arith.constant 0 : index
        %get3A_868 = tpu.vector_load %arg6[%get3A_865, %get3A_866, %get3A_867] {strides = array<i32>} : memref<4x128x64xf32, #tpu.memory_space<vmem>>, vector<1x1x16xf32>,
        %get3A_869 = vector.shape_cast %get3A_868 : vector<1x1x16xf32> to vector<16xf32>
        %mul3A_870 = arith.constant 8.000000e+00 : f32
        %mul3A_871 = vector.broadcast %mul3A_870 : f32 to vector<16xf32>
        %mul3A_872 = arith.mulf %get3A_869, %mul3A_871 : vector<16xf32>
        %swap3A = arith.constant 0 : i32
        %swap3A_873 = arith.index_cast %swap3A : i32 to index
        %swap3A_874 = arith.index_cast %scan3A_864 : i32 to index
        %swap3A_875 = arith.constant 0 : index
        %swap3A_876 = tpu.vector_load %arg7[%swap3A_873, %swap3A_874, %swap3A_875] {strides = array<i32>} : memref<4x128x64xf32, #tpu.memory_space<vmem>>, vector<1x1x16xf32>,
        %swap3A_877 = vector.shape_cast %swap3A_876 : vector<1x1x16xf32> to vector<16xf32>
        %swap3A_878 = vector.shape_cast %mul3A_872 : vector<16xf32> to vector<1x1x16xf32>
        tpu.vector_store %arg7[%swap3A_873, %swap3A_874, %swap3A_875], %swap3A_878 {strides = array<i32>} : memref<4x128x64xf32, #tpu.memory_space<vmem>>, vector<1x1x16xf32>,
        %get3A_879 = arith.constant 0 : i32
        %get3A_880 = arith.index_cast %get3A_879 : i32 to index
        %get3A_881 = arith.index_cast %scan3A_864 : i32 to index
        %get3A_882 = arith.constant 16 : index
        %get3A_883 = tpu.vector_load %arg6[%get3A_880, %get3A_881, %get3A_882] {strides = array<i32>} : memref<4x128x64xf32, #tpu.memory_space<vmem>>, vector<1x1x16xf32>,
        %get3A_884 = vector.shape_cast %get3A_883 : vector<1x1x16xf32> to vector<16xf32>
        %mul3A_885 = arith.constant 8.000000e+00 : f32
        %mul3A_886 = vector.broadcast %mul3A_885 : f32 to vector<16xf32>
        %mul3A_887 = arith.mulf %get3A_884, %mul3A_886 : vector<16xf32>
        %swap3A_888 = arith.constant 0 : i32
        %swap3A_889 = arith.index_cast %swap3A_888 : i32 to index
        %swap3A_890 = arith.index_cast %scan3A_864 : i32 to index
        %swap3A_891 = arith.constant 16 : index
        %swap3A_892 = tpu.vector_load %arg7[%swap3A_889, %swap3A_890, %swap3A_891] {strides = array<i32>} : memref<4x128x64xf32, #tpu.memory_space<vmem>>, vector<1x1x16xf32>,
        %swap3A_893 = vector.shape_cast %swap3A_892 : vector<1x1x16xf32> to vector<16xf32>
        %swap3A_894 = vector.shape_cast %mul3A_887 : vector<16xf32> to vector<1x1x16xf32>
        tpu.vector_store %arg7[%swap3A_889, %swap3A_890, %swap3A_891], %swap3A_894 {strides = array<i32>} : memref<4x128x64xf32, #tpu.memory_space<vmem>>, vector<1x1x16xf32>,
        %get3A_895 = arith.constant 0 : i32
        %get3A_896 = arith.index_cast %get3A_895 : i32 to index
        %get3A_897 = arith.index_cast %scan3A_864 : i32 to index
        %get3A_898 = arith.constant 32 : index
        %get3A_899 = tpu.vector_load %arg6[%get3A_896, %get3A_897, %get3A_898] {strides = array<i32>} : memref<4x128x64xf32, #tpu.memory_space<vmem>>, vector<1x1x16xf32>,
        %get3A_900 = vector.shape_cast %get3A_899 : vector<1x1x16xf32> to vector<16xf32>
        %mul3A_901 = arith.constant 8.000000e+00 : f32
        %mul3A_902 = vector.broadcast %mul3A_901 : f32 to vector<16xf32>
        %mul3A_903 = arith.mulf %get3A_900, %mul3A_902 : vector<16xf32>
        %swap3A_904 = arith.constant 0 : i32
        %swap3A_905 = arith.index_cast %swap3A_904 : i32 to index
        %swap3A_906 = arith.index_cast %scan3A_864 : i32 to index
        %swap3A_907 = arith.constant 32 : index
        %swap3A_908 = tpu.vector_load %arg7[%swap3A_905, %swap3A_906, %swap3A_907] {strides = array<i32>} : memref<4x128x64xf32, #tpu.memory_space<vmem>>, vector<1x1x16xf32>,
        %swap3A_909 = vector.shape_cast %swap3A_908 : vector<1x1x16xf32> to vector<16xf32>
        %swap3A_910 = vector.shape_cast %mul3A_903 : vector<16xf32> to vector<1x1x16xf32>
        tpu.vector_store %arg7[%swap3A_905, %swap3A_906, %swap3A_907], %swap3A_910 {strides = array<i32>} : memref<4x128x64xf32, #tpu.memory_space<vmem>>, vector<1x1x16xf32>,
        %get3A_911 = arith.constant 0 : i32
        %get3A_912 = arith.index_cast %get3A_911 : i32 to index
        %get3A_913 = arith.index_cast %scan3A_864 : i32 to index
        %get3A_914 = arith.constant 48 : index
        %get3A_915 = tpu.vector_load %arg6[%get3A_912, %get3A_913, %get3A_914] {strides = array<i32>} : memref<4x128x64xf32, #tpu.memory_space<vmem>>, vector<1x1x16xf32>,
        %get3A_916 = vector.shape_cast %get3A_915 : vector<1x1x16xf32> to vector<16xf32>
        %mul3A_917 = arith.constant 8.000000e+00 : f32
        %mul3A_918 = vector.broadcast %mul3A_917 : f32 to vector<16xf32>
        %mul3A_919 = arith.mulf %get3A_916, %mul3A_918 : vector<16xf32>
        %swap3A_920 = arith.constant 0 : i32
        %swap3A_921 = arith.index_cast %swap3A_920 : i32 to index
        %swap3A_922 = arith.index_cast %scan3A_864 : i32 to index
        %swap3A_923 = arith.constant 48 : index
        %swap3A_924 = tpu.vector_load %arg7[%swap3A_921, %swap3A_922, %swap3A_923] {strides = array<i32>} : memref<4x128x64xf32, #tpu.memory_space<vmem>>, vector<1x1x16xf32>,
        %swap3A_925 = vector.shape_cast %swap3A_924 : vector<1x1x16xf32> to vector<16xf32>
        %swap3A_926 = vector.shape_cast %mul3A_919 : vector<16xf32> to vector<1x1x16xf32>
        tpu.vector_store %arg7[%swap3A_921, %swap3A_922, %swap3A_923], %swap3A_926 {strides = array<i32>} : memref<4x128x64xf32, #tpu.memory_space<vmem>>, vector<1x1x16xf32>,
        %scan3A_927 = arith.constant 1 : i32
        %scan3A_928 = arith.addi %scan3A_864, %scan3A_927 : i32
        %get3A_929 = arith.constant 0 : i32
        %get3A_930 = arith.index_cast %get3A_929 : i32 to index
        %get3A_931 = arith.index_cast %scan3A_928 : i32 to index
        %get3A_932 = arith.constant 0 : index
        %get3A_933 = tpu.vector_load %arg6[%get3A_930, %get3A_931, %get3A_932] {strides = array<i32>} : memref<4x128x64xf32, #tpu.memory_space<vmem>>, vector<1x1x16xf32>,
        %get3A_934 = vector.shape_cast %get3A_933 : vector<1x1x16xf32> to vector<16xf32>
        %mul3A_935 = arith.constant 8.000000e+00 : f32
        %mul3A_936 = vector.broadcast %mul3A_935 : f32 to vector<16xf32>
        %mul3A_937 = arith.mulf %get3A_934, %mul3A_936 : vector<16xf32>
        %swap3A_938 = arith.constant 0 : i32
        %swap3A_939 = arith.index_cast %swap3A_938 : i32 to index
        %swap3A_940 = arith.index_cast %scan3A_928 : i32 to index
        %swap3A_941 = arith.constant 0 : index
        %swap3A_942 = tpu.vector_load %arg7[%swap3A_939, %swap3A_940, %swap3A_941] {strides = array<i32>} : memref<4x128x64xf32, #tpu.memory_space<vmem>>, vector<1x1x16xf32>,
        %swap3A_943 = vector.shape_cast %swap3A_942 : vector<1x1x16xf32> to vector<16xf32>
        %swap3A_944 = vector.shape_cast %mul3A_937 : vector<16xf32> to vector<1x1x16xf32>
        tpu.vector_store %arg7[%swap3A_939, %swap3A_940, %swap3A_941], %swap3A_944 {strides = array<i32>} : memref<4x128x64xf32, #tpu.memory_space<vmem>>, vector<1x1x16xf32>,
        %get3A_945 = arith.constant 0 : i32
        %get3A_946 = arith.index_cast %get3A_945 : i32 to index
        %get3A_947 = arith.index_cast %scan3A_928 : i32 to index
        %get3A_948 = arith.constant 16 : index
        %get3A_949 = tpu.vector_load %arg6[%get3A_946, %get3A_947, %get3A_948] {strides = array<i32>} : memref<4x128x64xf32, #tpu.memory_space<vmem>>, vector<1x1x16xf32>,
        %get3A_950 = vector.shape_cast %get3A_949 : vector<1x1x16xf32> to vector<16xf32>
        %mul3A_951 = arith.constant 8.000000e+00 : f32
        %mul3A_952 = vector.broadcast %mul3A_951 : f32 to vector<16xf32>
        %mul3A_953 = arith.mulf %get3A_950, %mul3A_952 : vector<16xf32>
        %swap3A_954 = arith.constant 0 : i32
        %swap3A_955 = arith.index_cast %swap3A_954 : i32 to index
        %swap3A_956 = arith.index_cast %scan3A_928 : i32 to index
        %swap3A_957 = arith.constant 16 : index
        %swap3A_958 = tpu.vector_load %arg7[%swap3A_955, %swap3A_956, %swap3A_957] {strides = array<i32>} : memref<4x128x64xf32, #tpu.memory_space<vmem>>, vector<1x1x16xf32>,
        %swap3A_959 = vector.shape_cast %swap3A_958 : vector<1x1x16xf32> to vector<16xf32>
        %swap3A_960 = vector.shape_cast %mul3A_953 : vector<16xf32> to vector<1x1x16xf32>
        tpu.vector_store %arg7[%swap3A_955, %swap3A_956, %swap3A_957], %swap3A_960 {strides = array<i32>} : memref<4x128x64xf32, #tpu.memory_space<vmem>>, vector<1x1x16xf32>,
        %get3A_961 = arith.constant 0 : i32
        %get3A_962 = arith.index_cast %get3A_961 : i32 to index
        %get3A_963 = arith.index_cast %scan3A_928 : i32 to index
        %get3A_964 = arith.constant 32 : index
        %get3A_965 = tpu.vector_load %arg6[%get3A_962, %get3A_963, %get3A_964] {strides = array<i32>} : memref<4x128x64xf32, #tpu.memory_space<vmem>>, vector<1x1x16xf32>,
        %get3A_966 = vector.shape_cast %get3A_965 : vector<1x1x16xf32> to vector<16xf32>
        %mul3A_967 = arith.constant 8.000000e+00 : f32
        %mul3A_968 = vector.broadcast %mul3A_967 : f32 to vector<16xf32>
        %mul3A_969 = arith.mulf %get3A_966, %mul3A_968 : vector<16xf32>
        %swap3A_970 = arith.constant 0 : i32
        %swap3A_971 = arith.index_cast %swap3A_970 : i32 to index
        %swap3A_972 = arith.index_cast %scan3A_928 : i32 to index
        %swap3A_973 = arith.constant 32 : index
        %swap3A_974 = tpu.vector_load %arg7[%swap3A_971, %swap3A_972, %swap3A_973] {strides = array<i32>} : memref<4x128x64xf32, #tpu.memory_space<vmem>>, vector<1x1x16xf32>,
        %swap3A_975 = vector.shape_cast %swap3A_974 : vector<1x1x16xf32> to vector<16xf32>
        %swap3A_976 = vector.shape_cast %mul3A_969 : vector<16xf32> to vector<1x1x16xf32>
        tpu.vector_store %arg7[%swap3A_971, %swap3A_972, %swap3A_973], %swap3A_976 {strides = array<i32>} : memref<4x128x64xf32, #tpu.memory_space<vmem>>, vector<1x1x16xf32>,
        %get3A_977 = arith.constant 0 : i32
        %get3A_978 = arith.index_cast %get3A_977 : i32 to index
        %get3A_979 = arith.index_cast %scan3A_928 : i32 to index
        %get3A_980 = arith.constant 48 : index
        %get3A_981 = tpu.vector_load %arg6[%get3A_978, %get3A_979, %get3A_980] {strides = array<i32>} : memref<4x128x64xf32, #tpu.memory_space<vmem>>, vector<1x1x16xf32>,
        %get3A_982 = vector.shape_cast %get3A_981 : vector<1x1x16xf32> to vector<16xf32>
        %mul3A_983 = arith.constant 8.000000e+00 : f32
        %mul3A_984 = vector.broadcast %mul3A_983 : f32 to vector<16xf32>
        %mul3A_985 = arith.mulf %get3A_982, %mul3A_984 : vector<16xf32>
        %swap3A_986 = arith.constant 0 : i32
        %swap3A_987 = arith.index_cast %swap3A_986 : i32 to index
        %swap3A_988 = arith.index_cast %scan3A_928 : i32 to index
        %swap3A_989 = arith.constant 48 : index
        %swap3A_990 = tpu.vector_load %arg7[%swap3A_987, %swap3A_988, %swap3A_989] {strides = array<i32>} : memref<4x128x64xf32, #tpu.memory_space<vmem>>, vector<1x1x16xf32>,
        %swap3A_991 = vector.shape_cast %swap3A_990 : vector<1x1x16xf32> to vector<16xf32>
        %swap3A_992 = vector.shape_cast %mul3A_985 : vector<16xf32> to vector<1x1x16xf32>
        tpu.vector_store %arg7[%swap3A_987, %swap3A_988, %swap3A_989], %swap3A_992 {strides = array<i32>} : memref<4x128x64xf32, #tpu.memory_space<vmem>>, vector<1x1x16xf32>,
        %scan3A_993 = arith.constant 2 : i32
        %scan3A_994 = arith.addi %scan3A_864, %scan3A_993 : i32
        %get3A_995 = arith.constant 0 : i32
        %get3A_996 = arith.index_cast %get3A_995 : i32 to index
        %get3A_997 = arith.index_cast %scan3A_994 : i32 to index
        %get3A_998 = arith.constant 0 : index
        %get3A_999 = tpu.vector_load %arg6[%get3A_996, %get3A_997, %get3A_998] {strides = array<i32>} : memref<4x128x64xf32, #tpu.memory_space<vmem>>, vector<1x1x16xf32>,
        %get3A_1000 = vector.shape_cast %get3A_999 : vector<1x1x16xf32> to vector<16xf32>
        %mul3A_1001 = arith.constant 8.000000e+00 : f32
        %mul3A_1002 = vector.broadcast %mul3A_1001 : f32 to vector<16xf32>
        %mul3A_1003 = arith.mulf %get3A_1000, %mul3A_1002 : vector<16xf32>
        %swap3A_1004 = arith.constant 0 : i32
        %swap3A_1005 = arith.index_cast %swap3A_1004 : i32 to index
        %swap3A_1006 = arith.index_cast %scan3A_994 : i32 to index
        %swap3A_1007 = arith.constant 0 : index
        %swap3A_1008 = tpu.vector_load %arg7[%swap3A_1005, %swap3A_1006, %swap3A_1007] {strides = array<i32>} : memref<4x128x64xf32, #tpu.memory_space<vmem>>, vector<1x1x16xf32>,
        %swap3A_1009 = vector.shape_cast %swap3A_1008 : vector<1x1x16xf32> to vector<16xf32>
        %swap3A_1010 = vector.shape_cast %mul3A_1003 : vector<16xf32> to vector<1x1x16xf32>
        tpu.vector_store %arg7[%swap3A_1005, %swap3A_1006, %swap3A_1007], %swap3A_1010 {strides = array<i32>} : memref<4x128x64xf32, #tpu.memory_space<vmem>>, vector<1x1x16xf32>,
        %get3A_1011 = arith.constant 0 : i32
        %get3A_1012 = arith.index_cast %get3A_1011 : i32 to index
        %get3A_1013 = arith.index_cast %scan3A_994 : i32 to index
        %get3A_1014 = arith.constant 16 : index
        %get3A_1015 = tpu.vector_load %arg6[%get3A_1012, %get3A_1013, %get3A_1014] {strides = array<i32>} : memref<4x128x64xf32, #tpu.memory_space<vmem>>, vector<1x1x16xf32>,
        %get3A_1016 = vector.shape_cast %get3A_1015 : vector<1x1x16xf32> to vector<16xf32>
        %mul3A_1017 = arith.constant 8.000000e+00 : f32
        %mul3A_1018 = vector.broadcast %mul3A_1017 : f32 to vector<16xf32>
        %mul3A_1019 = arith.mulf %get3A_1016, %mul3A_1018 : vector<16xf32>
        %swap3A_1020 = arith.constant 0 : i32
        %swap3A_1021 = arith.index_cast %swap3A_1020 : i32 to index
        %swap3A_1022 = arith.index_cast %scan3A_994 : i32 to index
        %swap3A_1023 = arith.constant 16 : index
        %swap3A_1024 = tpu.vector_load %arg7[%swap3A_1021, %swap3A_1022, %swap3A_1023] {strides = array<i32>} : memref<4x128x64xf32, #tpu.memory_space<vmem>>, vector<1x1x16xf32>,
        %swap3A_1025 = vector.shape_cast %swap3A_1024 : vector<1x1x16xf32> to vector<16xf32>
        %swap3A_1026 = vector.shape_cast %mul3A_1019 : vector<16xf32> to vector<1x1x16xf32>
        tpu.vector_store %arg7[%swap3A_1021, %swap3A_1022, %swap3A_1023], %swap3A_1026 {strides = array<i32>} : memref<4x128x64xf32, #tpu.memory_space<vmem>>, vector<1x1x16xf32>,
        %get3A_1027 = arith.constant 0 : i32
        %get3A_1028 = arith.index_cast %get3A_1027 : i32 to index
        %get3A_1029 = arith.index_cast %scan3A_994 : i32 to index
        %get3A_1030 = arith.constant 32 : index
        %get3A_1031 = tpu.vector_load %arg6[%get3A_1028, %get3A_1029, %get3A_1030] {strides = array<i32>} : memref<4x128x64xf32, #tpu.memory_space<vmem>>, vector<1x1x16xf32>,
        %get3A_1032 = vector.shape_cast %get3A_1031 : vector<1x1x16xf32> to vector<16xf32>
        %mul3A_1033 = arith.constant 8.000000e+00 : f32
        %mul3A_1034 = vector.broadcast %mul3A_1033 : f32 to vector<16xf32>
        %mul3A_1035 = arith.mulf %get3A_1032, %mul3A_1034 : vector<16xf32>
        %swap3A_1036 = arith.constant 0 : i32
        %swap3A_1037 = arith.index_cast %swap3A_1036 : i32 to index
        %swap3A_1038 = arith.index_cast %scan3A_994 : i32 to index
        %swap3A_1039 = arith.constant 32 : index
        %swap3A_1040 = tpu.vector_load %arg7[%swap3A_1037, %swap3A_1038, %swap3A_1039] {strides = array<i32>} : memref<4x128x64xf32, #tpu.memory_space<vmem>>, vector<1x1x16xf32>,
        %swap3A_1041 = vector.shape_cast %swap3A_1040 : vector<1x1x16xf32> to vector<16xf32>
        %swap3A_1042 = vector.shape_cast %mul3A_1035 : vector<16xf32> to vector<1x1x16xf32>
        tpu.vector_store %arg7[%swap3A_1037, %swap3A_1038, %swap3A_1039], %swap3A_1042 {strides = array<i32>} : memref<4x128x64xf32, #tpu.memory_space<vmem>>, vector<1x1x16xf32>,
        %get3A_1043 = arith.constant 0 : i32
        %get3A_1044 = arith.index_cast %get3A_1043 : i32 to index
        %get3A_1045 = arith.index_cast %scan3A_994 : i32 to index
        %get3A_1046 = arith.constant 48 : index
        %get3A_1047 = tpu.vector_load %arg6[%get3A_1044, %get3A_1045, %get3A_1046] {strides = array<i32>} : memref<4x128x64xf32, #tpu.memory_space<vmem>>, vector<1x1x16xf32>,
        %get3A_1048 = vector.shape_cast %get3A_1047 : vector<1x1x16xf32> to vector<16xf32>
        %mul3A_1049 = arith.constant 8.000000e+00 : f32
        %mul3A_1050 = vector.broadcast %mul3A_1049 : f32 to vector<16xf32>
        %mul3A_1051 = arith.mulf %get3A_1048, %mul3A_1050 : vector<16xf32>
        %swap3A_1052 = arith.constant 0 : i32
        %swap3A_1053 = arith.index_cast %swap3A_1052 : i32 to index
        %swap3A_1054 = arith.index_cast %scan3A_994 : i32 to index
        %swap3A_1055 = arith.constant 48 : index
        %swap3A_1056 = tpu.vector_load %arg7[%swap3A_1053, %swap3A_1054, %swap3A_1055] {strides = array<i32>} : memref<4x128x64xf32, #tpu.memory_space<vmem>>, vector<1x1x16xf32>,
        %swap3A_1057 = vector.shape_cast %swap3A_1056 : vector<1x1x16xf32> to vector<16xf32>
        %swap3A_1058 = vector.shape_cast %mul3A_1051 : vector<16xf32> to vector<1x1x16xf32>
        tpu.vector_store %arg7[%swap3A_1053, %swap3A_1054, %swap3A_1055], %swap3A_1058 {strides = array<i32>} : memref<4x128x64xf32, #tpu.memory_space<vmem>>, vector<1x1x16xf32>,
        %scan3A_1059 = arith.constant 3 : i32
        %scan3A_1060 = arith.addi %scan3A_864, %scan3A_1059 : i32
        %get3A_1061 = arith.constant 0 : i32
        %get3A_1062 = arith.index_cast %get3A_1061 : i32 to index
        %get3A_1063 = arith.index_cast %scan3A_1060 : i32 to index
        %get3A_1064 = arith.constant 0 : index
        %get3A_1065 = tpu.vector_load %arg6[%get3A_1062, %get3A_1063, %get3A_1064] {strides = array<i32>} : memref<4x128x64xf32, #tpu.memory_space<vmem>>, vector<1x1x16xf32>,
        %get3A_1066 = vector.shape_cast %get3A_1065 : vector<1x1x16xf32> to vector<16xf32>
        %mul3A_1067 = arith.constant 8.000000e+00 : f32
        %mul3A_1068 = vector.broadcast %mul3A_1067 : f32 to vector<16xf32>
        %mul3A_1069 = arith.mulf %get3A_1066, %mul3A_1068 : vector<16xf32>
        %swap3A_1070 = arith.constant 0 : i32
        %swap3A_1071 = arith.index_cast %swap3A_1070 : i32 to index
        %swap3A_1072 = arith.index_cast %scan3A_1060 : i32 to index
        %swap3A_1073 = arith.constant 0 : index
        %swap3A_1074 = tpu.vector_load %arg7[%swap3A_1071, %swap3A_1072, %swap3A_1073] {strides = array<i32>} : memref<4x128x64xf32, #tpu.memory_space<vmem>>, vector<1x1x16xf32>,
        %swap3A_1075 = vector.shape_cast %swap3A_1074 : vector<1x1x16xf32> to vector<16xf32>
        %swap3A_1076 = vector.shape_cast %mul3A_1069 : vector<16xf32> to vector<1x1x16xf32>
        tpu.vector_store %arg7[%swap3A_1071, %swap3A_1072, %swap3A_1073], %swap3A_1076 {strides = array<i32>} : memref<4x128x64xf32, #tpu.memory_space<vmem>>, vector<1x1x16xf32>,
        %get3A_1077 = arith.constant 0 : i32
        %get3A_1078 = arith.index_cast %get3A_1077 : i32 to index
        %get3A_1079 = arith.index_cast %scan3A_1060 : i32 to index
        %get3A_1080 = arith.constant 16 : index
        %get3A_1081 = tpu.vector_load %arg6[%get3A_1078, %get3A_1079, %get3A_1080] {strides = array<i32>} : memref<4x128x64xf32, #tpu.memory_space<vmem>>, vector<1x1x16xf32>,
        %get3A_1082 = vector.shape_cast %get3A_1081 : vector<1x1x16xf32> to vector<16xf32>
        %mul3A_1083 = arith.constant 8.000000e+00 : f32
        %mul3A_1084 = vector.broadcast %mul3A_1083 : f32 to vector<16xf32>
        %mul3A_1085 = arith.mulf %get3A_1082, %mul3A_1084 : vector<16xf32>
        %swap3A_1086 = arith.constant 0 : i32
        %swap3A_1087 = arith.index_cast %swap3A_1086 : i32 to index
        %swap3A_1088 = arith.index_cast %scan3A_1060 : i32 to index
        %swap3A_1089 = arith.constant 16 : index
        %swap3A_1090 = tpu.vector_load %arg7[%swap3A_1087, %swap3A_1088, %swap3A_1089] {strides = array<i32>} : memref<4x128x64xf32, #tpu.memory_space<vmem>>, vector<1x1x16xf32>,
        %swap3A_1091 = vector.shape_cast %swap3A_1090 : vector<1x1x16xf32> to vector<16xf32>
        %swap3A_1092 = vector.shape_cast %mul3A_1085 : vector<16xf32> to vector<1x1x16xf32>
        tpu.vector_store %arg7[%swap3A_1087, %swap3A_1088, %swap3A_1089], %swap3A_1092 {strides = array<i32>} : memref<4x128x64xf32, #tpu.memory_space<vmem>>, vector<1x1x16xf32>,
        %get3A_1093 = arith.constant 0 : i32
        %get3A_1094 = arith.index_cast %get3A_1093 : i32 to index
        %get3A_1095 = arith.index_cast %scan3A_1060 : i32 to index
        %get3A_1096 = arith.constant 32 : index
        %get3A_1097 = tpu.vector_load %arg6[%get3A_1094, %get3A_1095, %get3A_1096] {strides = array<i32>} : memref<4x128x64xf32, #tpu.memory_space<vmem>>, vector<1x1x16xf32>,
        %get3A_1098 = vector.shape_cast %get3A_1097 : vector<1x1x16xf32> to vector<16xf32>
        %mul3A_1099 = arith.constant 8.000000e+00 : f32
        %mul3A_1100 = vector.broadcast %mul3A_1099 : f32 to vector<16xf32>
        %mul3A_1101 = arith.mulf %get3A_1098, %mul3A_1100 : vector<16xf32>
        %swap3A_1102 = arith.constant 0 : i32
        %swap3A_1103 = arith.index_cast %swap3A_1102 : i32 to index
        %swap3A_1104 = arith.index_cast %scan3A_1060 : i32 to index
        %swap3A_1105 = arith.constant 32 : index
        %swap3A_1106 = tpu.vector_load %arg7[%swap3A_1103, %swap3A_1104, %swap3A_1105] {strides = array<i32>} : memref<4x128x64xf32, #tpu.memory_space<vmem>>, vector<1x1x16xf32>,
        %swap3A_1107 = vector.shape_cast %swap3A_1106 : vector<1x1x16xf32> to vector<16xf32>
        %swap3A_1108 = vector.shape_cast %mul3A_1101 : vector<16xf32> to vector<1x1x16xf32>
        tpu.vector_store %arg7[%swap3A_1103, %swap3A_1104, %swap3A_1105], %swap3A_1108 {strides = array<i32>} : memref<4x128x64xf32, #tpu.memory_space<vmem>>, vector<1x1x16xf32>,
        %get3A_1109 = arith.constant 0 : i32
        %get3A_1110 = arith.index_cast %get3A_1109 : i32 to index
        %get3A_1111 = arith.index_cast %scan3A_1060 : i32 to index
        %get3A_1112 = arith.constant 48 : index
        %get3A_1113 = tpu.vector_load %arg6[%get3A_1110, %get3A_1111, %get3A_1112] {strides = array<i32>} : memref<4x128x64xf32, #tpu.memory_space<vmem>>, vector<1x1x16xf32>,
        %get3A_1114 = vector.shape_cast %get3A_1113 : vector<1x1x16xf32> to vector<16xf32>
        %mul3A_1115 = arith.constant 8.000000e+00 : f32
        %mul3A_1116 = vector.broadcast %mul3A_1115 : f32 to vector<16xf32>
        %mul3A_1117 = arith.mulf %get3A_1114, %mul3A_1116 : vector<16xf32>
        %swap3A_1118 = arith.constant 0 : i32
        %swap3A_1119 = arith.index_cast %swap3A_1118 : i32 to index
        %swap3A_1120 = arith.index_cast %scan3A_1060 : i32 to index
        %swap3A_1121 = arith.constant 48 : index
        %swap3A_1122 = tpu.vector_load %arg7[%swap3A_1119, %swap3A_1120, %swap3A_1121] {strides = array<i32>} : memref<4x128x64xf32, #tpu.memory_space<vmem>>, vector<1x1x16xf32>,
        %swap3A_1123 = vector.shape_cast %swap3A_1122 : vector<1x1x16xf32> to vector<16xf32>
        %swap3A_1124 = vector.shape_cast %mul3A_1117 : vector<16xf32> to vector<1x1x16xf32>
        tpu.vector_store %arg7[%swap3A_1119, %swap3A_1120, %swap3A_1121], %swap3A_1124 {strides = array<i32>} : memref<4x128x64xf32, #tpu.memory_space<vmem>>, vector<1x1x16xf32>,
      }
      %scan3A_594 = arith.constant 128 : i32
      %add3A_595 = arith.constant 4 : i32
      %add3A_596 = arith.addi %add3A_554, %add3A_595 : i32
      %mul3A_597 = arith.constant 128 : i32
      %mul3A_598 = arith.muli %add3A_596, %mul3A_597 : i32
      %dma_start3A_599 = arith.constant 0 : i32
      %dma_start3A_600 = arith.constant 0 : i32
      %dma_start3A_601 = arith.constant 0 : i32
      %dma_start3A_602 = arith.constant 0 : i32
      %dma_start3A_603 = tpu.memref_slice %arg6[%dma_start3A_599, %dma_start3A_601, %dma_start3A_602] : memref<4x128x64xf32, #tpu.memory_space<vmem>> -> memref<1x128x64xf32, #tpu.memory_space<vmem>>
      %dma_start3A_604 = tpu.memref_squeeze %dma_start3A_603 : memref<1x128x64xf32, #tpu.memory_space<vmem>> -> memref<128x64xf32, #tpu.memory_space<vmem>>
      %dma_start3A_605 = tpu.memref_slice %arg5[%mul3A_598] : memref<25600xi32, #tpu.memory_space<vmem>> -> memref<128xi32, #tpu.memory_space<vmem>>
      %dma_start3A_606 = arith.constant 0 : i32
      %dma_start3A_607 = arith.constant 0 : i32
      %dma_start3A_608 = tpu.memref_slice %arg3[%dma_start3A_606, %dma_start3A_607] : memref<1000000x64xf32, #tpu.memory_space<hbm>> -> memref<1000000x64xf32, #tpu.memory_space<hbm>>
      %dma_start3A_609 = tpu.memref_slice %arg8[%dma_start3A_600] : memref<4x!tpu.dma_semaphore, #tpu.memory_space<semaphore_mem>> -> memref<1x!tpu.dma_semaphore, #tpu.memory_space<semaphore_mem>>
      %dma_start3A_610 = tpu.memref_squeeze %dma_start3A_609 : memref<1x!tpu.dma_semaphore, #tpu.memory_space<semaphore_mem>> -> memref<!tpu.dma_semaphore, #tpu.memory_space<semaphore_mem>>
      tpu.enqueue_indirect_dma source(%dma_start3A_608 : memref<1000000x64xf32, #tpu.memory_space<hbm>>) target(%dma_start3A_604 : memref<128x64xf32, #tpu.memory_space<vmem>>) offsets(%dma_start3A_605 : memref<128xi32, #tpu.memory_space<vmem>>) semaphore(%dma_start3A_610 : memref<!tpu.dma_semaphore, #tpu.memory_space<semaphore_mem>>)
      %mul3A_611 = arith.constant 128 : i32
      %mul3A_612 = arith.muli %add3A_554, %mul3A_611 : i32
      %add3A_613 = arith.addi %mul3A_2, %mul3A_612 : i32
      %dma_start3A_614 = arith.constant 0 : i32
      %dma_start3A_615 = arith.constant 0 : i32
      %dma_start3A_616 = arith.constant 0 : i32
      %dma_start3A_617 = arith.constant 0 : i32
      %dma_start3A_618 = tpu.memref_slice %arg7[%dma_start3A_614, %dma_start3A_616, %dma_start3A_617] : memref<4x128x64xf32, #tpu.memory_space<vmem>> -> memref<1x128x64xf32, #tpu.memory_space<vmem>>
      %dma_start3A_619 = tpu.memref_squeeze %dma_start3A_618 : memref<1x128x64xf32, #tpu.memory_space<vmem>> -> memref<128x64xf32, #tpu.memory_space<vmem>>
      %dma_start3A_620 = arith.constant 0 : i32
      %dma_start3A_621 = tpu.memref_slice %arg4[%add3A_613, %dma_start3A_620] : memref<819200x64xf32, #tpu.memory_space<hbm>> -> memref<128x64xf32, #tpu.memory_space<hbm>>
      %dma_start3A_622 = tpu.memref_slice %arg9[%dma_start3A_615] : memref<4x!tpu.dma_semaphore, #tpu.memory_space<semaphore_mem>> -> memref<1x!tpu.dma_semaphore, #tpu.memory_space<semaphore_mem>>
      %dma_start3A_623 = tpu.memref_squeeze %dma_start3A_622 : memref<1x!tpu.dma_semaphore, #tpu.memory_space<semaphore_mem>> -> memref<!tpu.dma_semaphore, #tpu.memory_space<semaphore_mem>>
      %dma_start3A_624 = arith.constant 0 : i32
      %dma_start3A_625 = tpu.memref_slice %arg4[%add3A_613, %dma_start3A_624] : memref<819200x64xf32, #tpu.memory_space<hbm>> -> memref<128x64xf32, #tpu.memory_space<hbm>>
      %dma_start3A_626 = arith.constant 0 : i32
      %dma_start3A_627 = arith.constant 0 : i32
      %dma_start3A_628 = tpu.memref_slice %arg7[%dma_start3A_614, %dma_start3A_626, %dma_start3A_627] : memref<4x128x64xf32, #tpu.memory_space<vmem>> -> memref<1x128x64xf32, #tpu.memory_space<vmem>>
      %dma_start3A_629 = tpu.memref_squeeze %dma_start3A_628 : memref<1x128x64xf32, #tpu.memory_space<vmem>> -> memref<128x64xf32, #tpu.memory_space<vmem>>
      tpu.enqueue_dma source(%dma_start3A_629 : memref<128x64xf32, #tpu.memory_space<vmem>>) target(%dma_start3A_625 : memref<128x64xf32, #tpu.memory_space<hbm>>) target_semaphore(%dma_start3A_623 : memref<!tpu.dma_semaphore, #tpu.memory_space<semaphore_mem>>)
      %add3A_630 = arith.constant 1 : i32
      %add3A_631 = arith.addi %mul3A_552, %add3A_630 : i32
      %mul3A_632 = arith.constant 128 : i32
      %mul3A_633 = arith.muli %add3A_631, %mul3A_632 : i32
      %dma_wait3A_634 = arith.constant 1 : i32
      %dma_wait3A_635 = arith.constant 1 : i32
      %dma_wait3A_636 = arith.constant 0 : i32
      %dma_wait3A_637 = arith.constant 0 : i32
      %dma_wait3A_638 = tpu.memref_slice %arg6[%dma_wait3A_634, %dma_wait3A_636, %dma_wait3A_637] : memref<4x128x64xf32, #tpu.memory_space<vmem>> -> memref<1x128x64xf32, #tpu.memory_space<vmem>>
      %dma_wait3A_639 = tpu.memref_squeeze %dma_wait3A_638 : memref<1x128x64xf32, #tpu.memory_space<vmem>> -> memref<128x64xf32, #tpu.memory_space<vmem>>
      %dma_wait3A_640 = tpu.memref_slice %arg5[%mul3A_633] : memref<25600xi32, #tpu.memory_space<vmem>> -> memref<128xi32, #tpu.memory_space<vmem>>
      %dma_wait3A_641 = arith.constant 0 : i32
      %dma_wait3A_642 = arith.constant 0 : i32
      %dma_wait3A_643 = tpu.memref_slice %arg3[%dma_wait3A_641, %dma_wait3A_642] : memref<1000000x64xf32, #tpu.memory_space<hbm>> -> memref<1000000x64xf32, #tpu.memory_space<hbm>>
      %dma_wait3A_644 = tpu.memref_slice %arg8[%dma_wait3A_635] : memref<4x!tpu.dma_semaphore, #tpu.memory_space<semaphore_mem>> -> memref<1x!tpu.dma_semaphore, #tpu.memory_space<semaphore_mem>>
      %dma_wait3A_645 = tpu.memref_squeeze %dma_wait3A_644 : memref<1x!tpu.dma_semaphore, #tpu.memory_space<semaphore_mem>> -> memref<!tpu.dma_semaphore, #tpu.memory_space<semaphore_mem>>
      tpu.wait_indirect_dma semaphore(%dma_wait3A_645 : memref<!tpu.dma_semaphore, #tpu.memory_space<semaphore_mem>>) src(%dma_wait3A_643 : memref<1000000x64xf32, #tpu.memory_space<hbm>>) dst(%dma_wait3A_639 : memref<128x64xf32, #tpu.memory_space<vmem>>)
      %sub3A_646 = arith.constant 4 : i32
      %sub3A_647 = arith.subi %add3A_631, %sub3A_646 : i32
      %mul3A_648 = arith.constant 128 : i32
      %mul3A_649 = arith.muli %sub3A_647, %mul3A_648 : i32
      %add3A_650 = arith.addi %mul3A_2, %mul3A_649 : i32
      %dma_wait3A_651 = arith.constant 1 : i32
      %dma_wait3A_652 = arith.constant 1 : i32
      %dma_wait3A_653 = arith.constant 0 : i32
      %dma_wait3A_654 = arith.constant 0 : i32
      %dma_wait3A_655 = tpu.memref_slice %arg7[%dma_wait3A_651, %dma_wait3A_653, %dma_wait3A_654] : memref<4x128x64xf32, #tpu.memory_space<vmem>> -> memref<1x128x64xf32, #tpu.memory_space<vmem>>
      %dma_wait3A_656 = tpu.memref_squeeze %dma_wait3A_655 : memref<1x128x64xf32, #tpu.memory_space<vmem>> -> memref<128x64xf32, #tpu.memory_space<vmem>>
      %dma_wait3A_657 = arith.constant 0 : i32
      %dma_wait3A_658 = tpu.memref_slice %arg4[%add3A_650, %dma_wait3A_657] : memref<819200x64xf32, #tpu.memory_space<hbm>> -> memref<128x64xf32, #tpu.memory_space<hbm>>
      %dma_wait3A_659 = tpu.memref_slice %arg9[%dma_wait3A_652] : memref<4x!tpu.dma_semaphore, #tpu.memory_space<semaphore_mem>> -> memref<1x!tpu.dma_semaphore, #tpu.memory_space<semaphore_mem>>
      %dma_wait3A_660 = tpu.memref_squeeze %dma_wait3A_659 : memref<1x!tpu.dma_semaphore, #tpu.memory_space<semaphore_mem>> -> memref<!tpu.dma_semaphore, #tpu.memory_space<semaphore_mem>>
      %dma_wait3A_661 = arith.constant 0 : i32
      %dma_wait3A_662 = tpu.memref_slice %arg4[%add3A_650, %dma_wait3A_661] : memref<819200x64xf32, #tpu.memory_space<hbm>> -> memref<128x64xf32, #tpu.memory_space<hbm>>
      %dma_wait3A_663 = arith.constant 0 : i32
      %dma_wait3A_664 = arith.constant 0 : i32
      %dma_wait3A_665 = tpu.memref_slice %arg7[%dma_wait3A_651, %dma_wait3A_663, %dma_wait3A_664] : memref<4x128x64xf32, #tpu.memory_space<vmem>> -> memref<1x128x64xf32, #tpu.memory_space<vmem>>
      %dma_wait3A_666 = tpu.memref_squeeze %dma_wait3A_665 : memref<1x128x64xf32, #tpu.memory_space<vmem>> -> memref<128x64xf32, #tpu.memory_space<vmem>>
      tpu.wait_dma2 semaphore(%dma_wait3A_660 : memref<!tpu.dma_semaphore, #tpu.memory_space<semaphore_mem>>) src(%dma_wait3A_666 : memref<128x64xf32, #tpu.memory_space<vmem>>) dst(%dma_wait3A_662 : memref<128x64xf32, #tpu.memory_space<hbm>>)
      %scan3A_667 = arith.constant 0 : i32
      %scan3A_668 = arith.constant 0 : i32
      %scan3A_669 = arith.constant 128 : i32
      %scan3A_670 = arith.addi %scan3A_668, %scan3A_669 : i32
      %scan3A_671 = arith.constant 4 : i32
      scf.for %scan3A_864 = %scan3A_668 to %scan3A_670 step %scan3A_671  : i32 {
        %get3A = arith.constant 1 : i32
        %get3A_865 = arith.index_cast %get3A : i32 to index
        %get3A_866 = arith.index_cast %scan3A_864 : i32 to index
        %get3A_867 = arith.constant 0 : index
        %get3A_868 = tpu.vector_load %arg6[%get3A_865, %get3A_866, %get3A_867] {strides = array<i32>} : memref<4x128x64xf32, #tpu.memory_space<vmem>>, vector<1x1x16xf32>,
        %get3A_869 = vector.shape_cast %get3A_868 : vector<1x1x16xf32> to vector<16xf32>
        %mul3A_870 = arith.constant 8.000000e+00 : f32
        %mul3A_871 = vector.broadcast %mul3A_870 : f32 to vector<16xf32>
        %mul3A_872 = arith.mulf %get3A_869, %mul3A_871 : vector<16xf32>
        %swap3A = arith.constant 1 : i32
        %swap3A_873 = arith.index_cast %swap3A : i32 to index
        %swap3A_874 = arith.index_cast %scan3A_864 : i32 to index
        %swap3A_875 = arith.constant 0 : index
        %swap3A_876 = tpu.vector_load %arg7[%swap3A_873, %swap3A_874, %swap3A_875] {strides = array<i32>} : memref<4x128x64xf32, #tpu.memory_space<vmem>>, vector<1x1x16xf32>,
        %swap3A_877 = vector.shape_cast %swap3A_876 : vector<1x1x16xf32> to vector<16xf32>
        %swap3A_878 = vector.shape_cast %mul3A_872 : vector<16xf32> to vector<1x1x16xf32>
        tpu.vector_store %arg7[%swap3A_873, %swap3A_874, %swap3A_875], %swap3A_878 {strides = array<i32>} : memref<4x128x64xf32, #tpu.memory_space<vmem>>, vector<1x1x16xf32>,
        %get3A_879 = arith.constant 1 : i32
        %get3A_880 = arith.index_cast %get3A_879 : i32 to index
        %get3A_881 = arith.index_cast %scan3A_864 : i32 to index
        %get3A_882 = arith.constant 16 : index
        %get3A_883 = tpu.vector_load %arg6[%get3A_880, %get3A_881, %get3A_882] {strides = array<i32>} : memref<4x128x64xf32, #tpu.memory_space<vmem>>, vector<1x1x16xf32>,
        %get3A_884 = vector.shape_cast %get3A_883 : vector<1x1x16xf32> to vector<16xf32>
        %mul3A_885 = arith.constant 8.000000e+00 : f32
        %mul3A_886 = vector.broadcast %mul3A_885 : f32 to vector<16xf32>
        %mul3A_887 = arith.mulf %get3A_884, %mul3A_886 : vector<16xf32>
        %swap3A_888 = arith.constant 1 : i32
        %swap3A_889 = arith.index_cast %swap3A_888 : i32 to index
        %swap3A_890 = arith.index_cast %scan3A_864 : i32 to index
        %swap3A_891 = arith.constant 16 : index
        %swap3A_892 = tpu.vector_load %arg7[%swap3A_889, %swap3A_890, %swap3A_891] {strides = array<i32>} : memref<4x128x64xf32, #tpu.memory_space<vmem>>, vector<1x1x16xf32>,
        %swap3A_893 = vector.shape_cast %swap3A_892 : vector<1x1x16xf32> to vector<16xf32>
        %swap3A_894 = vector.shape_cast %mul3A_887 : vector<16xf32> to vector<1x1x16xf32>
        tpu.vector_store %arg7[%swap3A_889, %swap3A_890, %swap3A_891], %swap3A_894 {strides = array<i32>} : memref<4x128x64xf32, #tpu.memory_space<vmem>>, vector<1x1x16xf32>,
        %get3A_895 = arith.constant 1 : i32
        %get3A_896 = arith.index_cast %get3A_895 : i32 to index
        %get3A_897 = arith.index_cast %scan3A_864 : i32 to index
        %get3A_898 = arith.constant 32 : index
        %get3A_899 = tpu.vector_load %arg6[%get3A_896, %get3A_897, %get3A_898] {strides = array<i32>} : memref<4x128x64xf32, #tpu.memory_space<vmem>>, vector<1x1x16xf32>,
        %get3A_900 = vector.shape_cast %get3A_899 : vector<1x1x16xf32> to vector<16xf32>
        %mul3A_901 = arith.constant 8.000000e+00 : f32
        %mul3A_902 = vector.broadcast %mul3A_901 : f32 to vector<16xf32>
        %mul3A_903 = arith.mulf %get3A_900, %mul3A_902 : vector<16xf32>
        %swap3A_904 = arith.constant 1 : i32
        %swap3A_905 = arith.index_cast %swap3A_904 : i32 to index
        %swap3A_906 = arith.index_cast %scan3A_864 : i32 to index
        %swap3A_907 = arith.constant 32 : index
        %swap3A_908 = tpu.vector_load %arg7[%swap3A_905, %swap3A_906, %swap3A_907] {strides = array<i32>} : memref<4x128x64xf32, #tpu.memory_space<vmem>>, vector<1x1x16xf32>,
        %swap3A_909 = vector.shape_cast %swap3A_908 : vector<1x1x16xf32> to vector<16xf32>
        %swap3A_910 = vector.shape_cast %mul3A_903 : vector<16xf32> to vector<1x1x16xf32>
        tpu.vector_store %arg7[%swap3A_905, %swap3A_906, %swap3A_907], %swap3A_910 {strides = array<i32>} : memref<4x128x64xf32, #tpu.memory_space<vmem>>, vector<1x1x16xf32>,
        %get3A_911 = arith.constant 1 : i32
        %get3A_912 = arith.index_cast %get3A_911 : i32 to index
        %get3A_913 = arith.index_cast %scan3A_864 : i32 to index
        %get3A_914 = arith.constant 48 : index
        %get3A_915 = tpu.vector_load %arg6[%get3A_912, %get3A_913, %get3A_914] {strides = array<i32>} : memref<4x128x64xf32, #tpu.memory_space<vmem>>, vector<1x1x16xf32>,
        %get3A_916 = vector.shape_cast %get3A_915 : vector<1x1x16xf32> to vector<16xf32>
        %mul3A_917 = arith.constant 8.000000e+00 : f32
        %mul3A_918 = vector.broadcast %mul3A_917 : f32 to vector<16xf32>
        %mul3A_919 = arith.mulf %get3A_916, %mul3A_918 : vector<16xf32>
        %swap3A_920 = arith.constant 1 : i32
        %swap3A_921 = arith.index_cast %swap3A_920 : i32 to index
        %swap3A_922 = arith.index_cast %scan3A_864 : i32 to index
        %swap3A_923 = arith.constant 48 : index
        %swap3A_924 = tpu.vector_load %arg7[%swap3A_921, %swap3A_922, %swap3A_923] {strides = array<i32>} : memref<4x128x64xf32, #tpu.memory_space<vmem>>, vector<1x1x16xf32>,
        %swap3A_925 = vector.shape_cast %swap3A_924 : vector<1x1x16xf32> to vector<16xf32>
        %swap3A_926 = vector.shape_cast %mul3A_919 : vector<16xf32> to vector<1x1x16xf32>
        tpu.vector_store %arg7[%swap3A_921, %swap3A_922, %swap3A_923], %swap3A_926 {strides = array<i32>} : memref<4x128x64xf32, #tpu.memory_space<vmem>>, vector<1x1x16xf32>,
        %scan3A_927 = arith.constant 1 : i32
        %scan3A_928 = arith.addi %scan3A_864, %scan3A_927 : i32
        %get3A_929 = arith.constant 1 : i32
        %get3A_930 = arith.index_cast %get3A_929 : i32 to index
        %get3A_931 = arith.index_cast %scan3A_928 : i32 to index
        %get3A_932 = arith.constant 0 : index
        %get3A_933 = tpu.vector_load %arg6[%get3A_930, %get3A_931, %get3A_932] {strides = array<i32>} : memref<4x128x64xf32, #tpu.memory_space<vmem>>, vector<1x1x16xf32>,
        %get3A_934 = vector.shape_cast %get3A_933 : vector<1x1x16xf32> to vector<16xf32>
        %mul3A_935 = arith.constant 8.000000e+00 : f32
        %mul3A_936 = vector.broadcast %mul3A_935 : f32 to vector<16xf32>
        %mul3A_937 = arith.mulf %get3A_934, %mul3A_936 : vector<16xf32>
        %swap3A_938 = arith.constant 1 : i32
        %swap3A_939 = arith.index_cast %swap3A_938 : i32 to index
        %swap3A_940 = arith.index_cast %scan3A_928 : i32 to index
        %swap3A_941 = arith.constant 0 : index
        %swap3A_942 = tpu.vector_load %arg7[%swap3A_939, %swap3A_940, %swap3A_941] {strides = array<i32>} : memref<4x128x64xf32, #tpu.memory_space<vmem>>, vector<1x1x16xf32>,
        %swap3A_943 = vector.shape_cast %swap3A_942 : vector<1x1x16xf32> to vector<16xf32>
        %swap3A_944 = vector.shape_cast %mul3A_937 : vector<16xf32> to vector<1x1x16xf32>
        tpu.vector_store %arg7[%swap3A_939, %swap3A_940, %swap3A_941], %swap3A_944 {strides = array<i32>} : memref<4x128x64xf32, #tpu.memory_space<vmem>>, vector<1x1x16xf32>,
        %get3A_945 = arith.constant 1 : i32
        %get3A_946 = arith.index_cast %get3A_945 : i32 to index
        %get3A_947 = arith.index_cast %scan3A_928 : i32 to index
        %get3A_948 = arith.constant 16 : index
        %get3A_949 = tpu.vector_load %arg6[%get3A_946, %get3A_947, %get3A_948] {strides = array<i32>} : memref<4x128x64xf32, #tpu.memory_space<vmem>>, vector<1x1x16xf32>,
        %get3A_950 = vector.shape_cast %get3A_949 : vector<1x1x16xf32> to vector<16xf32>
        %mul3A_951 = arith.constant 8.000000e+00 : f32
        %mul3A_952 = vector.broadcast %mul3A_951 : f32 to vector<16xf32>
        %mul3A_953 = arith.mulf %get3A_950, %mul3A_952 : vector<16xf32>
        %swap3A_954 = arith.constant 1 : i32
        %swap3A_955 = arith.index_cast %swap3A_954 : i32 to index
        %swap3A_956 = arith.index_cast %scan3A_928 : i32 to index
        %swap3A_957 = arith.constant 16 : index
        %swap3A_958 = tpu.vector_load %arg7[%swap3A_955, %swap3A_956, %swap3A_957] {strides = array<i32>} : memref<4x128x64xf32, #tpu.memory_space<vmem>>, vector<1x1x16xf32>,
        %swap3A_959 = vector.shape_cast %swap3A_958 : vector<1x1x16xf32> to vector<16xf32>
        %swap3A_960 = vector.shape_cast %mul3A_953 : vector<16xf32> to vector<1x1x16xf32>
        tpu.vector_store %arg7[%swap3A_955, %swap3A_956, %swap3A_957], %swap3A_960 {strides = array<i32>} : memref<4x128x64xf32, #tpu.memory_space<vmem>>, vector<1x1x16xf32>,
        %get3A_961 = arith.constant 1 : i32
        %get3A_962 = arith.index_cast %get3A_961 : i32 to index
        %get3A_963 = arith.index_cast %scan3A_928 : i32 to index
        %get3A_964 = arith.constant 32 : index
        %get3A_965 = tpu.vector_load %arg6[%get3A_962, %get3A_963, %get3A_964] {strides = array<i32>} : memref<4x128x64xf32, #tpu.memory_space<vmem>>, vector<1x1x16xf32>,
        %get3A_966 = vector.shape_cast %get3A_965 : vector<1x1x16xf32> to vector<16xf32>
        %mul3A_967 = arith.constant 8.000000e+00 : f32
        %mul3A_968 = vector.broadcast %mul3A_967 : f32 to vector<16xf32>
        %mul3A_969 = arith.mulf %get3A_966, %mul3A_968 : vector<16xf32>
        %swap3A_970 = arith.constant 1 : i32
        %swap3A_971 = arith.index_cast %swap3A_970 : i32 to index
        %swap3A_972 = arith.index_cast %scan3A_928 : i32 to index
        %swap3A_973 = arith.constant 32 : index
        %swap3A_974 = tpu.vector_load %arg7[%swap3A_971, %swap3A_972, %swap3A_973] {strides = array<i32>} : memref<4x128x64xf32, #tpu.memory_space<vmem>>, vector<1x1x16xf32>,
        %swap3A_975 = vector.shape_cast %swap3A_974 : vector<1x1x16xf32> to vector<16xf32>
        %swap3A_976 = vector.shape_cast %mul3A_969 : vector<16xf32> to vector<1x1x16xf32>
        tpu.vector_store %arg7[%swap3A_971, %swap3A_972, %swap3A_973], %swap3A_976 {strides = array<i32>} : memref<4x128x64xf32, #tpu.memory_space<vmem>>, vector<1x1x16xf32>,
        %get3A_977 = arith.constant 1 : i32
        %get3A_978 = arith.index_cast %get3A_977 : i32 to index
        %get3A_979 = arith.index_cast %scan3A_928 : i32 to index
        %get3A_980 = arith.constant 48 : index
        %get3A_981 = tpu.vector_load %arg6[%get3A_978, %get3A_979, %get3A_980] {strides = array<i32>} : memref<4x128x64xf32, #tpu.memory_space<vmem>>, vector<1x1x16xf32>,
        %get3A_982 = vector.shape_cast %get3A_981 : vector<1x1x16xf32> to vector<16xf32>
        %mul3A_983 = arith.constant 8.000000e+00 : f32
        %mul3A_984 = vector.broadcast %mul3A_983 : f32 to vector<16xf32>
        %mul3A_985 = arith.mulf %get3A_982, %mul3A_984 : vector<16xf32>
        %swap3A_986 = arith.constant 1 : i32
        %swap3A_987 = arith.index_cast %swap3A_986 : i32 to index
        %swap3A_988 = arith.index_cast %scan3A_928 : i32 to index
        %swap3A_989 = arith.constant 48 : index
        %swap3A_990 = tpu.vector_load %arg7[%swap3A_987, %swap3A_988, %swap3A_989] {strides = array<i32>} : memref<4x128x64xf32, #tpu.memory_space<vmem>>, vector<1x1x16xf32>,
        %swap3A_991 = vector.shape_cast %swap3A_990 : vector<1x1x16xf32> to vector<16xf32>
        %swap3A_992 = vector.shape_cast %mul3A_985 : vector<16xf32> to vector<1x1x16xf32>
        tpu.vector_store %arg7[%swap3A_987, %swap3A_988, %swap3A_989], %swap3A_992 {strides = array<i32>} : memref<4x128x64xf32, #tpu.memory_space<vmem>>, vector<1x1x16xf32>,
        %scan3A_993 = arith.constant 2 : i32
        %scan3A_994 = arith.addi %scan3A_864, %scan3A_993 : i32
        %get3A_995 = arith.constant 1 : i32
        %get3A_996 = arith.index_cast %get3A_995 : i32 to index
        %get3A_997 = arith.index_cast %scan3A_994 : i32 to index
        %get3A_998 = arith.constant 0 : index
        %get3A_999 = tpu.vector_load %arg6[%get3A_996, %get3A_997, %get3A_998] {strides = array<i32>} : memref<4x128x64xf32, #tpu.memory_space<vmem>>, vector<1x1x16xf32>,
        %get3A_1000 = vector.shape_cast %get3A_999 : vector<1x1x16xf32> to vector<16xf32>
        %mul3A_1001 = arith.constant 8.000000e+00 : f32
        %mul3A_1002 = vector.broadcast %mul3A_1001 : f32 to vector<16xf32>
        %mul3A_1003 = arith.mulf %get3A_1000, %mul3A_1002 : vector<16xf32>
        %swap3A_1004 = arith.constant 1 : i32
        %swap3A_1005 = arith.index_cast %swap3A_1004 : i32 to index
        %swap3A_1006 = arith.index_cast %scan3A_994 : i32 to index
        %swap3A_1007 = arith.constant 0 : index
        %swap3A_1008 = tpu.vector_load %arg7[%swap3A_1005, %swap3A_1006, %swap3A_1007] {strides = array<i32>} : memref<4x128x64xf32, #tpu.memory_space<vmem>>, vector<1x1x16xf32>,
        %swap3A_1009 = vector.shape_cast %swap3A_1008 : vector<1x1x16xf32> to vector<16xf32>
        %swap3A_1010 = vector.shape_cast %mul3A_1003 : vector<16xf32> to vector<1x1x16xf32>
        tpu.vector_store %arg7[%swap3A_1005, %swap3A_1006, %swap3A_1007], %swap3A_1010 {strides = array<i32>} : memref<4x128x64xf32, #tpu.memory_space<vmem>>, vector<1x1x16xf32>,
        %get3A_1011 = arith.constant 1 : i32
        %get3A_1012 = arith.index_cast %get3A_1011 : i32 to index
        %get3A_1013 = arith.index_cast %scan3A_994 : i32 to index
        %get3A_1014 = arith.constant 16 : index
        %get3A_1015 = tpu.vector_load %arg6[%get3A_1012, %get3A_1013, %get3A_1014] {strides = array<i32>} : memref<4x128x64xf32, #tpu.memory_space<vmem>>, vector<1x1x16xf32>,
        %get3A_1016 = vector.shape_cast %get3A_1015 : vector<1x1x16xf32> to vector<16xf32>
        %mul3A_1017 = arith.constant 8.000000e+00 : f32
        %mul3A_1018 = vector.broadcast %mul3A_1017 : f32 to vector<16xf32>
        %mul3A_1019 = arith.mulf %get3A_1016, %mul3A_1018 : vector<16xf32>
        %swap3A_1020 = arith.constant 1 : i32
        %swap3A_1021 = arith.index_cast %swap3A_1020 : i32 to index
        %swap3A_1022 = arith.index_cast %scan3A_994 : i32 to index
        %swap3A_1023 = arith.constant 16 : index
        %swap3A_1024 = tpu.vector_load %arg7[%swap3A_1021, %swap3A_1022, %swap3A_1023] {strides = array<i32>} : memref<4x128x64xf32, #tpu.memory_space<vmem>>, vector<1x1x16xf32>,
        %swap3A_1025 = vector.shape_cast %swap3A_1024 : vector<1x1x16xf32> to vector<16xf32>
        %swap3A_1026 = vector.shape_cast %mul3A_1019 : vector<16xf32> to vector<1x1x16xf32>
        tpu.vector_store %arg7[%swap3A_1021, %swap3A_1022, %swap3A_1023], %swap3A_1026 {strides = array<i32>} : memref<4x128x64xf32, #tpu.memory_space<vmem>>, vector<1x1x16xf32>,
        %get3A_1027 = arith.constant 1 : i32
        %get3A_1028 = arith.index_cast %get3A_1027 : i32 to index
        %get3A_1029 = arith.index_cast %scan3A_994 : i32 to index
        %get3A_1030 = arith.constant 32 : index
        %get3A_1031 = tpu.vector_load %arg6[%get3A_1028, %get3A_1029, %get3A_1030] {strides = array<i32>} : memref<4x128x64xf32, #tpu.memory_space<vmem>>, vector<1x1x16xf32>,
        %get3A_1032 = vector.shape_cast %get3A_1031 : vector<1x1x16xf32> to vector<16xf32>
        %mul3A_1033 = arith.constant 8.000000e+00 : f32
        %mul3A_1034 = vector.broadcast %mul3A_1033 : f32 to vector<16xf32>
        %mul3A_1035 = arith.mulf %get3A_1032, %mul3A_1034 : vector<16xf32>
        %swap3A_1036 = arith.constant 1 : i32
        %swap3A_1037 = arith.index_cast %swap3A_1036 : i32 to index
        %swap3A_1038 = arith.index_cast %scan3A_994 : i32 to index
        %swap3A_1039 = arith.constant 32 : index
        %swap3A_1040 = tpu.vector_load %arg7[%swap3A_1037, %swap3A_1038, %swap3A_1039] {strides = array<i32>} : memref<4x128x64xf32, #tpu.memory_space<vmem>>, vector<1x1x16xf32>,
        %swap3A_1041 = vector.shape_cast %swap3A_1040 : vector<1x1x16xf32> to vector<16xf32>
        %swap3A_1042 = vector.shape_cast %mul3A_1035 : vector<16xf32> to vector<1x1x16xf32>
        tpu.vector_store %arg7[%swap3A_1037, %swap3A_1038, %swap3A_1039], %swap3A_1042 {strides = array<i32>} : memref<4x128x64xf32, #tpu.memory_space<vmem>>, vector<1x1x16xf32>,
        %get3A_1043 = arith.constant 1 : i32
        %get3A_1044 = arith.index_cast %get3A_1043 : i32 to index
        %get3A_1045 = arith.index_cast %scan3A_994 : i32 to index
        %get3A_1046 = arith.constant 48 : index
        %get3A_1047 = tpu.vector_load %arg6[%get3A_1044, %get3A_1045, %get3A_1046] {strides = array<i32>} : memref<4x128x64xf32, #tpu.memory_space<vmem>>, vector<1x1x16xf32>,
        %get3A_1048 = vector.shape_cast %get3A_1047 : vector<1x1x16xf32> to vector<16xf32>
        %mul3A_1049 = arith.constant 8.000000e+00 : f32
        %mul3A_1050 = vector.broadcast %mul3A_1049 : f32 to vector<16xf32>
        %mul3A_1051 = arith.mulf %get3A_1048, %mul3A_1050 : vector<16xf32>
        %swap3A_1052 = arith.constant 1 : i32
        %swap3A_1053 = arith.index_cast %swap3A_1052 : i32 to index
        %swap3A_1054 = arith.index_cast %scan3A_994 : i32 to index
        %swap3A_1055 = arith.constant 48 : index
        %swap3A_1056 = tpu.vector_load %arg7[%swap3A_1053, %swap3A_1054, %swap3A_1055] {strides = array<i32>} : memref<4x128x64xf32, #tpu.memory_space<vmem>>, vector<1x1x16xf32>,
        %swap3A_1057 = vector.shape_cast %swap3A_1056 : vector<1x1x16xf32> to vector<16xf32>
        %swap3A_1058 = vector.shape_cast %mul3A_1051 : vector<16xf32> to vector<1x1x16xf32>
        tpu.vector_store %arg7[%swap3A_1053, %swap3A_1054, %swap3A_1055], %swap3A_1058 {strides = array<i32>} : memref<4x128x64xf32, #tpu.memory_space<vmem>>, vector<1x1x16xf32>,
        %scan3A_1059 = arith.constant 3 : i32
        %scan3A_1060 = arith.addi %scan3A_864, %scan3A_1059 : i32
        %get3A_1061 = arith.constant 1 : i32
        %get3A_1062 = arith.index_cast %get3A_1061 : i32 to index
        %get3A_1063 = arith.index_cast %scan3A_1060 : i32 to index
        %get3A_1064 = arith.constant 0 : index
        %get3A_1065 = tpu.vector_load %arg6[%get3A_1062, %get3A_1063, %get3A_1064] {strides = array<i32>} : memref<4x128x64xf32, #tpu.memory_space<vmem>>, vector<1x1x16xf32>,
        %get3A_1066 = vector.shape_cast %get3A_1065 : vector<1x1x16xf32> to vector<16xf32>
        %mul3A_1067 = arith.constant 8.000000e+00 : f32
        %mul3A_1068 = vector.broadcast %mul3A_1067 : f32 to vector<16xf32>
        %mul3A_1069 = arith.mulf %get3A_1066, %mul3A_1068 : vector<16xf32>
        %swap3A_1070 = arith.constant 1 : i32
        %swap3A_1071 = arith.index_cast %swap3A_1070 : i32 to index
        %swap3A_1072 = arith.index_cast %scan3A_1060 : i32 to index
        %swap3A_1073 = arith.constant 0 : index
        %swap3A_1074 = tpu.vector_load %arg7[%swap3A_1071, %swap3A_1072, %swap3A_1073] {strides = array<i32>} : memref<4x128x64xf32, #tpu.memory_space<vmem>>, vector<1x1x16xf32>,
        %swap3A_1075 = vector.shape_cast %swap3A_1074 : vector<1x1x16xf32> to vector<16xf32>
        %swap3A_1076 = vector.shape_cast %mul3A_1069 : vector<16xf32> to vector<1x1x16xf32>
        tpu.vector_store %arg7[%swap3A_1071, %swap3A_1072, %swap3A_1073], %swap3A_1076 {strides = array<i32>} : memref<4x128x64xf32, #tpu.memory_space<vmem>>, vector<1x1x16xf32>,
        %get3A_1077 = arith.constant 1 : i32
        %get3A_1078 = arith.index_cast %get3A_1077 : i32 to index
        %get3A_1079 = arith.index_cast %scan3A_1060 : i32 to index
        %get3A_1080 = arith.constant 16 : index
        %get3A_1081 = tpu.vector_load %arg6[%get3A_1078, %get3A_1079, %get3A_1080] {strides = array<i32>} : memref<4x128x64xf32, #tpu.memory_space<vmem>>, vector<1x1x16xf32>,
        %get3A_1082 = vector.shape_cast %get3A_1081 : vector<1x1x16xf32> to vector<16xf32>
        %mul3A_1083 = arith.constant 8.000000e+00 : f32
        %mul3A_1084 = vector.broadcast %mul3A_1083 : f32 to vector<16xf32>
        %mul3A_1085 = arith.mulf %get3A_1082, %mul3A_1084 : vector<16xf32>
        %swap3A_1086 = arith.constant 1 : i32
        %swap3A_1087 = arith.index_cast %swap3A_1086 : i32 to index
        %swap3A_1088 = arith.index_cast %scan3A_1060 : i32 to index
        %swap3A_1089 = arith.constant 16 : index
        %swap3A_1090 = tpu.vector_load %arg7[%swap3A_1087, %swap3A_1088, %swap3A_1089] {strides = array<i32>} : memref<4x128x64xf32, #tpu.memory_space<vmem>>, vector<1x1x16xf32>,
        %swap3A_1091 = vector.shape_cast %swap3A_1090 : vector<1x1x16xf32> to vector<16xf32>
        %swap3A_1092 = vector.shape_cast %mul3A_1085 : vector<16xf32> to vector<1x1x16xf32>
        tpu.vector_store %arg7[%swap3A_1087, %swap3A_1088, %swap3A_1089], %swap3A_1092 {strides = array<i32>} : memref<4x128x64xf32, #tpu.memory_space<vmem>>, vector<1x1x16xf32>,
        %get3A_1093 = arith.constant 1 : i32
        %get3A_1094 = arith.index_cast %get3A_1093 : i32 to index
        %get3A_1095 = arith.index_cast %scan3A_1060 : i32 to index
        %get3A_1096 = arith.constant 32 : index
        %get3A_1097 = tpu.vector_load %arg6[%get3A_1094, %get3A_1095, %get3A_1096] {strides = array<i32>} : memref<4x128x64xf32, #tpu.memory_space<vmem>>, vector<1x1x16xf32>,
        %get3A_1098 = vector.shape_cast %get3A_1097 : vector<1x1x16xf32> to vector<16xf32>
        %mul3A_1099 = arith.constant 8.000000e+00 : f32
        %mul3A_1100 = vector.broadcast %mul3A_1099 : f32 to vector<16xf32>
        %mul3A_1101 = arith.mulf %get3A_1098, %mul3A_1100 : vector<16xf32>
        %swap3A_1102 = arith.constant 1 : i32
        %swap3A_1103 = arith.index_cast %swap3A_1102 : i32 to index
        %swap3A_1104 = arith.index_cast %scan3A_1060 : i32 to index
        %swap3A_1105 = arith.constant 32 : index
        %swap3A_1106 = tpu.vector_load %arg7[%swap3A_1103, %swap3A_1104, %swap3A_1105] {strides = array<i32>} : memref<4x128x64xf32, #tpu.memory_space<vmem>>, vector<1x1x16xf32>,
        %swap3A_1107 = vector.shape_cast %swap3A_1106 : vector<1x1x16xf32> to vector<16xf32>
        %swap3A_1108 = vector.shape_cast %mul3A_1101 : vector<16xf32> to vector<1x1x16xf32>
        tpu.vector_store %arg7[%swap3A_1103, %swap3A_1104, %swap3A_1105], %swap3A_1108 {strides = array<i32>} : memref<4x128x64xf32, #tpu.memory_space<vmem>>, vector<1x1x16xf32>,
        %get3A_1109 = arith.constant 1 : i32
        %get3A_1110 = arith.index_cast %get3A_1109 : i32 to index
        %get3A_1111 = arith.index_cast %scan3A_1060 : i32 to index
        %get3A_1112 = arith.constant 48 : index
        %get3A_1113 = tpu.vector_load %arg6[%get3A_1110, %get3A_1111, %get3A_1112] {strides = array<i32>} : memref<4x128x64xf32, #tpu.memory_space<vmem>>, vector<1x1x16xf32>,
        %get3A_1114 = vector.shape_cast %get3A_1113 : vector<1x1x16xf32> to vector<16xf32>
        %mul3A_1115 = arith.constant 8.000000e+00 : f32
        %mul3A_1116 = vector.broadcast %mul3A_1115 : f32 to vector<16xf32>
        %mul3A_1117 = arith.mulf %get3A_1114, %mul3A_1116 : vector<16xf32>
        %swap3A_1118 = arith.constant 1 : i32
        %swap3A_1119 = arith.index_cast %swap3A_1118 : i32 to index
        %swap3A_1120 = arith.index_cast %scan3A_1060 : i32 to index
        %swap3A_1121 = arith.constant 48 : index
        %swap3A_1122 = tpu.vector_load %arg7[%swap3A_1119, %swap3A_1120, %swap3A_1121] {strides = array<i32>} : memref<4x128x64xf32, #tpu.memory_space<vmem>>, vector<1x1x16xf32>,
        %swap3A_1123 = vector.shape_cast %swap3A_1122 : vector<1x1x16xf32> to vector<16xf32>
        %swap3A_1124 = vector.shape_cast %mul3A_1117 : vector<16xf32> to vector<1x1x16xf32>
        tpu.vector_store %arg7[%swap3A_1119, %swap3A_1120, %swap3A_1121], %swap3A_1124 {strides = array<i32>} : memref<4x128x64xf32, #tpu.memory_space<vmem>>, vector<1x1x16xf32>,
      }
      %scan3A_672 = arith.constant 128 : i32
      %add3A_673 = arith.constant 4 : i32
      %add3A_674 = arith.addi %add3A_631, %add3A_673 : i32
      %mul3A_675 = arith.constant 128 : i32
      %mul3A_676 = arith.muli %add3A_674, %mul3A_675 : i32
      %dma_start3A_677 = arith.constant 1 : i32
      %dma_start3A_678 = arith.constant 1 : i32
      %dma_start3A_679 = arith.constant 0 : i32
      %dma_start3A_680 = arith.constant 0 : i32
      %dma_start3A_681 = tpu.memref_slice %arg6[%dma_start3A_677, %dma_start3A_679, %dma_start3A_680] : memref<4x128x64xf32, #tpu.memory_space<vmem>> -> memref<1x128x64xf32, #tpu.memory_space<vmem>>
      %dma_start3A_682 = tpu.memref_squeeze %dma_start3A_681 : memref<1x128x64xf32, #tpu.memory_space<vmem>> -> memref<128x64xf32, #tpu.memory_space<vmem>>
      %dma_start3A_683 = tpu.memref_slice %arg5[%mul3A_676] : memref<25600xi32, #tpu.memory_space<vmem>> -> memref<128xi32, #tpu.memory_space<vmem>>
      %dma_start3A_684 = arith.constant 0 : i32
      %dma_start3A_685 = arith.constant 0 : i32
      %dma_start3A_686 = tpu.memref_slice %arg3[%dma_start3A_684, %dma_start3A_685] : memref<1000000x64xf32, #tpu.memory_space<hbm>> -> memref<1000000x64xf32, #tpu.memory_space<hbm>>
      %dma_start3A_687 = tpu.memref_slice %arg8[%dma_start3A_678] : memref<4x!tpu.dma_semaphore, #tpu.memory_space<semaphore_mem>> -> memref<1x!tpu.dma_semaphore, #tpu.memory_space<semaphore_mem>>
      %dma_start3A_688 = tpu.memref_squeeze %dma_start3A_687 : memref<1x!tpu.dma_semaphore, #tpu.memory_space<semaphore_mem>> -> memref<!tpu.dma_semaphore, #tpu.memory_space<semaphore_mem>>
      tpu.enqueue_indirect_dma source(%dma_start3A_686 : memref<1000000x64xf32, #tpu.memory_space<hbm>>) target(%dma_start3A_682 : memref<128x64xf32, #tpu.memory_space<vmem>>) offsets(%dma_start3A_683 : memref<128xi32, #tpu.memory_space<vmem>>) semaphore(%dma_start3A_688 : memref<!tpu.dma_semaphore, #tpu.memory_space<semaphore_mem>>)
      %mul3A_689 = arith.constant 128 : i32
      %mul3A_690 = arith.muli %add3A_631, %mul3A_689 : i32
      %add3A_691 = arith.addi %mul3A_2, %mul3A_690 : i32
      %dma_start3A_692 = arith.constant 1 : i32
      %dma_start3A_693 = arith.constant 1 : i32
      %dma_start3A_694 = arith.constant 0 : i32
      %dma_start3A_695 = arith.constant 0 : i32
      %dma_start3A_696 = tpu.memref_slice %arg7[%dma_start3A_692, %dma_start3A_694, %dma_start3A_695] : memref<4x128x64xf32, #tpu.memory_space<vmem>> -> memref<1x128x64xf32, #tpu.memory_space<vmem>>
      %dma_start3A_697 = tpu.memref_squeeze %dma_start3A_696 : memref<1x128x64xf32, #tpu.memory_space<vmem>> -> memref<128x64xf32, #tpu.memory_space<vmem>>
      %dma_start3A_698 = arith.constant 0 : i32
      %dma_start3A_699 = tpu.memref_slice %arg4[%add3A_691, %dma_start3A_698] : memref<819200x64xf32, #tpu.memory_space<hbm>> -> memref<128x64xf32, #tpu.memory_space<hbm>>
      %dma_start3A_700 = tpu.memref_slice %arg9[%dma_start3A_693] : memref<4x!tpu.dma_semaphore, #tpu.memory_space<semaphore_mem>> -> memref<1x!tpu.dma_semaphore, #tpu.memory_space<semaphore_mem>>
      %dma_start3A_701 = tpu.memref_squeeze %dma_start3A_700 : memref<1x!tpu.dma_semaphore, #tpu.memory_space<semaphore_mem>> -> memref<!tpu.dma_semaphore, #tpu.memory_space<semaphore_mem>>
      %dma_start3A_702 = arith.constant 0 : i32
      %dma_start3A_703 = tpu.memref_slice %arg4[%add3A_691, %dma_start3A_702] : memref<819200x64xf32, #tpu.memory_space<hbm>> -> memref<128x64xf32, #tpu.memory_space<hbm>>
      %dma_start3A_704 = arith.constant 0 : i32
      %dma_start3A_705 = arith.constant 0 : i32
      %dma_start3A_706 = tpu.memref_slice %arg7[%dma_start3A_692, %dma_start3A_704, %dma_start3A_705] : memref<4x128x64xf32, #tpu.memory_space<vmem>> -> memref<1x128x64xf32, #tpu.memory_space<vmem>>
      %dma_start3A_707 = tpu.memref_squeeze %dma_start3A_706 : memref<1x128x64xf32, #tpu.memory_space<vmem>> -> memref<128x64xf32, #tpu.memory_space<vmem>>
      tpu.enqueue_dma source(%dma_start3A_707 : memref<128x64xf32, #tpu.memory_space<vmem>>) target(%dma_start3A_703 : memref<128x64xf32, #tpu.memory_space<hbm>>) target_semaphore(%dma_start3A_701 : memref<!tpu.dma_semaphore, #tpu.memory_space<semaphore_mem>>)
      %add3A_708 = arith.constant 2 : i32
      %add3A_709 = arith.addi %mul3A_552, %add3A_708 : i32
      %mul3A_710 = arith.constant 128 : i32
      %mul3A_711 = arith.muli %add3A_709, %mul3A_710 : i32
      %dma_wait3A_712 = arith.constant 2 : i32
      %dma_wait3A_713 = arith.constant 2 : i32
      %dma_wait3A_714 = arith.constant 0 : i32
      %dma_wait3A_715 = arith.constant 0 : i32
      %dma_wait3A_716 = tpu.memref_slice %arg6[%dma_wait3A_712, %dma_wait3A_714, %dma_wait3A_715] : memref<4x128x64xf32, #tpu.memory_space<vmem>> -> memref<1x128x64xf32, #tpu.memory_space<vmem>>
      %dma_wait3A_717 = tpu.memref_squeeze %dma_wait3A_716 : memref<1x128x64xf32, #tpu.memory_space<vmem>> -> memref<128x64xf32, #tpu.memory_space<vmem>>
      %dma_wait3A_718 = tpu.memref_slice %arg5[%mul3A_711] : memref<25600xi32, #tpu.memory_space<vmem>> -> memref<128xi32, #tpu.memory_space<vmem>>
      %dma_wait3A_719 = arith.constant 0 : i32
      %dma_wait3A_720 = arith.constant 0 : i32
      %dma_wait3A_721 = tpu.memref_slice %arg3[%dma_wait3A_719, %dma_wait3A_720] : memref<1000000x64xf32, #tpu.memory_space<hbm>> -> memref<1000000x64xf32, #tpu.memory_space<hbm>>
      %dma_wait3A_722 = tpu.memref_slice %arg8[%dma_wait3A_713] : memref<4x!tpu.dma_semaphore, #tpu.memory_space<semaphore_mem>> -> memref<1x!tpu.dma_semaphore, #tpu.memory_space<semaphore_mem>>
      %dma_wait3A_723 = tpu.memref_squeeze %dma_wait3A_722 : memref<1x!tpu.dma_semaphore, #tpu.memory_space<semaphore_mem>> -> memref<!tpu.dma_semaphore, #tpu.memory_space<semaphore_mem>>
      tpu.wait_indirect_dma semaphore(%dma_wait3A_723 : memref<!tpu.dma_semaphore, #tpu.memory_space<semaphore_mem>>) src(%dma_wait3A_721 : memref<1000000x64xf32, #tpu.memory_space<hbm>>) dst(%dma_wait3A_717 : memref<128x64xf32, #tpu.memory_space<vmem>>)
      %sub3A_724 = arith.constant 4 : i32
      %sub3A_725 = arith.subi %add3A_709, %sub3A_724 : i32
      %mul3A_726 = arith.constant 128 : i32
      %mul3A_727 = arith.muli %sub3A_725, %mul3A_726 : i32
      %add3A_728 = arith.addi %mul3A_2, %mul3A_727 : i32
      %dma_wait3A_729 = arith.constant 2 : i32
      %dma_wait3A_730 = arith.constant 2 : i32
      %dma_wait3A_731 = arith.constant 0 : i32
      %dma_wait3A_732 = arith.constant 0 : i32
      %dma_wait3A_733 = tpu.memref_slice %arg7[%dma_wait3A_729, %dma_wait3A_731, %dma_wait3A_732] : memref<4x128x64xf32, #tpu.memory_space<vmem>> -> memref<1x128x64xf32, #tpu.memory_space<vmem>>
      %dma_wait3A_734 = tpu.memref_squeeze %dma_wait3A_733 : memref<1x128x64xf32, #tpu.memory_space<vmem>> -> memref<128x64xf32, #tpu.memory_space<vmem>>
      %dma_wait3A_735 = arith.constant 0 : i32
      %dma_wait3A_736 = tpu.memref_slice %arg4[%add3A_728, %dma_wait3A_735] : memref<819200x64xf32, #tpu.memory_space<hbm>> -> memref<128x64xf32, #tpu.memory_space<hbm>>
      %dma_wait3A_737 = tpu.memref_slice %arg9[%dma_wait3A_730] : memref<4x!tpu.dma_semaphore, #tpu.memory_space<semaphore_mem>> -> memref<1x!tpu.dma_semaphore, #tpu.memory_space<semaphore_mem>>
      %dma_wait3A_738 = tpu.memref_squeeze %dma_wait3A_737 : memref<1x!tpu.dma_semaphore, #tpu.memory_space<semaphore_mem>> -> memref<!tpu.dma_semaphore, #tpu.memory_space<semaphore_mem>>
      %dma_wait3A_739 = arith.constant 0 : i32
      %dma_wait3A_740 = tpu.memref_slice %arg4[%add3A_728, %dma_wait3A_739] : memref<819200x64xf32, #tpu.memory_space<hbm>> -> memref<128x64xf32, #tpu.memory_space<hbm>>
      %dma_wait3A_741 = arith.constant 0 : i32
      %dma_wait3A_742 = arith.constant 0 : i32
      %dma_wait3A_743 = tpu.memref_slice %arg7[%dma_wait3A_729, %dma_wait3A_741, %dma_wait3A_742] : memref<4x128x64xf32, #tpu.memory_space<vmem>> -> memref<1x128x64xf32, #tpu.memory_space<vmem>>
      %dma_wait3A_744 = tpu.memref_squeeze %dma_wait3A_743 : memref<1x128x64xf32, #tpu.memory_space<vmem>> -> memref<128x64xf32, #tpu.memory_space<vmem>>
      tpu.wait_dma2 semaphore(%dma_wait3A_738 : memref<!tpu.dma_semaphore, #tpu.memory_space<semaphore_mem>>) src(%dma_wait3A_744 : memref<128x64xf32, #tpu.memory_space<vmem>>) dst(%dma_wait3A_740 : memref<128x64xf32, #tpu.memory_space<hbm>>)
      %scan3A_745 = arith.constant 0 : i32
      %scan3A_746 = arith.constant 0 : i32
      %scan3A_747 = arith.constant 128 : i32
      %scan3A_748 = arith.addi %scan3A_746, %scan3A_747 : i32
      %scan3A_749 = arith.constant 4 : i32
      scf.for %scan3A_864 = %scan3A_746 to %scan3A_748 step %scan3A_749  : i32 {
        %get3A = arith.constant 2 : i32
        %get3A_865 = arith.index_cast %get3A : i32 to index
        %get3A_866 = arith.index_cast %scan3A_864 : i32 to index
        %get3A_867 = arith.constant 0 : index
        %get3A_868 = tpu.vector_load %arg6[%get3A_865, %get3A_866, %get3A_867] {strides = array<i32>} : memref<4x128x64xf32, #tpu.memory_space<vmem>>, vector<1x1x16xf32>,
        %get3A_869 = vector.shape_cast %get3A_868 : vector<1x1x16xf32> to vector<16xf32>
        %mul3A_870 = arith.constant 8.000000e+00 : f32
        %mul3A_871 = vector.broadcast %mul3A_870 : f32 to vector<16xf32>
        %mul3A_872 = arith.mulf %get3A_869, %mul3A_871 : vector<16xf32>
        %swap3A = arith.constant 2 : i32
        %swap3A_873 = arith.index_cast %swap3A : i32 to index
        %swap3A_874 = arith.index_cast %scan3A_864 : i32 to index
        %swap3A_875 = arith.constant 0 : index
        %swap3A_876 = tpu.vector_load %arg7[%swap3A_873, %swap3A_874, %swap3A_875] {strides = array<i32>} : memref<4x128x64xf32, #tpu.memory_space<vmem>>, vector<1x1x16xf32>,
        %swap3A_877 = vector.shape_cast %swap3A_876 : vector<1x1x16xf32> to vector<16xf32>
        %swap3A_878 = vector.shape_cast %mul3A_872 : vector<16xf32> to vector<1x1x16xf32>
        tpu.vector_store %arg7[%swap3A_873, %swap3A_874, %swap3A_875], %swap3A_878 {strides = array<i32>} : memref<4x128x64xf32, #tpu.memory_space<vmem>>, vector<1x1x16xf32>,
        %get3A_879 = arith.constant 2 : i32
        %get3A_880 = arith.index_cast %get3A_879 : i32 to index
        %get3A_881 = arith.index_cast %scan3A_864 : i32 to index
        %get3A_882 = arith.constant 16 : index
        %get3A_883 = tpu.vector_load %arg6[%get3A_880, %get3A_881, %get3A_882] {strides = array<i32>} : memref<4x128x64xf32, #tpu.memory_space<vmem>>, vector<1x1x16xf32>,
        %get3A_884 = vector.shape_cast %get3A_883 : vector<1x1x16xf32> to vector<16xf32>
        %mul3A_885 = arith.constant 8.000000e+00 : f32
        %mul3A_886 = vector.broadcast %mul3A_885 : f32 to vector<16xf32>
        %mul3A_887 = arith.mulf %get3A_884, %mul3A_886 : vector<16xf32>
        %swap3A_888 = arith.constant 2 : i32
        %swap3A_889 = arith.index_cast %swap3A_888 : i32 to index
        %swap3A_890 = arith.index_cast %scan3A_864 : i32 to index
        %swap3A_891 = arith.constant 16 : index
        %swap3A_892 = tpu.vector_load %arg7[%swap3A_889, %swap3A_890, %swap3A_891] {strides = array<i32>} : memref<4x128x64xf32, #tpu.memory_space<vmem>>, vector<1x1x16xf32>,
        %swap3A_893 = vector.shape_cast %swap3A_892 : vector<1x1x16xf32> to vector<16xf32>
        %swap3A_894 = vector.shape_cast %mul3A_887 : vector<16xf32> to vector<1x1x16xf32>
        tpu.vector_store %arg7[%swap3A_889, %swap3A_890, %swap3A_891], %swap3A_894 {strides = array<i32>} : memref<4x128x64xf32, #tpu.memory_space<vmem>>, vector<1x1x16xf32>,
        %get3A_895 = arith.constant 2 : i32
        %get3A_896 = arith.index_cast %get3A_895 : i32 to index
        %get3A_897 = arith.index_cast %scan3A_864 : i32 to index
        %get3A_898 = arith.constant 32 : index
        %get3A_899 = tpu.vector_load %arg6[%get3A_896, %get3A_897, %get3A_898] {strides = array<i32>} : memref<4x128x64xf32, #tpu.memory_space<vmem>>, vector<1x1x16xf32>,
        %get3A_900 = vector.shape_cast %get3A_899 : vector<1x1x16xf32> to vector<16xf32>
        %mul3A_901 = arith.constant 8.000000e+00 : f32
        %mul3A_902 = vector.broadcast %mul3A_901 : f32 to vector<16xf32>
        %mul3A_903 = arith.mulf %get3A_900, %mul3A_902 : vector<16xf32>
        %swap3A_904 = arith.constant 2 : i32
        %swap3A_905 = arith.index_cast %swap3A_904 : i32 to index
        %swap3A_906 = arith.index_cast %scan3A_864 : i32 to index
        %swap3A_907 = arith.constant 32 : index
        %swap3A_908 = tpu.vector_load %arg7[%swap3A_905, %swap3A_906, %swap3A_907] {strides = array<i32>} : memref<4x128x64xf32, #tpu.memory_space<vmem>>, vector<1x1x16xf32>,
        %swap3A_909 = vector.shape_cast %swap3A_908 : vector<1x1x16xf32> to vector<16xf32>
        %swap3A_910 = vector.shape_cast %mul3A_903 : vector<16xf32> to vector<1x1x16xf32>
        tpu.vector_store %arg7[%swap3A_905, %swap3A_906, %swap3A_907], %swap3A_910 {strides = array<i32>} : memref<4x128x64xf32, #tpu.memory_space<vmem>>, vector<1x1x16xf32>,
        %get3A_911 = arith.constant 2 : i32
        %get3A_912 = arith.index_cast %get3A_911 : i32 to index
        %get3A_913 = arith.index_cast %scan3A_864 : i32 to index
        %get3A_914 = arith.constant 48 : index
        %get3A_915 = tpu.vector_load %arg6[%get3A_912, %get3A_913, %get3A_914] {strides = array<i32>} : memref<4x128x64xf32, #tpu.memory_space<vmem>>, vector<1x1x16xf32>,
        %get3A_916 = vector.shape_cast %get3A_915 : vector<1x1x16xf32> to vector<16xf32>
        %mul3A_917 = arith.constant 8.000000e+00 : f32
        %mul3A_918 = vector.broadcast %mul3A_917 : f32 to vector<16xf32>
        %mul3A_919 = arith.mulf %get3A_916, %mul3A_918 : vector<16xf32>
        %swap3A_920 = arith.constant 2 : i32
        %swap3A_921 = arith.index_cast %swap3A_920 : i32 to index
        %swap3A_922 = arith.index_cast %scan3A_864 : i32 to index
        %swap3A_923 = arith.constant 48 : index
        %swap3A_924 = tpu.vector_load %arg7[%swap3A_921, %swap3A_922, %swap3A_923] {strides = array<i32>} : memref<4x128x64xf32, #tpu.memory_space<vmem>>, vector<1x1x16xf32>,
        %swap3A_925 = vector.shape_cast %swap3A_924 : vector<1x1x16xf32> to vector<16xf32>
        %swap3A_926 = vector.shape_cast %mul3A_919 : vector<16xf32> to vector<1x1x16xf32>
        tpu.vector_store %arg7[%swap3A_921, %swap3A_922, %swap3A_923], %swap3A_926 {strides = array<i32>} : memref<4x128x64xf32, #tpu.memory_space<vmem>>, vector<1x1x16xf32>,
        %scan3A_927 = arith.constant 1 : i32
        %scan3A_928 = arith.addi %scan3A_864, %scan3A_927 : i32
        %get3A_929 = arith.constant 2 : i32
        %get3A_930 = arith.index_cast %get3A_929 : i32 to index
        %get3A_931 = arith.index_cast %scan3A_928 : i32 to index
        %get3A_932 = arith.constant 0 : index
        %get3A_933 = tpu.vector_load %arg6[%get3A_930, %get3A_931, %get3A_932] {strides = array<i32>} : memref<4x128x64xf32, #tpu.memory_space<vmem>>, vector<1x1x16xf32>,
        %get3A_934 = vector.shape_cast %get3A_933 : vector<1x1x16xf32> to vector<16xf32>
        %mul3A_935 = arith.constant 8.000000e+00 : f32
        %mul3A_936 = vector.broadcast %mul3A_935 : f32 to vector<16xf32>
        %mul3A_937 = arith.mulf %get3A_934, %mul3A_936 : vector<16xf32>
        %swap3A_938 = arith.constant 2 : i32
        %swap3A_939 = arith.index_cast %swap3A_938 : i32 to index
        %swap3A_940 = arith.index_cast %scan3A_928 : i32 to index
        %swap3A_941 = arith.constant 0 : index
        %swap3A_942 = tpu.vector_load %arg7[%swap3A_939, %swap3A_940, %swap3A_941] {strides = array<i32>} : memref<4x128x64xf32, #tpu.memory_space<vmem>>, vector<1x1x16xf32>,
        %swap3A_943 = vector.shape_cast %swap3A_942 : vector<1x1x16xf32> to vector<16xf32>
        %swap3A_944 = vector.shape_cast %mul3A_937 : vector<16xf32> to vector<1x1x16xf32>
        tpu.vector_store %arg7[%swap3A_939, %swap3A_940, %swap3A_941], %swap3A_944 {strides = array<i32>} : memref<4x128x64xf32, #tpu.memory_space<vmem>>, vector<1x1x16xf32>,
        %get3A_945 = arith.constant 2 : i32
        %get3A_946 = arith.index_cast %get3A_945 : i32 to index
        %get3A_947 = arith.index_cast %scan3A_928 : i32 to index
        %get3A_948 = arith.constant 16 : index
        %get3A_949 = tpu.vector_load %arg6[%get3A_946, %get3A_947, %get3A_948] {strides = array<i32>} : memref<4x128x64xf32, #tpu.memory_space<vmem>>, vector<1x1x16xf32>,
        %get3A_950 = vector.shape_cast %get3A_949 : vector<1x1x16xf32> to vector<16xf32>
        %mul3A_951 = arith.constant 8.000000e+00 : f32
        %mul3A_952 = vector.broadcast %mul3A_951 : f32 to vector<16xf32>
        %mul3A_953 = arith.mulf %get3A_950, %mul3A_952 : vector<16xf32>
        %swap3A_954 = arith.constant 2 : i32
        %swap3A_955 = arith.index_cast %swap3A_954 : i32 to index
        %swap3A_956 = arith.index_cast %scan3A_928 : i32 to index
        %swap3A_957 = arith.constant 16 : index
        %swap3A_958 = tpu.vector_load %arg7[%swap3A_955, %swap3A_956, %swap3A_957] {strides = array<i32>} : memref<4x128x64xf32, #tpu.memory_space<vmem>>, vector<1x1x16xf32>,
        %swap3A_959 = vector.shape_cast %swap3A_958 : vector<1x1x16xf32> to vector<16xf32>
        %swap3A_960 = vector.shape_cast %mul3A_953 : vector<16xf32> to vector<1x1x16xf32>
        tpu.vector_store %arg7[%swap3A_955, %swap3A_956, %swap3A_957], %swap3A_960 {strides = array<i32>} : memref<4x128x64xf32, #tpu.memory_space<vmem>>, vector<1x1x16xf32>,
        %get3A_961 = arith.constant 2 : i32
        %get3A_962 = arith.index_cast %get3A_961 : i32 to index
        %get3A_963 = arith.index_cast %scan3A_928 : i32 to index
        %get3A_964 = arith.constant 32 : index
        %get3A_965 = tpu.vector_load %arg6[%get3A_962, %get3A_963, %get3A_964] {strides = array<i32>} : memref<4x128x64xf32, #tpu.memory_space<vmem>>, vector<1x1x16xf32>,
        %get3A_966 = vector.shape_cast %get3A_965 : vector<1x1x16xf32> to vector<16xf32>
        %mul3A_967 = arith.constant 8.000000e+00 : f32
        %mul3A_968 = vector.broadcast %mul3A_967 : f32 to vector<16xf32>
        %mul3A_969 = arith.mulf %get3A_966, %mul3A_968 : vector<16xf32>
        %swap3A_970 = arith.constant 2 : i32
        %swap3A_971 = arith.index_cast %swap3A_970 : i32 to index
        %swap3A_972 = arith.index_cast %scan3A_928 : i32 to index
        %swap3A_973 = arith.constant 32 : index
        %swap3A_974 = tpu.vector_load %arg7[%swap3A_971, %swap3A_972, %swap3A_973] {strides = array<i32>} : memref<4x128x64xf32, #tpu.memory_space<vmem>>, vector<1x1x16xf32>,
        %swap3A_975 = vector.shape_cast %swap3A_974 : vector<1x1x16xf32> to vector<16xf32>
        %swap3A_976 = vector.shape_cast %mul3A_969 : vector<16xf32> to vector<1x1x16xf32>
        tpu.vector_store %arg7[%swap3A_971, %swap3A_972, %swap3A_973], %swap3A_976 {strides = array<i32>} : memref<4x128x64xf32, #tpu.memory_space<vmem>>, vector<1x1x16xf32>,
        %get3A_977 = arith.constant 2 : i32
        %get3A_978 = arith.index_cast %get3A_977 : i32 to index
        %get3A_979 = arith.index_cast %scan3A_928 : i32 to index
        %get3A_980 = arith.constant 48 : index
        %get3A_981 = tpu.vector_load %arg6[%get3A_978, %get3A_979, %get3A_980] {strides = array<i32>} : memref<4x128x64xf32, #tpu.memory_space<vmem>>, vector<1x1x16xf32>,
        %get3A_982 = vector.shape_cast %get3A_981 : vector<1x1x16xf32> to vector<16xf32>
        %mul3A_983 = arith.constant 8.000000e+00 : f32
        %mul3A_984 = vector.broadcast %mul3A_983 : f32 to vector<16xf32>
        %mul3A_985 = arith.mulf %get3A_982, %mul3A_984 : vector<16xf32>
        %swap3A_986 = arith.constant 2 : i32
        %swap3A_987 = arith.index_cast %swap3A_986 : i32 to index
        %swap3A_988 = arith.index_cast %scan3A_928 : i32 to index
        %swap3A_989 = arith.constant 48 : index
        %swap3A_990 = tpu.vector_load %arg7[%swap3A_987, %swap3A_988, %swap3A_989] {strides = array<i32>} : memref<4x128x64xf32, #tpu.memory_space<vmem>>, vector<1x1x16xf32>,
        %swap3A_991 = vector.shape_cast %swap3A_990 : vector<1x1x16xf32> to vector<16xf32>
        %swap3A_992 = vector.shape_cast %mul3A_985 : vector<16xf32> to vector<1x1x16xf32>
        tpu.vector_store %arg7[%swap3A_987, %swap3A_988, %swap3A_989], %swap3A_992 {strides = array<i32>} : memref<4x128x64xf32, #tpu.memory_space<vmem>>, vector<1x1x16xf32>,
        %scan3A_993 = arith.constant 2 : i32
        %scan3A_994 = arith.addi %scan3A_864, %scan3A_993 : i32
        %get3A_995 = arith.constant 2 : i32
        %get3A_996 = arith.index_cast %get3A_995 : i32 to index
        %get3A_997 = arith.index_cast %scan3A_994 : i32 to index
        %get3A_998 = arith.constant 0 : index
        %get3A_999 = tpu.vector_load %arg6[%get3A_996, %get3A_997, %get3A_998] {strides = array<i32>} : memref<4x128x64xf32, #tpu.memory_space<vmem>>, vector<1x1x16xf32>,
        %get3A_1000 = vector.shape_cast %get3A_999 : vector<1x1x16xf32> to vector<16xf32>
        %mul3A_1001 = arith.constant 8.000000e+00 : f32
        %mul3A_1002 = vector.broadcast %mul3A_1001 : f32 to vector<16xf32>
        %mul3A_1003 = arith.mulf %get3A_1000, %mul3A_1002 : vector<16xf32>
        %swap3A_1004 = arith.constant 2 : i32
        %swap3A_1005 = arith.index_cast %swap3A_1004 : i32 to index
        %swap3A_1006 = arith.index_cast %scan3A_994 : i32 to index
        %swap3A_1007 = arith.constant 0 : index
        %swap3A_1008 = tpu.vector_load %arg7[%swap3A_1005, %swap3A_1006, %swap3A_1007] {strides = array<i32>} : memref<4x128x64xf32, #tpu.memory_space<vmem>>, vector<1x1x16xf32>,
        %swap3A_1009 = vector.shape_cast %swap3A_1008 : vector<1x1x16xf32> to vector<16xf32>
        %swap3A_1010 = vector.shape_cast %mul3A_1003 : vector<16xf32> to vector<1x1x16xf32>
        tpu.vector_store %arg7[%swap3A_1005, %swap3A_1006, %swap3A_1007], %swap3A_1010 {strides = array<i32>} : memref<4x128x64xf32, #tpu.memory_space<vmem>>, vector<1x1x16xf32>,
        %get3A_1011 = arith.constant 2 : i32
        %get3A_1012 = arith.index_cast %get3A_1011 : i32 to index
        %get3A_1013 = arith.index_cast %scan3A_994 : i32 to index
        %get3A_1014 = arith.constant 16 : index
        %get3A_1015 = tpu.vector_load %arg6[%get3A_1012, %get3A_1013, %get3A_1014] {strides = array<i32>} : memref<4x128x64xf32, #tpu.memory_space<vmem>>, vector<1x1x16xf32>,
        %get3A_1016 = vector.shape_cast %get3A_1015 : vector<1x1x16xf32> to vector<16xf32>
        %mul3A_1017 = arith.constant 8.000000e+00 : f32
        %mul3A_1018 = vector.broadcast %mul3A_1017 : f32 to vector<16xf32>
        %mul3A_1019 = arith.mulf %get3A_1016, %mul3A_1018 : vector<16xf32>
        %swap3A_1020 = arith.constant 2 : i32
        %swap3A_1021 = arith.index_cast %swap3A_1020 : i32 to index
        %swap3A_1022 = arith.index_cast %scan3A_994 : i32 to index
        %swap3A_1023 = arith.constant 16 : index
        %swap3A_1024 = tpu.vector_load %arg7[%swap3A_1021, %swap3A_1022, %swap3A_1023] {strides = array<i32>} : memref<4x128x64xf32, #tpu.memory_space<vmem>>, vector<1x1x16xf32>,
        %swap3A_1025 = vector.shape_cast %swap3A_1024 : vector<1x1x16xf32> to vector<16xf32>
        %swap3A_1026 = vector.shape_cast %mul3A_1019 : vector<16xf32> to vector<1x1x16xf32>
        tpu.vector_store %arg7[%swap3A_1021, %swap3A_1022, %swap3A_1023], %swap3A_1026 {strides = array<i32>} : memref<4x128x64xf32, #tpu.memory_space<vmem>>, vector<1x1x16xf32>,
        %get3A_1027 = arith.constant 2 : i32
        %get3A_1028 = arith.index_cast %get3A_1027 : i32 to index
        %get3A_1029 = arith.index_cast %scan3A_994 : i32 to index
        %get3A_1030 = arith.constant 32 : index
        %get3A_1031 = tpu.vector_load %arg6[%get3A_1028, %get3A_1029, %get3A_1030] {strides = array<i32>} : memref<4x128x64xf32, #tpu.memory_space<vmem>>, vector<1x1x16xf32>,
        %get3A_1032 = vector.shape_cast %get3A_1031 : vector<1x1x16xf32> to vector<16xf32>
        %mul3A_1033 = arith.constant 8.000000e+00 : f32
        %mul3A_1034 = vector.broadcast %mul3A_1033 : f32 to vector<16xf32>
        %mul3A_1035 = arith.mulf %get3A_1032, %mul3A_1034 : vector<16xf32>
        %swap3A_1036 = arith.constant 2 : i32
        %swap3A_1037 = arith.index_cast %swap3A_1036 : i32 to index
        %swap3A_1038 = arith.index_cast %scan3A_994 : i32 to index
        %swap3A_1039 = arith.constant 32 : index
        %swap3A_1040 = tpu.vector_load %arg7[%swap3A_1037, %swap3A_1038, %swap3A_1039] {strides = array<i32>} : memref<4x128x64xf32, #tpu.memory_space<vmem>>, vector<1x1x16xf32>,
        %swap3A_1041 = vector.shape_cast %swap3A_1040 : vector<1x1x16xf32> to vector<16xf32>
        %swap3A_1042 = vector.shape_cast %mul3A_1035 : vector<16xf32> to vector<1x1x16xf32>
        tpu.vector_store %arg7[%swap3A_1037, %swap3A_1038, %swap3A_1039], %swap3A_1042 {strides = array<i32>} : memref<4x128x64xf32, #tpu.memory_space<vmem>>, vector<1x1x16xf32>,
        %get3A_1043 = arith.constant 2 : i32
        %get3A_1044 = arith.index_cast %get3A_1043 : i32 to index
        %get3A_1045 = arith.index_cast %scan3A_994 : i32 to index
        %get3A_1046 = arith.constant 48 : index
        %get3A_1047 = tpu.vector_load %arg6[%get3A_1044, %get3A_1045, %get3A_1046] {strides = array<i32>} : memref<4x128x64xf32, #tpu.memory_space<vmem>>, vector<1x1x16xf32>,
        %get3A_1048 = vector.shape_cast %get3A_1047 : vector<1x1x16xf32> to vector<16xf32>
        %mul3A_1049 = arith.constant 8.000000e+00 : f32
        %mul3A_1050 = vector.broadcast %mul3A_1049 : f32 to vector<16xf32>
        %mul3A_1051 = arith.mulf %get3A_1048, %mul3A_1050 : vector<16xf32>
        %swap3A_1052 = arith.constant 2 : i32
        %swap3A_1053 = arith.index_cast %swap3A_1052 : i32 to index
        %swap3A_1054 = arith.index_cast %scan3A_994 : i32 to index
        %swap3A_1055 = arith.constant 48 : index
        %swap3A_1056 = tpu.vector_load %arg7[%swap3A_1053, %swap3A_1054, %swap3A_1055] {strides = array<i32>} : memref<4x128x64xf32, #tpu.memory_space<vmem>>, vector<1x1x16xf32>,
        %swap3A_1057 = vector.shape_cast %swap3A_1056 : vector<1x1x16xf32> to vector<16xf32>
        %swap3A_1058 = vector.shape_cast %mul3A_1051 : vector<16xf32> to vector<1x1x16xf32>
        tpu.vector_store %arg7[%swap3A_1053, %swap3A_1054, %swap3A_1055], %swap3A_1058 {strides = array<i32>} : memref<4x128x64xf32, #tpu.memory_space<vmem>>, vector<1x1x16xf32>,
        %scan3A_1059 = arith.constant 3 : i32
        %scan3A_1060 = arith.addi %scan3A_864, %scan3A_1059 : i32
        %get3A_1061 = arith.constant 2 : i32
        %get3A_1062 = arith.index_cast %get3A_1061 : i32 to index
        %get3A_1063 = arith.index_cast %scan3A_1060 : i32 to index
        %get3A_1064 = arith.constant 0 : index
        %get3A_1065 = tpu.vector_load %arg6[%get3A_1062, %get3A_1063, %get3A_1064] {strides = array<i32>} : memref<4x128x64xf32, #tpu.memory_space<vmem>>, vector<1x1x16xf32>,
        %get3A_1066 = vector.shape_cast %get3A_1065 : vector<1x1x16xf32> to vector<16xf32>
        %mul3A_1067 = arith.constant 8.000000e+00 : f32
        %mul3A_1068 = vector.broadcast %mul3A_1067 : f32 to vector<16xf32>
        %mul3A_1069 = arith.mulf %get3A_1066, %mul3A_1068 : vector<16xf32>
        %swap3A_1070 = arith.constant 2 : i32
        %swap3A_1071 = arith.index_cast %swap3A_1070 : i32 to index
        %swap3A_1072 = arith.index_cast %scan3A_1060 : i32 to index
        %swap3A_1073 = arith.constant 0 : index
        %swap3A_1074 = tpu.vector_load %arg7[%swap3A_1071, %swap3A_1072, %swap3A_1073] {strides = array<i32>} : memref<4x128x64xf32, #tpu.memory_space<vmem>>, vector<1x1x16xf32>,
        %swap3A_1075 = vector.shape_cast %swap3A_1074 : vector<1x1x16xf32> to vector<16xf32>
        %swap3A_1076 = vector.shape_cast %mul3A_1069 : vector<16xf32> to vector<1x1x16xf32>
        tpu.vector_store %arg7[%swap3A_1071, %swap3A_1072, %swap3A_1073], %swap3A_1076 {strides = array<i32>} : memref<4x128x64xf32, #tpu.memory_space<vmem>>, vector<1x1x16xf32>,
        %get3A_1077 = arith.constant 2 : i32
        %get3A_1078 = arith.index_cast %get3A_1077 : i32 to index
        %get3A_1079 = arith.index_cast %scan3A_1060 : i32 to index
        %get3A_1080 = arith.constant 16 : index
        %get3A_1081 = tpu.vector_load %arg6[%get3A_1078, %get3A_1079, %get3A_1080] {strides = array<i32>} : memref<4x128x64xf32, #tpu.memory_space<vmem>>, vector<1x1x16xf32>,
        %get3A_1082 = vector.shape_cast %get3A_1081 : vector<1x1x16xf32> to vector<16xf32>
        %mul3A_1083 = arith.constant 8.000000e+00 : f32
        %mul3A_1084 = vector.broadcast %mul3A_1083 : f32 to vector<16xf32>
        %mul3A_1085 = arith.mulf %get3A_1082, %mul3A_1084 : vector<16xf32>
        %swap3A_1086 = arith.constant 2 : i32
        %swap3A_1087 = arith.index_cast %swap3A_1086 : i32 to index
        %swap3A_1088 = arith.index_cast %scan3A_1060 : i32 to index
        %swap3A_1089 = arith.constant 16 : index
        %swap3A_1090 = tpu.vector_load %arg7[%swap3A_1087, %swap3A_1088, %swap3A_1089] {strides = array<i32>} : memref<4x128x64xf32, #tpu.memory_space<vmem>>, vector<1x1x16xf32>,
        %swap3A_1091 = vector.shape_cast %swap3A_1090 : vector<1x1x16xf32> to vector<16xf32>
        %swap3A_1092 = vector.shape_cast %mul3A_1085 : vector<16xf32> to vector<1x1x16xf32>
        tpu.vector_store %arg7[%swap3A_1087, %swap3A_1088, %swap3A_1089], %swap3A_1092 {strides = array<i32>} : memref<4x128x64xf32, #tpu.memory_space<vmem>>, vector<1x1x16xf32>,
        %get3A_1093 = arith.constant 2 : i32
        %get3A_1094 = arith.index_cast %get3A_1093 : i32 to index
        %get3A_1095 = arith.index_cast %scan3A_1060 : i32 to index
        %get3A_1096 = arith.constant 32 : index
        %get3A_1097 = tpu.vector_load %arg6[%get3A_1094, %get3A_1095, %get3A_1096] {strides = array<i32>} : memref<4x128x64xf32, #tpu.memory_space<vmem>>, vector<1x1x16xf32>,
        %get3A_1098 = vector.shape_cast %get3A_1097 : vector<1x1x16xf32> to vector<16xf32>
        %mul3A_1099 = arith.constant 8.000000e+00 : f32
        %mul3A_1100 = vector.broadcast %mul3A_1099 : f32 to vector<16xf32>
        %mul3A_1101 = arith.mulf %get3A_1098, %mul3A_1100 : vector<16xf32>
        %swap3A_1102 = arith.constant 2 : i32
        %swap3A_1103 = arith.index_cast %swap3A_1102 : i32 to index
        %swap3A_1104 = arith.index_cast %scan3A_1060 : i32 to index
        %swap3A_1105 = arith.constant 32 : index
        %swap3A_1106 = tpu.vector_load %arg7[%swap3A_1103, %swap3A_1104, %swap3A_1105] {strides = array<i32>} : memref<4x128x64xf32, #tpu.memory_space<vmem>>, vector<1x1x16xf32>,
        %swap3A_1107 = vector.shape_cast %swap3A_1106 : vector<1x1x16xf32> to vector<16xf32>
        %swap3A_1108 = vector.shape_cast %mul3A_1101 : vector<16xf32> to vector<1x1x16xf32>
        tpu.vector_store %arg7[%swap3A_1103, %swap3A_1104, %swap3A_1105], %swap3A_1108 {strides = array<i32>} : memref<4x128x64xf32, #tpu.memory_space<vmem>>, vector<1x1x16xf32>,
        %get3A_1109 = arith.constant 2 : i32
        %get3A_1110 = arith.index_cast %get3A_1109 : i32 to index
        %get3A_1111 = arith.index_cast %scan3A_1060 : i32 to index
        %get3A_1112 = arith.constant 48 : index
        %get3A_1113 = tpu.vector_load %arg6[%get3A_1110, %get3A_1111, %get3A_1112] {strides = array<i32>} : memref<4x128x64xf32, #tpu.memory_space<vmem>>, vector<1x1x16xf32>,
        %get3A_1114 = vector.shape_cast %get3A_1113 : vector<1x1x16xf32> to vector<16xf32>
        %mul3A_1115 = arith.constant 8.000000e+00 : f32
        %mul3A_1116 = vector.broadcast %mul3A_1115 : f32 to vector<16xf32>
        %mul3A_1117 = arith.mulf %get3A_1114, %mul3A_1116 : vector<16xf32>
        %swap3A_1118 = arith.constant 2 : i32
        %swap3A_1119 = arith.index_cast %swap3A_1118 : i32 to index
        %swap3A_1120 = arith.index_cast %scan3A_1060 : i32 to index
        %swap3A_1121 = arith.constant 48 : index
        %swap3A_1122 = tpu.vector_load %arg7[%swap3A_1119, %swap3A_1120, %swap3A_1121] {strides = array<i32>} : memref<4x128x64xf32, #tpu.memory_space<vmem>>, vector<1x1x16xf32>,
        %swap3A_1123 = vector.shape_cast %swap3A_1122 : vector<1x1x16xf32> to vector<16xf32>
        %swap3A_1124 = vector.shape_cast %mul3A_1117 : vector<16xf32> to vector<1x1x16xf32>
        tpu.vector_store %arg7[%swap3A_1119, %swap3A_1120, %swap3A_1121], %swap3A_1124 {strides = array<i32>} : memref<4x128x64xf32, #tpu.memory_space<vmem>>, vector<1x1x16xf32>,
      }
      %scan3A_750 = arith.constant 128 : i32
      %add3A_751 = arith.constant 4 : i32
      %add3A_752 = arith.addi %add3A_709, %add3A_751 : i32
      %mul3A_753 = arith.constant 128 : i32
      %mul3A_754 = arith.muli %add3A_752, %mul3A_753 : i32
      %dma_start3A_755 = arith.constant 2 : i32
      %dma_start3A_756 = arith.constant 2 : i32
      %dma_start3A_757 = arith.constant 0 : i32
      %dma_start3A_758 = arith.constant 0 : i32
      %dma_start3A_759 = tpu.memref_slice %arg6[%dma_start3A_755, %dma_start3A_757, %dma_start3A_758] : memref<4x128x64xf32, #tpu.memory_space<vmem>> -> memref<1x128x64xf32, #tpu.memory_space<vmem>>
      %dma_start3A_760 = tpu.memref_squeeze %dma_start3A_759 : memref<1x128x64xf32, #tpu.memory_space<vmem>> -> memref<128x64xf32, #tpu.memory_space<vmem>>
      %dma_start3A_761 = tpu.memref_slice %arg5[%mul3A_754] : memref<25600xi32, #tpu.memory_space<vmem>> -> memref<128xi32, #tpu.memory_space<vmem>>
      %dma_start3A_762 = arith.constant 0 : i32
      %dma_start3A_763 = arith.constant 0 : i32
      %dma_start3A_764 = tpu.memref_slice %arg3[%dma_start3A_762, %dma_start3A_763] : memref<1000000x64xf32, #tpu.memory_space<hbm>> -> memref<1000000x64xf32, #tpu.memory_space<hbm>>
      %dma_start3A_765 = tpu.memref_slice %arg8[%dma_start3A_756] : memref<4x!tpu.dma_semaphore, #tpu.memory_space<semaphore_mem>> -> memref<1x!tpu.dma_semaphore, #tpu.memory_space<semaphore_mem>>
      %dma_start3A_766 = tpu.memref_squeeze %dma_start3A_765 : memref<1x!tpu.dma_semaphore, #tpu.memory_space<semaphore_mem>> -> memref<!tpu.dma_semaphore, #tpu.memory_space<semaphore_mem>>
      tpu.enqueue_indirect_dma source(%dma_start3A_764 : memref<1000000x64xf32, #tpu.memory_space<hbm>>) target(%dma_start3A_760 : memref<128x64xf32, #tpu.memory_space<vmem>>) offsets(%dma_start3A_761 : memref<128xi32, #tpu.memory_space<vmem>>) semaphore(%dma_start3A_766 : memref<!tpu.dma_semaphore, #tpu.memory_space<semaphore_mem>>)
      %mul3A_767 = arith.constant 128 : i32
      %mul3A_768 = arith.muli %add3A_709, %mul3A_767 : i32
      %add3A_769 = arith.addi %mul3A_2, %mul3A_768 : i32
      %dma_start3A_770 = arith.constant 2 : i32
      %dma_start3A_771 = arith.constant 2 : i32
      %dma_start3A_772 = arith.constant 0 : i32
      %dma_start3A_773 = arith.constant 0 : i32
      %dma_start3A_774 = tpu.memref_slice %arg7[%dma_start3A_770, %dma_start3A_772, %dma_start3A_773] : memref<4x128x64xf32, #tpu.memory_space<vmem>> -> memref<1x128x64xf32, #tpu.memory_space<vmem>>
      %dma_start3A_775 = tpu.memref_squeeze %dma_start3A_774 : memref<1x128x64xf32, #tpu.memory_space<vmem>> -> memref<128x64xf32, #tpu.memory_space<vmem>>
      %dma_start3A_776 = arith.constant 0 : i32
      %dma_start3A_777 = tpu.memref_slice %arg4[%add3A_769, %dma_start3A_776] : memref<819200x64xf32, #tpu.memory_space<hbm>> -> memref<128x64xf32, #tpu.memory_space<hbm>>
      %dma_start3A_778 = tpu.memref_slice %arg9[%dma_start3A_771] : memref<4x!tpu.dma_semaphore, #tpu.memory_space<semaphore_mem>> -> memref<1x!tpu.dma_semaphore, #tpu.memory_space<semaphore_mem>>
      %dma_start3A_779 = tpu.memref_squeeze %dma_start3A_778 : memref<1x!tpu.dma_semaphore, #tpu.memory_space<semaphore_mem>> -> memref<!tpu.dma_semaphore, #tpu.memory_space<semaphore_mem>>
      %dma_start3A_780 = arith.constant 0 : i32
      %dma_start3A_781 = tpu.memref_slice %arg4[%add3A_769, %dma_start3A_780] : memref<819200x64xf32, #tpu.memory_space<hbm>> -> memref<128x64xf32, #tpu.memory_space<hbm>>
      %dma_start3A_782 = arith.constant 0 : i32
      %dma_start3A_783 = arith.constant 0 : i32
      %dma_start3A_784 = tpu.memref_slice %arg7[%dma_start3A_770, %dma_start3A_782, %dma_start3A_783] : memref<4x128x64xf32, #tpu.memory_space<vmem>> -> memref<1x128x64xf32, #tpu.memory_space<vmem>>
      %dma_start3A_785 = tpu.memref_squeeze %dma_start3A_784 : memref<1x128x64xf32, #tpu.memory_space<vmem>> -> memref<128x64xf32, #tpu.memory_space<vmem>>
      tpu.enqueue_dma source(%dma_start3A_785 : memref<128x64xf32, #tpu.memory_space<vmem>>) target(%dma_start3A_781 : memref<128x64xf32, #tpu.memory_space<hbm>>) target_semaphore(%dma_start3A_779 : memref<!tpu.dma_semaphore, #tpu.memory_space<semaphore_mem>>)
      %add3A_786 = arith.constant 3 : i32
      %add3A_787 = arith.addi %mul3A_552, %add3A_786 : i32
      %mul3A_788 = arith.constant 128 : i32
      %mul3A_789 = arith.muli %add3A_787, %mul3A_788 : i32
      %dma_wait3A_790 = arith.constant 3 : i32
      %dma_wait3A_791 = arith.constant 3 : i32
      %dma_wait3A_792 = arith.constant 0 : i32
      %dma_wait3A_793 = arith.constant 0 : i32
      %dma_wait3A_794 = tpu.memref_slice %arg6[%dma_wait3A_790, %dma_wait3A_792, %dma_wait3A_793] : memref<4x128x64xf32, #tpu.memory_space<vmem>> -> memref<1x128x64xf32, #tpu.memory_space<vmem>>
      %dma_wait3A_795 = tpu.memref_squeeze %dma_wait3A_794 : memref<1x128x64xf32, #tpu.memory_space<vmem>> -> memref<128x64xf32, #tpu.memory_space<vmem>>
      %dma_wait3A_796 = tpu.memref_slice %arg5[%mul3A_789] : memref<25600xi32, #tpu.memory_space<vmem>> -> memref<128xi32, #tpu.memory_space<vmem>>
      %dma_wait3A_797 = arith.constant 0 : i32
      %dma_wait3A_798 = arith.constant 0 : i32
      %dma_wait3A_799 = tpu.memref_slice %arg3[%dma_wait3A_797, %dma_wait3A_798] : memref<1000000x64xf32, #tpu.memory_space<hbm>> -> memref<1000000x64xf32, #tpu.memory_space<hbm>>
      %dma_wait3A_800 = tpu.memref_slice %arg8[%dma_wait3A_791] : memref<4x!tpu.dma_semaphore, #tpu.memory_space<semaphore_mem>> -> memref<1x!tpu.dma_semaphore, #tpu.memory_space<semaphore_mem>>
      %dma_wait3A_801 = tpu.memref_squeeze %dma_wait3A_800 : memref<1x!tpu.dma_semaphore, #tpu.memory_space<semaphore_mem>> -> memref<!tpu.dma_semaphore, #tpu.memory_space<semaphore_mem>>
      tpu.wait_indirect_dma semaphore(%dma_wait3A_801 : memref<!tpu.dma_semaphore, #tpu.memory_space<semaphore_mem>>) src(%dma_wait3A_799 : memref<1000000x64xf32, #tpu.memory_space<hbm>>) dst(%dma_wait3A_795 : memref<128x64xf32, #tpu.memory_space<vmem>>)
      %sub3A_802 = arith.constant 4 : i32
      %sub3A_803 = arith.subi %add3A_787, %sub3A_802 : i32
      %mul3A_804 = arith.constant 128 : i32
      %mul3A_805 = arith.muli %sub3A_803, %mul3A_804 : i32
      %add3A_806 = arith.addi %mul3A_2, %mul3A_805 : i32
      %dma_wait3A_807 = arith.constant 3 : i32
      %dma_wait3A_808 = arith.constant 3 : i32
      %dma_wait3A_809 = arith.constant 0 : i32
      %dma_wait3A_810 = arith.constant 0 : i32
      %dma_wait3A_811 = tpu.memref_slice %arg7[%dma_wait3A_807, %dma_wait3A_809, %dma_wait3A_810] : memref<4x128x64xf32, #tpu.memory_space<vmem>> -> memref<1x128x64xf32, #tpu.memory_space<vmem>>
      %dma_wait3A_812 = tpu.memref_squeeze %dma_wait3A_811 : memref<1x128x64xf32, #tpu.memory_space<vmem>> -> memref<128x64xf32, #tpu.memory_space<vmem>>
      %dma_wait3A_813 = arith.constant 0 : i32
      %dma_wait3A_814 = tpu.memref_slice %arg4[%add3A_806, %dma_wait3A_813] : memref<819200x64xf32, #tpu.memory_space<hbm>> -> memref<128x64xf32, #tpu.memory_space<hbm>>
      %dma_wait3A_815 = tpu.memref_slice %arg9[%dma_wait3A_808] : memref<4x!tpu.dma_semaphore, #tpu.memory_space<semaphore_mem>> -> memref<1x!tpu.dma_semaphore, #tpu.memory_space<semaphore_mem>>
      %dma_wait3A_816 = tpu.memref_squeeze %dma_wait3A_815 : memref<1x!tpu.dma_semaphore, #tpu.memory_space<semaphore_mem>> -> memref<!tpu.dma_semaphore, #tpu.memory_space<semaphore_mem>>
      %dma_wait3A_817 = arith.constant 0 : i32
      %dma_wait3A_818 = tpu.memref_slice %arg4[%add3A_806, %dma_wait3A_817] : memref<819200x64xf32, #tpu.memory_space<hbm>> -> memref<128x64xf32, #tpu.memory_space<hbm>>
      %dma_wait3A_819 = arith.constant 0 : i32
      %dma_wait3A_820 = arith.constant 0 : i32
      %dma_wait3A_821 = tpu.memref_slice %arg7[%dma_wait3A_807, %dma_wait3A_819, %dma_wait3A_820] : memref<4x128x64xf32, #tpu.memory_space<vmem>> -> memref<1x128x64xf32, #tpu.memory_space<vmem>>
      %dma_wait3A_822 = tpu.memref_squeeze %dma_wait3A_821 : memref<1x128x64xf32, #tpu.memory_space<vmem>> -> memref<128x64xf32, #tpu.memory_space<vmem>>
      tpu.wait_dma2 semaphore(%dma_wait3A_816 : memref<!tpu.dma_semaphore, #tpu.memory_space<semaphore_mem>>) src(%dma_wait3A_822 : memref<128x64xf32, #tpu.memory_space<vmem>>) dst(%dma_wait3A_818 : memref<128x64xf32, #tpu.memory_space<hbm>>)
      %scan3A_823 = arith.constant 0 : i32
      %scan3A_824 = arith.constant 0 : i32
      %scan3A_825 = arith.constant 128 : i32
      %scan3A_826 = arith.addi %scan3A_824, %scan3A_825 : i32
      %scan3A_827 = arith.constant 4 : i32
      scf.for %scan3A_864 = %scan3A_824 to %scan3A_826 step %scan3A_827  : i32 {
        %get3A = arith.constant 3 : i32
        %get3A_865 = arith.index_cast %get3A : i32 to index
        %get3A_866 = arith.index_cast %scan3A_864 : i32 to index
        %get3A_867 = arith.constant 0 : index
        %get3A_868 = tpu.vector_load %arg6[%get3A_865, %get3A_866, %get3A_867] {strides = array<i32>} : memref<4x128x64xf32, #tpu.memory_space<vmem>>, vector<1x1x16xf32>,
        %get3A_869 = vector.shape_cast %get3A_868 : vector<1x1x16xf32> to vector<16xf32>
        %mul3A_870 = arith.constant 8.000000e+00 : f32
        %mul3A_871 = vector.broadcast %mul3A_870 : f32 to vector<16xf32>
        %mul3A_872 = arith.mulf %get3A_869, %mul3A_871 : vector<16xf32>
        %swap3A = arith.constant 3 : i32
        %swap3A_873 = arith.index_cast %swap3A : i32 to index
        %swap3A_874 = arith.index_cast %scan3A_864 : i32 to index
        %swap3A_875 = arith.constant 0 : index
        %swap3A_876 = tpu.vector_load %arg7[%swap3A_873, %swap3A_874, %swap3A_875] {strides = array<i32>} : memref<4x128x64xf32, #tpu.memory_space<vmem>>, vector<1x1x16xf32>,
        %swap3A_877 = vector.shape_cast %swap3A_876 : vector<1x1x16xf32> to vector<16xf32>
        %swap3A_878 = vector.shape_cast %mul3A_872 : vector<16xf32> to vector<1x1x16xf32>
        tpu.vector_store %arg7[%swap3A_873, %swap3A_874, %swap3A_875], %swap3A_878 {strides = array<i32>} : memref<4x128x64xf32, #tpu.memory_space<vmem>>, vector<1x1x16xf32>,
        %get3A_879 = arith.constant 3 : i32
        %get3A_880 = arith.index_cast %get3A_879 : i32 to index
        %get3A_881 = arith.index_cast %scan3A_864 : i32 to index
        %get3A_882 = arith.constant 16 : index
        %get3A_883 = tpu.vector_load %arg6[%get3A_880, %get3A_881, %get3A_882] {strides = array<i32>} : memref<4x128x64xf32, #tpu.memory_space<vmem>>, vector<1x1x16xf32>,
        %get3A_884 = vector.shape_cast %get3A_883 : vector<1x1x16xf32> to vector<16xf32>
        %mul3A_885 = arith.constant 8.000000e+00 : f32
        %mul3A_886 = vector.broadcast %mul3A_885 : f32 to vector<16xf32>
        %mul3A_887 = arith.mulf %get3A_884, %mul3A_886 : vector<16xf32>
        %swap3A_888 = arith.constant 3 : i32
        %swap3A_889 = arith.index_cast %swap3A_888 : i32 to index
        %swap3A_890 = arith.index_cast %scan3A_864 : i32 to index
        %swap3A_891 = arith.constant 16 : index
        %swap3A_892 = tpu.vector_load %arg7[%swap3A_889, %swap3A_890, %swap3A_891] {strides = array<i32>} : memref<4x128x64xf32, #tpu.memory_space<vmem>>, vector<1x1x16xf32>,
        %swap3A_893 = vector.shape_cast %swap3A_892 : vector<1x1x16xf32> to vector<16xf32>
        %swap3A_894 = vector.shape_cast %mul3A_887 : vector<16xf32> to vector<1x1x16xf32>
        tpu.vector_store %arg7[%swap3A_889, %swap3A_890, %swap3A_891], %swap3A_894 {strides = array<i32>} : memref<4x128x64xf32, #tpu.memory_space<vmem>>, vector<1x1x16xf32>,
        %get3A_895 = arith.constant 3 : i32
        %get3A_896 = arith.index_cast %get3A_895 : i32 to index
        %get3A_897 = arith.index_cast %scan3A_864 : i32 to index
        %get3A_898 = arith.constant 32 : index
        %get3A_899 = tpu.vector_load %arg6[%get3A_896, %get3A_897, %get3A_898] {strides = array<i32>} : memref<4x128x64xf32, #tpu.memory_space<vmem>>, vector<1x1x16xf32>,
        %get3A_900 = vector.shape_cast %get3A_899 : vector<1x1x16xf32> to vector<16xf32>
        %mul3A_901 = arith.constant 8.000000e+00 : f32
        %mul3A_902 = vector.broadcast %mul3A_901 : f32 to vector<16xf32>
        %mul3A_903 = arith.mulf %get3A_900, %mul3A_902 : vector<16xf32>
        %swap3A_904 = arith.constant 3 : i32
        %swap3A_905 = arith.index_cast %swap3A_904 : i32 to index
        %swap3A_906 = arith.index_cast %scan3A_864 : i32 to index
        %swap3A_907 = arith.constant 32 : index
        %swap3A_908 = tpu.vector_load %arg7[%swap3A_905, %swap3A_906, %swap3A_907] {strides = array<i32>} : memref<4x128x64xf32, #tpu.memory_space<vmem>>, vector<1x1x16xf32>,
        %swap3A_909 = vector.shape_cast %swap3A_908 : vector<1x1x16xf32> to vector<16xf32>
        %swap3A_910 = vector.shape_cast %mul3A_903 : vector<16xf32> to vector<1x1x16xf32>
        tpu.vector_store %arg7[%swap3A_905, %swap3A_906, %swap3A_907], %swap3A_910 {strides = array<i32>} : memref<4x128x64xf32, #tpu.memory_space<vmem>>, vector<1x1x16xf32>,
        %get3A_911 = arith.constant 3 : i32
        %get3A_912 = arith.index_cast %get3A_911 : i32 to index
        %get3A_913 = arith.index_cast %scan3A_864 : i32 to index
        %get3A_914 = arith.constant 48 : index
        %get3A_915 = tpu.vector_load %arg6[%get3A_912, %get3A_913, %get3A_914] {strides = array<i32>} : memref<4x128x64xf32, #tpu.memory_space<vmem>>, vector<1x1x16xf32>,
        %get3A_916 = vector.shape_cast %get3A_915 : vector<1x1x16xf32> to vector<16xf32>
        %mul3A_917 = arith.constant 8.000000e+00 : f32
        %mul3A_918 = vector.broadcast %mul3A_917 : f32 to vector<16xf32>
        %mul3A_919 = arith.mulf %get3A_916, %mul3A_918 : vector<16xf32>
        %swap3A_920 = arith.constant 3 : i32
        %swap3A_921 = arith.index_cast %swap3A_920 : i32 to index
        %swap3A_922 = arith.index_cast %scan3A_864 : i32 to index
        %swap3A_923 = arith.constant 48 : index
        %swap3A_924 = tpu.vector_load %arg7[%swap3A_921, %swap3A_922, %swap3A_923] {strides = array<i32>} : memref<4x128x64xf32, #tpu.memory_space<vmem>>, vector<1x1x16xf32>,
        %swap3A_925 = vector.shape_cast %swap3A_924 : vector<1x1x16xf32> to vector<16xf32>
        %swap3A_926 = vector.shape_cast %mul3A_919 : vector<16xf32> to vector<1x1x16xf32>
        tpu.vector_store %arg7[%swap3A_921, %swap3A_922, %swap3A_923], %swap3A_926 {strides = array<i32>} : memref<4x128x64xf32, #tpu.memory_space<vmem>>, vector<1x1x16xf32>,
        %scan3A_927 = arith.constant 1 : i32
        %scan3A_928 = arith.addi %scan3A_864, %scan3A_927 : i32
        %get3A_929 = arith.constant 3 : i32
        %get3A_930 = arith.index_cast %get3A_929 : i32 to index
        %get3A_931 = arith.index_cast %scan3A_928 : i32 to index
        %get3A_932 = arith.constant 0 : index
        %get3A_933 = tpu.vector_load %arg6[%get3A_930, %get3A_931, %get3A_932] {strides = array<i32>} : memref<4x128x64xf32, #tpu.memory_space<vmem>>, vector<1x1x16xf32>,
        %get3A_934 = vector.shape_cast %get3A_933 : vector<1x1x16xf32> to vector<16xf32>
        %mul3A_935 = arith.constant 8.000000e+00 : f32
        %mul3A_936 = vector.broadcast %mul3A_935 : f32 to vector<16xf32>
        %mul3A_937 = arith.mulf %get3A_934, %mul3A_936 : vector<16xf32>
        %swap3A_938 = arith.constant 3 : i32
        %swap3A_939 = arith.index_cast %swap3A_938 : i32 to index
        %swap3A_940 = arith.index_cast %scan3A_928 : i32 to index
        %swap3A_941 = arith.constant 0 : index
        %swap3A_942 = tpu.vector_load %arg7[%swap3A_939, %swap3A_940, %swap3A_941] {strides = array<i32>} : memref<4x128x64xf32, #tpu.memory_space<vmem>>, vector<1x1x16xf32>,
        %swap3A_943 = vector.shape_cast %swap3A_942 : vector<1x1x16xf32> to vector<16xf32>
        %swap3A_944 = vector.shape_cast %mul3A_937 : vector<16xf32> to vector<1x1x16xf32>
        tpu.vector_store %arg7[%swap3A_939, %swap3A_940, %swap3A_941], %swap3A_944 {strides = array<i32>} : memref<4x128x64xf32, #tpu.memory_space<vmem>>, vector<1x1x16xf32>,
        %get3A_945 = arith.constant 3 : i32
        %get3A_946 = arith.index_cast %get3A_945 : i32 to index
        %get3A_947 = arith.index_cast %scan3A_928 : i32 to index
        %get3A_948 = arith.constant 16 : index
        %get3A_949 = tpu.vector_load %arg6[%get3A_946, %get3A_947, %get3A_948] {strides = array<i32>} : memref<4x128x64xf32, #tpu.memory_space<vmem>>, vector<1x1x16xf32>,
        %get3A_950 = vector.shape_cast %get3A_949 : vector<1x1x16xf32> to vector<16xf32>
        %mul3A_951 = arith.constant 8.000000e+00 : f32
        %mul3A_952 = vector.broadcast %mul3A_951 : f32 to vector<16xf32>
        %mul3A_953 = arith.mulf %get3A_950, %mul3A_952 : vector<16xf32>
        %swap3A_954 = arith.constant 3 : i32
        %swap3A_955 = arith.index_cast %swap3A_954 : i32 to index
        %swap3A_956 = arith.index_cast %scan3A_928 : i32 to index
        %swap3A_957 = arith.constant 16 : index
        %swap3A_958 = tpu.vector_load %arg7[%swap3A_955, %swap3A_956, %swap3A_957] {strides = array<i32>} : memref<4x128x64xf32, #tpu.memory_space<vmem>>, vector<1x1x16xf32>,
        %swap3A_959 = vector.shape_cast %swap3A_958 : vector<1x1x16xf32> to vector<16xf32>
        %swap3A_960 = vector.shape_cast %mul3A_953 : vector<16xf32> to vector<1x1x16xf32>
        tpu.vector_store %arg7[%swap3A_955, %swap3A_956, %swap3A_957], %swap3A_960 {strides = array<i32>} : memref<4x128x64xf32, #tpu.memory_space<vmem>>, vector<1x1x16xf32>,
        %get3A_961 = arith.constant 3 : i32
        %get3A_962 = arith.index_cast %get3A_961 : i32 to index
        %get3A_963 = arith.index_cast %scan3A_928 : i32 to index
        %get3A_964 = arith.constant 32 : index
        %get3A_965 = tpu.vector_load %arg6[%get3A_962, %get3A_963, %get3A_964] {strides = array<i32>} : memref<4x128x64xf32, #tpu.memory_space<vmem>>, vector<1x1x16xf32>,
        %get3A_966 = vector.shape_cast %get3A_965 : vector<1x1x16xf32> to vector<16xf32>
        %mul3A_967 = arith.constant 8.000000e+00 : f32
        %mul3A_968 = vector.broadcast %mul3A_967 : f32 to vector<16xf32>
        %mul3A_969 = arith.mulf %get3A_966, %mul3A_968 : vector<16xf32>
        %swap3A_970 = arith.constant 3 : i32
        %swap3A_971 = arith.index_cast %swap3A_970 : i32 to index
        %swap3A_972 = arith.index_cast %scan3A_928 : i32 to index
        %swap3A_973 = arith.constant 32 : index
        %swap3A_974 = tpu.vector_load %arg7[%swap3A_971, %swap3A_972, %swap3A_973] {strides = array<i32>} : memref<4x128x64xf32, #tpu.memory_space<vmem>>, vector<1x1x16xf32>,
        %swap3A_975 = vector.shape_cast %swap3A_974 : vector<1x1x16xf32> to vector<16xf32>
        %swap3A_976 = vector.shape_cast %mul3A_969 : vector<16xf32> to vector<1x1x16xf32>
        tpu.vector_store %arg7[%swap3A_971, %swap3A_972, %swap3A_973], %swap3A_976 {strides = array<i32>} : memref<4x128x64xf32, #tpu.memory_space<vmem>>, vector<1x1x16xf32>,
        %get3A_977 = arith.constant 3 : i32
        %get3A_978 = arith.index_cast %get3A_977 : i32 to index
        %get3A_979 = arith.index_cast %scan3A_928 : i32 to index
        %get3A_980 = arith.constant 48 : index
        %get3A_981 = tpu.vector_load %arg6[%get3A_978, %get3A_979, %get3A_980] {strides = array<i32>} : memref<4x128x64xf32, #tpu.memory_space<vmem>>, vector<1x1x16xf32>,
        %get3A_982 = vector.shape_cast %get3A_981 : vector<1x1x16xf32> to vector<16xf32>
        %mul3A_983 = arith.constant 8.000000e+00 : f32
        %mul3A_984 = vector.broadcast %mul3A_983 : f32 to vector<16xf32>
        %mul3A_985 = arith.mulf %get3A_982, %mul3A_984 : vector<16xf32>
        %swap3A_986 = arith.constant 3 : i32
        %swap3A_987 = arith.index_cast %swap3A_986 : i32 to index
        %swap3A_988 = arith.index_cast %scan3A_928 : i32 to index
        %swap3A_989 = arith.constant 48 : index
        %swap3A_990 = tpu.vector_load %arg7[%swap3A_987, %swap3A_988, %swap3A_989] {strides = array<i32>} : memref<4x128x64xf32, #tpu.memory_space<vmem>>, vector<1x1x16xf32>,
        %swap3A_991 = vector.shape_cast %swap3A_990 : vector<1x1x16xf32> to vector<16xf32>
        %swap3A_992 = vector.shape_cast %mul3A_985 : vector<16xf32> to vector<1x1x16xf32>
        tpu.vector_store %arg7[%swap3A_987, %swap3A_988, %swap3A_989], %swap3A_992 {strides = array<i32>} : memref<4x128x64xf32, #tpu.memory_space<vmem>>, vector<1x1x16xf32>,
        %scan3A_993 = arith.constant 2 : i32
        %scan3A_994 = arith.addi %scan3A_864, %scan3A_993 : i32
        %get3A_995 = arith.constant 3 : i32
        %get3A_996 = arith.index_cast %get3A_995 : i32 to index
        %get3A_997 = arith.index_cast %scan3A_994 : i32 to index
        %get3A_998 = arith.constant 0 : index
        %get3A_999 = tpu.vector_load %arg6[%get3A_996, %get3A_997, %get3A_998] {strides = array<i32>} : memref<4x128x64xf32, #tpu.memory_space<vmem>>, vector<1x1x16xf32>,
        %get3A_1000 = vector.shape_cast %get3A_999 : vector<1x1x16xf32> to vector<16xf32>
        %mul3A_1001 = arith.constant 8.000000e+00 : f32
        %mul3A_1002 = vector.broadcast %mul3A_1001 : f32 to vector<16xf32>
        %mul3A_1003 = arith.mulf %get3A_1000, %mul3A_1002 : vector<16xf32>
        %swap3A_1004 = arith.constant 3 : i32
        %swap3A_1005 = arith.index_cast %swap3A_1004 : i32 to index
        %swap3A_1006 = arith.index_cast %scan3A_994 : i32 to index
        %swap3A_1007 = arith.constant 0 : index
        %swap3A_1008 = tpu.vector_load %arg7[%swap3A_1005, %swap3A_1006, %swap3A_1007] {strides = array<i32>} : memref<4x128x64xf32, #tpu.memory_space<vmem>>, vector<1x1x16xf32>,
        %swap3A_1009 = vector.shape_cast %swap3A_1008 : vector<1x1x16xf32> to vector<16xf32>
        %swap3A_1010 = vector.shape_cast %mul3A_1003 : vector<16xf32> to vector<1x1x16xf32>
        tpu.vector_store %arg7[%swap3A_1005, %swap3A_1006, %swap3A_1007], %swap3A_1010 {strides = array<i32>} : memref<4x128x64xf32, #tpu.memory_space<vmem>>, vector<1x1x16xf32>,
        %get3A_1011 = arith.constant 3 : i32
        %get3A_1012 = arith.index_cast %get3A_1011 : i32 to index
        %get3A_1013 = arith.index_cast %scan3A_994 : i32 to index
        %get3A_1014 = arith.constant 16 : index
        %get3A_1015 = tpu.vector_load %arg6[%get3A_1012, %get3A_1013, %get3A_1014] {strides = array<i32>} : memref<4x128x64xf32, #tpu.memory_space<vmem>>, vector<1x1x16xf32>,
        %get3A_1016 = vector.shape_cast %get3A_1015 : vector<1x1x16xf32> to vector<16xf32>
        %mul3A_1017 = arith.constant 8.000000e+00 : f32
        %mul3A_1018 = vector.broadcast %mul3A_1017 : f32 to vector<16xf32>
        %mul3A_1019 = arith.mulf %get3A_1016, %mul3A_1018 : vector<16xf32>
        %swap3A_1020 = arith.constant 3 : i32
        %swap3A_1021 = arith.index_cast %swap3A_1020 : i32 to index
        %swap3A_1022 = arith.index_cast %scan3A_994 : i32 to index
        %swap3A_1023 = arith.constant 16 : index
        %swap3A_1024 = tpu.vector_load %arg7[%swap3A_1021, %swap3A_1022, %swap3A_1023] {strides = array<i32>} : memref<4x128x64xf32, #tpu.memory_space<vmem>>, vector<1x1x16xf32>,
        %swap3A_1025 = vector.shape_cast %swap3A_1024 : vector<1x1x16xf32> to vector<16xf32>
        %swap3A_1026 = vector.shape_cast %mul3A_1019 : vector<16xf32> to vector<1x1x16xf32>
        tpu.vector_store %arg7[%swap3A_1021, %swap3A_1022, %swap3A_1023], %swap3A_1026 {strides = array<i32>} : memref<4x128x64xf32, #tpu.memory_space<vmem>>, vector<1x1x16xf32>,
        %get3A_1027 = arith.constant 3 : i32
        %get3A_1028 = arith.index_cast %get3A_1027 : i32 to index
        %get3A_1029 = arith.index_cast %scan3A_994 : i32 to index
        %get3A_1030 = arith.constant 32 : index
        %get3A_1031 = tpu.vector_load %arg6[%get3A_1028, %get3A_1029, %get3A_1030] {strides = array<i32>} : memref<4x128x64xf32, #tpu.memory_space<vmem>>, vector<1x1x16xf32>,
        %get3A_1032 = vector.shape_cast %get3A_1031 : vector<1x1x16xf32> to vector<16xf32>
        %mul3A_1033 = arith.constant 8.000000e+00 : f32
        %mul3A_1034 = vector.broadcast %mul3A_1033 : f32 to vector<16xf32>
        %mul3A_1035 = arith.mulf %get3A_1032, %mul3A_1034 : vector<16xf32>
        %swap3A_1036 = arith.constant 3 : i32
        %swap3A_1037 = arith.index_cast %swap3A_1036 : i32 to index
        %swap3A_1038 = arith.index_cast %scan3A_994 : i32 to index
        %swap3A_1039 = arith.constant 32 : index
        %swap3A_1040 = tpu.vector_load %arg7[%swap3A_1037, %swap3A_1038, %swap3A_1039] {strides = array<i32>} : memref<4x128x64xf32, #tpu.memory_space<vmem>>, vector<1x1x16xf32>,
        %swap3A_1041 = vector.shape_cast %swap3A_1040 : vector<1x1x16xf32> to vector<16xf32>
        %swap3A_1042 = vector.shape_cast %mul3A_1035 : vector<16xf32> to vector<1x1x16xf32>
        tpu.vector_store %arg7[%swap3A_1037, %swap3A_1038, %swap3A_1039], %swap3A_1042 {strides = array<i32>} : memref<4x128x64xf32, #tpu.memory_space<vmem>>, vector<1x1x16xf32>,
        %get3A_1043 = arith.constant 3 : i32
        %get3A_1044 = arith.index_cast %get3A_1043 : i32 to index
        %get3A_1045 = arith.index_cast %scan3A_994 : i32 to index
        %get3A_1046 = arith.constant 48 : index
        %get3A_1047 = tpu.vector_load %arg6[%get3A_1044, %get3A_1045, %get3A_1046] {strides = array<i32>} : memref<4x128x64xf32, #tpu.memory_space<vmem>>, vector<1x1x16xf32>,
        %get3A_1048 = vector.shape_cast %get3A_1047 : vector<1x1x16xf32> to vector<16xf32>
        %mul3A_1049 = arith.constant 8.000000e+00 : f32
        %mul3A_1050 = vector.broadcast %mul3A_1049 : f32 to vector<16xf32>
        %mul3A_1051 = arith.mulf %get3A_1048, %mul3A_1050 : vector<16xf32>
        %swap3A_1052 = arith.constant 3 : i32
        %swap3A_1053 = arith.index_cast %swap3A_1052 : i32 to index
        %swap3A_1054 = arith.index_cast %scan3A_994 : i32 to index
        %swap3A_1055 = arith.constant 48 : index
        %swap3A_1056 = tpu.vector_load %arg7[%swap3A_1053, %swap3A_1054, %swap3A_1055] {strides = array<i32>} : memref<4x128x64xf32, #tpu.memory_space<vmem>>, vector<1x1x16xf32>,
        %swap3A_1057 = vector.shape_cast %swap3A_1056 : vector<1x1x16xf32> to vector<16xf32>
        %swap3A_1058 = vector.shape_cast %mul3A_1051 : vector<16xf32> to vector<1x1x16xf32>
        tpu.vector_store %arg7[%swap3A_1053, %swap3A_1054, %swap3A_1055], %swap3A_1058 {strides = array<i32>} : memref<4x128x64xf32, #tpu.memory_space<vmem>>, vector<1x1x16xf32>,
        %scan3A_1059 = arith.constant 3 : i32
        %scan3A_1060 = arith.addi %scan3A_864, %scan3A_1059 : i32
        %get3A_1061 = arith.constant 3 : i32
        %get3A_1062 = arith.index_cast %get3A_1061 : i32 to index
        %get3A_1063 = arith.index_cast %scan3A_1060 : i32 to index
        %get3A_1064 = arith.constant 0 : index
        %get3A_1065 = tpu.vector_load %arg6[%get3A_1062, %get3A_1063, %get3A_1064] {strides = array<i32>} : memref<4x128x64xf32, #tpu.memory_space<vmem>>, vector<1x1x16xf32>,
        %get3A_1066 = vector.shape_cast %get3A_1065 : vector<1x1x16xf32> to vector<16xf32>
        %mul3A_1067 = arith.constant 8.000000e+00 : f32
        %mul3A_1068 = vector.broadcast %mul3A_1067 : f32 to vector<16xf32>
        %mul3A_1069 = arith.mulf %get3A_1066, %mul3A_1068 : vector<16xf32>
        %swap3A_1070 = arith.constant 3 : i32
        %swap3A_1071 = arith.index_cast %swap3A_1070 : i32 to index
        %swap3A_1072 = arith.index_cast %scan3A_1060 : i32 to index
        %swap3A_1073 = arith.constant 0 : index
        %swap3A_1074 = tpu.vector_load %arg7[%swap3A_1071, %swap3A_1072, %swap3A_1073] {strides = array<i32>} : memref<4x128x64xf32, #tpu.memory_space<vmem>>, vector<1x1x16xf32>,
        %swap3A_1075 = vector.shape_cast %swap3A_1074 : vector<1x1x16xf32> to vector<16xf32>
        %swap3A_1076 = vector.shape_cast %mul3A_1069 : vector<16xf32> to vector<1x1x16xf32>
        tpu.vector_store %arg7[%swap3A_1071, %swap3A_1072, %swap3A_1073], %swap3A_1076 {strides = array<i32>} : memref<4x128x64xf32, #tpu.memory_space<vmem>>, vector<1x1x16xf32>,
        %get3A_1077 = arith.constant 3 : i32
        %get3A_1078 = arith.index_cast %get3A_1077 : i32 to index
        %get3A_1079 = arith.index_cast %scan3A_1060 : i32 to index
        %get3A_1080 = arith.constant 16 : index
        %get3A_1081 = tpu.vector_load %arg6[%get3A_1078, %get3A_1079, %get3A_1080] {strides = array<i32>} : memref<4x128x64xf32, #tpu.memory_space<vmem>>, vector<1x1x16xf32>,
        %get3A_1082 = vector.shape_cast %get3A_1081 : vector<1x1x16xf32> to vector<16xf32>
        %mul3A_1083 = arith.constant 8.000000e+00 : f32
        %mul3A_1084 = vector.broadcast %mul3A_1083 : f32 to vector<16xf32>
        %mul3A_1085 = arith.mulf %get3A_1082, %mul3A_1084 : vector<16xf32>
        %swap3A_1086 = arith.constant 3 : i32
        %swap3A_1087 = arith.index_cast %swap3A_1086 : i32 to index
        %swap3A_1088 = arith.index_cast %scan3A_1060 : i32 to index
        %swap3A_1089 = arith.constant 16 : index
        %swap3A_1090 = tpu.vector_load %arg7[%swap3A_1087, %swap3A_1088, %swap3A_1089] {strides = array<i32>} : memref<4x128x64xf32, #tpu.memory_space<vmem>>, vector<1x1x16xf32>,
        %swap3A_1091 = vector.shape_cast %swap3A_1090 : vector<1x1x16xf32> to vector<16xf32>
        %swap3A_1092 = vector.shape_cast %mul3A_1085 : vector<16xf32> to vector<1x1x16xf32>
        tpu.vector_store %arg7[%swap3A_1087, %swap3A_1088, %swap3A_1089], %swap3A_1092 {strides = array<i32>} : memref<4x128x64xf32, #tpu.memory_space<vmem>>, vector<1x1x16xf32>,
        %get3A_1093 = arith.constant 3 : i32
        %get3A_1094 = arith.index_cast %get3A_1093 : i32 to index
        %get3A_1095 = arith.index_cast %scan3A_1060 : i32 to index
        %get3A_1096 = arith.constant 32 : index
        %get3A_1097 = tpu.vector_load %arg6[%get3A_1094, %get3A_1095, %get3A_1096] {strides = array<i32>} : memref<4x128x64xf32, #tpu.memory_space<vmem>>, vector<1x1x16xf32>,
        %get3A_1098 = vector.shape_cast %get3A_1097 : vector<1x1x16xf32> to vector<16xf32>
        %mul3A_1099 = arith.constant 8.000000e+00 : f32
        %mul3A_1100 = vector.broadcast %mul3A_1099 : f32 to vector<16xf32>
        %mul3A_1101 = arith.mulf %get3A_1098, %mul3A_1100 : vector<16xf32>
        %swap3A_1102 = arith.constant 3 : i32
        %swap3A_1103 = arith.index_cast %swap3A_1102 : i32 to index
        %swap3A_1104 = arith.index_cast %scan3A_1060 : i32 to index
        %swap3A_1105 = arith.constant 32 : index
        %swap3A_1106 = tpu.vector_load %arg7[%swap3A_1103, %swap3A_1104, %swap3A_1105] {strides = array<i32>} : memref<4x128x64xf32, #tpu.memory_space<vmem>>, vector<1x1x16xf32>,
        %swap3A_1107 = vector.shape_cast %swap3A_1106 : vector<1x1x16xf32> to vector<16xf32>
        %swap3A_1108 = vector.shape_cast %mul3A_1101 : vector<16xf32> to vector<1x1x16xf32>
        tpu.vector_store %arg7[%swap3A_1103, %swap3A_1104, %swap3A_1105], %swap3A_1108 {strides = array<i32>} : memref<4x128x64xf32, #tpu.memory_space<vmem>>, vector<1x1x16xf32>,
        %get3A_1109 = arith.constant 3 : i32
        %get3A_1110 = arith.index_cast %get3A_1109 : i32 to index
        %get3A_1111 = arith.index_cast %scan3A_1060 : i32 to index
        %get3A_1112 = arith.constant 48 : index
        %get3A_1113 = tpu.vector_load %arg6[%get3A_1110, %get3A_1111, %get3A_1112] {strides = array<i32>} : memref<4x128x64xf32, #tpu.memory_space<vmem>>, vector<1x1x16xf32>,
        %get3A_1114 = vector.shape_cast %get3A_1113 : vector<1x1x16xf32> to vector<16xf32>
        %mul3A_1115 = arith.constant 8.000000e+00 : f32
        %mul3A_1116 = vector.broadcast %mul3A_1115 : f32 to vector<16xf32>
        %mul3A_1117 = arith.mulf %get3A_1114, %mul3A_1116 : vector<16xf32>
        %swap3A_1118 = arith.constant 3 : i32
        %swap3A_1119 = arith.index_cast %swap3A_1118 : i32 to index
        %swap3A_1120 = arith.index_cast %scan3A_1060 : i32 to index
        %swap3A_1121 = arith.constant 48 : index
        %swap3A_1122 = tpu.vector_load %arg7[%swap3A_1119, %swap3A_1120, %swap3A_1121] {strides = array<i32>} : memref<4x128x64xf32, #tpu.memory_space<vmem>>, vector<1x1x16xf32>,
        %swap3A_1123 = vector.shape_cast %swap3A_1122 : vector<1x1x16xf32> to vector<16xf32>
        %swap3A_1124 = vector.shape_cast %mul3A_1117 : vector<16xf32> to vector<1x1x16xf32>
        tpu.vector_store %arg7[%swap3A_1119, %swap3A_1120, %swap3A_1121], %swap3A_1124 {strides = array<i32>} : memref<4x128x64xf32, #tpu.memory_space<vmem>>, vector<1x1x16xf32>,
      }
      %scan3A_828 = arith.constant 128 : i32
      %add3A_829 = arith.constant 4 : i32
      %add3A_830 = arith.addi %add3A_787, %add3A_829 : i32
      %mul3A_831 = arith.constant 128 : i32
      %mul3A_832 = arith.muli %add3A_830, %mul3A_831 : i32
      %dma_start3A_833 = arith.constant 3 : i32
      %dma_start3A_834 = arith.constant 3 : i32
      %dma_start3A_835 = arith.constant 0 : i32
      %dma_start3A_836 = arith.constant 0 : i32
      %dma_start3A_837 = tpu.memref_slice %arg6[%dma_start3A_833, %dma_start3A_835, %dma_start3A_836] : memref<4x128x64xf32, #tpu.memory_space<vmem>> -> memref<1x128x64xf32, #tpu.memory_space<vmem>>
      %dma_start3A_838 = tpu.memref_squeeze %dma_start3A_837 : memref<1x128x64xf32, #tpu.memory_space<vmem>> -> memref<128x64xf32, #tpu.memory_space<vmem>>
      %dma_start3A_839 = tpu.memref_slice %arg5[%mul3A_832] : memref<25600xi32, #tpu.memory_space<vmem>> -> memref<128xi32, #tpu.memory_space<vmem>>
      %dma_start3A_840 = arith.constant 0 : i32
      %dma_start3A_841 = arith.constant 0 : i32
      %dma_start3A_842 = tpu.memref_slice %arg3[%dma_start3A_840, %dma_start3A_841] : memref<1000000x64xf32, #tpu.memory_space<hbm>> -> memref<1000000x64xf32, #tpu.memory_space<hbm>>
      %dma_start3A_843 = tpu.memref_slice %arg8[%dma_start3A_834] : memref<4x!tpu.dma_semaphore, #tpu.memory_space<semaphore_mem>> -> memref<1x!tpu.dma_semaphore, #tpu.memory_space<semaphore_mem>>
      %dma_start3A_844 = tpu.memref_squeeze %dma_start3A_843 : memref<1x!tpu.dma_semaphore, #tpu.memory_space<semaphore_mem>> -> memref<!tpu.dma_semaphore, #tpu.memory_space<semaphore_mem>>
      tpu.enqueue_indirect_dma source(%dma_start3A_842 : memref<1000000x64xf32, #tpu.memory_space<hbm>>) target(%dma_start3A_838 : memref<128x64xf32, #tpu.memory_space<vmem>>) offsets(%dma_start3A_839 : memref<128xi32, #tpu.memory_space<vmem>>) semaphore(%dma_start3A_844 : memref<!tpu.dma_semaphore, #tpu.memory_space<semaphore_mem>>)
      %mul3A_845 = arith.constant 128 : i32
      %mul3A_846 = arith.muli %add3A_787, %mul3A_845 : i32
      %add3A_847 = arith.addi %mul3A_2, %mul3A_846 : i32
      %dma_start3A_848 = arith.constant 3 : i32
      %dma_start3A_849 = arith.constant 3 : i32
      %dma_start3A_850 = arith.constant 0 : i32
      %dma_start3A_851 = arith.constant 0 : i32
      %dma_start3A_852 = tpu.memref_slice %arg7[%dma_start3A_848, %dma_start3A_850, %dma_start3A_851] : memref<4x128x64xf32, #tpu.memory_space<vmem>> -> memref<1x128x64xf32, #tpu.memory_space<vmem>>
      %dma_start3A_853 = tpu.memref_squeeze %dma_start3A_852 : memref<1x128x64xf32, #tpu.memory_space<vmem>> -> memref<128x64xf32, #tpu.memory_space<vmem>>
      %dma_start3A_854 = arith.constant 0 : i32
      %dma_start3A_855 = tpu.memref_slice %arg4[%add3A_847, %dma_start3A_854] : memref<819200x64xf32, #tpu.memory_space<hbm>> -> memref<128x64xf32, #tpu.memory_space<hbm>>
      %dma_start3A_856 = tpu.memref_slice %arg9[%dma_start3A_849] : memref<4x!tpu.dma_semaphore, #tpu.memory_space<semaphore_mem>> -> memref<1x!tpu.dma_semaphore, #tpu.memory_space<semaphore_mem>>
      %dma_start3A_857 = tpu.memref_squeeze %dma_start3A_856 : memref<1x!tpu.dma_semaphore, #tpu.memory_space<semaphore_mem>> -> memref<!tpu.dma_semaphore, #tpu.memory_space<semaphore_mem>>
      %dma_start3A_858 = arith.constant 0 : i32
      %dma_start3A_859 = tpu.memref_slice %arg4[%add3A_847, %dma_start3A_858] : memref<819200x64xf32, #tpu.memory_space<hbm>> -> memref<128x64xf32, #tpu.memory_space<hbm>>
      %dma_start3A_860 = arith.constant 0 : i32
      %dma_start3A_861 = arith.constant 0 : i32
      %dma_start3A_862 = tpu.memref_slice %arg7[%dma_start3A_848, %dma_start3A_860, %dma_start3A_861] : memref<4x128x64xf32, #tpu.memory_space<vmem>> -> memref<1x128x64xf32, #tpu.memory_space<vmem>>
      %dma_start3A_863 = tpu.memref_squeeze %dma_start3A_862 : memref<1x128x64xf32, #tpu.memory_space<vmem>> -> memref<128x64xf32, #tpu.memory_space<vmem>>
      tpu.enqueue_dma source(%dma_start3A_863 : memref<128x64xf32, #tpu.memory_space<vmem>>) target(%dma_start3A_859 : memref<128x64xf32, #tpu.memory_space<hbm>>) target_semaphore(%dma_start3A_857 : memref<!tpu.dma_semaphore, #tpu.memory_space<semaphore_mem>>)
    }
    %scan3A_257 = arith.constant 48 : i32
    %dma_wait3A_258 = arith.constant 0 : i32
    %dma_wait3A_259 = arith.constant 0 : i32
    %dma_wait3A_260 = arith.constant 0 : i32
    %dma_wait3A_261 = arith.constant 0 : i32
    %dma_wait3A_262 = tpu.memref_slice %arg6[%dma_wait3A_258, %dma_wait3A_260, %dma_wait3A_261] : memref<4x128x64xf32, #tpu.memory_space<vmem>> -> memref<1x128x64xf32, #tpu.memory_space<vmem>>
    %dma_wait3A_263 = tpu.memref_squeeze %dma_wait3A_262 : memref<1x128x64xf32, #tpu.memory_space<vmem>> -> memref<128x64xf32, #tpu.memory_space<vmem>>
    %dma_wait3A_264 = arith.constant 25088 : i32
    %dma_wait3A_265 = tpu.memref_slice %arg5[%dma_wait3A_264] : memref<25600xi32, #tpu.memory_space<vmem>> -> memref<128xi32, #tpu.memory_space<vmem>>
    %dma_wait3A_266 = arith.constant 0 : i32
    %dma_wait3A_267 = arith.constant 0 : i32
    %dma_wait3A_268 = tpu.memref_slice %arg3[%dma_wait3A_266, %dma_wait3A_267] : memref<1000000x64xf32, #tpu.memory_space<hbm>> -> memref<1000000x64xf32, #tpu.memory_space<hbm>>
    %dma_wait3A_269 = tpu.memref_slice %arg8[%dma_wait3A_259] : memref<4x!tpu.dma_semaphore, #tpu.memory_space<semaphore_mem>> -> memref<1x!tpu.dma_semaphore, #tpu.memory_space<semaphore_mem>>
    %dma_wait3A_270 = tpu.memref_squeeze %dma_wait3A_269 : memref<1x!tpu.dma_semaphore, #tpu.memory_space<semaphore_mem>> -> memref<!tpu.dma_semaphore, #tpu.memory_space<semaphore_mem>>
    tpu.wait_indirect_dma semaphore(%dma_wait3A_270 : memref<!tpu.dma_semaphore, #tpu.memory_space<semaphore_mem>>) src(%dma_wait3A_268 : memref<1000000x64xf32, #tpu.memory_space<hbm>>) dst(%dma_wait3A_263 : memref<128x64xf32, #tpu.memory_space<vmem>>)
    %add3A_271 = arith.constant 24576 : i32
    %add3A_272 = arith.addi %mul3A_2, %add3A_271 : i32
    %dma_wait3A_273 = arith.constant 0 : i32
    %dma_wait3A_274 = arith.constant 0 : i32
    %dma_wait3A_275 = arith.constant 0 : i32
    %dma_wait3A_276 = arith.constant 0 : i32
    %dma_wait3A_277 = tpu.memref_slice %arg7[%dma_wait3A_273, %dma_wait3A_275, %dma_wait3A_276] : memref<4x128x64xf32, #tpu.memory_space<vmem>> -> memref<1x128x64xf32, #tpu.memory_space<vmem>>
    %dma_wait3A_278 = tpu.memref_squeeze %dma_wait3A_277 : memref<1x128x64xf32, #tpu.memory_space<vmem>> -> memref<128x64xf32, #tpu.memory_space<vmem>>
    %dma_wait3A_279 = arith.constant 0 : i32
    %dma_wait3A_280 = tpu.memref_slice %arg4[%add3A_272, %dma_wait3A_279] : memref<819200x64xf32, #tpu.memory_space<hbm>> -> memref<128x64xf32, #tpu.memory_space<hbm>>
    %dma_wait3A_281 = tpu.memref_slice %arg9[%dma_wait3A_274] : memref<4x!tpu.dma_semaphore, #tpu.memory_space<semaphore_mem>> -> memref<1x!tpu.dma_semaphore, #tpu.memory_space<semaphore_mem>>
    %dma_wait3A_282 = tpu.memref_squeeze %dma_wait3A_281 : memref<1x!tpu.dma_semaphore, #tpu.memory_space<semaphore_mem>> -> memref<!tpu.dma_semaphore, #tpu.memory_space<semaphore_mem>>
    %dma_wait3A_283 = arith.constant 0 : i32
    %dma_wait3A_284 = tpu.memref_slice %arg4[%add3A_272, %dma_wait3A_283] : memref<819200x64xf32, #tpu.memory_space<hbm>> -> memref<128x64xf32, #tpu.memory_space<hbm>>
    %dma_wait3A_285 = arith.constant 0 : i32
    %dma_wait3A_286 = arith.constant 0 : i32
    %dma_wait3A_287 = tpu.memref_slice %arg7[%dma_wait3A_273, %dma_wait3A_285, %dma_wait3A_286] : memref<4x128x64xf32, #tpu.memory_space<vmem>> -> memref<1x128x64xf32, #tpu.memory_space<vmem>>
    %dma_wait3A_288 = tpu.memref_squeeze %dma_wait3A_287 : memref<1x128x64xf32, #tpu.memory_space<vmem>> -> memref<128x64xf32, #tpu.memory_space<vmem>>
    tpu.wait_dma2 semaphore(%dma_wait3A_282 : memref<!tpu.dma_semaphore, #tpu.memory_space<semaphore_mem>>) src(%dma_wait3A_288 : memref<128x64xf32, #tpu.memory_space<vmem>>) dst(%dma_wait3A_284 : memref<128x64xf32, #tpu.memory_space<hbm>>)
    %scan3A_289 = arith.constant 0 : i32
    %scan3A_290 = arith.constant 0 : i32
    %scan3A_291 = arith.constant 128 : i32
    %scan3A_292 = arith.addi %scan3A_290, %scan3A_291 : i32
    %scan3A_293 = arith.constant 4 : i32
    scf.for %scan3A_550 = %scan3A_290 to %scan3A_292 step %scan3A_293  : i32 {
      %get3A = arith.constant 0 : i32
      %get3A_551 = arith.index_cast %get3A : i32 to index
      %get3A_552 = arith.index_cast %scan3A_550 : i32 to index
      %get3A_553 = arith.constant 0 : index
      %get3A_554 = tpu.vector_load %arg6[%get3A_551, %get3A_552, %get3A_553] {strides = array<i32>} : memref<4x128x64xf32, #tpu.memory_space<vmem>>, vector<1x1x16xf32>,
      %get3A_555 = vector.shape_cast %get3A_554 : vector<1x1x16xf32> to vector<16xf32>
      %mul3A_556 = arith.constant 8.000000e+00 : f32
      %mul3A_557 = vector.broadcast %mul3A_556 : f32 to vector<16xf32>
      %mul3A_558 = arith.mulf %get3A_555, %mul3A_557 : vector<16xf32>
      %swap3A = arith.constant 0 : i32
      %swap3A_559 = arith.index_cast %swap3A : i32 to index
      %swap3A_560 = arith.index_cast %scan3A_550 : i32 to index
      %swap3A_561 = arith.constant 0 : index
      %swap3A_562 = tpu.vector_load %arg7[%swap3A_559, %swap3A_560, %swap3A_561] {strides = array<i32>} : memref<4x128x64xf32, #tpu.memory_space<vmem>>, vector<1x1x16xf32>,
      %swap3A_563 = vector.shape_cast %swap3A_562 : vector<1x1x16xf32> to vector<16xf32>
      %swap3A_564 = vector.shape_cast %mul3A_558 : vector<16xf32> to vector<1x1x16xf32>
      tpu.vector_store %arg7[%swap3A_559, %swap3A_560, %swap3A_561], %swap3A_564 {strides = array<i32>} : memref<4x128x64xf32, #tpu.memory_space<vmem>>, vector<1x1x16xf32>,
      %get3A_565 = arith.constant 0 : i32
      %get3A_566 = arith.index_cast %get3A_565 : i32 to index
      %get3A_567 = arith.index_cast %scan3A_550 : i32 to index
      %get3A_568 = arith.constant 16 : index
      %get3A_569 = tpu.vector_load %arg6[%get3A_566, %get3A_567, %get3A_568] {strides = array<i32>} : memref<4x128x64xf32, #tpu.memory_space<vmem>>, vector<1x1x16xf32>,
      %get3A_570 = vector.shape_cast %get3A_569 : vector<1x1x16xf32> to vector<16xf32>
      %mul3A_571 = arith.constant 8.000000e+00 : f32
      %mul3A_572 = vector.broadcast %mul3A_571 : f32 to vector<16xf32>
      %mul3A_573 = arith.mulf %get3A_570, %mul3A_572 : vector<16xf32>
      %swap3A_574 = arith.constant 0 : i32
      %swap3A_575 = arith.index_cast %swap3A_574 : i32 to index
      %swap3A_576 = arith.index_cast %scan3A_550 : i32 to index
      %swap3A_577 = arith.constant 16 : index
      %swap3A_578 = tpu.vector_load %arg7[%swap3A_575, %swap3A_576, %swap3A_577] {strides = array<i32>} : memref<4x128x64xf32, #tpu.memory_space<vmem>>, vector<1x1x16xf32>,
      %swap3A_579 = vector.shape_cast %swap3A_578 : vector<1x1x16xf32> to vector<16xf32>
      %swap3A_580 = vector.shape_cast %mul3A_573 : vector<16xf32> to vector<1x1x16xf32>
      tpu.vector_store %arg7[%swap3A_575, %swap3A_576, %swap3A_577], %swap3A_580 {strides = array<i32>} : memref<4x128x64xf32, #tpu.memory_space<vmem>>, vector<1x1x16xf32>,
      %get3A_581 = arith.constant 0 : i32
      %get3A_582 = arith.index_cast %get3A_581 : i32 to index
      %get3A_583 = arith.index_cast %scan3A_550 : i32 to index
      %get3A_584 = arith.constant 32 : index
      %get3A_585 = tpu.vector_load %arg6[%get3A_582, %get3A_583, %get3A_584] {strides = array<i32>} : memref<4x128x64xf32, #tpu.memory_space<vmem>>, vector<1x1x16xf32>,
      %get3A_586 = vector.shape_cast %get3A_585 : vector<1x1x16xf32> to vector<16xf32>
      %mul3A_587 = arith.constant 8.000000e+00 : f32
      %mul3A_588 = vector.broadcast %mul3A_587 : f32 to vector<16xf32>
      %mul3A_589 = arith.mulf %get3A_586, %mul3A_588 : vector<16xf32>
      %swap3A_590 = arith.constant 0 : i32
      %swap3A_591 = arith.index_cast %swap3A_590 : i32 to index
      %swap3A_592 = arith.index_cast %scan3A_550 : i32 to index
      %swap3A_593 = arith.constant 32 : index
      %swap3A_594 = tpu.vector_load %arg7[%swap3A_591, %swap3A_592, %swap3A_593] {strides = array<i32>} : memref<4x128x64xf32, #tpu.memory_space<vmem>>, vector<1x1x16xf32>,
      %swap3A_595 = vector.shape_cast %swap3A_594 : vector<1x1x16xf32> to vector<16xf32>
      %swap3A_596 = vector.shape_cast %mul3A_589 : vector<16xf32> to vector<1x1x16xf32>
      tpu.vector_store %arg7[%swap3A_591, %swap3A_592, %swap3A_593], %swap3A_596 {strides = array<i32>} : memref<4x128x64xf32, #tpu.memory_space<vmem>>, vector<1x1x16xf32>,
      %get3A_597 = arith.constant 0 : i32
      %get3A_598 = arith.index_cast %get3A_597 : i32 to index
      %get3A_599 = arith.index_cast %scan3A_550 : i32 to index
      %get3A_600 = arith.constant 48 : index
      %get3A_601 = tpu.vector_load %arg6[%get3A_598, %get3A_599, %get3A_600] {strides = array<i32>} : memref<4x128x64xf32, #tpu.memory_space<vmem>>, vector<1x1x16xf32>,
      %get3A_602 = vector.shape_cast %get3A_601 : vector<1x1x16xf32> to vector<16xf32>
      %mul3A_603 = arith.constant 8.000000e+00 : f32
      %mul3A_604 = vector.broadcast %mul3A_603 : f32 to vector<16xf32>
      %mul3A_605 = arith.mulf %get3A_602, %mul3A_604 : vector<16xf32>
      %swap3A_606 = arith.constant 0 : i32
      %swap3A_607 = arith.index_cast %swap3A_606 : i32 to index
      %swap3A_608 = arith.index_cast %scan3A_550 : i32 to index
      %swap3A_609 = arith.constant 48 : index
      %swap3A_610 = tpu.vector_load %arg7[%swap3A_607, %swap3A_608, %swap3A_609] {strides = array<i32>} : memref<4x128x64xf32, #tpu.memory_space<vmem>>, vector<1x1x16xf32>,
      %swap3A_611 = vector.shape_cast %swap3A_610 : vector<1x1x16xf32> to vector<16xf32>
      %swap3A_612 = vector.shape_cast %mul3A_605 : vector<16xf32> to vector<1x1x16xf32>
      tpu.vector_store %arg7[%swap3A_607, %swap3A_608, %swap3A_609], %swap3A_612 {strides = array<i32>} : memref<4x128x64xf32, #tpu.memory_space<vmem>>, vector<1x1x16xf32>,
      %scan3A_613 = arith.constant 1 : i32
      %scan3A_614 = arith.addi %scan3A_550, %scan3A_613 : i32
      %get3A_615 = arith.constant 0 : i32
      %get3A_616 = arith.index_cast %get3A_615 : i32 to index
      %get3A_617 = arith.index_cast %scan3A_614 : i32 to index
      %get3A_618 = arith.constant 0 : index
      %get3A_619 = tpu.vector_load %arg6[%get3A_616, %get3A_617, %get3A_618] {strides = array<i32>} : memref<4x128x64xf32, #tpu.memory_space<vmem>>, vector<1x1x16xf32>,
      %get3A_620 = vector.shape_cast %get3A_619 : vector<1x1x16xf32> to vector<16xf32>
      %mul3A_621 = arith.constant 8.000000e+00 : f32
      %mul3A_622 = vector.broadcast %mul3A_621 : f32 to vector<16xf32>
      %mul3A_623 = arith.mulf %get3A_620, %mul3A_622 : vector<16xf32>
      %swap3A_624 = arith.constant 0 : i32
      %swap3A_625 = arith.index_cast %swap3A_624 : i32 to index
      %swap3A_626 = arith.index_cast %scan3A_614 : i32 to index
      %swap3A_627 = arith.constant 0 : index
      %swap3A_628 = tpu.vector_load %arg7[%swap3A_625, %swap3A_626, %swap3A_627] {strides = array<i32>} : memref<4x128x64xf32, #tpu.memory_space<vmem>>, vector<1x1x16xf32>,
      %swap3A_629 = vector.shape_cast %swap3A_628 : vector<1x1x16xf32> to vector<16xf32>
      %swap3A_630 = vector.shape_cast %mul3A_623 : vector<16xf32> to vector<1x1x16xf32>
      tpu.vector_store %arg7[%swap3A_625, %swap3A_626, %swap3A_627], %swap3A_630 {strides = array<i32>} : memref<4x128x64xf32, #tpu.memory_space<vmem>>, vector<1x1x16xf32>,
      %get3A_631 = arith.constant 0 : i32
      %get3A_632 = arith.index_cast %get3A_631 : i32 to index
      %get3A_633 = arith.index_cast %scan3A_614 : i32 to index
      %get3A_634 = arith.constant 16 : index
      %get3A_635 = tpu.vector_load %arg6[%get3A_632, %get3A_633, %get3A_634] {strides = array<i32>} : memref<4x128x64xf32, #tpu.memory_space<vmem>>, vector<1x1x16xf32>,
      %get3A_636 = vector.shape_cast %get3A_635 : vector<1x1x16xf32> to vector<16xf32>
      %mul3A_637 = arith.constant 8.000000e+00 : f32
      %mul3A_638 = vector.broadcast %mul3A_637 : f32 to vector<16xf32>
      %mul3A_639 = arith.mulf %get3A_636, %mul3A_638 : vector<16xf32>
      %swap3A_640 = arith.constant 0 : i32
      %swap3A_641 = arith.index_cast %swap3A_640 : i32 to index
      %swap3A_642 = arith.index_cast %scan3A_614 : i32 to index
      %swap3A_643 = arith.constant 16 : index
      %swap3A_644 = tpu.vector_load %arg7[%swap3A_641, %swap3A_642, %swap3A_643] {strides = array<i32>} : memref<4x128x64xf32, #tpu.memory_space<vmem>>, vector<1x1x16xf32>,
      %swap3A_645 = vector.shape_cast %swap3A_644 : vector<1x1x16xf32> to vector<16xf32>
      %swap3A_646 = vector.shape_cast %mul3A_639 : vector<16xf32> to vector<1x1x16xf32>
      tpu.vector_store %arg7[%swap3A_641, %swap3A_642, %swap3A_643], %swap3A_646 {strides = array<i32>} : memref<4x128x64xf32, #tpu.memory_space<vmem>>, vector<1x1x16xf32>,
      %get3A_647 = arith.constant 0 : i32
      %get3A_648 = arith.index_cast %get3A_647 : i32 to index
      %get3A_649 = arith.index_cast %scan3A_614 : i32 to index
      %get3A_650 = arith.constant 32 : index
      %get3A_651 = tpu.vector_load %arg6[%get3A_648, %get3A_649, %get3A_650] {strides = array<i32>} : memref<4x128x64xf32, #tpu.memory_space<vmem>>, vector<1x1x16xf32>,
      %get3A_652 = vector.shape_cast %get3A_651 : vector<1x1x16xf32> to vector<16xf32>
      %mul3A_653 = arith.constant 8.000000e+00 : f32
      %mul3A_654 = vector.broadcast %mul3A_653 : f32 to vector<16xf32>
      %mul3A_655 = arith.mulf %get3A_652, %mul3A_654 : vector<16xf32>
      %swap3A_656 = arith.constant 0 : i32
      %swap3A_657 = arith.index_cast %swap3A_656 : i32 to index
      %swap3A_658 = arith.index_cast %scan3A_614 : i32 to index
      %swap3A_659 = arith.constant 32 : index
      %swap3A_660 = tpu.vector_load %arg7[%swap3A_657, %swap3A_658, %swap3A_659] {strides = array<i32>} : memref<4x128x64xf32, #tpu.memory_space<vmem>>, vector<1x1x16xf32>,
      %swap3A_661 = vector.shape_cast %swap3A_660 : vector<1x1x16xf32> to vector<16xf32>
      %swap3A_662 = vector.shape_cast %mul3A_655 : vector<16xf32> to vector<1x1x16xf32>
      tpu.vector_store %arg7[%swap3A_657, %swap3A_658, %swap3A_659], %swap3A_662 {strides = array<i32>} : memref<4x128x64xf32, #tpu.memory_space<vmem>>, vector<1x1x16xf32>,
      %get3A_663 = arith.constant 0 : i32
      %get3A_664 = arith.index_cast %get3A_663 : i32 to index
      %get3A_665 = arith.index_cast %scan3A_614 : i32 to index
      %get3A_666 = arith.constant 48 : index
      %get3A_667 = tpu.vector_load %arg6[%get3A_664, %get3A_665, %get3A_666] {strides = array<i32>} : memref<4x128x64xf32, #tpu.memory_space<vmem>>, vector<1x1x16xf32>,
      %get3A_668 = vector.shape_cast %get3A_667 : vector<1x1x16xf32> to vector<16xf32>
      %mul3A_669 = arith.constant 8.000000e+00 : f32
      %mul3A_670 = vector.broadcast %mul3A_669 : f32 to vector<16xf32>
      %mul3A_671 = arith.mulf %get3A_668, %mul3A_670 : vector<16xf32>
      %swap3A_672 = arith.constant 0 : i32
      %swap3A_673 = arith.index_cast %swap3A_672 : i32 to index
      %swap3A_674 = arith.index_cast %scan3A_614 : i32 to index
      %swap3A_675 = arith.constant 48 : index
      %swap3A_676 = tpu.vector_load %arg7[%swap3A_673, %swap3A_674, %swap3A_675] {strides = array<i32>} : memref<4x128x64xf32, #tpu.memory_space<vmem>>, vector<1x1x16xf32>,
      %swap3A_677 = vector.shape_cast %swap3A_676 : vector<1x1x16xf32> to vector<16xf32>
      %swap3A_678 = vector.shape_cast %mul3A_671 : vector<16xf32> to vector<1x1x16xf32>
      tpu.vector_store %arg7[%swap3A_673, %swap3A_674, %swap3A_675], %swap3A_678 {strides = array<i32>} : memref<4x128x64xf32, #tpu.memory_space<vmem>>, vector<1x1x16xf32>,
      %scan3A_679 = arith.constant 2 : i32
      %scan3A_680 = arith.addi %scan3A_550, %scan3A_679 : i32
      %get3A_681 = arith.constant 0 : i32
      %get3A_682 = arith.index_cast %get3A_681 : i32 to index
      %get3A_683 = arith.index_cast %scan3A_680 : i32 to index
      %get3A_684 = arith.constant 0 : index
      %get3A_685 = tpu.vector_load %arg6[%get3A_682, %get3A_683, %get3A_684] {strides = array<i32>} : memref<4x128x64xf32, #tpu.memory_space<vmem>>, vector<1x1x16xf32>,
      %get3A_686 = vector.shape_cast %get3A_685 : vector<1x1x16xf32> to vector<16xf32>
      %mul3A_687 = arith.constant 8.000000e+00 : f32
      %mul3A_688 = vector.broadcast %mul3A_687 : f32 to vector<16xf32>
      %mul3A_689 = arith.mulf %get3A_686, %mul3A_688 : vector<16xf32>
      %swap3A_690 = arith.constant 0 : i32
      %swap3A_691 = arith.index_cast %swap3A_690 : i32 to index
      %swap3A_692 = arith.index_cast %scan3A_680 : i32 to index
      %swap3A_693 = arith.constant 0 : index
      %swap3A_694 = tpu.vector_load %arg7[%swap3A_691, %swap3A_692, %swap3A_693] {strides = array<i32>} : memref<4x128x64xf32, #tpu.memory_space<vmem>>, vector<1x1x16xf32>,
      %swap3A_695 = vector.shape_cast %swap3A_694 : vector<1x1x16xf32> to vector<16xf32>
      %swap3A_696 = vector.shape_cast %mul3A_689 : vector<16xf32> to vector<1x1x16xf32>
      tpu.vector_store %arg7[%swap3A_691, %swap3A_692, %swap3A_693], %swap3A_696 {strides = array<i32>} : memref<4x128x64xf32, #tpu.memory_space<vmem>>, vector<1x1x16xf32>,
      %get3A_697 = arith.constant 0 : i32
      %get3A_698 = arith.index_cast %get3A_697 : i32 to index
      %get3A_699 = arith.index_cast %scan3A_680 : i32 to index
      %get3A_700 = arith.constant 16 : index
      %get3A_701 = tpu.vector_load %arg6[%get3A_698, %get3A_699, %get3A_700] {strides = array<i32>} : memref<4x128x64xf32, #tpu.memory_space<vmem>>, vector<1x1x16xf32>,
      %get3A_702 = vector.shape_cast %get3A_701 : vector<1x1x16xf32> to vector<16xf32>
      %mul3A_703 = arith.constant 8.000000e+00 : f32
      %mul3A_704 = vector.broadcast %mul3A_703 : f32 to vector<16xf32>
      %mul3A_705 = arith.mulf %get3A_702, %mul3A_704 : vector<16xf32>
      %swap3A_706 = arith.constant 0 : i32
      %swap3A_707 = arith.index_cast %swap3A_706 : i32 to index
      %swap3A_708 = arith.index_cast %scan3A_680 : i32 to index
      %swap3A_709 = arith.constant 16 : index
      %swap3A_710 = tpu.vector_load %arg7[%swap3A_707, %swap3A_708, %swap3A_709] {strides = array<i32>} : memref<4x128x64xf32, #tpu.memory_space<vmem>>, vector<1x1x16xf32>,
      %swap3A_711 = vector.shape_cast %swap3A_710 : vector<1x1x16xf32> to vector<16xf32>
      %swap3A_712 = vector.shape_cast %mul3A_705 : vector<16xf32> to vector<1x1x16xf32>
      tpu.vector_store %arg7[%swap3A_707, %swap3A_708, %swap3A_709], %swap3A_712 {strides = array<i32>} : memref<4x128x64xf32, #tpu.memory_space<vmem>>, vector<1x1x16xf32>,
      %get3A_713 = arith.constant 0 : i32
      %get3A_714 = arith.index_cast %get3A_713 : i32 to index
      %get3A_715 = arith.index_cast %scan3A_680 : i32 to index
      %get3A_716 = arith.constant 32 : index
      %get3A_717 = tpu.vector_load %arg6[%get3A_714, %get3A_715, %get3A_716] {strides = array<i32>} : memref<4x128x64xf32, #tpu.memory_space<vmem>>, vector<1x1x16xf32>,
      %get3A_718 = vector.shape_cast %get3A_717 : vector<1x1x16xf32> to vector<16xf32>
      %mul3A_719 = arith.constant 8.000000e+00 : f32
      %mul3A_720 = vector.broadcast %mul3A_719 : f32 to vector<16xf32>
      %mul3A_721 = arith.mulf %get3A_718, %mul3A_720 : vector<16xf32>
      %swap3A_722 = arith.constant 0 : i32
      %swap3A_723 = arith.index_cast %swap3A_722 : i32 to index
      %swap3A_724 = arith.index_cast %scan3A_680 : i32 to index
      %swap3A_725 = arith.constant 32 : index
      %swap3A_726 = tpu.vector_load %arg7[%swap3A_723, %swap3A_724, %swap3A_725] {strides = array<i32>} : memref<4x128x64xf32, #tpu.memory_space<vmem>>, vector<1x1x16xf32>,
      %swap3A_727 = vector.shape_cast %swap3A_726 : vector<1x1x16xf32> to vector<16xf32>
      %swap3A_728 = vector.shape_cast %mul3A_721 : vector<16xf32> to vector<1x1x16xf32>
      tpu.vector_store %arg7[%swap3A_723, %swap3A_724, %swap3A_725], %swap3A_728 {strides = array<i32>} : memref<4x128x64xf32, #tpu.memory_space<vmem>>, vector<1x1x16xf32>,
      %get3A_729 = arith.constant 0 : i32
      %get3A_730 = arith.index_cast %get3A_729 : i32 to index
      %get3A_731 = arith.index_cast %scan3A_680 : i32 to index
      %get3A_732 = arith.constant 48 : index
      %get3A_733 = tpu.vector_load %arg6[%get3A_730, %get3A_731, %get3A_732] {strides = array<i32>} : memref<4x128x64xf32, #tpu.memory_space<vmem>>, vector<1x1x16xf32>,
      %get3A_734 = vector.shape_cast %get3A_733 : vector<1x1x16xf32> to vector<16xf32>
      %mul3A_735 = arith.constant 8.000000e+00 : f32
      %mul3A_736 = vector.broadcast %mul3A_735 : f32 to vector<16xf32>
      %mul3A_737 = arith.mulf %get3A_734, %mul3A_736 : vector<16xf32>
      %swap3A_738 = arith.constant 0 : i32
      %swap3A_739 = arith.index_cast %swap3A_738 : i32 to index
      %swap3A_740 = arith.index_cast %scan3A_680 : i32 to index
      %swap3A_741 = arith.constant 48 : index
      %swap3A_742 = tpu.vector_load %arg7[%swap3A_739, %swap3A_740, %swap3A_741] {strides = array<i32>} : memref<4x128x64xf32, #tpu.memory_space<vmem>>, vector<1x1x16xf32>,
      %swap3A_743 = vector.shape_cast %swap3A_742 : vector<1x1x16xf32> to vector<16xf32>
      %swap3A_744 = vector.shape_cast %mul3A_737 : vector<16xf32> to vector<1x1x16xf32>
      tpu.vector_store %arg7[%swap3A_739, %swap3A_740, %swap3A_741], %swap3A_744 {strides = array<i32>} : memref<4x128x64xf32, #tpu.memory_space<vmem>>, vector<1x1x16xf32>,
      %scan3A_745 = arith.constant 3 : i32
      %scan3A_746 = arith.addi %scan3A_550, %scan3A_745 : i32
      %get3A_747 = arith.constant 0 : i32
      %get3A_748 = arith.index_cast %get3A_747 : i32 to index
      %get3A_749 = arith.index_cast %scan3A_746 : i32 to index
      %get3A_750 = arith.constant 0 : index
      %get3A_751 = tpu.vector_load %arg6[%get3A_748, %get3A_749, %get3A_750] {strides = array<i32>} : memref<4x128x64xf32, #tpu.memory_space<vmem>>, vector<1x1x16xf32>,
      %get3A_752 = vector.shape_cast %get3A_751 : vector<1x1x16xf32> to vector<16xf32>
      %mul3A_753 = arith.constant 8.000000e+00 : f32
      %mul3A_754 = vector.broadcast %mul3A_753 : f32 to vector<16xf32>
      %mul3A_755 = arith.mulf %get3A_752, %mul3A_754 : vector<16xf32>
      %swap3A_756 = arith.constant 0 : i32
      %swap3A_757 = arith.index_cast %swap3A_756 : i32 to index
      %swap3A_758 = arith.index_cast %scan3A_746 : i32 to index
      %swap3A_759 = arith.constant 0 : index
      %swap3A_760 = tpu.vector_load %arg7[%swap3A_757, %swap3A_758, %swap3A_759] {strides = array<i32>} : memref<4x128x64xf32, #tpu.memory_space<vmem>>, vector<1x1x16xf32>,
      %swap3A_761 = vector.shape_cast %swap3A_760 : vector<1x1x16xf32> to vector<16xf32>
      %swap3A_762 = vector.shape_cast %mul3A_755 : vector<16xf32> to vector<1x1x16xf32>
      tpu.vector_store %arg7[%swap3A_757, %swap3A_758, %swap3A_759], %swap3A_762 {strides = array<i32>} : memref<4x128x64xf32, #tpu.memory_space<vmem>>, vector<1x1x16xf32>,
      %get3A_763 = arith.constant 0 : i32
      %get3A_764 = arith.index_cast %get3A_763 : i32 to index
      %get3A_765 = arith.index_cast %scan3A_746 : i32 to index
      %get3A_766 = arith.constant 16 : index
      %get3A_767 = tpu.vector_load %arg6[%get3A_764, %get3A_765, %get3A_766] {strides = array<i32>} : memref<4x128x64xf32, #tpu.memory_space<vmem>>, vector<1x1x16xf32>,
      %get3A_768 = vector.shape_cast %get3A_767 : vector<1x1x16xf32> to vector<16xf32>
      %mul3A_769 = arith.constant 8.000000e+00 : f32
      %mul3A_770 = vector.broadcast %mul3A_769 : f32 to vector<16xf32>
      %mul3A_771 = arith.mulf %get3A_768, %mul3A_770 : vector<16xf32>
      %swap3A_772 = arith.constant 0 : i32
      %swap3A_773 = arith.index_cast %swap3A_772 : i32 to index
      %swap3A_774 = arith.index_cast %scan3A_746 : i32 to index
      %swap3A_775 = arith.constant 16 : index
      %swap3A_776 = tpu.vector_load %arg7[%swap3A_773, %swap3A_774, %swap3A_775] {strides = array<i32>} : memref<4x128x64xf32, #tpu.memory_space<vmem>>, vector<1x1x16xf32>,
      %swap3A_777 = vector.shape_cast %swap3A_776 : vector<1x1x16xf32> to vector<16xf32>
      %swap3A_778 = vector.shape_cast %mul3A_771 : vector<16xf32> to vector<1x1x16xf32>
      tpu.vector_store %arg7[%swap3A_773, %swap3A_774, %swap3A_775], %swap3A_778 {strides = array<i32>} : memref<4x128x64xf32, #tpu.memory_space<vmem>>, vector<1x1x16xf32>,
      %get3A_779 = arith.constant 0 : i32
      %get3A_780 = arith.index_cast %get3A_779 : i32 to index
      %get3A_781 = arith.index_cast %scan3A_746 : i32 to index
      %get3A_782 = arith.constant 32 : index
      %get3A_783 = tpu.vector_load %arg6[%get3A_780, %get3A_781, %get3A_782] {strides = array<i32>} : memref<4x128x64xf32, #tpu.memory_space<vmem>>, vector<1x1x16xf32>,
      %get3A_784 = vector.shape_cast %get3A_783 : vector<1x1x16xf32> to vector<16xf32>
      %mul3A_785 = arith.constant 8.000000e+00 : f32
      %mul3A_786 = vector.broadcast %mul3A_785 : f32 to vector<16xf32>
      %mul3A_787 = arith.mulf %get3A_784, %mul3A_786 : vector<16xf32>
      %swap3A_788 = arith.constant 0 : i32
      %swap3A_789 = arith.index_cast %swap3A_788 : i32 to index
      %swap3A_790 = arith.index_cast %scan3A_746 : i32 to index
      %swap3A_791 = arith.constant 32 : index
      %swap3A_792 = tpu.vector_load %arg7[%swap3A_789, %swap3A_790, %swap3A_791] {strides = array<i32>} : memref<4x128x64xf32, #tpu.memory_space<vmem>>, vector<1x1x16xf32>,
      %swap3A_793 = vector.shape_cast %swap3A_792 : vector<1x1x16xf32> to vector<16xf32>
      %swap3A_794 = vector.shape_cast %mul3A_787 : vector<16xf32> to vector<1x1x16xf32>
      tpu.vector_store %arg7[%swap3A_789, %swap3A_790, %swap3A_791], %swap3A_794 {strides = array<i32>} : memref<4x128x64xf32, #tpu.memory_space<vmem>>, vector<1x1x16xf32>,
      %get3A_795 = arith.constant 0 : i32
      %get3A_796 = arith.index_cast %get3A_795 : i32 to index
      %get3A_797 = arith.index_cast %scan3A_746 : i32 to index
      %get3A_798 = arith.constant 48 : index
      %get3A_799 = tpu.vector_load %arg6[%get3A_796, %get3A_797, %get3A_798] {strides = array<i32>} : memref<4x128x64xf32, #tpu.memory_space<vmem>>, vector<1x1x16xf32>,
      %get3A_800 = vector.shape_cast %get3A_799 : vector<1x1x16xf32> to vector<16xf32>
      %mul3A_801 = arith.constant 8.000000e+00 : f32
      %mul3A_802 = vector.broadcast %mul3A_801 : f32 to vector<16xf32>
      %mul3A_803 = arith.mulf %get3A_800, %mul3A_802 : vector<16xf32>
      %swap3A_804 = arith.constant 0 : i32
      %swap3A_805 = arith.index_cast %swap3A_804 : i32 to index
      %swap3A_806 = arith.index_cast %scan3A_746 : i32 to index
      %swap3A_807 = arith.constant 48 : index
      %swap3A_808 = tpu.vector_load %arg7[%swap3A_805, %swap3A_806, %swap3A_807] {strides = array<i32>} : memref<4x128x64xf32, #tpu.memory_space<vmem>>, vector<1x1x16xf32>,
      %swap3A_809 = vector.shape_cast %swap3A_808 : vector<1x1x16xf32> to vector<16xf32>
      %swap3A_810 = vector.shape_cast %mul3A_803 : vector<16xf32> to vector<1x1x16xf32>
      tpu.vector_store %arg7[%swap3A_805, %swap3A_806, %swap3A_807], %swap3A_810 {strides = array<i32>} : memref<4x128x64xf32, #tpu.memory_space<vmem>>, vector<1x1x16xf32>,
    }
    %scan3A_294 = arith.constant 128 : i32
    %add3A_295 = arith.constant 25088 : i32
    %add3A_296 = arith.addi %mul3A_2, %add3A_295 : i32
    %dma_start3A_297 = arith.constant 0 : i32
    %dma_start3A_298 = arith.constant 0 : i32
    %dma_start3A_299 = arith.constant 0 : i32
    %dma_start3A_300 = arith.constant 0 : i32
    %dma_start3A_301 = tpu.memref_slice %arg7[%dma_start3A_297, %dma_start3A_299, %dma_start3A_300] : memref<4x128x64xf32, #tpu.memory_space<vmem>> -> memref<1x128x64xf32, #tpu.memory_space<vmem>>
    %dma_start3A_302 = tpu.memref_squeeze %dma_start3A_301 : memref<1x128x64xf32, #tpu.memory_space<vmem>> -> memref<128x64xf32, #tpu.memory_space<vmem>>
    %dma_start3A_303 = arith.constant 0 : i32
    %dma_start3A_304 = tpu.memref_slice %arg4[%add3A_296, %dma_start3A_303] : memref<819200x64xf32, #tpu.memory_space<hbm>> -> memref<128x64xf32, #tpu.memory_space<hbm>>
    %dma_start3A_305 = tpu.memref_slice %arg9[%dma_start3A_298] : memref<4x!tpu.dma_semaphore, #tpu.memory_space<semaphore_mem>> -> memref<1x!tpu.dma_semaphore, #tpu.memory_space<semaphore_mem>>
    %dma_start3A_306 = tpu.memref_squeeze %dma_start3A_305 : memref<1x!tpu.dma_semaphore, #tpu.memory_space<semaphore_mem>> -> memref<!tpu.dma_semaphore, #tpu.memory_space<semaphore_mem>>
    %dma_start3A_307 = arith.constant 0 : i32
    %dma_start3A_308 = tpu.memref_slice %arg4[%add3A_296, %dma_start3A_307] : memref<819200x64xf32, #tpu.memory_space<hbm>> -> memref<128x64xf32, #tpu.memory_space<hbm>>
    %dma_start3A_309 = arith.constant 0 : i32
    %dma_start3A_310 = arith.constant 0 : i32
    %dma_start3A_311 = tpu.memref_slice %arg7[%dma_start3A_297, %dma_start3A_309, %dma_start3A_310] : memref<4x128x64xf32, #tpu.memory_space<vmem>> -> memref<1x128x64xf32, #tpu.memory_space<vmem>>
    %dma_start3A_312 = tpu.memref_squeeze %dma_start3A_311 : memref<1x128x64xf32, #tpu.memory_space<vmem>> -> memref<128x64xf32, #tpu.memory_space<vmem>>
    tpu.enqueue_dma source(%dma_start3A_312 : memref<128x64xf32, #tpu.memory_space<vmem>>) target(%dma_start3A_308 : memref<128x64xf32, #tpu.memory_space<hbm>>) target_semaphore(%dma_start3A_306 : memref<!tpu.dma_semaphore, #tpu.memory_space<semaphore_mem>>)
    %dma_wait3A_313 = arith.constant 1 : i32
    %dma_wait3A_314 = arith.constant 1 : i32
    %dma_wait3A_315 = arith.constant 0 : i32
    %dma_wait3A_316 = arith.constant 0 : i32
    %dma_wait3A_317 = tpu.memref_slice %arg6[%dma_wait3A_313, %dma_wait3A_315, %dma_wait3A_316] : memref<4x128x64xf32, #tpu.memory_space<vmem>> -> memref<1x128x64xf32, #tpu.memory_space<vmem>>
    %dma_wait3A_318 = tpu.memref_squeeze %dma_wait3A_317 : memref<1x128x64xf32, #tpu.memory_space<vmem>> -> memref<128x64xf32, #tpu.memory_space<vmem>>
    %dma_wait3A_319 = arith.constant 25216 : i32
    %dma_wait3A_320 = tpu.memref_slice %arg5[%dma_wait3A_319] : memref<25600xi32, #tpu.memory_space<vmem>> -> memref<128xi32, #tpu.memory_space<vmem>>
    %dma_wait3A_321 = arith.constant 0 : i32
    %dma_wait3A_322 = arith.constant 0 : i32
    %dma_wait3A_323 = tpu.memref_slice %arg3[%dma_wait3A_321, %dma_wait3A_322] : memref<1000000x64xf32, #tpu.memory_space<hbm>> -> memref<1000000x64xf32, #tpu.memory_space<hbm>>
    %dma_wait3A_324 = tpu.memref_slice %arg8[%dma_wait3A_314] : memref<4x!tpu.dma_semaphore, #tpu.memory_space<semaphore_mem>> -> memref<1x!tpu.dma_semaphore, #tpu.memory_space<semaphore_mem>>
    %dma_wait3A_325 = tpu.memref_squeeze %dma_wait3A_324 : memref<1x!tpu.dma_semaphore, #tpu.memory_space<semaphore_mem>> -> memref<!tpu.dma_semaphore, #tpu.memory_space<semaphore_mem>>
    tpu.wait_indirect_dma semaphore(%dma_wait3A_325 : memref<!tpu.dma_semaphore, #tpu.memory_space<semaphore_mem>>) src(%dma_wait3A_323 : memref<1000000x64xf32, #tpu.memory_space<hbm>>) dst(%dma_wait3A_318 : memref<128x64xf32, #tpu.memory_space<vmem>>)
    %add3A_326 = arith.constant 24704 : i32
    %add3A_327 = arith.addi %mul3A_2, %add3A_326 : i32
    %dma_wait3A_328 = arith.constant 1 : i32
    %dma_wait3A_329 = arith.constant 1 : i32
    %dma_wait3A_330 = arith.constant 0 : i32
    %dma_wait3A_331 = arith.constant 0 : i32
    %dma_wait3A_332 = tpu.memref_slice %arg7[%dma_wait3A_328, %dma_wait3A_330, %dma_wait3A_331] : memref<4x128x64xf32, #tpu.memory_space<vmem>> -> memref<1x128x64xf32, #tpu.memory_space<vmem>>
    %dma_wait3A_333 = tpu.memref_squeeze %dma_wait3A_332 : memref<1x128x64xf32, #tpu.memory_space<vmem>> -> memref<128x64xf32, #tpu.memory_space<vmem>>
    %dma_wait3A_334 = arith.constant 0 : i32
    %dma_wait3A_335 = tpu.memref_slice %arg4[%add3A_327, %dma_wait3A_334] : memref<819200x64xf32, #tpu.memory_space<hbm>> -> memref<128x64xf32, #tpu.memory_space<hbm>>
    %dma_wait3A_336 = tpu.memref_slice %arg9[%dma_wait3A_329] : memref<4x!tpu.dma_semaphore, #tpu.memory_space<semaphore_mem>> -> memref<1x!tpu.dma_semaphore, #tpu.memory_space<semaphore_mem>>
    %dma_wait3A_337 = tpu.memref_squeeze %dma_wait3A_336 : memref<1x!tpu.dma_semaphore, #tpu.memory_space<semaphore_mem>> -> memref<!tpu.dma_semaphore, #tpu.memory_space<semaphore_mem>>
    %dma_wait3A_338 = arith.constant 0 : i32
    %dma_wait3A_339 = tpu.memref_slice %arg4[%add3A_327, %dma_wait3A_338] : memref<819200x64xf32, #tpu.memory_space<hbm>> -> memref<128x64xf32, #tpu.memory_space<hbm>>
    %dma_wait3A_340 = arith.constant 0 : i32
    %dma_wait3A_341 = arith.constant 0 : i32
    %dma_wait3A_342 = tpu.memref_slice %arg7[%dma_wait3A_328, %dma_wait3A_340, %dma_wait3A_341] : memref<4x128x64xf32, #tpu.memory_space<vmem>> -> memref<1x128x64xf32, #tpu.memory_space<vmem>>
    %dma_wait3A_343 = tpu.memref_squeeze %dma_wait3A_342 : memref<1x128x64xf32, #tpu.memory_space<vmem>> -> memref<128x64xf32, #tpu.memory_space<vmem>>
    tpu.wait_dma2 semaphore(%dma_wait3A_337 : memref<!tpu.dma_semaphore, #tpu.memory_space<semaphore_mem>>) src(%dma_wait3A_343 : memref<128x64xf32, #tpu.memory_space<vmem>>) dst(%dma_wait3A_339 : memref<128x64xf32, #tpu.memory_space<hbm>>)
    %scan3A_344 = arith.constant 0 : i32
    %scan3A_345 = arith.constant 0 : i32
    %scan3A_346 = arith.constant 128 : i32
    %scan3A_347 = arith.addi %scan3A_345, %scan3A_346 : i32
    %scan3A_348 = arith.constant 4 : i32
    scf.for %scan3A_550 = %scan3A_345 to %scan3A_347 step %scan3A_348  : i32 {
      %get3A = arith.constant 1 : i32
      %get3A_551 = arith.index_cast %get3A : i32 to index
      %get3A_552 = arith.index_cast %scan3A_550 : i32 to index
      %get3A_553 = arith.constant 0 : index
      %get3A_554 = tpu.vector_load %arg6[%get3A_551, %get3A_552, %get3A_553] {strides = array<i32>} : memref<4x128x64xf32, #tpu.memory_space<vmem>>, vector<1x1x16xf32>,
      %get3A_555 = vector.shape_cast %get3A_554 : vector<1x1x16xf32> to vector<16xf32>
      %mul3A_556 = arith.constant 8.000000e+00 : f32
      %mul3A_557 = vector.broadcast %mul3A_556 : f32 to vector<16xf32>
      %mul3A_558 = arith.mulf %get3A_555, %mul3A_557 : vector<16xf32>
      %swap3A = arith.constant 1 : i32
      %swap3A_559 = arith.index_cast %swap3A : i32 to index
      %swap3A_560 = arith.index_cast %scan3A_550 : i32 to index
      %swap3A_561 = arith.constant 0 : index
      %swap3A_562 = tpu.vector_load %arg7[%swap3A_559, %swap3A_560, %swap3A_561] {strides = array<i32>} : memref<4x128x64xf32, #tpu.memory_space<vmem>>, vector<1x1x16xf32>,
      %swap3A_563 = vector.shape_cast %swap3A_562 : vector<1x1x16xf32> to vector<16xf32>
      %swap3A_564 = vector.shape_cast %mul3A_558 : vector<16xf32> to vector<1x1x16xf32>
      tpu.vector_store %arg7[%swap3A_559, %swap3A_560, %swap3A_561], %swap3A_564 {strides = array<i32>} : memref<4x128x64xf32, #tpu.memory_space<vmem>>, vector<1x1x16xf32>,
      %get3A_565 = arith.constant 1 : i32
      %get3A_566 = arith.index_cast %get3A_565 : i32 to index
      %get3A_567 = arith.index_cast %scan3A_550 : i32 to index
      %get3A_568 = arith.constant 16 : index
      %get3A_569 = tpu.vector_load %arg6[%get3A_566, %get3A_567, %get3A_568] {strides = array<i32>} : memref<4x128x64xf32, #tpu.memory_space<vmem>>, vector<1x1x16xf32>,
      %get3A_570 = vector.shape_cast %get3A_569 : vector<1x1x16xf32> to vector<16xf32>
      %mul3A_571 = arith.constant 8.000000e+00 : f32
      %mul3A_572 = vector.broadcast %mul3A_571 : f32 to vector<16xf32>
      %mul3A_573 = arith.mulf %get3A_570, %mul3A_572 : vector<16xf32>
      %swap3A_574 = arith.constant 1 : i32
      %swap3A_575 = arith.index_cast %swap3A_574 : i32 to index
      %swap3A_576 = arith.index_cast %scan3A_550 : i32 to index
      %swap3A_577 = arith.constant 16 : index
      %swap3A_578 = tpu.vector_load %arg7[%swap3A_575, %swap3A_576, %swap3A_577] {strides = array<i32>} : memref<4x128x64xf32, #tpu.memory_space<vmem>>, vector<1x1x16xf32>,
      %swap3A_579 = vector.shape_cast %swap3A_578 : vector<1x1x16xf32> to vector<16xf32>
      %swap3A_580 = vector.shape_cast %mul3A_573 : vector<16xf32> to vector<1x1x16xf32>
      tpu.vector_store %arg7[%swap3A_575, %swap3A_576, %swap3A_577], %swap3A_580 {strides = array<i32>} : memref<4x128x64xf32, #tpu.memory_space<vmem>>, vector<1x1x16xf32>,
      %get3A_581 = arith.constant 1 : i32
      %get3A_582 = arith.index_cast %get3A_581 : i32 to index
      %get3A_583 = arith.index_cast %scan3A_550 : i32 to index
      %get3A_584 = arith.constant 32 : index
      %get3A_585 = tpu.vector_load %arg6[%get3A_582, %get3A_583, %get3A_584] {strides = array<i32>} : memref<4x128x64xf32, #tpu.memory_space<vmem>>, vector<1x1x16xf32>,
      %get3A_586 = vector.shape_cast %get3A_585 : vector<1x1x16xf32> to vector<16xf32>
      %mul3A_587 = arith.constant 8.000000e+00 : f32
      %mul3A_588 = vector.broadcast %mul3A_587 : f32 to vector<16xf32>
      %mul3A_589 = arith.mulf %get3A_586, %mul3A_588 : vector<16xf32>
      %swap3A_590 = arith.constant 1 : i32
      %swap3A_591 = arith.index_cast %swap3A_590 : i32 to index
      %swap3A_592 = arith.index_cast %scan3A_550 : i32 to index
      %swap3A_593 = arith.constant 32 : index
      %swap3A_594 = tpu.vector_load %arg7[%swap3A_591, %swap3A_592, %swap3A_593] {strides = array<i32>} : memref<4x128x64xf32, #tpu.memory_space<vmem>>, vector<1x1x16xf32>,
      %swap3A_595 = vector.shape_cast %swap3A_594 : vector<1x1x16xf32> to vector<16xf32>
      %swap3A_596 = vector.shape_cast %mul3A_589 : vector<16xf32> to vector<1x1x16xf32>
      tpu.vector_store %arg7[%swap3A_591, %swap3A_592, %swap3A_593], %swap3A_596 {strides = array<i32>} : memref<4x128x64xf32, #tpu.memory_space<vmem>>, vector<1x1x16xf32>,
      %get3A_597 = arith.constant 1 : i32
      %get3A_598 = arith.index_cast %get3A_597 : i32 to index
      %get3A_599 = arith.index_cast %scan3A_550 : i32 to index
      %get3A_600 = arith.constant 48 : index
      %get3A_601 = tpu.vector_load %arg6[%get3A_598, %get3A_599, %get3A_600] {strides = array<i32>} : memref<4x128x64xf32, #tpu.memory_space<vmem>>, vector<1x1x16xf32>,
      %get3A_602 = vector.shape_cast %get3A_601 : vector<1x1x16xf32> to vector<16xf32>
      %mul3A_603 = arith.constant 8.000000e+00 : f32
      %mul3A_604 = vector.broadcast %mul3A_603 : f32 to vector<16xf32>
      %mul3A_605 = arith.mulf %get3A_602, %mul3A_604 : vector<16xf32>
      %swap3A_606 = arith.constant 1 : i32
      %swap3A_607 = arith.index_cast %swap3A_606 : i32 to index
      %swap3A_608 = arith.index_cast %scan3A_550 : i32 to index
      %swap3A_609 = arith.constant 48 : index
      %swap3A_610 = tpu.vector_load %arg7[%swap3A_607, %swap3A_608, %swap3A_609] {strides = array<i32>} : memref<4x128x64xf32, #tpu.memory_space<vmem>>, vector<1x1x16xf32>,
      %swap3A_611 = vector.shape_cast %swap3A_610 : vector<1x1x16xf32> to vector<16xf32>
      %swap3A_612 = vector.shape_cast %mul3A_605 : vector<16xf32> to vector<1x1x16xf32>
      tpu.vector_store %arg7[%swap3A_607, %swap3A_608, %swap3A_609], %swap3A_612 {strides = array<i32>} : memref<4x128x64xf32, #tpu.memory_space<vmem>>, vector<1x1x16xf32>,
      %scan3A_613 = arith.constant 1 : i32
      %scan3A_614 = arith.addi %scan3A_550, %scan3A_613 : i32
      %get3A_615 = arith.constant 1 : i32
      %get3A_616 = arith.index_cast %get3A_615 : i32 to index
      %get3A_617 = arith.index_cast %scan3A_614 : i32 to index
      %get3A_618 = arith.constant 0 : index
      %get3A_619 = tpu.vector_load %arg6[%get3A_616, %get3A_617, %get3A_618] {strides = array<i32>} : memref<4x128x64xf32, #tpu.memory_space<vmem>>, vector<1x1x16xf32>,
      %get3A_620 = vector.shape_cast %get3A_619 : vector<1x1x16xf32> to vector<16xf32>
      %mul3A_621 = arith.constant 8.000000e+00 : f32
      %mul3A_622 = vector.broadcast %mul3A_621 : f32 to vector<16xf32>
      %mul3A_623 = arith.mulf %get3A_620, %mul3A_622 : vector<16xf32>
      %swap3A_624 = arith.constant 1 : i32
      %swap3A_625 = arith.index_cast %swap3A_624 : i32 to index
      %swap3A_626 = arith.index_cast %scan3A_614 : i32 to index
      %swap3A_627 = arith.constant 0 : index
      %swap3A_628 = tpu.vector_load %arg7[%swap3A_625, %swap3A_626, %swap3A_627] {strides = array<i32>} : memref<4x128x64xf32, #tpu.memory_space<vmem>>, vector<1x1x16xf32>,
      %swap3A_629 = vector.shape_cast %swap3A_628 : vector<1x1x16xf32> to vector<16xf32>
      %swap3A_630 = vector.shape_cast %mul3A_623 : vector<16xf32> to vector<1x1x16xf32>
      tpu.vector_store %arg7[%swap3A_625, %swap3A_626, %swap3A_627], %swap3A_630 {strides = array<i32>} : memref<4x128x64xf32, #tpu.memory_space<vmem>>, vector<1x1x16xf32>,
      %get3A_631 = arith.constant 1 : i32
      %get3A_632 = arith.index_cast %get3A_631 : i32 to index
      %get3A_633 = arith.index_cast %scan3A_614 : i32 to index
      %get3A_634 = arith.constant 16 : index
      %get3A_635 = tpu.vector_load %arg6[%get3A_632, %get3A_633, %get3A_634] {strides = array<i32>} : memref<4x128x64xf32, #tpu.memory_space<vmem>>, vector<1x1x16xf32>,
      %get3A_636 = vector.shape_cast %get3A_635 : vector<1x1x16xf32> to vector<16xf32>
      %mul3A_637 = arith.constant 8.000000e+00 : f32
      %mul3A_638 = vector.broadcast %mul3A_637 : f32 to vector<16xf32>
      %mul3A_639 = arith.mulf %get3A_636, %mul3A_638 : vector<16xf32>
      %swap3A_640 = arith.constant 1 : i32
      %swap3A_641 = arith.index_cast %swap3A_640 : i32 to index
      %swap3A_642 = arith.index_cast %scan3A_614 : i32 to index
      %swap3A_643 = arith.constant 16 : index
      %swap3A_644 = tpu.vector_load %arg7[%swap3A_641, %swap3A_642, %swap3A_643] {strides = array<i32>} : memref<4x128x64xf32, #tpu.memory_space<vmem>>, vector<1x1x16xf32>,
      %swap3A_645 = vector.shape_cast %swap3A_644 : vector<1x1x16xf32> to vector<16xf32>
      %swap3A_646 = vector.shape_cast %mul3A_639 : vector<16xf32> to vector<1x1x16xf32>
      tpu.vector_store %arg7[%swap3A_641, %swap3A_642, %swap3A_643], %swap3A_646 {strides = array<i32>} : memref<4x128x64xf32, #tpu.memory_space<vmem>>, vector<1x1x16xf32>,
      %get3A_647 = arith.constant 1 : i32
      %get3A_648 = arith.index_cast %get3A_647 : i32 to index
      %get3A_649 = arith.index_cast %scan3A_614 : i32 to index
      %get3A_650 = arith.constant 32 : index
      %get3A_651 = tpu.vector_load %arg6[%get3A_648, %get3A_649, %get3A_650] {strides = array<i32>} : memref<4x128x64xf32, #tpu.memory_space<vmem>>, vector<1x1x16xf32>,
      %get3A_652 = vector.shape_cast %get3A_651 : vector<1x1x16xf32> to vector<16xf32>
      %mul3A_653 = arith.constant 8.000000e+00 : f32
      %mul3A_654 = vector.broadcast %mul3A_653 : f32 to vector<16xf32>
      %mul3A_655 = arith.mulf %get3A_652, %mul3A_654 : vector<16xf32>
      %swap3A_656 = arith.constant 1 : i32
      %swap3A_657 = arith.index_cast %swap3A_656 : i32 to index
      %swap3A_658 = arith.index_cast %scan3A_614 : i32 to index
      %swap3A_659 = arith.constant 32 : index
      %swap3A_660 = tpu.vector_load %arg7[%swap3A_657, %swap3A_658, %swap3A_659] {strides = array<i32>} : memref<4x128x64xf32, #tpu.memory_space<vmem>>, vector<1x1x16xf32>,
      %swap3A_661 = vector.shape_cast %swap3A_660 : vector<1x1x16xf32> to vector<16xf32>
      %swap3A_662 = vector.shape_cast %mul3A_655 : vector<16xf32> to vector<1x1x16xf32>
      tpu.vector_store %arg7[%swap3A_657, %swap3A_658, %swap3A_659], %swap3A_662 {strides = array<i32>} : memref<4x128x64xf32, #tpu.memory_space<vmem>>, vector<1x1x16xf32>,
      %get3A_663 = arith.constant 1 : i32
      %get3A_664 = arith.index_cast %get3A_663 : i32 to index
      %get3A_665 = arith.index_cast %scan3A_614 : i32 to index
      %get3A_666 = arith.constant 48 : index
      %get3A_667 = tpu.vector_load %arg6[%get3A_664, %get3A_665, %get3A_666] {strides = array<i32>} : memref<4x128x64xf32, #tpu.memory_space<vmem>>, vector<1x1x16xf32>,
      %get3A_668 = vector.shape_cast %get3A_667 : vector<1x1x16xf32> to vector<16xf32>
      %mul3A_669 = arith.constant 8.000000e+00 : f32
      %mul3A_670 = vector.broadcast %mul3A_669 : f32 to vector<16xf32>
      %mul3A_671 = arith.mulf %get3A_668, %mul3A_670 : vector<16xf32>
      %swap3A_672 = arith.constant 1 : i32
      %swap3A_673 = arith.index_cast %swap3A_672 : i32 to index
      %swap3A_674 = arith.index_cast %scan3A_614 : i32 to index
      %swap3A_675 = arith.constant 48 : index
      %swap3A_676 = tpu.vector_load %arg7[%swap3A_673, %swap3A_674, %swap3A_675] {strides = array<i32>} : memref<4x128x64xf32, #tpu.memory_space<vmem>>, vector<1x1x16xf32>,
      %swap3A_677 = vector.shape_cast %swap3A_676 : vector<1x1x16xf32> to vector<16xf32>
      %swap3A_678 = vector.shape_cast %mul3A_671 : vector<16xf32> to vector<1x1x16xf32>
      tpu.vector_store %arg7[%swap3A_673, %swap3A_674, %swap3A_675], %swap3A_678 {strides = array<i32>} : memref<4x128x64xf32, #tpu.memory_space<vmem>>, vector<1x1x16xf32>,
      %scan3A_679 = arith.constant 2 : i32
      %scan3A_680 = arith.addi %scan3A_550, %scan3A_679 : i32
      %get3A_681 = arith.constant 1 : i32
      %get3A_682 = arith.index_cast %get3A_681 : i32 to index
      %get3A_683 = arith.index_cast %scan3A_680 : i32 to index
      %get3A_684 = arith.constant 0 : index
      %get3A_685 = tpu.vector_load %arg6[%get3A_682, %get3A_683, %get3A_684] {strides = array<i32>} : memref<4x128x64xf32, #tpu.memory_space<vmem>>, vector<1x1x16xf32>,
      %get3A_686 = vector.shape_cast %get3A_685 : vector<1x1x16xf32> to vector<16xf32>
      %mul3A_687 = arith.constant 8.000000e+00 : f32
      %mul3A_688 = vector.broadcast %mul3A_687 : f32 to vector<16xf32>
      %mul3A_689 = arith.mulf %get3A_686, %mul3A_688 : vector<16xf32>
      %swap3A_690 = arith.constant 1 : i32
      %swap3A_691 = arith.index_cast %swap3A_690 : i32 to index
      %swap3A_692 = arith.index_cast %scan3A_680 : i32 to index
      %swap3A_693 = arith.constant 0 : index
      %swap3A_694 = tpu.vector_load %arg7[%swap3A_691, %swap3A_692, %swap3A_693] {strides = array<i32>} : memref<4x128x64xf32, #tpu.memory_space<vmem>>, vector<1x1x16xf32>,
      %swap3A_695 = vector.shape_cast %swap3A_694 : vector<1x1x16xf32> to vector<16xf32>
      %swap3A_696 = vector.shape_cast %mul3A_689 : vector<16xf32> to vector<1x1x16xf32>
      tpu.vector_store %arg7[%swap3A_691, %swap3A_692, %swap3A_693], %swap3A_696 {strides = array<i32>} : memref<4x128x64xf32, #tpu.memory_space<vmem>>, vector<1x1x16xf32>,
      %get3A_697 = arith.constant 1 : i32
      %get3A_698 = arith.index_cast %get3A_697 : i32 to index
      %get3A_699 = arith.index_cast %scan3A_680 : i32 to index
      %get3A_700 = arith.constant 16 : index
      %get3A_701 = tpu.vector_load %arg6[%get3A_698, %get3A_699, %get3A_700] {strides = array<i32>} : memref<4x128x64xf32, #tpu.memory_space<vmem>>, vector<1x1x16xf32>,
      %get3A_702 = vector.shape_cast %get3A_701 : vector<1x1x16xf32> to vector<16xf32>
      %mul3A_703 = arith.constant 8.000000e+00 : f32
      %mul3A_704 = vector.broadcast %mul3A_703 : f32 to vector<16xf32>
      %mul3A_705 = arith.mulf %get3A_702, %mul3A_704 : vector<16xf32>
      %swap3A_706 = arith.constant 1 : i32
      %swap3A_707 = arith.index_cast %swap3A_706 : i32 to index
      %swap3A_708 = arith.index_cast %scan3A_680 : i32 to index
      %swap3A_709 = arith.constant 16 : index
      %swap3A_710 = tpu.vector_load %arg7[%swap3A_707, %swap3A_708, %swap3A_709] {strides = array<i32>} : memref<4x128x64xf32, #tpu.memory_space<vmem>>, vector<1x1x16xf32>,
      %swap3A_711 = vector.shape_cast %swap3A_710 : vector<1x1x16xf32> to vector<16xf32>
      %swap3A_712 = vector.shape_cast %mul3A_705 : vector<16xf32> to vector<1x1x16xf32>
      tpu.vector_store %arg7[%swap3A_707, %swap3A_708, %swap3A_709], %swap3A_712 {strides = array<i32>} : memref<4x128x64xf32, #tpu.memory_space<vmem>>, vector<1x1x16xf32>,
      %get3A_713 = arith.constant 1 : i32
      %get3A_714 = arith.index_cast %get3A_713 : i32 to index
      %get3A_715 = arith.index_cast %scan3A_680 : i32 to index
      %get3A_716 = arith.constant 32 : index
      %get3A_717 = tpu.vector_load %arg6[%get3A_714, %get3A_715, %get3A_716] {strides = array<i32>} : memref<4x128x64xf32, #tpu.memory_space<vmem>>, vector<1x1x16xf32>,
      %get3A_718 = vector.shape_cast %get3A_717 : vector<1x1x16xf32> to vector<16xf32>
      %mul3A_719 = arith.constant 8.000000e+00 : f32
      %mul3A_720 = vector.broadcast %mul3A_719 : f32 to vector<16xf32>
      %mul3A_721 = arith.mulf %get3A_718, %mul3A_720 : vector<16xf32>
      %swap3A_722 = arith.constant 1 : i32
      %swap3A_723 = arith.index_cast %swap3A_722 : i32 to index
      %swap3A_724 = arith.index_cast %scan3A_680 : i32 to index
      %swap3A_725 = arith.constant 32 : index
      %swap3A_726 = tpu.vector_load %arg7[%swap3A_723, %swap3A_724, %swap3A_725] {strides = array<i32>} : memref<4x128x64xf32, #tpu.memory_space<vmem>>, vector<1x1x16xf32>,
      %swap3A_727 = vector.shape_cast %swap3A_726 : vector<1x1x16xf32> to vector<16xf32>
      %swap3A_728 = vector.shape_cast %mul3A_721 : vector<16xf32> to vector<1x1x16xf32>
      tpu.vector_store %arg7[%swap3A_723, %swap3A_724, %swap3A_725], %swap3A_728 {strides = array<i32>} : memref<4x128x64xf32, #tpu.memory_space<vmem>>, vector<1x1x16xf32>,
      %get3A_729 = arith.constant 1 : i32
      %get3A_730 = arith.index_cast %get3A_729 : i32 to index
      %get3A_731 = arith.index_cast %scan3A_680 : i32 to index
      %get3A_732 = arith.constant 48 : index
      %get3A_733 = tpu.vector_load %arg6[%get3A_730, %get3A_731, %get3A_732] {strides = array<i32>} : memref<4x128x64xf32, #tpu.memory_space<vmem>>, vector<1x1x16xf32>,
      %get3A_734 = vector.shape_cast %get3A_733 : vector<1x1x16xf32> to vector<16xf32>
      %mul3A_735 = arith.constant 8.000000e+00 : f32
      %mul3A_736 = vector.broadcast %mul3A_735 : f32 to vector<16xf32>
      %mul3A_737 = arith.mulf %get3A_734, %mul3A_736 : vector<16xf32>
      %swap3A_738 = arith.constant 1 : i32
      %swap3A_739 = arith.index_cast %swap3A_738 : i32 to index
      %swap3A_740 = arith.index_cast %scan3A_680 : i32 to index
      %swap3A_741 = arith.constant 48 : index
      %swap3A_742 = tpu.vector_load %arg7[%swap3A_739, %swap3A_740, %swap3A_741] {strides = array<i32>} : memref<4x128x64xf32, #tpu.memory_space<vmem>>, vector<1x1x16xf32>,
      %swap3A_743 = vector.shape_cast %swap3A_742 : vector<1x1x16xf32> to vector<16xf32>
      %swap3A_744 = vector.shape_cast %mul3A_737 : vector<16xf32> to vector<1x1x16xf32>
      tpu.vector_store %arg7[%swap3A_739, %swap3A_740, %swap3A_741], %swap3A_744 {strides = array<i32>} : memref<4x128x64xf32, #tpu.memory_space<vmem>>, vector<1x1x16xf32>,
      %scan3A_745 = arith.constant 3 : i32
      %scan3A_746 = arith.addi %scan3A_550, %scan3A_745 : i32
      %get3A_747 = arith.constant 1 : i32
      %get3A_748 = arith.index_cast %get3A_747 : i32 to index
      %get3A_749 = arith.index_cast %scan3A_746 : i32 to index
      %get3A_750 = arith.constant 0 : index
      %get3A_751 = tpu.vector_load %arg6[%get3A_748, %get3A_749, %get3A_750] {strides = array<i32>} : memref<4x128x64xf32, #tpu.memory_space<vmem>>, vector<1x1x16xf32>,
      %get3A_752 = vector.shape_cast %get3A_751 : vector<1x1x16xf32> to vector<16xf32>
      %mul3A_753 = arith.constant 8.000000e+00 : f32
      %mul3A_754 = vector.broadcast %mul3A_753 : f32 to vector<16xf32>
      %mul3A_755 = arith.mulf %get3A_752, %mul3A_754 : vector<16xf32>
      %swap3A_756 = arith.constant 1 : i32
      %swap3A_757 = arith.index_cast %swap3A_756 : i32 to index
      %swap3A_758 = arith.index_cast %scan3A_746 : i32 to index
      %swap3A_759 = arith.constant 0 : index
      %swap3A_760 = tpu.vector_load %arg7[%swap3A_757, %swap3A_758, %swap3A_759] {strides = array<i32>} : memref<4x128x64xf32, #tpu.memory_space<vmem>>, vector<1x1x16xf32>,
      %swap3A_761 = vector.shape_cast %swap3A_760 : vector<1x1x16xf32> to vector<16xf32>
      %swap3A_762 = vector.shape_cast %mul3A_755 : vector<16xf32> to vector<1x1x16xf32>
      tpu.vector_store %arg7[%swap3A_757, %swap3A_758, %swap3A_759], %swap3A_762 {strides = array<i32>} : memref<4x128x64xf32, #tpu.memory_space<vmem>>, vector<1x1x16xf32>,
      %get3A_763 = arith.constant 1 : i32
      %get3A_764 = arith.index_cast %get3A_763 : i32 to index
      %get3A_765 = arith.index_cast %scan3A_746 : i32 to index
      %get3A_766 = arith.constant 16 : index
      %get3A_767 = tpu.vector_load %arg6[%get3A_764, %get3A_765, %get3A_766] {strides = array<i32>} : memref<4x128x64xf32, #tpu.memory_space<vmem>>, vector<1x1x16xf32>,
      %get3A_768 = vector.shape_cast %get3A_767 : vector<1x1x16xf32> to vector<16xf32>
      %mul3A_769 = arith.constant 8.000000e+00 : f32
      %mul3A_770 = vector.broadcast %mul3A_769 : f32 to vector<16xf32>
      %mul3A_771 = arith.mulf %get3A_768, %mul3A_770 : vector<16xf32>
      %swap3A_772 = arith.constant 1 : i32
      %swap3A_773 = arith.index_cast %swap3A_772 : i32 to index
      %swap3A_774 = arith.index_cast %scan3A_746 : i32 to index
      %swap3A_775 = arith.constant 16 : index
      %swap3A_776 = tpu.vector_load %arg7[%swap3A_773, %swap3A_774, %swap3A_775] {strides = array<i32>} : memref<4x128x64xf32, #tpu.memory_space<vmem>>, vector<1x1x16xf32>,
      %swap3A_777 = vector.shape_cast %swap3A_776 : vector<1x1x16xf32> to vector<16xf32>
      %swap3A_778 = vector.shape_cast %mul3A_771 : vector<16xf32> to vector<1x1x16xf32>
      tpu.vector_store %arg7[%swap3A_773, %swap3A_774, %swap3A_775], %swap3A_778 {strides = array<i32>} : memref<4x128x64xf32, #tpu.memory_space<vmem>>, vector<1x1x16xf32>,
      %get3A_779 = arith.constant 1 : i32
      %get3A_780 = arith.index_cast %get3A_779 : i32 to index
      %get3A_781 = arith.index_cast %scan3A_746 : i32 to index
      %get3A_782 = arith.constant 32 : index
      %get3A_783 = tpu.vector_load %arg6[%get3A_780, %get3A_781, %get3A_782] {strides = array<i32>} : memref<4x128x64xf32, #tpu.memory_space<vmem>>, vector<1x1x16xf32>,
      %get3A_784 = vector.shape_cast %get3A_783 : vector<1x1x16xf32> to vector<16xf32>
      %mul3A_785 = arith.constant 8.000000e+00 : f32
      %mul3A_786 = vector.broadcast %mul3A_785 : f32 to vector<16xf32>
      %mul3A_787 = arith.mulf %get3A_784, %mul3A_786 : vector<16xf32>
      %swap3A_788 = arith.constant 1 : i32
      %swap3A_789 = arith.index_cast %swap3A_788 : i32 to index
      %swap3A_790 = arith.index_cast %scan3A_746 : i32 to index
      %swap3A_791 = arith.constant 32 : index
      %swap3A_792 = tpu.vector_load %arg7[%swap3A_789, %swap3A_790, %swap3A_791] {strides = array<i32>} : memref<4x128x64xf32, #tpu.memory_space<vmem>>, vector<1x1x16xf32>,
      %swap3A_793 = vector.shape_cast %swap3A_792 : vector<1x1x16xf32> to vector<16xf32>
      %swap3A_794 = vector.shape_cast %mul3A_787 : vector<16xf32> to vector<1x1x16xf32>
      tpu.vector_store %arg7[%swap3A_789, %swap3A_790, %swap3A_791], %swap3A_794 {strides = array<i32>} : memref<4x128x64xf32, #tpu.memory_space<vmem>>, vector<1x1x16xf32>,
      %get3A_795 = arith.constant 1 : i32
      %get3A_796 = arith.index_cast %get3A_795 : i32 to index
      %get3A_797 = arith.index_cast %scan3A_746 : i32 to index
      %get3A_798 = arith.constant 48 : index
      %get3A_799 = tpu.vector_load %arg6[%get3A_796, %get3A_797, %get3A_798] {strides = array<i32>} : memref<4x128x64xf32, #tpu.memory_space<vmem>>, vector<1x1x16xf32>,
      %get3A_800 = vector.shape_cast %get3A_799 : vector<1x1x16xf32> to vector<16xf32>
      %mul3A_801 = arith.constant 8.000000e+00 : f32
      %mul3A_802 = vector.broadcast %mul3A_801 : f32 to vector<16xf32>
      %mul3A_803 = arith.mulf %get3A_800, %mul3A_802 : vector<16xf32>
      %swap3A_804 = arith.constant 1 : i32
      %swap3A_805 = arith.index_cast %swap3A_804 : i32 to index
      %swap3A_806 = arith.index_cast %scan3A_746 : i32 to index
      %swap3A_807 = arith.constant 48 : index
      %swap3A_808 = tpu.vector_load %arg7[%swap3A_805, %swap3A_806, %swap3A_807] {strides = array<i32>} : memref<4x128x64xf32, #tpu.memory_space<vmem>>, vector<1x1x16xf32>,
      %swap3A_809 = vector.shape_cast %swap3A_808 : vector<1x1x16xf32> to vector<16xf32>
      %swap3A_810 = vector.shape_cast %mul3A_803 : vector<16xf32> to vector<1x1x16xf32>
      tpu.vector_store %arg7[%swap3A_805, %swap3A_806, %swap3A_807], %swap3A_810 {strides = array<i32>} : memref<4x128x64xf32, #tpu.memory_space<vmem>>, vector<1x1x16xf32>,
    }
    %scan3A_349 = arith.constant 128 : i32
    %add3A_350 = arith.constant 25216 : i32
    %add3A_351 = arith.addi %mul3A_2, %add3A_350 : i32
    %dma_start3A_352 = arith.constant 1 : i32
    %dma_start3A_353 = arith.constant 1 : i32
    %dma_start3A_354 = arith.constant 0 : i32
    %dma_start3A_355 = arith.constant 0 : i32
    %dma_start3A_356 = tpu.memref_slice %arg7[%dma_start3A_352, %dma_start3A_354, %dma_start3A_355] : memref<4x128x64xf32, #tpu.memory_space<vmem>> -> memref<1x128x64xf32, #tpu.memory_space<vmem>>
    %dma_start3A_357 = tpu.memref_squeeze %dma_start3A_356 : memref<1x128x64xf32, #tpu.memory_space<vmem>> -> memref<128x64xf32, #tpu.memory_space<vmem>>
    %dma_start3A_358 = arith.constant 0 : i32
    %dma_start3A_359 = tpu.memref_slice %arg4[%add3A_351, %dma_start3A_358] : memref<819200x64xf32, #tpu.memory_space<hbm>> -> memref<128x64xf32, #tpu.memory_space<hbm>>
    %dma_start3A_360 = tpu.memref_slice %arg9[%dma_start3A_353] : memref<4x!tpu.dma_semaphore, #tpu.memory_space<semaphore_mem>> -> memref<1x!tpu.dma_semaphore, #tpu.memory_space<semaphore_mem>>
    %dma_start3A_361 = tpu.memref_squeeze %dma_start3A_360 : memref<1x!tpu.dma_semaphore, #tpu.memory_space<semaphore_mem>> -> memref<!tpu.dma_semaphore, #tpu.memory_space<semaphore_mem>>
    %dma_start3A_362 = arith.constant 0 : i32
    %dma_start3A_363 = tpu.memref_slice %arg4[%add3A_351, %dma_start3A_362] : memref<819200x64xf32, #tpu.memory_space<hbm>> -> memref<128x64xf32, #tpu.memory_space<hbm>>
    %dma_start3A_364 = arith.constant 0 : i32
    %dma_start3A_365 = arith.constant 0 : i32
    %dma_start3A_366 = tpu.memref_slice %arg7[%dma_start3A_352, %dma_start3A_364, %dma_start3A_365] : memref<4x128x64xf32, #tpu.memory_space<vmem>> -> memref<1x128x64xf32, #tpu.memory_space<vmem>>
    %dma_start3A_367 = tpu.memref_squeeze %dma_start3A_366 : memref<1x128x64xf32, #tpu.memory_space<vmem>> -> memref<128x64xf32, #tpu.memory_space<vmem>>
    tpu.enqueue_dma source(%dma_start3A_367 : memref<128x64xf32, #tpu.memory_space<vmem>>) target(%dma_start3A_363 : memref<128x64xf32, #tpu.memory_space<hbm>>) target_semaphore(%dma_start3A_361 : memref<!tpu.dma_semaphore, #tpu.memory_space<semaphore_mem>>)
    %dma_wait3A_368 = arith.constant 2 : i32
    %dma_wait3A_369 = arith.constant 2 : i32
    %dma_wait3A_370 = arith.constant 0 : i32
    %dma_wait3A_371 = arith.constant 0 : i32
    %dma_wait3A_372 = tpu.memref_slice %arg6[%dma_wait3A_368, %dma_wait3A_370, %dma_wait3A_371] : memref<4x128x64xf32, #tpu.memory_space<vmem>> -> memref<1x128x64xf32, #tpu.memory_space<vmem>>
    %dma_wait3A_373 = tpu.memref_squeeze %dma_wait3A_372 : memref<1x128x64xf32, #tpu.memory_space<vmem>> -> memref<128x64xf32, #tpu.memory_space<vmem>>
    %dma_wait3A_374 = arith.constant 25344 : i32
    %dma_wait3A_375 = tpu.memref_slice %arg5[%dma_wait3A_374] : memref<25600xi32, #tpu.memory_space<vmem>> -> memref<128xi32, #tpu.memory_space<vmem>>
    %dma_wait3A_376 = arith.constant 0 : i32
    %dma_wait3A_377 = arith.constant 0 : i32
    %dma_wait3A_378 = tpu.memref_slice %arg3[%dma_wait3A_376, %dma_wait3A_377] : memref<1000000x64xf32, #tpu.memory_space<hbm>> -> memref<1000000x64xf32, #tpu.memory_space<hbm>>
    %dma_wait3A_379 = tpu.memref_slice %arg8[%dma_wait3A_369] : memref<4x!tpu.dma_semaphore, #tpu.memory_space<semaphore_mem>> -> memref<1x!tpu.dma_semaphore, #tpu.memory_space<semaphore_mem>>
    %dma_wait3A_380 = tpu.memref_squeeze %dma_wait3A_379 : memref<1x!tpu.dma_semaphore, #tpu.memory_space<semaphore_mem>> -> memref<!tpu.dma_semaphore, #tpu.memory_space<semaphore_mem>>
    tpu.wait_indirect_dma semaphore(%dma_wait3A_380 : memref<!tpu.dma_semaphore, #tpu.memory_space<semaphore_mem>>) src(%dma_wait3A_378 : memref<1000000x64xf32, #tpu.memory_space<hbm>>) dst(%dma_wait3A_373 : memref<128x64xf32, #tpu.memory_space<vmem>>)
    %add3A_381 = arith.constant 24832 : i32
    %add3A_382 = arith.addi %mul3A_2, %add3A_381 : i32
    %dma_wait3A_383 = arith.constant 2 : i32
    %dma_wait3A_384 = arith.constant 2 : i32
    %dma_wait3A_385 = arith.constant 0 : i32
    %dma_wait3A_386 = arith.constant 0 : i32
    %dma_wait3A_387 = tpu.memref_slice %arg7[%dma_wait3A_383, %dma_wait3A_385, %dma_wait3A_386] : memref<4x128x64xf32, #tpu.memory_space<vmem>> -> memref<1x128x64xf32, #tpu.memory_space<vmem>>
    %dma_wait3A_388 = tpu.memref_squeeze %dma_wait3A_387 : memref<1x128x64xf32, #tpu.memory_space<vmem>> -> memref<128x64xf32, #tpu.memory_space<vmem>>
    %dma_wait3A_389 = arith.constant 0 : i32
    %dma_wait3A_390 = tpu.memref_slice %arg4[%add3A_382, %dma_wait3A_389] : memref<819200x64xf32, #tpu.memory_space<hbm>> -> memref<128x64xf32, #tpu.memory_space<hbm>>
    %dma_wait3A_391 = tpu.memref_slice %arg9[%dma_wait3A_384] : memref<4x!tpu.dma_semaphore, #tpu.memory_space<semaphore_mem>> -> memref<1x!tpu.dma_semaphore, #tpu.memory_space<semaphore_mem>>
    %dma_wait3A_392 = tpu.memref_squeeze %dma_wait3A_391 : memref<1x!tpu.dma_semaphore, #tpu.memory_space<semaphore_mem>> -> memref<!tpu.dma_semaphore, #tpu.memory_space<semaphore_mem>>
    %dma_wait3A_393 = arith.constant 0 : i32
    %dma_wait3A_394 = tpu.memref_slice %arg4[%add3A_382, %dma_wait3A_393] : memref<819200x64xf32, #tpu.memory_space<hbm>> -> memref<128x64xf32, #tpu.memory_space<hbm>>
    %dma_wait3A_395 = arith.constant 0 : i32
    %dma_wait3A_396 = arith.constant 0 : i32
    %dma_wait3A_397 = tpu.memref_slice %arg7[%dma_wait3A_383, %dma_wait3A_395, %dma_wait3A_396] : memref<4x128x64xf32, #tpu.memory_space<vmem>> -> memref<1x128x64xf32, #tpu.memory_space<vmem>>
    %dma_wait3A_398 = tpu.memref_squeeze %dma_wait3A_397 : memref<1x128x64xf32, #tpu.memory_space<vmem>> -> memref<128x64xf32, #tpu.memory_space<vmem>>
    tpu.wait_dma2 semaphore(%dma_wait3A_392 : memref<!tpu.dma_semaphore, #tpu.memory_space<semaphore_mem>>) src(%dma_wait3A_398 : memref<128x64xf32, #tpu.memory_space<vmem>>) dst(%dma_wait3A_394 : memref<128x64xf32, #tpu.memory_space<hbm>>)
    %scan3A_399 = arith.constant 0 : i32
    %scan3A_400 = arith.constant 0 : i32
    %scan3A_401 = arith.constant 128 : i32
    %scan3A_402 = arith.addi %scan3A_400, %scan3A_401 : i32
    %scan3A_403 = arith.constant 4 : i32
    scf.for %scan3A_550 = %scan3A_400 to %scan3A_402 step %scan3A_403  : i32 {
      %get3A = arith.constant 2 : i32
      %get3A_551 = arith.index_cast %get3A : i32 to index
      %get3A_552 = arith.index_cast %scan3A_550 : i32 to index
      %get3A_553 = arith.constant 0 : index
      %get3A_554 = tpu.vector_load %arg6[%get3A_551, %get3A_552, %get3A_553] {strides = array<i32>} : memref<4x128x64xf32, #tpu.memory_space<vmem>>, vector<1x1x16xf32>,
      %get3A_555 = vector.shape_cast %get3A_554 : vector<1x1x16xf32> to vector<16xf32>
      %mul3A_556 = arith.constant 8.000000e+00 : f32
      %mul3A_557 = vector.broadcast %mul3A_556 : f32 to vector<16xf32>
      %mul3A_558 = arith.mulf %get3A_555, %mul3A_557 : vector<16xf32>
      %swap3A = arith.constant 2 : i32
      %swap3A_559 = arith.index_cast %swap3A : i32 to index
      %swap3A_560 = arith.index_cast %scan3A_550 : i32 to index
      %swap3A_561 = arith.constant 0 : index
      %swap3A_562 = tpu.vector_load %arg7[%swap3A_559, %swap3A_560, %swap3A_561] {strides = array<i32>} : memref<4x128x64xf32, #tpu.memory_space<vmem>>, vector<1x1x16xf32>,
      %swap3A_563 = vector.shape_cast %swap3A_562 : vector<1x1x16xf32> to vector<16xf32>
      %swap3A_564 = vector.shape_cast %mul3A_558 : vector<16xf32> to vector<1x1x16xf32>
      tpu.vector_store %arg7[%swap3A_559, %swap3A_560, %swap3A_561], %swap3A_564 {strides = array<i32>} : memref<4x128x64xf32, #tpu.memory_space<vmem>>, vector<1x1x16xf32>,
      %get3A_565 = arith.constant 2 : i32
      %get3A_566 = arith.index_cast %get3A_565 : i32 to index
      %get3A_567 = arith.index_cast %scan3A_550 : i32 to index
      %get3A_568 = arith.constant 16 : index
      %get3A_569 = tpu.vector_load %arg6[%get3A_566, %get3A_567, %get3A_568] {strides = array<i32>} : memref<4x128x64xf32, #tpu.memory_space<vmem>>, vector<1x1x16xf32>,
      %get3A_570 = vector.shape_cast %get3A_569 : vector<1x1x16xf32> to vector<16xf32>
      %mul3A_571 = arith.constant 8.000000e+00 : f32
      %mul3A_572 = vector.broadcast %mul3A_571 : f32 to vector<16xf32>
      %mul3A_573 = arith.mulf %get3A_570, %mul3A_572 : vector<16xf32>
      %swap3A_574 = arith.constant 2 : i32
      %swap3A_575 = arith.index_cast %swap3A_574 : i32 to index
      %swap3A_576 = arith.index_cast %scan3A_550 : i32 to index
      %swap3A_577 = arith.constant 16 : index
      %swap3A_578 = tpu.vector_load %arg7[%swap3A_575, %swap3A_576, %swap3A_577] {strides = array<i32>} : memref<4x128x64xf32, #tpu.memory_space<vmem>>, vector<1x1x16xf32>,
      %swap3A_579 = vector.shape_cast %swap3A_578 : vector<1x1x16xf32> to vector<16xf32>
      %swap3A_580 = vector.shape_cast %mul3A_573 : vector<16xf32> to vector<1x1x16xf32>
      tpu.vector_store %arg7[%swap3A_575, %swap3A_576, %swap3A_577], %swap3A_580 {strides = array<i32>} : memref<4x128x64xf32, #tpu.memory_space<vmem>>, vector<1x1x16xf32>,
      %get3A_581 = arith.constant 2 : i32
      %get3A_582 = arith.index_cast %get3A_581 : i32 to index
      %get3A_583 = arith.index_cast %scan3A_550 : i32 to index
      %get3A_584 = arith.constant 32 : index
      %get3A_585 = tpu.vector_load %arg6[%get3A_582, %get3A_583, %get3A_584] {strides = array<i32>} : memref<4x128x64xf32, #tpu.memory_space<vmem>>, vector<1x1x16xf32>,
      %get3A_586 = vector.shape_cast %get3A_585 : vector<1x1x16xf32> to vector<16xf32>
      %mul3A_587 = arith.constant 8.000000e+00 : f32
      %mul3A_588 = vector.broadcast %mul3A_587 : f32 to vector<16xf32>
      %mul3A_589 = arith.mulf %get3A_586, %mul3A_588 : vector<16xf32>
      %swap3A_590 = arith.constant 2 : i32
      %swap3A_591 = arith.index_cast %swap3A_590 : i32 to index
      %swap3A_592 = arith.index_cast %scan3A_550 : i32 to index
      %swap3A_593 = arith.constant 32 : index
      %swap3A_594 = tpu.vector_load %arg7[%swap3A_591, %swap3A_592, %swap3A_593] {strides = array<i32>} : memref<4x128x64xf32, #tpu.memory_space<vmem>>, vector<1x1x16xf32>,
      %swap3A_595 = vector.shape_cast %swap3A_594 : vector<1x1x16xf32> to vector<16xf32>
      %swap3A_596 = vector.shape_cast %mul3A_589 : vector<16xf32> to vector<1x1x16xf32>
      tpu.vector_store %arg7[%swap3A_591, %swap3A_592, %swap3A_593], %swap3A_596 {strides = array<i32>} : memref<4x128x64xf32, #tpu.memory_space<vmem>>, vector<1x1x16xf32>,
      %get3A_597 = arith.constant 2 : i32
      %get3A_598 = arith.index_cast %get3A_597 : i32 to index
      %get3A_599 = arith.index_cast %scan3A_550 : i32 to index
      %get3A_600 = arith.constant 48 : index
      %get3A_601 = tpu.vector_load %arg6[%get3A_598, %get3A_599, %get3A_600] {strides = array<i32>} : memref<4x128x64xf32, #tpu.memory_space<vmem>>, vector<1x1x16xf32>,
      %get3A_602 = vector.shape_cast %get3A_601 : vector<1x1x16xf32> to vector<16xf32>
      %mul3A_603 = arith.constant 8.000000e+00 : f32
      %mul3A_604 = vector.broadcast %mul3A_603 : f32 to vector<16xf32>
      %mul3A_605 = arith.mulf %get3A_602, %mul3A_604 : vector<16xf32>
      %swap3A_606 = arith.constant 2 : i32
      %swap3A_607 = arith.index_cast %swap3A_606 : i32 to index
      %swap3A_608 = arith.index_cast %scan3A_550 : i32 to index
      %swap3A_609 = arith.constant 48 : index
      %swap3A_610 = tpu.vector_load %arg7[%swap3A_607, %swap3A_608, %swap3A_609] {strides = array<i32>} : memref<4x128x64xf32, #tpu.memory_space<vmem>>, vector<1x1x16xf32>,
      %swap3A_611 = vector.shape_cast %swap3A_610 : vector<1x1x16xf32> to vector<16xf32>
      %swap3A_612 = vector.shape_cast %mul3A_605 : vector<16xf32> to vector<1x1x16xf32>
      tpu.vector_store %arg7[%swap3A_607, %swap3A_608, %swap3A_609], %swap3A_612 {strides = array<i32>} : memref<4x128x64xf32, #tpu.memory_space<vmem>>, vector<1x1x16xf32>,
      %scan3A_613 = arith.constant 1 : i32
      %scan3A_614 = arith.addi %scan3A_550, %scan3A_613 : i32
      %get3A_615 = arith.constant 2 : i32
      %get3A_616 = arith.index_cast %get3A_615 : i32 to index
      %get3A_617 = arith.index_cast %scan3A_614 : i32 to index
      %get3A_618 = arith.constant 0 : index
      %get3A_619 = tpu.vector_load %arg6[%get3A_616, %get3A_617, %get3A_618] {strides = array<i32>} : memref<4x128x64xf32, #tpu.memory_space<vmem>>, vector<1x1x16xf32>,
      %get3A_620 = vector.shape_cast %get3A_619 : vector<1x1x16xf32> to vector<16xf32>
      %mul3A_621 = arith.constant 8.000000e+00 : f32
      %mul3A_622 = vector.broadcast %mul3A_621 : f32 to vector<16xf32>
      %mul3A_623 = arith.mulf %get3A_620, %mul3A_622 : vector<16xf32>
      %swap3A_624 = arith.constant 2 : i32
      %swap3A_625 = arith.index_cast %swap3A_624 : i32 to index
      %swap3A_626 = arith.index_cast %scan3A_614 : i32 to index
      %swap3A_627 = arith.constant 0 : index
      %swap3A_628 = tpu.vector_load %arg7[%swap3A_625, %swap3A_626, %swap3A_627] {strides = array<i32>} : memref<4x128x64xf32, #tpu.memory_space<vmem>>, vector<1x1x16xf32>,
      %swap3A_629 = vector.shape_cast %swap3A_628 : vector<1x1x16xf32> to vector<16xf32>
      %swap3A_630 = vector.shape_cast %mul3A_623 : vector<16xf32> to vector<1x1x16xf32>
      tpu.vector_store %arg7[%swap3A_625, %swap3A_626, %swap3A_627], %swap3A_630 {strides = array<i32>} : memref<4x128x64xf32, #tpu.memory_space<vmem>>, vector<1x1x16xf32>,
      %get3A_631 = arith.constant 2 : i32
      %get3A_632 = arith.index_cast %get3A_631 : i32 to index
      %get3A_633 = arith.index_cast %scan3A_614 : i32 to index
      %get3A_634 = arith.constant 16 : index
      %get3A_635 = tpu.vector_load %arg6[%get3A_632, %get3A_633, %get3A_634] {strides = array<i32>} : memref<4x128x64xf32, #tpu.memory_space<vmem>>, vector<1x1x16xf32>,
      %get3A_636 = vector.shape_cast %get3A_635 : vector<1x1x16xf32> to vector<16xf32>
      %mul3A_637 = arith.constant 8.000000e+00 : f32
      %mul3A_638 = vector.broadcast %mul3A_637 : f32 to vector<16xf32>
      %mul3A_639 = arith.mulf %get3A_636, %mul3A_638 : vector<16xf32>
      %swap3A_640 = arith.constant 2 : i32
      %swap3A_641 = arith.index_cast %swap3A_640 : i32 to index
      %swap3A_642 = arith.index_cast %scan3A_614 : i32 to index
      %swap3A_643 = arith.constant 16 : index
      %swap3A_644 = tpu.vector_load %arg7[%swap3A_641, %swap3A_642, %swap3A_643] {strides = array<i32>} : memref<4x128x64xf32, #tpu.memory_space<vmem>>, vector<1x1x16xf32>,
      %swap3A_645 = vector.shape_cast %swap3A_644 : vector<1x1x16xf32> to vector<16xf32>
      %swap3A_646 = vector.shape_cast %mul3A_639 : vector<16xf32> to vector<1x1x16xf32>
      tpu.vector_store %arg7[%swap3A_641, %swap3A_642, %swap3A_643], %swap3A_646 {strides = array<i32>} : memref<4x128x64xf32, #tpu.memory_space<vmem>>, vector<1x1x16xf32>,
      %get3A_647 = arith.constant 2 : i32
      %get3A_648 = arith.index_cast %get3A_647 : i32 to index
      %get3A_649 = arith.index_cast %scan3A_614 : i32 to index
      %get3A_650 = arith.constant 32 : index
      %get3A_651 = tpu.vector_load %arg6[%get3A_648, %get3A_649, %get3A_650] {strides = array<i32>} : memref<4x128x64xf32, #tpu.memory_space<vmem>>, vector<1x1x16xf32>,
      %get3A_652 = vector.shape_cast %get3A_651 : vector<1x1x16xf32> to vector<16xf32>
      %mul3A_653 = arith.constant 8.000000e+00 : f32
      %mul3A_654 = vector.broadcast %mul3A_653 : f32 to vector<16xf32>
      %mul3A_655 = arith.mulf %get3A_652, %mul3A_654 : vector<16xf32>
      %swap3A_656 = arith.constant 2 : i32
      %swap3A_657 = arith.index_cast %swap3A_656 : i32 to index
      %swap3A_658 = arith.index_cast %scan3A_614 : i32 to index
      %swap3A_659 = arith.constant 32 : index
      %swap3A_660 = tpu.vector_load %arg7[%swap3A_657, %swap3A_658, %swap3A_659] {strides = array<i32>} : memref<4x128x64xf32, #tpu.memory_space<vmem>>, vector<1x1x16xf32>,
      %swap3A_661 = vector.shape_cast %swap3A_660 : vector<1x1x16xf32> to vector<16xf32>
      %swap3A_662 = vector.shape_cast %mul3A_655 : vector<16xf32> to vector<1x1x16xf32>
      tpu.vector_store %arg7[%swap3A_657, %swap3A_658, %swap3A_659], %swap3A_662 {strides = array<i32>} : memref<4x128x64xf32, #tpu.memory_space<vmem>>, vector<1x1x16xf32>,
      %get3A_663 = arith.constant 2 : i32
      %get3A_664 = arith.index_cast %get3A_663 : i32 to index
      %get3A_665 = arith.index_cast %scan3A_614 : i32 to index
      %get3A_666 = arith.constant 48 : index
      %get3A_667 = tpu.vector_load %arg6[%get3A_664, %get3A_665, %get3A_666] {strides = array<i32>} : memref<4x128x64xf32, #tpu.memory_space<vmem>>, vector<1x1x16xf32>,
      %get3A_668 = vector.shape_cast %get3A_667 : vector<1x1x16xf32> to vector<16xf32>
      %mul3A_669 = arith.constant 8.000000e+00 : f32
      %mul3A_670 = vector.broadcast %mul3A_669 : f32 to vector<16xf32>
      %mul3A_671 = arith.mulf %get3A_668, %mul3A_670 : vector<16xf32>
      %swap3A_672 = arith.constant 2 : i32
      %swap3A_673 = arith.index_cast %swap3A_672 : i32 to index
      %swap3A_674 = arith.index_cast %scan3A_614 : i32 to index
      %swap3A_675 = arith.constant 48 : index
      %swap3A_676 = tpu.vector_load %arg7[%swap3A_673, %swap3A_674, %swap3A_675] {strides = array<i32>} : memref<4x128x64xf32, #tpu.memory_space<vmem>>, vector<1x1x16xf32>,
      %swap3A_677 = vector.shape_cast %swap3A_676 : vector<1x1x16xf32> to vector<16xf32>
      %swap3A_678 = vector.shape_cast %mul3A_671 : vector<16xf32> to vector<1x1x16xf32>
      tpu.vector_store %arg7[%swap3A_673, %swap3A_674, %swap3A_675], %swap3A_678 {strides = array<i32>} : memref<4x128x64xf32, #tpu.memory_space<vmem>>, vector<1x1x16xf32>,
      %scan3A_679 = arith.constant 2 : i32
      %scan3A_680 = arith.addi %scan3A_550, %scan3A_679 : i32
      %get3A_681 = arith.constant 2 : i32
      %get3A_682 = arith.index_cast %get3A_681 : i32 to index
      %get3A_683 = arith.index_cast %scan3A_680 : i32 to index
      %get3A_684 = arith.constant 0 : index
      %get3A_685 = tpu.vector_load %arg6[%get3A_682, %get3A_683, %get3A_684] {strides = array<i32>} : memref<4x128x64xf32, #tpu.memory_space<vmem>>, vector<1x1x16xf32>,
      %get3A_686 = vector.shape_cast %get3A_685 : vector<1x1x16xf32> to vector<16xf32>
      %mul3A_687 = arith.constant 8.000000e+00 : f32
      %mul3A_688 = vector.broadcast %mul3A_687 : f32 to vector<16xf32>
      %mul3A_689 = arith.mulf %get3A_686, %mul3A_688 : vector<16xf32>
      %swap3A_690 = arith.constant 2 : i32
      %swap3A_691 = arith.index_cast %swap3A_690 : i32 to index
      %swap3A_692 = arith.index_cast %scan3A_680 : i32 to index
      %swap3A_693 = arith.constant 0 : index
      %swap3A_694 = tpu.vector_load %arg7[%swap3A_691, %swap3A_692, %swap3A_693] {strides = array<i32>} : memref<4x128x64xf32, #tpu.memory_space<vmem>>, vector<1x1x16xf32>,
      %swap3A_695 = vector.shape_cast %swap3A_694 : vector<1x1x16xf32> to vector<16xf32>
      %swap3A_696 = vector.shape_cast %mul3A_689 : vector<16xf32> to vector<1x1x16xf32>
      tpu.vector_store %arg7[%swap3A_691, %swap3A_692, %swap3A_693], %swap3A_696 {strides = array<i32>} : memref<4x128x64xf32, #tpu.memory_space<vmem>>, vector<1x1x16xf32>,
      %get3A_697 = arith.constant 2 : i32
      %get3A_698 = arith.index_cast %get3A_697 : i32 to index
      %get3A_699 = arith.index_cast %scan3A_680 : i32 to index
      %get3A_700 = arith.constant 16 : index
      %get3A_701 = tpu.vector_load %arg6[%get3A_698, %get3A_699, %get3A_700] {strides = array<i32>} : memref<4x128x64xf32, #tpu.memory_space<vmem>>, vector<1x1x16xf32>,
      %get3A_702 = vector.shape_cast %get3A_701 : vector<1x1x16xf32> to vector<16xf32>
      %mul3A_703 = arith.constant 8.000000e+00 : f32
      %mul3A_704 = vector.broadcast %mul3A_703 : f32 to vector<16xf32>
      %mul3A_705 = arith.mulf %get3A_702, %mul3A_704 : vector<16xf32>
      %swap3A_706 = arith.constant 2 : i32
      %swap3A_707 = arith.index_cast %swap3A_706 : i32 to index
      %swap3A_708 = arith.index_cast %scan3A_680 : i32 to index
      %swap3A_709 = arith.constant 16 : index
      %swap3A_710 = tpu.vector_load %arg7[%swap3A_707, %swap3A_708, %swap3A_709] {strides = array<i32>} : memref<4x128x64xf32, #tpu.memory_space<vmem>>, vector<1x1x16xf32>,
      %swap3A_711 = vector.shape_cast %swap3A_710 : vector<1x1x16xf32> to vector<16xf32>
      %swap3A_712 = vector.shape_cast %mul3A_705 : vector<16xf32> to vector<1x1x16xf32>
      tpu.vector_store %arg7[%swap3A_707, %swap3A_708, %swap3A_709], %swap3A_712 {strides = array<i32>} : memref<4x128x64xf32, #tpu.memory_space<vmem>>, vector<1x1x16xf32>,
      %get3A_713 = arith.constant 2 : i32
      %get3A_714 = arith.index_cast %get3A_713 : i32 to index
      %get3A_715 = arith.index_cast %scan3A_680 : i32 to index
      %get3A_716 = arith.constant 32 : index
      %get3A_717 = tpu.vector_load %arg6[%get3A_714, %get3A_715, %get3A_716] {strides = array<i32>} : memref<4x128x64xf32, #tpu.memory_space<vmem>>, vector<1x1x16xf32>,
      %get3A_718 = vector.shape_cast %get3A_717 : vector<1x1x16xf32> to vector<16xf32>
      %mul3A_719 = arith.constant 8.000000e+00 : f32
      %mul3A_720 = vector.broadcast %mul3A_719 : f32 to vector<16xf32>
      %mul3A_721 = arith.mulf %get3A_718, %mul3A_720 : vector<16xf32>
      %swap3A_722 = arith.constant 2 : i32
      %swap3A_723 = arith.index_cast %swap3A_722 : i32 to index
      %swap3A_724 = arith.index_cast %scan3A_680 : i32 to index
      %swap3A_725 = arith.constant 32 : index
      %swap3A_726 = tpu.vector_load %arg7[%swap3A_723, %swap3A_724, %swap3A_725] {strides = array<i32>} : memref<4x128x64xf32, #tpu.memory_space<vmem>>, vector<1x1x16xf32>,
      %swap3A_727 = vector.shape_cast %swap3A_726 : vector<1x1x16xf32> to vector<16xf32>
      %swap3A_728 = vector.shape_cast %mul3A_721 : vector<16xf32> to vector<1x1x16xf32>
      tpu.vector_store %arg7[%swap3A_723, %swap3A_724, %swap3A_725], %swap3A_728 {strides = array<i32>} : memref<4x128x64xf32, #tpu.memory_space<vmem>>, vector<1x1x16xf32>,
      %get3A_729 = arith.constant 2 : i32
      %get3A_730 = arith.index_cast %get3A_729 : i32 to index
      %get3A_731 = arith.index_cast %scan3A_680 : i32 to index
      %get3A_732 = arith.constant 48 : index
      %get3A_733 = tpu.vector_load %arg6[%get3A_730, %get3A_731, %get3A_732] {strides = array<i32>} : memref<4x128x64xf32, #tpu.memory_space<vmem>>, vector<1x1x16xf32>,
      %get3A_734 = vector.shape_cast %get3A_733 : vector<1x1x16xf32> to vector<16xf32>
      %mul3A_735 = arith.constant 8.000000e+00 : f32
      %mul3A_736 = vector.broadcast %mul3A_735 : f32 to vector<16xf32>
      %mul3A_737 = arith.mulf %get3A_734, %mul3A_736 : vector<16xf32>
      %swap3A_738 = arith.constant 2 : i32
      %swap3A_739 = arith.index_cast %swap3A_738 : i32 to index
      %swap3A_740 = arith.index_cast %scan3A_680 : i32 to index
      %swap3A_741 = arith.constant 48 : index
      %swap3A_742 = tpu.vector_load %arg7[%swap3A_739, %swap3A_740, %swap3A_741] {strides = array<i32>} : memref<4x128x64xf32, #tpu.memory_space<vmem>>, vector<1x1x16xf32>,
      %swap3A_743 = vector.shape_cast %swap3A_742 : vector<1x1x16xf32> to vector<16xf32>
      %swap3A_744 = vector.shape_cast %mul3A_737 : vector<16xf32> to vector<1x1x16xf32>
      tpu.vector_store %arg7[%swap3A_739, %swap3A_740, %swap3A_741], %swap3A_744 {strides = array<i32>} : memref<4x128x64xf32, #tpu.memory_space<vmem>>, vector<1x1x16xf32>,
      %scan3A_745 = arith.constant 3 : i32
      %scan3A_746 = arith.addi %scan3A_550, %scan3A_745 : i32
      %get3A_747 = arith.constant 2 : i32
      %get3A_748 = arith.index_cast %get3A_747 : i32 to index
      %get3A_749 = arith.index_cast %scan3A_746 : i32 to index
      %get3A_750 = arith.constant 0 : index
      %get3A_751 = tpu.vector_load %arg6[%get3A_748, %get3A_749, %get3A_750] {strides = array<i32>} : memref<4x128x64xf32, #tpu.memory_space<vmem>>, vector<1x1x16xf32>,
      %get3A_752 = vector.shape_cast %get3A_751 : vector<1x1x16xf32> to vector<16xf32>
      %mul3A_753 = arith.constant 8.000000e+00 : f32
      %mul3A_754 = vector.broadcast %mul3A_753 : f32 to vector<16xf32>
      %mul3A_755 = arith.mulf %get3A_752, %mul3A_754 : vector<16xf32>
      %swap3A_756 = arith.constant 2 : i32
      %swap3A_757 = arith.index_cast %swap3A_756 : i32 to index
      %swap3A_758 = arith.index_cast %scan3A_746 : i32 to index
      %swap3A_759 = arith.constant 0 : index
      %swap3A_760 = tpu.vector_load %arg7[%swap3A_757, %swap3A_758, %swap3A_759] {strides = array<i32>} : memref<4x128x64xf32, #tpu.memory_space<vmem>>, vector<1x1x16xf32>,
      %swap3A_761 = vector.shape_cast %swap3A_760 : vector<1x1x16xf32> to vector<16xf32>
      %swap3A_762 = vector.shape_cast %mul3A_755 : vector<16xf32> to vector<1x1x16xf32>
      tpu.vector_store %arg7[%swap3A_757, %swap3A_758, %swap3A_759], %swap3A_762 {strides = array<i32>} : memref<4x128x64xf32, #tpu.memory_space<vmem>>, vector<1x1x16xf32>,
      %get3A_763 = arith.constant 2 : i32
      %get3A_764 = arith.index_cast %get3A_763 : i32 to index
      %get3A_765 = arith.index_cast %scan3A_746 : i32 to index
      %get3A_766 = arith.constant 16 : index
      %get3A_767 = tpu.vector_load %arg6[%get3A_764, %get3A_765, %get3A_766] {strides = array<i32>} : memref<4x128x64xf32, #tpu.memory_space<vmem>>, vector<1x1x16xf32>,
      %get3A_768 = vector.shape_cast %get3A_767 : vector<1x1x16xf32> to vector<16xf32>
      %mul3A_769 = arith.constant 8.000000e+00 : f32
      %mul3A_770 = vector.broadcast %mul3A_769 : f32 to vector<16xf32>
      %mul3A_771 = arith.mulf %get3A_768, %mul3A_770 : vector<16xf32>
      %swap3A_772 = arith.constant 2 : i32
      %swap3A_773 = arith.index_cast %swap3A_772 : i32 to index
      %swap3A_774 = arith.index_cast %scan3A_746 : i32 to index
      %swap3A_775 = arith.constant 16 : index
      %swap3A_776 = tpu.vector_load %arg7[%swap3A_773, %swap3A_774, %swap3A_775] {strides = array<i32>} : memref<4x128x64xf32, #tpu.memory_space<vmem>>, vector<1x1x16xf32>,
      %swap3A_777 = vector.shape_cast %swap3A_776 : vector<1x1x16xf32> to vector<16xf32>
      %swap3A_778 = vector.shape_cast %mul3A_771 : vector<16xf32> to vector<1x1x16xf32>
      tpu.vector_store %arg7[%swap3A_773, %swap3A_774, %swap3A_775], %swap3A_778 {strides = array<i32>} : memref<4x128x64xf32, #tpu.memory_space<vmem>>, vector<1x1x16xf32>,
      %get3A_779 = arith.constant 2 : i32
      %get3A_780 = arith.index_cast %get3A_779 : i32 to index
      %get3A_781 = arith.index_cast %scan3A_746 : i32 to index
      %get3A_782 = arith.constant 32 : index
      %get3A_783 = tpu.vector_load %arg6[%get3A_780, %get3A_781, %get3A_782] {strides = array<i32>} : memref<4x128x64xf32, #tpu.memory_space<vmem>>, vector<1x1x16xf32>,
      %get3A_784 = vector.shape_cast %get3A_783 : vector<1x1x16xf32> to vector<16xf32>
      %mul3A_785 = arith.constant 8.000000e+00 : f32
      %mul3A_786 = vector.broadcast %mul3A_785 : f32 to vector<16xf32>
      %mul3A_787 = arith.mulf %get3A_784, %mul3A_786 : vector<16xf32>
      %swap3A_788 = arith.constant 2 : i32
      %swap3A_789 = arith.index_cast %swap3A_788 : i32 to index
      %swap3A_790 = arith.index_cast %scan3A_746 : i32 to index
      %swap3A_791 = arith.constant 32 : index
      %swap3A_792 = tpu.vector_load %arg7[%swap3A_789, %swap3A_790, %swap3A_791] {strides = array<i32>} : memref<4x128x64xf32, #tpu.memory_space<vmem>>, vector<1x1x16xf32>,
      %swap3A_793 = vector.shape_cast %swap3A_792 : vector<1x1x16xf32> to vector<16xf32>
      %swap3A_794 = vector.shape_cast %mul3A_787 : vector<16xf32> to vector<1x1x16xf32>
      tpu.vector_store %arg7[%swap3A_789, %swap3A_790, %swap3A_791], %swap3A_794 {strides = array<i32>} : memref<4x128x64xf32, #tpu.memory_space<vmem>>, vector<1x1x16xf32>,
      %get3A_795 = arith.constant 2 : i32
      %get3A_796 = arith.index_cast %get3A_795 : i32 to index
      %get3A_797 = arith.index_cast %scan3A_746 : i32 to index
      %get3A_798 = arith.constant 48 : index
      %get3A_799 = tpu.vector_load %arg6[%get3A_796, %get3A_797, %get3A_798] {strides = array<i32>} : memref<4x128x64xf32, #tpu.memory_space<vmem>>, vector<1x1x16xf32>,
      %get3A_800 = vector.shape_cast %get3A_799 : vector<1x1x16xf32> to vector<16xf32>
      %mul3A_801 = arith.constant 8.000000e+00 : f32
      %mul3A_802 = vector.broadcast %mul3A_801 : f32 to vector<16xf32>
      %mul3A_803 = arith.mulf %get3A_800, %mul3A_802 : vector<16xf32>
      %swap3A_804 = arith.constant 2 : i32
      %swap3A_805 = arith.index_cast %swap3A_804 : i32 to index
      %swap3A_806 = arith.index_cast %scan3A_746 : i32 to index
      %swap3A_807 = arith.constant 48 : index
      %swap3A_808 = tpu.vector_load %arg7[%swap3A_805, %swap3A_806, %swap3A_807] {strides = array<i32>} : memref<4x128x64xf32, #tpu.memory_space<vmem>>, vector<1x1x16xf32>,
      %swap3A_809 = vector.shape_cast %swap3A_808 : vector<1x1x16xf32> to vector<16xf32>
      %swap3A_810 = vector.shape_cast %mul3A_803 : vector<16xf32> to vector<1x1x16xf32>
      tpu.vector_store %arg7[%swap3A_805, %swap3A_806, %swap3A_807], %swap3A_810 {strides = array<i32>} : memref<4x128x64xf32, #tpu.memory_space<vmem>>, vector<1x1x16xf32>,
    }
    %scan3A_404 = arith.constant 128 : i32
    %add3A_405 = arith.constant 25344 : i32
    %add3A_406 = arith.addi %mul3A_2, %add3A_405 : i32
    %dma_start3A_407 = arith.constant 2 : i32
    %dma_start3A_408 = arith.constant 2 : i32
    %dma_start3A_409 = arith.constant 0 : i32
    %dma_start3A_410 = arith.constant 0 : i32
    %dma_start3A_411 = tpu.memref_slice %arg7[%dma_start3A_407, %dma_start3A_409, %dma_start3A_410] : memref<4x128x64xf32, #tpu.memory_space<vmem>> -> memref<1x128x64xf32, #tpu.memory_space<vmem>>
    %dma_start3A_412 = tpu.memref_squeeze %dma_start3A_411 : memref<1x128x64xf32, #tpu.memory_space<vmem>> -> memref<128x64xf32, #tpu.memory_space<vmem>>
    %dma_start3A_413 = arith.constant 0 : i32
    %dma_start3A_414 = tpu.memref_slice %arg4[%add3A_406, %dma_start3A_413] : memref<819200x64xf32, #tpu.memory_space<hbm>> -> memref<128x64xf32, #tpu.memory_space<hbm>>
    %dma_start3A_415 = tpu.memref_slice %arg9[%dma_start3A_408] : memref<4x!tpu.dma_semaphore, #tpu.memory_space<semaphore_mem>> -> memref<1x!tpu.dma_semaphore, #tpu.memory_space<semaphore_mem>>
    %dma_start3A_416 = tpu.memref_squeeze %dma_start3A_415 : memref<1x!tpu.dma_semaphore, #tpu.memory_space<semaphore_mem>> -> memref<!tpu.dma_semaphore, #tpu.memory_space<semaphore_mem>>
    %dma_start3A_417 = arith.constant 0 : i32
    %dma_start3A_418 = tpu.memref_slice %arg4[%add3A_406, %dma_start3A_417] : memref<819200x64xf32, #tpu.memory_space<hbm>> -> memref<128x64xf32, #tpu.memory_space<hbm>>
    %dma_start3A_419 = arith.constant 0 : i32
    %dma_start3A_420 = arith.constant 0 : i32
    %dma_start3A_421 = tpu.memref_slice %arg7[%dma_start3A_407, %dma_start3A_419, %dma_start3A_420] : memref<4x128x64xf32, #tpu.memory_space<vmem>> -> memref<1x128x64xf32, #tpu.memory_space<vmem>>
    %dma_start3A_422 = tpu.memref_squeeze %dma_start3A_421 : memref<1x128x64xf32, #tpu.memory_space<vmem>> -> memref<128x64xf32, #tpu.memory_space<vmem>>
    tpu.enqueue_dma source(%dma_start3A_422 : memref<128x64xf32, #tpu.memory_space<vmem>>) target(%dma_start3A_418 : memref<128x64xf32, #tpu.memory_space<hbm>>) target_semaphore(%dma_start3A_416 : memref<!tpu.dma_semaphore, #tpu.memory_space<semaphore_mem>>)
    %dma_wait3A_423 = arith.constant 3 : i32
    %dma_wait3A_424 = arith.constant 3 : i32
    %dma_wait3A_425 = arith.constant 0 : i32
    %dma_wait3A_426 = arith.constant 0 : i32
    %dma_wait3A_427 = tpu.memref_slice %arg6[%dma_wait3A_423, %dma_wait3A_425, %dma_wait3A_426] : memref<4x128x64xf32, #tpu.memory_space<vmem>> -> memref<1x128x64xf32, #tpu.memory_space<vmem>>
    %dma_wait3A_428 = tpu.memref_squeeze %dma_wait3A_427 : memref<1x128x64xf32, #tpu.memory_space<vmem>> -> memref<128x64xf32, #tpu.memory_space<vmem>>
    %dma_wait3A_429 = arith.constant 25472 : i32
    %dma_wait3A_430 = tpu.memref_slice %arg5[%dma_wait3A_429] : memref<25600xi32, #tpu.memory_space<vmem>> -> memref<128xi32, #tpu.memory_space<vmem>>
    %dma_wait3A_431 = arith.constant 0 : i32
    %dma_wait3A_432 = arith.constant 0 : i32
    %dma_wait3A_433 = tpu.memref_slice %arg3[%dma_wait3A_431, %dma_wait3A_432] : memref<1000000x64xf32, #tpu.memory_space<hbm>> -> memref<1000000x64xf32, #tpu.memory_space<hbm>>
    %dma_wait3A_434 = tpu.memref_slice %arg8[%dma_wait3A_424] : memref<4x!tpu.dma_semaphore, #tpu.memory_space<semaphore_mem>> -> memref<1x!tpu.dma_semaphore, #tpu.memory_space<semaphore_mem>>
    %dma_wait3A_435 = tpu.memref_squeeze %dma_wait3A_434 : memref<1x!tpu.dma_semaphore, #tpu.memory_space<semaphore_mem>> -> memref<!tpu.dma_semaphore, #tpu.memory_space<semaphore_mem>>
    tpu.wait_indirect_dma semaphore(%dma_wait3A_435 : memref<!tpu.dma_semaphore, #tpu.memory_space<semaphore_mem>>) src(%dma_wait3A_433 : memref<1000000x64xf32, #tpu.memory_space<hbm>>) dst(%dma_wait3A_428 : memref<128x64xf32, #tpu.memory_space<vmem>>)
    %add3A_436 = arith.constant 24960 : i32
    %add3A_437 = arith.addi %mul3A_2, %add3A_436 : i32
    %dma_wait3A_438 = arith.constant 3 : i32
    %dma_wait3A_439 = arith.constant 3 : i32
    %dma_wait3A_440 = arith.constant 0 : i32
    %dma_wait3A_441 = arith.constant 0 : i32
    %dma_wait3A_442 = tpu.memref_slice %arg7[%dma_wait3A_438, %dma_wait3A_440, %dma_wait3A_441] : memref<4x128x64xf32, #tpu.memory_space<vmem>> -> memref<1x128x64xf32, #tpu.memory_space<vmem>>
    %dma_wait3A_443 = tpu.memref_squeeze %dma_wait3A_442 : memref<1x128x64xf32, #tpu.memory_space<vmem>> -> memref<128x64xf32, #tpu.memory_space<vmem>>
    %dma_wait3A_444 = arith.constant 0 : i32
    %dma_wait3A_445 = tpu.memref_slice %arg4[%add3A_437, %dma_wait3A_444] : memref<819200x64xf32, #tpu.memory_space<hbm>> -> memref<128x64xf32, #tpu.memory_space<hbm>>
    %dma_wait3A_446 = tpu.memref_slice %arg9[%dma_wait3A_439] : memref<4x!tpu.dma_semaphore, #tpu.memory_space<semaphore_mem>> -> memref<1x!tpu.dma_semaphore, #tpu.memory_space<semaphore_mem>>
    %dma_wait3A_447 = tpu.memref_squeeze %dma_wait3A_446 : memref<1x!tpu.dma_semaphore, #tpu.memory_space<semaphore_mem>> -> memref<!tpu.dma_semaphore, #tpu.memory_space<semaphore_mem>>
    %dma_wait3A_448 = arith.constant 0 : i32
    %dma_wait3A_449 = tpu.memref_slice %arg4[%add3A_437, %dma_wait3A_448] : memref<819200x64xf32, #tpu.memory_space<hbm>> -> memref<128x64xf32, #tpu.memory_space<hbm>>
    %dma_wait3A_450 = arith.constant 0 : i32
    %dma_wait3A_451 = arith.constant 0 : i32
    %dma_wait3A_452 = tpu.memref_slice %arg7[%dma_wait3A_438, %dma_wait3A_450, %dma_wait3A_451] : memref<4x128x64xf32, #tpu.memory_space<vmem>> -> memref<1x128x64xf32, #tpu.memory_space<vmem>>
    %dma_wait3A_453 = tpu.memref_squeeze %dma_wait3A_452 : memref<1x128x64xf32, #tpu.memory_space<vmem>> -> memref<128x64xf32, #tpu.memory_space<vmem>>
    tpu.wait_dma2 semaphore(%dma_wait3A_447 : memref<!tpu.dma_semaphore, #tpu.memory_space<semaphore_mem>>) src(%dma_wait3A_453 : memref<128x64xf32, #tpu.memory_space<vmem>>) dst(%dma_wait3A_449 : memref<128x64xf32, #tpu.memory_space<hbm>>)
    %scan3A_454 = arith.constant 0 : i32
    %scan3A_455 = arith.constant 0 : i32
    %scan3A_456 = arith.constant 128 : i32
    %scan3A_457 = arith.addi %scan3A_455, %scan3A_456 : i32
    %scan3A_458 = arith.constant 4 : i32
    scf.for %scan3A_550 = %scan3A_455 to %scan3A_457 step %scan3A_458  : i32 {
      %get3A = arith.constant 3 : i32
      %get3A_551 = arith.index_cast %get3A : i32 to index
      %get3A_552 = arith.index_cast %scan3A_550 : i32 to index
      %get3A_553 = arith.constant 0 : index
      %get3A_554 = tpu.vector_load %arg6[%get3A_551, %get3A_552, %get3A_553] {strides = array<i32>} : memref<4x128x64xf32, #tpu.memory_space<vmem>>, vector<1x1x16xf32>,
      %get3A_555 = vector.shape_cast %get3A_554 : vector<1x1x16xf32> to vector<16xf32>
      %mul3A_556 = arith.constant 8.000000e+00 : f32
      %mul3A_557 = vector.broadcast %mul3A_556 : f32 to vector<16xf32>
      %mul3A_558 = arith.mulf %get3A_555, %mul3A_557 : vector<16xf32>
      %swap3A = arith.constant 3 : i32
      %swap3A_559 = arith.index_cast %swap3A : i32 to index
      %swap3A_560 = arith.index_cast %scan3A_550 : i32 to index
      %swap3A_561 = arith.constant 0 : index
      %swap3A_562 = tpu.vector_load %arg7[%swap3A_559, %swap3A_560, %swap3A_561] {strides = array<i32>} : memref<4x128x64xf32, #tpu.memory_space<vmem>>, vector<1x1x16xf32>,
      %swap3A_563 = vector.shape_cast %swap3A_562 : vector<1x1x16xf32> to vector<16xf32>
      %swap3A_564 = vector.shape_cast %mul3A_558 : vector<16xf32> to vector<1x1x16xf32>
      tpu.vector_store %arg7[%swap3A_559, %swap3A_560, %swap3A_561], %swap3A_564 {strides = array<i32>} : memref<4x128x64xf32, #tpu.memory_space<vmem>>, vector<1x1x16xf32>,
      %get3A_565 = arith.constant 3 : i32
      %get3A_566 = arith.index_cast %get3A_565 : i32 to index
      %get3A_567 = arith.index_cast %scan3A_550 : i32 to index
      %get3A_568 = arith.constant 16 : index
      %get3A_569 = tpu.vector_load %arg6[%get3A_566, %get3A_567, %get3A_568] {strides = array<i32>} : memref<4x128x64xf32, #tpu.memory_space<vmem>>, vector<1x1x16xf32>,
      %get3A_570 = vector.shape_cast %get3A_569 : vector<1x1x16xf32> to vector<16xf32>
      %mul3A_571 = arith.constant 8.000000e+00 : f32
      %mul3A_572 = vector.broadcast %mul3A_571 : f32 to vector<16xf32>
      %mul3A_573 = arith.mulf %get3A_570, %mul3A_572 : vector<16xf32>
      %swap3A_574 = arith.constant 3 : i32
      %swap3A_575 = arith.index_cast %swap3A_574 : i32 to index
      %swap3A_576 = arith.index_cast %scan3A_550 : i32 to index
      %swap3A_577 = arith.constant 16 : index
      %swap3A_578 = tpu.vector_load %arg7[%swap3A_575, %swap3A_576, %swap3A_577] {strides = array<i32>} : memref<4x128x64xf32, #tpu.memory_space<vmem>>, vector<1x1x16xf32>,
      %swap3A_579 = vector.shape_cast %swap3A_578 : vector<1x1x16xf32> to vector<16xf32>
      %swap3A_580 = vector.shape_cast %mul3A_573 : vector<16xf32> to vector<1x1x16xf32>
      tpu.vector_store %arg7[%swap3A_575, %swap3A_576, %swap3A_577], %swap3A_580 {strides = array<i32>} : memref<4x128x64xf32, #tpu.memory_space<vmem>>, vector<1x1x16xf32>,
      %get3A_581 = arith.constant 3 : i32
      %get3A_582 = arith.index_cast %get3A_581 : i32 to index
      %get3A_583 = arith.index_cast %scan3A_550 : i32 to index
      %get3A_584 = arith.constant 32 : index
      %get3A_585 = tpu.vector_load %arg6[%get3A_582, %get3A_583, %get3A_584] {strides = array<i32>} : memref<4x128x64xf32, #tpu.memory_space<vmem>>, vector<1x1x16xf32>,
      %get3A_586 = vector.shape_cast %get3A_585 : vector<1x1x16xf32> to vector<16xf32>
      %mul3A_587 = arith.constant 8.000000e+00 : f32
      %mul3A_588 = vector.broadcast %mul3A_587 : f32 to vector<16xf32>
      %mul3A_589 = arith.mulf %get3A_586, %mul3A_588 : vector<16xf32>
      %swap3A_590 = arith.constant 3 : i32
      %swap3A_591 = arith.index_cast %swap3A_590 : i32 to index
      %swap3A_592 = arith.index_cast %scan3A_550 : i32 to index
      %swap3A_593 = arith.constant 32 : index
      %swap3A_594 = tpu.vector_load %arg7[%swap3A_591, %swap3A_592, %swap3A_593] {strides = array<i32>} : memref<4x128x64xf32, #tpu.memory_space<vmem>>, vector<1x1x16xf32>,
      %swap3A_595 = vector.shape_cast %swap3A_594 : vector<1x1x16xf32> to vector<16xf32>
      %swap3A_596 = vector.shape_cast %mul3A_589 : vector<16xf32> to vector<1x1x16xf32>
      tpu.vector_store %arg7[%swap3A_591, %swap3A_592, %swap3A_593], %swap3A_596 {strides = array<i32>} : memref<4x128x64xf32, #tpu.memory_space<vmem>>, vector<1x1x16xf32>,
      %get3A_597 = arith.constant 3 : i32
      %get3A_598 = arith.index_cast %get3A_597 : i32 to index
      %get3A_599 = arith.index_cast %scan3A_550 : i32 to index
      %get3A_600 = arith.constant 48 : index
      %get3A_601 = tpu.vector_load %arg6[%get3A_598, %get3A_599, %get3A_600] {strides = array<i32>} : memref<4x128x64xf32, #tpu.memory_space<vmem>>, vector<1x1x16xf32>,
      %get3A_602 = vector.shape_cast %get3A_601 : vector<1x1x16xf32> to vector<16xf32>
      %mul3A_603 = arith.constant 8.000000e+00 : f32
      %mul3A_604 = vector.broadcast %mul3A_603 : f32 to vector<16xf32>
      %mul3A_605 = arith.mulf %get3A_602, %mul3A_604 : vector<16xf32>
      %swap3A_606 = arith.constant 3 : i32
      %swap3A_607 = arith.index_cast %swap3A_606 : i32 to index
      %swap3A_608 = arith.index_cast %scan3A_550 : i32 to index
      %swap3A_609 = arith.constant 48 : index
      %swap3A_610 = tpu.vector_load %arg7[%swap3A_607, %swap3A_608, %swap3A_609] {strides = array<i32>} : memref<4x128x64xf32, #tpu.memory_space<vmem>>, vector<1x1x16xf32>,
      %swap3A_611 = vector.shape_cast %swap3A_610 : vector<1x1x16xf32> to vector<16xf32>
      %swap3A_612 = vector.shape_cast %mul3A_605 : vector<16xf32> to vector<1x1x16xf32>
      tpu.vector_store %arg7[%swap3A_607, %swap3A_608, %swap3A_609], %swap3A_612 {strides = array<i32>} : memref<4x128x64xf32, #tpu.memory_space<vmem>>, vector<1x1x16xf32>,
      %scan3A_613 = arith.constant 1 : i32
      %scan3A_614 = arith.addi %scan3A_550, %scan3A_613 : i32
      %get3A_615 = arith.constant 3 : i32
      %get3A_616 = arith.index_cast %get3A_615 : i32 to index
      %get3A_617 = arith.index_cast %scan3A_614 : i32 to index
      %get3A_618 = arith.constant 0 : index
      %get3A_619 = tpu.vector_load %arg6[%get3A_616, %get3A_617, %get3A_618] {strides = array<i32>} : memref<4x128x64xf32, #tpu.memory_space<vmem>>, vector<1x1x16xf32>,
      %get3A_620 = vector.shape_cast %get3A_619 : vector<1x1x16xf32> to vector<16xf32>
      %mul3A_621 = arith.constant 8.000000e+00 : f32
      %mul3A_622 = vector.broadcast %mul3A_621 : f32 to vector<16xf32>
      %mul3A_623 = arith.mulf %get3A_620, %mul3A_622 : vector<16xf32>
      %swap3A_624 = arith.constant 3 : i32
      %swap3A_625 = arith.index_cast %swap3A_624 : i32 to index
      %swap3A_626 = arith.index_cast %scan3A_614 : i32 to index
      %swap3A_627 = arith.constant 0 : index
      %swap3A_628 = tpu.vector_load %arg7[%swap3A_625, %swap3A_626, %swap3A_627] {strides = array<i32>} : memref<4x128x64xf32, #tpu.memory_space<vmem>>, vector<1x1x16xf32>,
      %swap3A_629 = vector.shape_cast %swap3A_628 : vector<1x1x16xf32> to vector<16xf32>
      %swap3A_630 = vector.shape_cast %mul3A_623 : vector<16xf32> to vector<1x1x16xf32>
      tpu.vector_store %arg7[%swap3A_625, %swap3A_626, %swap3A_627], %swap3A_630 {strides = array<i32>} : memref<4x128x64xf32, #tpu.memory_space<vmem>>, vector<1x1x16xf32>,
      %get3A_631 = arith.constant 3 : i32
      %get3A_632 = arith.index_cast %get3A_631 : i32 to index
      %get3A_633 = arith.index_cast %scan3A_614 : i32 to index
      %get3A_634 = arith.constant 16 : index
      %get3A_635 = tpu.vector_load %arg6[%get3A_632, %get3A_633, %get3A_634] {strides = array<i32>} : memref<4x128x64xf32, #tpu.memory_space<vmem>>, vector<1x1x16xf32>,
      %get3A_636 = vector.shape_cast %get3A_635 : vector<1x1x16xf32> to vector<16xf32>
      %mul3A_637 = arith.constant 8.000000e+00 : f32
      %mul3A_638 = vector.broadcast %mul3A_637 : f32 to vector<16xf32>
      %mul3A_639 = arith.mulf %get3A_636, %mul3A_638 : vector<16xf32>
      %swap3A_640 = arith.constant 3 : i32
      %swap3A_641 = arith.index_cast %swap3A_640 : i32 to index
      %swap3A_642 = arith.index_cast %scan3A_614 : i32 to index
      %swap3A_643 = arith.constant 16 : index
      %swap3A_644 = tpu.vector_load %arg7[%swap3A_641, %swap3A_642, %swap3A_643] {strides = array<i32>} : memref<4x128x64xf32, #tpu.memory_space<vmem>>, vector<1x1x16xf32>,
      %swap3A_645 = vector.shape_cast %swap3A_644 : vector<1x1x16xf32> to vector<16xf32>
      %swap3A_646 = vector.shape_cast %mul3A_639 : vector<16xf32> to vector<1x1x16xf32>
      tpu.vector_store %arg7[%swap3A_641, %swap3A_642, %swap3A_643], %swap3A_646 {strides = array<i32>} : memref<4x128x64xf32, #tpu.memory_space<vmem>>, vector<1x1x16xf32>,
      %get3A_647 = arith.constant 3 : i32
      %get3A_648 = arith.index_cast %get3A_647 : i32 to index
      %get3A_649 = arith.index_cast %scan3A_614 : i32 to index
      %get3A_650 = arith.constant 32 : index
      %get3A_651 = tpu.vector_load %arg6[%get3A_648, %get3A_649, %get3A_650] {strides = array<i32>} : memref<4x128x64xf32, #tpu.memory_space<vmem>>, vector<1x1x16xf32>,
      %get3A_652 = vector.shape_cast %get3A_651 : vector<1x1x16xf32> to vector<16xf32>
      %mul3A_653 = arith.constant 8.000000e+00 : f32
      %mul3A_654 = vector.broadcast %mul3A_653 : f32 to vector<16xf32>
      %mul3A_655 = arith.mulf %get3A_652, %mul3A_654 : vector<16xf32>
      %swap3A_656 = arith.constant 3 : i32
      %swap3A_657 = arith.index_cast %swap3A_656 : i32 to index
      %swap3A_658 = arith.index_cast %scan3A_614 : i32 to index
      %swap3A_659 = arith.constant 32 : index
      %swap3A_660 = tpu.vector_load %arg7[%swap3A_657, %swap3A_658, %swap3A_659] {strides = array<i32>} : memref<4x128x64xf32, #tpu.memory_space<vmem>>, vector<1x1x16xf32>,
      %swap3A_661 = vector.shape_cast %swap3A_660 : vector<1x1x16xf32> to vector<16xf32>
      %swap3A_662 = vector.shape_cast %mul3A_655 : vector<16xf32> to vector<1x1x16xf32>
      tpu.vector_store %arg7[%swap3A_657, %swap3A_658, %swap3A_659], %swap3A_662 {strides = array<i32>} : memref<4x128x64xf32, #tpu.memory_space<vmem>>, vector<1x1x16xf32>,
      %get3A_663 = arith.constant 3 : i32
      %get3A_664 = arith.index_cast %get3A_663 : i32 to index
      %get3A_665 = arith.index_cast %scan3A_614 : i32 to index
      %get3A_666 = arith.constant 48 : index
      %get3A_667 = tpu.vector_load %arg6[%get3A_664, %get3A_665, %get3A_666] {strides = array<i32>} : memref<4x128x64xf32, #tpu.memory_space<vmem>>, vector<1x1x16xf32>,
      %get3A_668 = vector.shape_cast %get3A_667 : vector<1x1x16xf32> to vector<16xf32>
      %mul3A_669 = arith.constant 8.000000e+00 : f32
      %mul3A_670 = vector.broadcast %mul3A_669 : f32 to vector<16xf32>
      %mul3A_671 = arith.mulf %get3A_668, %mul3A_670 : vector<16xf32>
      %swap3A_672 = arith.constant 3 : i32
      %swap3A_673 = arith.index_cast %swap3A_672 : i32 to index
      %swap3A_674 = arith.index_cast %scan3A_614 : i32 to index
      %swap3A_675 = arith.constant 48 : index
      %swap3A_676 = tpu.vector_load %arg7[%swap3A_673, %swap3A_674, %swap3A_675] {strides = array<i32>} : memref<4x128x64xf32, #tpu.memory_space<vmem>>, vector<1x1x16xf32>,
      %swap3A_677 = vector.shape_cast %swap3A_676 : vector<1x1x16xf32> to vector<16xf32>
      %swap3A_678 = vector.shape_cast %mul3A_671 : vector<16xf32> to vector<1x1x16xf32>
      tpu.vector_store %arg7[%swap3A_673, %swap3A_674, %swap3A_675], %swap3A_678 {strides = array<i32>} : memref<4x128x64xf32, #tpu.memory_space<vmem>>, vector<1x1x16xf32>,
      %scan3A_679 = arith.constant 2 : i32
      %scan3A_680 = arith.addi %scan3A_550, %scan3A_679 : i32
      %get3A_681 = arith.constant 3 : i32
      %get3A_682 = arith.index_cast %get3A_681 : i32 to index
      %get3A_683 = arith.index_cast %scan3A_680 : i32 to index
      %get3A_684 = arith.constant 0 : index
      %get3A_685 = tpu.vector_load %arg6[%get3A_682, %get3A_683, %get3A_684] {strides = array<i32>} : memref<4x128x64xf32, #tpu.memory_space<vmem>>, vector<1x1x16xf32>,
      %get3A_686 = vector.shape_cast %get3A_685 : vector<1x1x16xf32> to vector<16xf32>
      %mul3A_687 = arith.constant 8.000000e+00 : f32
      %mul3A_688 = vector.broadcast %mul3A_687 : f32 to vector<16xf32>
      %mul3A_689 = arith.mulf %get3A_686, %mul3A_688 : vector<16xf32>
      %swap3A_690 = arith.constant 3 : i32
      %swap3A_691 = arith.index_cast %swap3A_690 : i32 to index
      %swap3A_692 = arith.index_cast %scan3A_680 : i32 to index
      %swap3A_693 = arith.constant 0 : index
      %swap3A_694 = tpu.vector_load %arg7[%swap3A_691, %swap3A_692, %swap3A_693] {strides = array<i32>} : memref<4x128x64xf32, #tpu.memory_space<vmem>>, vector<1x1x16xf32>,
      %swap3A_695 = vector.shape_cast %swap3A_694 : vector<1x1x16xf32> to vector<16xf32>
      %swap3A_696 = vector.shape_cast %mul3A_689 : vector<16xf32> to vector<1x1x16xf32>
      tpu.vector_store %arg7[%swap3A_691, %swap3A_692, %swap3A_693], %swap3A_696 {strides = array<i32>} : memref<4x128x64xf32, #tpu.memory_space<vmem>>, vector<1x1x16xf32>,
      %get3A_697 = arith.constant 3 : i32
      %get3A_698 = arith.index_cast %get3A_697 : i32 to index
      %get3A_699 = arith.index_cast %scan3A_680 : i32 to index
      %get3A_700 = arith.constant 16 : index
      %get3A_701 = tpu.vector_load %arg6[%get3A_698, %get3A_699, %get3A_700] {strides = array<i32>} : memref<4x128x64xf32, #tpu.memory_space<vmem>>, vector<1x1x16xf32>,
      %get3A_702 = vector.shape_cast %get3A_701 : vector<1x1x16xf32> to vector<16xf32>
      %mul3A_703 = arith.constant 8.000000e+00 : f32
      %mul3A_704 = vector.broadcast %mul3A_703 : f32 to vector<16xf32>
      %mul3A_705 = arith.mulf %get3A_702, %mul3A_704 : vector<16xf32>
      %swap3A_706 = arith.constant 3 : i32
      %swap3A_707 = arith.index_cast %swap3A_706 : i32 to index
      %swap3A_708 = arith.index_cast %scan3A_680 : i32 to index
      %swap3A_709 = arith.constant 16 : index
      %swap3A_710 = tpu.vector_load %arg7[%swap3A_707, %swap3A_708, %swap3A_709] {strides = array<i32>} : memref<4x128x64xf32, #tpu.memory_space<vmem>>, vector<1x1x16xf32>,
      %swap3A_711 = vector.shape_cast %swap3A_710 : vector<1x1x16xf32> to vector<16xf32>
      %swap3A_712 = vector.shape_cast %mul3A_705 : vector<16xf32> to vector<1x1x16xf32>
      tpu.vector_store %arg7[%swap3A_707, %swap3A_708, %swap3A_709], %swap3A_712 {strides = array<i32>} : memref<4x128x64xf32, #tpu.memory_space<vmem>>, vector<1x1x16xf32>,
      %get3A_713 = arith.constant 3 : i32
      %get3A_714 = arith.index_cast %get3A_713 : i32 to index
      %get3A_715 = arith.index_cast %scan3A_680 : i32 to index
      %get3A_716 = arith.constant 32 : index
      %get3A_717 = tpu.vector_load %arg6[%get3A_714, %get3A_715, %get3A_716] {strides = array<i32>} : memref<4x128x64xf32, #tpu.memory_space<vmem>>, vector<1x1x16xf32>,
      %get3A_718 = vector.shape_cast %get3A_717 : vector<1x1x16xf32> to vector<16xf32>
      %mul3A_719 = arith.constant 8.000000e+00 : f32
      %mul3A_720 = vector.broadcast %mul3A_719 : f32 to vector<16xf32>
      %mul3A_721 = arith.mulf %get3A_718, %mul3A_720 : vector<16xf32>
      %swap3A_722 = arith.constant 3 : i32
      %swap3A_723 = arith.index_cast %swap3A_722 : i32 to index
      %swap3A_724 = arith.index_cast %scan3A_680 : i32 to index
      %swap3A_725 = arith.constant 32 : index
      %swap3A_726 = tpu.vector_load %arg7[%swap3A_723, %swap3A_724, %swap3A_725] {strides = array<i32>} : memref<4x128x64xf32, #tpu.memory_space<vmem>>, vector<1x1x16xf32>,
      %swap3A_727 = vector.shape_cast %swap3A_726 : vector<1x1x16xf32> to vector<16xf32>
      %swap3A_728 = vector.shape_cast %mul3A_721 : vector<16xf32> to vector<1x1x16xf32>
      tpu.vector_store %arg7[%swap3A_723, %swap3A_724, %swap3A_725], %swap3A_728 {strides = array<i32>} : memref<4x128x64xf32, #tpu.memory_space<vmem>>, vector<1x1x16xf32>,
      %get3A_729 = arith.constant 3 : i32
      %get3A_730 = arith.index_cast %get3A_729 : i32 to index
      %get3A_731 = arith.index_cast %scan3A_680 : i32 to index
      %get3A_732 = arith.constant 48 : index
      %get3A_733 = tpu.vector_load %arg6[%get3A_730, %get3A_731, %get3A_732] {strides = array<i32>} : memref<4x128x64xf32, #tpu.memory_space<vmem>>, vector<1x1x16xf32>,
      %get3A_734 = vector.shape_cast %get3A_733 : vector<1x1x16xf32> to vector<16xf32>
      %mul3A_735 = arith.constant 8.000000e+00 : f32
      %mul3A_736 = vector.broadcast %mul3A_735 : f32 to vector<16xf32>
      %mul3A_737 = arith.mulf %get3A_734, %mul3A_736 : vector<16xf32>
      %swap3A_738 = arith.constant 3 : i32
      %swap3A_739 = arith.index_cast %swap3A_738 : i32 to index
      %swap3A_740 = arith.index_cast %scan3A_680 : i32 to index
      %swap3A_741 = arith.constant 48 : index
      %swap3A_742 = tpu.vector_load %arg7[%swap3A_739, %swap3A_740, %swap3A_741] {strides = array<i32>} : memref<4x128x64xf32, #tpu.memory_space<vmem>>, vector<1x1x16xf32>,
      %swap3A_743 = vector.shape_cast %swap3A_742 : vector<1x1x16xf32> to vector<16xf32>
      %swap3A_744 = vector.shape_cast %mul3A_737 : vector<16xf32> to vector<1x1x16xf32>
      tpu.vector_store %arg7[%swap3A_739, %swap3A_740, %swap3A_741], %swap3A_744 {strides = array<i32>} : memref<4x128x64xf32, #tpu.memory_space<vmem>>, vector<1x1x16xf32>,
      %scan3A_745 = arith.constant 3 : i32
      %scan3A_746 = arith.addi %scan3A_550, %scan3A_745 : i32
      %get3A_747 = arith.constant 3 : i32
      %get3A_748 = arith.index_cast %get3A_747 : i32 to index
      %get3A_749 = arith.index_cast %scan3A_746 : i32 to index
      %get3A_750 = arith.constant 0 : index
      %get3A_751 = tpu.vector_load %arg6[%get3A_748, %get3A_749, %get3A_750] {strides = array<i32>} : memref<4x128x64xf32, #tpu.memory_space<vmem>>, vector<1x1x16xf32>,
      %get3A_752 = vector.shape_cast %get3A_751 : vector<1x1x16xf32> to vector<16xf32>
      %mul3A_753 = arith.constant 8.000000e+00 : f32
      %mul3A_754 = vector.broadcast %mul3A_753 : f32 to vector<16xf32>
      %mul3A_755 = arith.mulf %get3A_752, %mul3A_754 : vector<16xf32>
      %swap3A_756 = arith.constant 3 : i32
      %swap3A_757 = arith.index_cast %swap3A_756 : i32 to index
      %swap3A_758 = arith.index_cast %scan3A_746 : i32 to index
      %swap3A_759 = arith.constant 0 : index
      %swap3A_760 = tpu.vector_load %arg7[%swap3A_757, %swap3A_758, %swap3A_759] {strides = array<i32>} : memref<4x128x64xf32, #tpu.memory_space<vmem>>, vector<1x1x16xf32>,
      %swap3A_761 = vector.shape_cast %swap3A_760 : vector<1x1x16xf32> to vector<16xf32>
      %swap3A_762 = vector.shape_cast %mul3A_755 : vector<16xf32> to vector<1x1x16xf32>
      tpu.vector_store %arg7[%swap3A_757, %swap3A_758, %swap3A_759], %swap3A_762 {strides = array<i32>} : memref<4x128x64xf32, #tpu.memory_space<vmem>>, vector<1x1x16xf32>,
      %get3A_763 = arith.constant 3 : i32
      %get3A_764 = arith.index_cast %get3A_763 : i32 to index
      %get3A_765 = arith.index_cast %scan3A_746 : i32 to index
      %get3A_766 = arith.constant 16 : index
      %get3A_767 = tpu.vector_load %arg6[%get3A_764, %get3A_765, %get3A_766] {strides = array<i32>} : memref<4x128x64xf32, #tpu.memory_space<vmem>>, vector<1x1x16xf32>,
      %get3A_768 = vector.shape_cast %get3A_767 : vector<1x1x16xf32> to vector<16xf32>
      %mul3A_769 = arith.constant 8.000000e+00 : f32
      %mul3A_770 = vector.broadcast %mul3A_769 : f32 to vector<16xf32>
      %mul3A_771 = arith.mulf %get3A_768, %mul3A_770 : vector<16xf32>
      %swap3A_772 = arith.constant 3 : i32
      %swap3A_773 = arith.index_cast %swap3A_772 : i32 to index
      %swap3A_774 = arith.index_cast %scan3A_746 : i32 to index
      %swap3A_775 = arith.constant 16 : index
      %swap3A_776 = tpu.vector_load %arg7[%swap3A_773, %swap3A_774, %swap3A_775] {strides = array<i32>} : memref<4x128x64xf32, #tpu.memory_space<vmem>>, vector<1x1x16xf32>,
      %swap3A_777 = vector.shape_cast %swap3A_776 : vector<1x1x16xf32> to vector<16xf32>
      %swap3A_778 = vector.shape_cast %mul3A_771 : vector<16xf32> to vector<1x1x16xf32>
      tpu.vector_store %arg7[%swap3A_773, %swap3A_774, %swap3A_775], %swap3A_778 {strides = array<i32>} : memref<4x128x64xf32, #tpu.memory_space<vmem>>, vector<1x1x16xf32>,
      %get3A_779 = arith.constant 3 : i32
      %get3A_780 = arith.index_cast %get3A_779 : i32 to index
      %get3A_781 = arith.index_cast %scan3A_746 : i32 to index
      %get3A_782 = arith.constant 32 : index
      %get3A_783 = tpu.vector_load %arg6[%get3A_780, %get3A_781, %get3A_782] {strides = array<i32>} : memref<4x128x64xf32, #tpu.memory_space<vmem>>, vector<1x1x16xf32>,
      %get3A_784 = vector.shape_cast %get3A_783 : vector<1x1x16xf32> to vector<16xf32>
      %mul3A_785 = arith.constant 8.000000e+00 : f32
      %mul3A_786 = vector.broadcast %mul3A_785 : f32 to vector<16xf32>
      %mul3A_787 = arith.mulf %get3A_784, %mul3A_786 : vector<16xf32>
      %swap3A_788 = arith.constant 3 : i32
      %swap3A_789 = arith.index_cast %swap3A_788 : i32 to index
      %swap3A_790 = arith.index_cast %scan3A_746 : i32 to index
      %swap3A_791 = arith.constant 32 : index
      %swap3A_792 = tpu.vector_load %arg7[%swap3A_789, %swap3A_790, %swap3A_791] {strides = array<i32>} : memref<4x128x64xf32, #tpu.memory_space<vmem>>, vector<1x1x16xf32>,
      %swap3A_793 = vector.shape_cast %swap3A_792 : vector<1x1x16xf32> to vector<16xf32>
      %swap3A_794 = vector.shape_cast %mul3A_787 : vector<16xf32> to vector<1x1x16xf32>
      tpu.vector_store %arg7[%swap3A_789, %swap3A_790, %swap3A_791], %swap3A_794 {strides = array<i32>} : memref<4x128x64xf32, #tpu.memory_space<vmem>>, vector<1x1x16xf32>,
      %get3A_795 = arith.constant 3 : i32
      %get3A_796 = arith.index_cast %get3A_795 : i32 to index
      %get3A_797 = arith.index_cast %scan3A_746 : i32 to index
      %get3A_798 = arith.constant 48 : index
      %get3A_799 = tpu.vector_load %arg6[%get3A_796, %get3A_797, %get3A_798] {strides = array<i32>} : memref<4x128x64xf32, #tpu.memory_space<vmem>>, vector<1x1x16xf32>,
      %get3A_800 = vector.shape_cast %get3A_799 : vector<1x1x16xf32> to vector<16xf32>
      %mul3A_801 = arith.constant 8.000000e+00 : f32
      %mul3A_802 = vector.broadcast %mul3A_801 : f32 to vector<16xf32>
      %mul3A_803 = arith.mulf %get3A_800, %mul3A_802 : vector<16xf32>
      %swap3A_804 = arith.constant 3 : i32
      %swap3A_805 = arith.index_cast %swap3A_804 : i32 to index
      %swap3A_806 = arith.index_cast %scan3A_746 : i32 to index
      %swap3A_807 = arith.constant 48 : index
      %swap3A_808 = tpu.vector_load %arg7[%swap3A_805, %swap3A_806, %swap3A_807] {strides = array<i32>} : memref<4x128x64xf32, #tpu.memory_space<vmem>>, vector<1x1x16xf32>,
      %swap3A_809 = vector.shape_cast %swap3A_808 : vector<1x1x16xf32> to vector<16xf32>
      %swap3A_810 = vector.shape_cast %mul3A_803 : vector<16xf32> to vector<1x1x16xf32>
      tpu.vector_store %arg7[%swap3A_805, %swap3A_806, %swap3A_807], %swap3A_810 {strides = array<i32>} : memref<4x128x64xf32, #tpu.memory_space<vmem>>, vector<1x1x16xf32>,
    }
    %scan3A_459 = arith.constant 128 : i32
    %add3A_460 = arith.constant 25472 : i32
    %add3A_461 = arith.addi %mul3A_2, %add3A_460 : i32
    %dma_start3A_462 = arith.constant 3 : i32
    %dma_start3A_463 = arith.constant 3 : i32
    %dma_start3A_464 = arith.constant 0 : i32
    %dma_start3A_465 = arith.constant 0 : i32
    %dma_start3A_466 = tpu.memref_slice %arg7[%dma_start3A_462, %dma_start3A_464, %dma_start3A_465] : memref<4x128x64xf32, #tpu.memory_space<vmem>> -> memref<1x128x64xf32, #tpu.memory_space<vmem>>
    %dma_start3A_467 = tpu.memref_squeeze %dma_start3A_466 : memref<1x128x64xf32, #tpu.memory_space<vmem>> -> memref<128x64xf32, #tpu.memory_space<vmem>>
    %dma_start3A_468 = arith.constant 0 : i32
    %dma_start3A_469 = tpu.memref_slice %arg4[%add3A_461, %dma_start3A_468] : memref<819200x64xf32, #tpu.memory_space<hbm>> -> memref<128x64xf32, #tpu.memory_space<hbm>>
    %dma_start3A_470 = tpu.memref_slice %arg9[%dma_start3A_463] : memref<4x!tpu.dma_semaphore, #tpu.memory_space<semaphore_mem>> -> memref<1x!tpu.dma_semaphore, #tpu.memory_space<semaphore_mem>>
    %dma_start3A_471 = tpu.memref_squeeze %dma_start3A_470 : memref<1x!tpu.dma_semaphore, #tpu.memory_space<semaphore_mem>> -> memref<!tpu.dma_semaphore, #tpu.memory_space<semaphore_mem>>
    %dma_start3A_472 = arith.constant 0 : i32
    %dma_start3A_473 = tpu.memref_slice %arg4[%add3A_461, %dma_start3A_472] : memref<819200x64xf32, #tpu.memory_space<hbm>> -> memref<128x64xf32, #tpu.memory_space<hbm>>
    %dma_start3A_474 = arith.constant 0 : i32
    %dma_start3A_475 = arith.constant 0 : i32
    %dma_start3A_476 = tpu.memref_slice %arg7[%dma_start3A_462, %dma_start3A_474, %dma_start3A_475] : memref<4x128x64xf32, #tpu.memory_space<vmem>> -> memref<1x128x64xf32, #tpu.memory_space<vmem>>
    %dma_start3A_477 = tpu.memref_squeeze %dma_start3A_476 : memref<1x128x64xf32, #tpu.memory_space<vmem>> -> memref<128x64xf32, #tpu.memory_space<vmem>>
    tpu.enqueue_dma source(%dma_start3A_477 : memref<128x64xf32, #tpu.memory_space<vmem>>) target(%dma_start3A_473 : memref<128x64xf32, #tpu.memory_space<hbm>>) target_semaphore(%dma_start3A_471 : memref<!tpu.dma_semaphore, #tpu.memory_space<semaphore_mem>>)
    %add3A_478 = arith.constant 25088 : i32
    %add3A_479 = arith.addi %mul3A_2, %add3A_478 : i32
    %dma_wait3A_480 = arith.constant 0 : i32
    %dma_wait3A_481 = arith.constant 0 : i32
    %dma_wait3A_482 = arith.constant 0 : i32
    %dma_wait3A_483 = arith.constant 0 : i32
    %dma_wait3A_484 = tpu.memref_slice %arg7[%dma_wait3A_480, %dma_wait3A_482, %dma_wait3A_483] : memref<4x128x64xf32, #tpu.memory_space<vmem>> -> memref<1x128x64xf32, #tpu.memory_space<vmem>>
    %dma_wait3A_485 = tpu.memref_squeeze %dma_wait3A_484 : memref<1x128x64xf32, #tpu.memory_space<vmem>> -> memref<128x64xf32, #tpu.memory_space<vmem>>
    %dma_wait3A_486 = arith.constant 0 : i32
    %dma_wait3A_487 = tpu.memref_slice %arg4[%add3A_479, %dma_wait3A_486] : memref<819200x64xf32, #tpu.memory_space<hbm>> -> memref<128x64xf32, #tpu.memory_space<hbm>>
    %dma_wait3A_488 = tpu.memref_slice %arg9[%dma_wait3A_481] : memref<4x!tpu.dma_semaphore, #tpu.memory_space<semaphore_mem>> -> memref<1x!tpu.dma_semaphore, #tpu.memory_space<semaphore_mem>>
    %dma_wait3A_489 = tpu.memref_squeeze %dma_wait3A_488 : memref<1x!tpu.dma_semaphore, #tpu.memory_space<semaphore_mem>> -> memref<!tpu.dma_semaphore, #tpu.memory_space<semaphore_mem>>
    %dma_wait3A_490 = arith.constant 0 : i32
    %dma_wait3A_491 = tpu.memref_slice %arg4[%add3A_479, %dma_wait3A_490] : memref<819200x64xf32, #tpu.memory_space<hbm>> -> memref<128x64xf32, #tpu.memory_space<hbm>>
    %dma_wait3A_492 = arith.constant 0 : i32
    %dma_wait3A_493 = arith.constant 0 : i32
    %dma_wait3A_494 = tpu.memref_slice %arg7[%dma_wait3A_480, %dma_wait3A_492, %dma_wait3A_493] : memref<4x128x64xf32, #tpu.memory_space<vmem>> -> memref<1x128x64xf32, #tpu.memory_space<vmem>>
    %dma_wait3A_495 = tpu.memref_squeeze %dma_wait3A_494 : memref<1x128x64xf32, #tpu.memory_space<vmem>> -> memref<128x64xf32, #tpu.memory_space<vmem>>
    tpu.wait_dma2 semaphore(%dma_wait3A_489 : memref<!tpu.dma_semaphore, #tpu.memory_space<semaphore_mem>>) src(%dma_wait3A_495 : memref<128x64xf32, #tpu.memory_space<vmem>>) dst(%dma_wait3A_491 : memref<128x64xf32, #tpu.memory_space<hbm>>)
    %add3A_496 = arith.constant 25216 : i32
    %add3A_497 = arith.addi %mul3A_2, %add3A_496 : i32
    %dma_wait3A_498 = arith.constant 1 : i32
    %dma_wait3A_499 = arith.constant 1 : i32
    %dma_wait3A_500 = arith.constant 0 : i32
    %dma_wait3A_501 = arith.constant 0 : i32
    %dma_wait3A_502 = tpu.memref_slice %arg7[%dma_wait3A_498, %dma_wait3A_500, %dma_wait3A_501] : memref<4x128x64xf32, #tpu.memory_space<vmem>> -> memref<1x128x64xf32, #tpu.memory_space<vmem>>
    %dma_wait3A_503 = tpu.memref_squeeze %dma_wait3A_502 : memref<1x128x64xf32, #tpu.memory_space<vmem>> -> memref<128x64xf32, #tpu.memory_space<vmem>>
    %dma_wait3A_504 = arith.constant 0 : i32
    %dma_wait3A_505 = tpu.memref_slice %arg4[%add3A_497, %dma_wait3A_504] : memref<819200x64xf32, #tpu.memory_space<hbm>> -> memref<128x64xf32, #tpu.memory_space<hbm>>
    %dma_wait3A_506 = tpu.memref_slice %arg9[%dma_wait3A_499] : memref<4x!tpu.dma_semaphore, #tpu.memory_space<semaphore_mem>> -> memref<1x!tpu.dma_semaphore, #tpu.memory_space<semaphore_mem>>
    %dma_wait3A_507 = tpu.memref_squeeze %dma_wait3A_506 : memref<1x!tpu.dma_semaphore, #tpu.memory_space<semaphore_mem>> -> memref<!tpu.dma_semaphore, #tpu.memory_space<semaphore_mem>>
    %dma_wait3A_508 = arith.constant 0 : i32
    %dma_wait3A_509 = tpu.memref_slice %arg4[%add3A_497, %dma_wait3A_508] : memref<819200x64xf32, #tpu.memory_space<hbm>> -> memref<128x64xf32, #tpu.memory_space<hbm>>
    %dma_wait3A_510 = arith.constant 0 : i32
    %dma_wait3A_511 = arith.constant 0 : i32
    %dma_wait3A_512 = tpu.memref_slice %arg7[%dma_wait3A_498, %dma_wait3A_510, %dma_wait3A_511] : memref<4x128x64xf32, #tpu.memory_space<vmem>> -> memref<1x128x64xf32, #tpu.memory_space<vmem>>
    %dma_wait3A_513 = tpu.memref_squeeze %dma_wait3A_512 : memref<1x128x64xf32, #tpu.memory_space<vmem>> -> memref<128x64xf32, #tpu.memory_space<vmem>>
    tpu.wait_dma2 semaphore(%dma_wait3A_507 : memref<!tpu.dma_semaphore, #tpu.memory_space<semaphore_mem>>) src(%dma_wait3A_513 : memref<128x64xf32, #tpu.memory_space<vmem>>) dst(%dma_wait3A_509 : memref<128x64xf32, #tpu.memory_space<hbm>>)
    %add3A_514 = arith.constant 25344 : i32
    %add3A_515 = arith.addi %mul3A_2, %add3A_514 : i32
    %dma_wait3A_516 = arith.constant 2 : i32
    %dma_wait3A_517 = arith.constant 2 : i32
    %dma_wait3A_518 = arith.constant 0 : i32
    %dma_wait3A_519 = arith.constant 0 : i32
    %dma_wait3A_520 = tpu.memref_slice %arg7[%dma_wait3A_516, %dma_wait3A_518, %dma_wait3A_519] : memref<4x128x64xf32, #tpu.memory_space<vmem>> -> memref<1x128x64xf32, #tpu.memory_space<vmem>>
    %dma_wait3A_521 = tpu.memref_squeeze %dma_wait3A_520 : memref<1x128x64xf32, #tpu.memory_space<vmem>> -> memref<128x64xf32, #tpu.memory_space<vmem>>
    %dma_wait3A_522 = arith.constant 0 : i32
    %dma_wait3A_523 = tpu.memref_slice %arg4[%add3A_515, %dma_wait3A_522] : memref<819200x64xf32, #tpu.memory_space<hbm>> -> memref<128x64xf32, #tpu.memory_space<hbm>>
    %dma_wait3A_524 = tpu.memref_slice %arg9[%dma_wait3A_517] : memref<4x!tpu.dma_semaphore, #tpu.memory_space<semaphore_mem>> -> memref<1x!tpu.dma_semaphore, #tpu.memory_space<semaphore_mem>>
    %dma_wait3A_525 = tpu.memref_squeeze %dma_wait3A_524 : memref<1x!tpu.dma_semaphore, #tpu.memory_space<semaphore_mem>> -> memref<!tpu.dma_semaphore, #tpu.memory_space<semaphore_mem>>
    %dma_wait3A_526 = arith.constant 0 : i32
    %dma_wait3A_527 = tpu.memref_slice %arg4[%add3A_515, %dma_wait3A_526] : memref<819200x64xf32, #tpu.memory_space<hbm>> -> memref<128x64xf32, #tpu.memory_space<hbm>>
    %dma_wait3A_528 = arith.constant 0 : i32
    %dma_wait3A_529 = arith.constant 0 : i32
    %dma_wait3A_530 = tpu.memref_slice %arg7[%dma_wait3A_516, %dma_wait3A_528, %dma_wait3A_529] : memref<4x128x64xf32, #tpu.memory_space<vmem>> -> memref<1x128x64xf32, #tpu.memory_space<vmem>>
    %dma_wait3A_531 = tpu.memref_squeeze %dma_wait3A_530 : memref<1x128x64xf32, #tpu.memory_space<vmem>> -> memref<128x64xf32, #tpu.memory_space<vmem>>
    tpu.wait_dma2 semaphore(%dma_wait3A_525 : memref<!tpu.dma_semaphore, #tpu.memory_space<semaphore_mem>>) src(%dma_wait3A_531 : memref<128x64xf32, #tpu.memory_space<vmem>>) dst(%dma_wait3A_527 : memref<128x64xf32, #tpu.memory_space<hbm>>)
    %add3A_532 = arith.constant 25472 : i32
    %add3A_533 = arith.addi %mul3A_2, %add3A_532 : i32
    %dma_wait3A_534 = arith.constant 3 : i32
    %dma_wait3A_535 = arith.constant 3 : i32
    %dma_wait3A_536 = arith.constant 0 : i32
    %dma_wait3A_537 = arith.constant 0 : i32
    %dma_wait3A_538 = tpu.memref_slice %arg7[%dma_wait3A_534, %dma_wait3A_536, %dma_wait3A_537] : memref<4x128x64xf32, #tpu.memory_space<vmem>> -> memref<1x128x64xf32, #tpu.memory_space<vmem>>
    %dma_wait3A_539 = tpu.memref_squeeze %dma_wait3A_538 : memref<1x128x64xf32, #tpu.memory_space<vmem>> -> memref<128x64xf32, #tpu.memory_space<vmem>>
    %dma_wait3A_540 = arith.constant 0 : i32
    %dma_wait3A_541 = tpu.memref_slice %arg4[%add3A_533, %dma_wait3A_540] : memref<819200x64xf32, #tpu.memory_space<hbm>> -> memref<128x64xf32, #tpu.memory_space<hbm>>
    %dma_wait3A_542 = tpu.memref_slice %arg9[%dma_wait3A_535] : memref<4x!tpu.dma_semaphore, #tpu.memory_space<semaphore_mem>> -> memref<1x!tpu.dma_semaphore, #tpu.memory_space<semaphore_mem>>
    %dma_wait3A_543 = tpu.memref_squeeze %dma_wait3A_542 : memref<1x!tpu.dma_semaphore, #tpu.memory_space<semaphore_mem>> -> memref<!tpu.dma_semaphore, #tpu.memory_space<semaphore_mem>>
    %dma_wait3A_544 = arith.constant 0 : i32
    %dma_wait3A_545 = tpu.memref_slice %arg4[%add3A_533, %dma_wait3A_544] : memref<819200x64xf32, #tpu.memory_space<hbm>> -> memref<128x64xf32, #tpu.memory_space<hbm>>
    %dma_wait3A_546 = arith.constant 0 : i32
    %dma_wait3A_547 = arith.constant 0 : i32
    %dma_wait3A_548 = tpu.memref_slice %arg7[%dma_wait3A_534, %dma_wait3A_546, %dma_wait3A_547] : memref<4x128x64xf32, #tpu.memory_space<vmem>> -> memref<1x128x64xf32, #tpu.memory_space<vmem>>
    %dma_wait3A_549 = tpu.memref_squeeze %dma_wait3A_548 : memref<1x128x64xf32, #tpu.memory_space<vmem>> -> memref<128x64xf32, #tpu.memory_space<vmem>>
    tpu.wait_dma2 semaphore(%dma_wait3A_543 : memref<!tpu.dma_semaphore, #tpu.memory_space<semaphore_mem>>) src(%dma_wait3A_549 : memref<128x64xf32, #tpu.memory_space<vmem>>) dst(%dma_wait3A_545 : memref<128x64xf32, #tpu.memory_space<hbm>>)
    return
  }
}

</mosaic_0001>

<sc_bundles>
// kernel: _emb_lookup.3.cloned.1.call-start
scs
__scs_entry_jumppad:
0x0: {  	(pc) =	sbr.rel $0x88, $3  }
0x1: {  	(tag) =	ssettag $0x0;
	lr =	simm.s32 $0x1  }
0x2: {  	[smem:$0x3F9F] =	sst lr;
	_ =	strace $0xD0000000  }
0x3: {  	_ = 	snop  }
0x4: {  	_ = 	snop  }
0x5: {  	_ = 	snop  }
0x6: {  	_ = 	snop  }
0x7: {  	_ = 	snop  }
__scs_overlays_trampoline_lowered:
0x8: {  	[smem:$0x3FAE] =	sst s0  }
0x9: {  	[smem:$0x3FAF] =	sst s1  }
0xa: {  	[smem:$0x3FB0] =	sst s2  }
0xb: {  	[smem:$0x3FB1] =	sst s3  }
0xc: {  	[smem:$0x3FB2] =	sst s4  }
0xd: {  	[smem:$0x3FB3] =	sst s5  }
0xe: {  	[smem:$0x3FB4] =	sst s6  }
0xf: {  	[smem:$0x3FB5] =	sst s7  }
0x10: {  	[smem:$0x3FB6] =	sst s8  }
0x11: {  	[smem:$0x3FB7] =	sst s9;
	s0 =	simm.s32 @!p0 $0x0  }
0x12: {  	s1 =	sld [smem:$0x3F9D];
	s0 =	simm.s32 @p0 $0x1  }
0x13: {  	[smem:$0x3FB8] =	sst s0;
	s0 =	simm.s32 @!p1 $0x0  }
0x14: {  	s2 =	sld [smem:$0x3F9C];
	s0 =	simm.s32 @p1 $0x1  }
0x15: {  	[smem:$0x3FB9] =	sst s0;
	s0 =	simm.s32 @!p2 $0x0  }
0x16: {  	s3 =	sld [smem:$0x3FDB];
	s0 =	simm.s32 @p2 $0x1  }
0x17: {  	s4 =	simm.s32 $0x1BF5;
	[smem:$0x3FBB] =	sst s0  }
0x18: {  	s0 =	sld [smem:$0x3F9E];
	_ =	swait.ge [sflag:s4], $0x0  }
0x19: {  	s7 =	sld [smem:$0x3F9F]  }
0x1a: {  	s8 =	sadd.s32 $0xFFFFE003, lr  }
0x1b: {  	s9 =	sadd.s32 $0xFFFFFEF7, lr;
	s5 =	simm.s32 $0xFFFFFFFF;
	p2 =	slt.u32 s8, $0xFFFFF086  }
0x1c: {  	p1 =	slt.u32 s9, $0xF7A;
	s5 =	simm.s32 @!p2 $0x0  }
0x1d: {  	s5 =	simm.s32 @p1 $0x1;
	p0 =	seq.s32 s7, s2  }
0x1e: {  	s7 =	smul.u32 @!p0 $0xF7A, s2;
	p2 =	seq.s32 @!p0 s5, $0x0  }
0x1f: {  	s9 =	smul.u32 $0xF7A, s1;
	s8 =	simm.s32 @!p0 $0x1BF5;
	p2 =	por !p2, p0  }
0x20: {  	[sflag:s8] =	ssyncset.s32 @!p0 $0xFFFFF086;
	s6 =	sadd.s32 @!p0 s3, s7;
	s7 =	simm.s32 @!p0 $0x108  }
0x21: {  	s3 =	sadd.s32 s3, s9;
	s6 =	sadd.s32 @!p0 $0x88, s6;
	s7 =	simm.s32 @p2 $0x1082  }
0x22: {  	[simem:s7], [sflag:s8] =	dma.local @!p0 [hbm:s6], $0xF7A  }
0x23: {  	s9 =	sor.u32 $0xD0000000, s2;
	s6 =	simm.s32 $0x108;
	_ =	swait.ge @!p0 [sflag:s8], $0x0  }
0x24: {  	s3 =	sadd.s32 $0x88, s3;
	s6 =	simm.s32 @!p1 $0x1082;
	[sflag:s4] =	ssyncset.s32 $0xFFFFF086  }
0x25: {  	[simem:s6], [sflag:s4] =	dma.local [hbm:s3], $0xF7A  }
0x26: {  	[smem:$0x3F9F] =	sst s1;
	(tag) =	ssettag s2;
	_ =	strace s9  }
0x27: {  	s1 =	sld [smem:$0x3FAF]  }
0x28: {  	s2 =	sld [smem:$0x3FB0]  }
0x29: {  	s4 =	sld [smem:$0x3FB2]  }
0x2a: {  	p0 =	seq.s32 s5, $0x0;
	s5 =	sld [smem:$0x3FB3]  }
0x2b: {  	s6 =	sld [smem:$0x3FB4]  }
0x2c: {  	s7 =	sld [smem:$0x3FB5]  }
0x2d: {  	s3 =	simm.s32 $0x108;
	s8 =	sld [smem:$0x3FB6]  }
0x2e: {  	s3 =	simm.s32 @!p0 $0x1082;
	s9 =	sld [smem:$0x3FB7]  }
0x2f: {  	lr =	sadd.s32 s0, s3;
	s0 =	sld [smem:$0x3FAE]  }
0x30: {  	s3 =	sld [smem:$0x3FB1]  }
0x31: {  	[smem:$0x3FBA] =	sst s10  }
0x32: {  	s10 =	sld [smem:$0x3FB8];
	_ =	sdelay $0x3  }
0x33: {  	p0 =	seq.s32 s10, $0x1;
	s10 =	sld [smem:$0x3FBA];
	_ =	sdelay $0x3  }
0x34: {  	[smem:$0x3FBA] =	sst s10  }
0x35: {  	s10 =	sld [smem:$0x3FB9];
	_ =	sdelay $0x3  }
0x36: {  	p1 =	seq.s32 s10, $0x1;
	s10 =	sld [smem:$0x3FBA];
	_ =	sdelay $0x3  }
0x37: {  	[smem:$0x3FBA] =	sst s10  }
0x38: {  	s10 =	sld [smem:$0x3FBB]  }
0x39: {  	_ = 	snop;
	(pc) =	sbr.ind lr, $3  }
0x3a: {  	_ = 	snop  }
0x3b: {  	_ = 	snop  }
0x3c: {  	p2 =	seq.s32 s10, $0x1;
	s10 =	sld [smem:$0x3FBA]  }
0x3d: {  	_ =	shalt  }
0x3e: {  	_ =	shalt  }
0x3f: {  	_ =	shalt  }
0x40: {  	_ =	shalt  }
0x41: {  	_ =	shalt  }
0x42: {  	_ =	shalt  }
0x43: {  	_ =	shalt  }
0x44: {  	_ =	shalt  }
0x45: {  	_ =	shalt  }
0x46: {  	_ =	shalt  }
0x47: {  	_ =	shalt  }
0x48: {  	_ =	shalt  }
0x49: {  	_ =	shalt  }
0x4a: {  	_ =	shalt  }
0x4b: {  	_ =	shalt  }
0x4c: {  	_ =	shalt  }
0x4d: {  	_ =	shalt  }
0x4e: {  	_ =	shalt  }
0x4f: {  	_ =	shalt  }
0x50: {  	_ =	shalt  }
0x51: {  	_ =	shalt  }
0x52: {  	_ =	shalt  }
0x53: {  	_ =	shalt  }
0x54: {  	_ =	shalt  }
0x55: {  	_ =	shalt  }
0x56: {  	_ =	shalt  }
0x57: {  	_ =	shalt  }
0x58: {  	_ =	shalt  }
0x59: {  	_ =	shalt  }
0x5a: {  	_ =	shalt  }
0x5b: {  	_ =	shalt  }
0x5c: {  	_ =	shalt  }
0x5d: {  	_ =	shalt  }
0x5e: {  	_ =	shalt  }
0x5f: {  	_ =	shalt  }
0x60: {  	_ =	shalt  }
0x61: {  	_ =	shalt  }
0x62: {  	_ =	shalt  }
0x63: {  	_ =	shalt  }
0x64: {  	_ =	shalt  }
0x65: {  	_ =	shalt  }
0x66: {  	_ =	shalt  }
0x67: {  	_ =	shalt  }
0x68: {  	_ =	shalt  }
0x69: {  	_ =	shalt  }
0x6a: {  	_ =	shalt  }
0x6b: {  	_ =	shalt  }
0x6c: {  	_ =	shalt  }
0x6d: {  	_ =	shalt  }
0x6e: {  	_ =	shalt  }
0x6f: {  	_ =	shalt  }
0x70: {  	_ =	shalt  }
0x71: {  	_ =	shalt  }
0x72: {  	_ =	shalt  }
0x73: {  	_ =	shalt  }
0x74: {  	_ =	shalt  }
0x75: {  	_ =	shalt  }
0x76: {  	_ =	shalt  }
0x77: {  	_ =	shalt  }
0x78: {  	_ =	shalt  }
0x79: {  	_ =	shalt  }
0x7a: {  	_ =	shalt  }
0x7b: {  	_ =	shalt  }
0x7c: {  	_ =	shalt  }
0x7d: {  	_ =	shalt  }
0x7e: {  	_ =	shalt  }
0x7f: {  	_ =	shalt  }
0x80: {  	_ =	shalt  }
0x81: {  	_ =	shalt  }
0x82: {  	_ =	shalt  }
0x83: {  	_ =	shalt  }
0x84: {  	_ =	shalt  }
0x85: {  	_ =	shalt  }
0x86: {  	_ =	shalt  }
0x87: {  	_ =	shalt  }
.Lfunc_end0:
.L_simem_size_0:
called_computation.1_lowered:
.L_overlay_start_0:
0x88: {  	s2 =	sld [smem:$0x3FD9]  }
0x89: {  	s3 =	sld [smem:$0x3FFE];
	_ =	sdelay $0x1  }
0x8a: {  	s1 =	srdreg.scid  }
0x8b: {  	s0 =	sand.u32 $0x1, s1  }
0x8c: {  	s17 =	sshll.u32 s0, $0xA;
	s2 =	sadd.s32 s3, s2  }
0x8d: {  	s2 =	sadd.s32 s2, s17  }
0x8e: {  	[smem:$0x3FC6] =	sst s2  }
0x8f: {  	_ = 	snop  }
0x90: {  	s2 =	sld [smem:$0x3FC9]  }
0x91: {  	s18 =	sld [smem:$0x3FD0];
	(tm) =	ssettm $0x1  }
0x92: {  	s4 =	sld [smem:$0x3FFB];
	_ =	sdelay $0x3  }
0x93: {  	_ =	strace s4  }
0x94: {  	s4 =	sld [smem:$0x3FFC];
	_ =	sdelay $0x3  }
0x95: {  	_ =	strace s4  }
0x96: {  	s4 =	sld [smem:$0x3FFD];
	_ =	sdelay $0x3  }
0x97: {  	_ =	strace s4  }
0x98: {  	_ =	strace $0x8FFFFFFF  }
0x99: {  	s19 =	sld [smem:$0x3FDB];
	_ =	sdelay $0x1  }
0x9a: {  	s5 =	simm.s32 $_scs_section_size  }
0x9b: {  	s6 =	simm.s32 $_size__tile_overlayer_lowered;
	s7 =	simm.s32 $_tile_overlayer_lowered  }
0x9c: {  	s22 =	simm.s32 $0x1BFF;
	s21 =	sshll.u32 s7, $0x1;
	s4 =	sadd.s32 s5, s19  }
0x9d: {  	s8 =	simm.s32 $0x0;
	s20 =	sshll.u32 s6, $0x1;
	s6 =	sadd.s32 s21, s4  }
0x9e: {  	[timem:s8], [sflag:s22] =	dma.local [hbm:s6], s20  }
0x9f: {  	_ =	swait.ge [sflag:s22], s20  }
0xa0: {  	s5 =	ssub.s32 $0x0, s20;
	[sflag:s22] =	ssyncset.done $0x0  }
0xa1: {  	[sflag:s22] =	ssyncadd.s32 s5;
	_ =	sdelay $0x1  }
0xa2: {  	s23 =	simm.s32 $0x1B8B  }
0xa3: {  	_ =	swait.ge [sflag:s23], $0x1  }
0xa4: {  	[sflag:s23] =	ssyncset.done $0x0  }
0xa5: {  	s25 =	simm.s32 $0x1B8E;
	s24 =	sld [smem:$0x3FFE];
	[sflag:s23] =	ssyncadd.s32 $0xFFFFFFFF  }
0xa6: {  	s26 =	simm.s32 $execute0_lowered;
	[smem:$0x3FD2] =	sst s25  }
0xa7: {  	s6 =	sshll.u32 s26, $0x1;
	_ =	strace $0x80000046;
	[dreg:$0x1] =	wrdreg $0xFFFFFFFF  }
0xa8: {  	s28 =	simm.s32 $_size_execute0_lowered;
	s4 =	sadd.s32 s4, s6;
	[dreg:$0x0] =	wrdreg $0x0  }
0xa9: {  	s6 =	sshll.u32 s28, $0x1;
	[dreg:$0x2] =	wrdreg s4  }
0xaa: {  	[dreg:$0x3] =	wrdreg s6  }
0xab: {  	[dreg:$0x4] =	wrdreg $0xC0  }
0xac: {  	_ =	task [dreg:s8], $0x5FFFF  }
0xad: {  	[dreg:$0x1] =	wrdreg $0xFFFFFFFF  }
0xae: {  	[dreg:$0x0] =	wrdreg $0x60  }
0xaf: {  	[dreg:$0x2] =	wrdreg s2  }
0xb0: {  	[dreg:$0x3] =	wrdreg s24  }
0xb1: {  	[dreg:$0x4] =	wrdreg s18  }
0xb2: {  	[dreg:$0x5] =	wrdreg $0x9  }
0xb3: {  	_ =	task.clear_ibuf [dreg:s8], $0x6FFFF;
	_ =	strace $0x90000046  }
0xb4: {  	s29 =	simm.s32 $0x9;
	_ =	strace $0x80000048  }
0xb5: {  	_ =	swait.ge [sflag:s29], $0x1  }
0xb6: {  	[sflag:s29] =	ssyncadd.s32 $0xFFFFFFFF  }
0xb7: {  	_ =	strace $0x90000048  }
0xb8: {  	_ =	sfence  }
0xb9: {  	s30 =	sld [smem:$0x0];
	_ =	sdelay $0x2  }
0xba: {  	s31 =	sshll.u32 s1, $0xD;
	s1 =	sshrl.u32 s1, $0x2  }
0xbb: {  	s3 =	sand.u32 $0x4000, s31;
	s1 =	sadd.s32 s1, s30  }
0xbc: {  	s0 =	sor.u32 s3, s0;
	s1 =	sshll.u32 s1, $0x11  }
0xbd: {  	s0 =	sor.u32 s1, s0  }
0xbe: {  	s0 =	sadd.s32 $0x8F2B, s0  }
0xbf: {  	[sflag:s0] =	ssyncadd.remote.s32 $0x1  }
0xc0: {  	_ =	sfence.sel $0xFFFF  }
0xc1: {  	[dreg:$0x0] =	wrdreg $0xFFFFFFFF;
	(pc) =	sbr.abs _section_cstart, $3  }
0xc2: {  	[dreg:$0x1] =	wrdreg $0xFFFFFFFF  }
0xc3: {  	_ =	task.clear_ibuf [dreg:s8], $0x2FFFF;
	_ =	strace $0x9FFFFFFF  }
0xc4: {  	(tm) =	ssettm $0x7FFFFFFF  }
0xc5: {  	_ =	shalt  }
tec
execute0_lowered:
.L_overlay_start_1:
0x0: {  	(tag) =	ssettag $0x1  }
0x1: {  	s0 =	rddreg [dreg:$0x0]  }
0x2: {  	s1 =	rddreg [dreg:$0x1];
	s3 =	srdreg.scid  }
0x3: {  	s5 =	stileid.u32;
	s2 =	rddreg [dreg:$0x2]  }
0x4: {  	s28 =	simm.s32 $0x1;
	s30 =	simm.s32 $0xE400;
	s31 =	simm.s32 $0x2  }
0x5: {  	s29 =	simm.s32 $0x12400;
	s10 =	simm.s32 $0x8;
	s14 =	simm.s32 $0x0  }
0x6: {  	s4 =	sand.u32 $0x1, s3;
	s16 =	sshll.u32 s5, $0x1;
	s3 =	simm.s32 $0x0  }
0x7: {  	s5 =	sor.u32 s4, s16;
	s6 =	ssub.s32 $0x2, s4;
	[smem:$0x7FF] =	sst s3  }
0x8: {  	s4 =	sadd.s32 $0xF42C00, s1;
	s1 =	simm.s32 $0x4;
	s7 =	smul.u32 $0x6400, s5  }
0x9: {  	s8 =	sshrl.u32 s6, $0x1;
	s9 =	smul.u32 $0x32000, s5;
	_ =	strace $0x80000047  }
0xa: {  	s17 =	ssub.s32 s6, s8;
	s6 =	smul.u32 $0x190000, s5;
	s8 =	simm.s32 $0x6  }
0xb: {  	s18 =	sshrl.u32 s7, $0x3;
	s9 =	sadd.s32 s2, s9;
	s11 =	sor.u32 $0x80, s7  }
0xc: {  	s12 =	sor.u32 $0x100, s7;
	s26 =	smax.u32 s17, $0x1;
	[dreg:$0x4] =	wrdreg s9  }
0xd: {  	s13 =	sor.u32 $0x180, s7;
	s0 =	sadd.s32 s0, s18;
	[dreg:$0xd] =	wrdreg s26  }
0xe: {  	s7 =	simm.s32 $0x5;
	s19 =	sadd.s32 $0x400, s9;
	[dreg:$0x5] =	wrdreg s0  }
0xf: {  	s20 =	sadd.s32 $0x800, s9;
	s22 =	sshrl.u32 s6, $0x3;
	[dreg:$0x6] =	wrdreg s19  }
0x10: {  	s21 =	sadd.s32 $0xC00, s9;
	[dreg:$0x7] =	wrdreg s20;
	s0 =	sadd.s32 s2, s22  }
0x11: {  	s26 =	simm.s32 $0xC400;
	[dreg:$0x8] =	wrdreg s21;
	s23 =	sadd.s32 $0x31000, s0  }
0x12: {  	s9 =	simm.s32 $0x7;
	s24 =	sadd.s32 $0x31400, s0;
	[dreg:$0x9] =	wrdreg s23  }
0x13: {  	s20 =	simm.s32 $0x80;
	s25 =	sadd.s32 $0x31800, s0;
	[dreg:$0xa] =	wrdreg s24  }
0x14: {  	s21 =	simm.s32 $0x6400;
	s0 =	sadd.s32 $0x31C00, s0;
	[dreg:$0xb] =	wrdreg s25  }
0x15: {  	s22 =	simm.s32 $0x8400;
	[dreg:$0xc] =	wrdreg s0;
	s24 =	simm.s32 $0xA400  }
0x16: {  	s0 =	simm.s32 $0x10400;
	s23 =	simm.s32 $0x3;
	s25 =	simm.s32 $0x14400  }
.LBB2_1:
0x17: {  	s5 =	rddreg [dreg:$0x5];
	s16 =	simm.s32 $0x9  }
0x18: {  	[tilespmem:s3], [sflag:$0x9] =	stream.linear.gather [hbm4b:s5+s3], $0x6400, $0x38;
	[tilespmem:$0x16400] =	vst v63  }
0x19: {  	_ =	swait.ge [sflag:s16], $0x6400  }
0x1a: {  	[sflag:s16] =	ssyncset.done $0x0  }
0x1b: {  	[sflag:s16] =	ssyncadd.s32 $0xFFFF9C00  }
0x1c: {  	[tilespmem:s21], [sflag:$0x1] =	stream.indirect.gather [hbm4b:s4+s20], $0x40, s3, s20, $0xb8;
	[tilespmem:$0x16400] =	vst v63  }
0x1d: {  	_ = 	snop  }
0x1e: {  	[tilespmem:s22], [sflag:$0x2] =	stream.indirect.gather [hbm4b:s4+s20], $0x40, s20, s20, $0xb8;
	[tilespmem:$0x16400] =	vst v63  }
0x1f: {  	s17 =	simm.s32 $0x100  }
0x20: {  	[tilespmem:s24], [sflag:$0x3] =	stream.indirect.gather [hbm4b:s4+s20], $0x40, s17, s20, $0xb8;
	[tilespmem:$0x16400] =	vst v63  }
0x21: {  	s18 =	simm.s32 $0x180  }
0x22: {  	[tilespmem:s26], [sflag:$0x4] =	stream.indirect.gather [hbm4b:s4+s20], $0x40, s18, s20, $0xb8;
	[tilespmem:$0x16400] =	vst v63  }
0x23: {  	_ =	swait.ge [sflag:s28], $0x2000  }
0x24: {  	[sflag:s28] =	ssyncset.done $0x0  }
0x25: {  	s19 =	simm.s32 $0x6480;
	[sflag:s28] =	ssyncadd.s32 $0xFFFFE000  }
0x26: {  	v0 =	vld [tilespmem:s19+$0xFFFFFF80];
	_ =	sdelay $0x4  }
0x27: {  	v0 =	vmul.f32 $8.000000000e+00, v0  }
0x28: {  	s15 =	simm.s32 $0xE480  }
0x29: {  	[tilespmem:s15+$0xFFFFFF80] =	vst v0  }
0x2a: {  	v0 =	vld [tilespmem:s19+$0xFFFFFF90];
	_ =	sdelay $0x4  }
0x2b: {  	v0 =	vmul.f32 $8.000000000e+00, v0;
	_ =	sdelay $0x1  }
0x2c: {  	[tilespmem:s15+$0xFFFFFF90] =	vst v0  }
0x2d: {  	v0 =	vld [tilespmem:s19+$0xFFFFFFA0];
	_ =	sdelay $0x4  }
0x2e: {  	v0 =	vmul.f32 $8.000000000e+00, v0;
	_ =	sdelay $0x1  }
0x2f: {  	[tilespmem:s15+$0xFFFFFFA0] =	vst v0  }
0x30: {  	v0 =	vld [tilespmem:s19+$0xFFFFFFB0];
	_ =	sdelay $0x4  }
0x31: {  	v0 =	vmul.f32 $8.000000000e+00, v0;
	_ =	sdelay $0x1  }
0x32: {  	[tilespmem:s15+$0xFFFFFFB0] =	vst v0  }
0x33: {  	v0 =	vld [tilespmem:s19+$0xFFFFFFC0];
	_ =	sdelay $0x4  }
0x34: {  	v0 =	vmul.f32 $8.000000000e+00, v0;
	_ =	sdelay $0x1  }
0x35: {  	[tilespmem:s15+$0xFFFFFFC0] =	vst v0  }
0x36: {  	v0 =	vld [tilespmem:s19+$0xFFFFFFD0];
	_ =	sdelay $0x4  }
0x37: {  	v0 =	vmul.f32 $8.000000000e+00, v0;
	_ =	sdelay $0x1  }
0x38: {  	[tilespmem:s15+$0xFFFFFFD0] =	vst v0  }
0x39: {  	v0 =	vld [tilespmem:s19+$0xFFFFFFE0];
	_ =	sdelay $0x4  }
0x3a: {  	v0 =	vmul.f32 $8.000000000e+00, v0;
	_ =	sdelay $0x1  }
0x3b: {  	[tilespmem:s15+$0xFFFFFFE0] =	vst v0  }
0x3c: {  	v0 =	vld [tilespmem:s19+$0xFFFFFFF0];
	_ =	sdelay $0x4  }
0x3d: {  	v0 =	vmul.f32 $8.000000000e+00, v0;
	_ =	sdelay $0x1  }
0x3e: {  	[tilespmem:s15+$0xFFFFFFF0] =	vst v0  }
0x3f: {  	v0 =	vld [tilespmem:s19+$0x0];
	_ =	sdelay $0x4  }
0x40: {  	v0 =	vmul.f32 $8.000000000e+00, v0;
	_ =	sdelay $0x1  }
0x41: {  	[tilespmem:s15+$0x0] =	vst v0  }
0x42: {  	v0 =	vld [tilespmem:s19+$0x10];
	_ =	sdelay $0x4  }
0x43: {  	v0 =	vmul.f32 $8.000000000e+00, v0;
	_ =	sdelay $0x1  }
0x44: {  	[tilespmem:s15+$0x10] =	vst v0  }
0x45: {  	v0 =	vld [tilespmem:s19+$0x20];
	_ =	sdelay $0x4  }
0x46: {  	v0 =	vmul.f32 $8.000000000e+00, v0;
	_ =	sdelay $0x1  }
0x47: {  	[tilespmem:s15+$0x20] =	vst v0  }
0x48: {  	v0 =	vld [tilespmem:s19+$0x30];
	_ =	sdelay $0x4  }
0x49: {  	v0 =	vmul.f32 $8.000000000e+00, v0;
	_ =	sdelay $0x1  }
0x4a: {  	[tilespmem:s15+$0x30] =	vst v0  }
0x4b: {  	v0 =	vld [tilespmem:s19+$0x40];
	_ =	sdelay $0x4  }
0x4c: {  	v0 =	vmul.f32 $8.000000000e+00, v0;
	_ =	sdelay $0x1  }
0x4d: {  	[tilespmem:s15+$0x40] =	vst v0  }
0x4e: {  	v0 =	vld [tilespmem:s19+$0x50];
	_ =	sdelay $0x4  }
0x4f: {  	v0 =	vmul.f32 $8.000000000e+00, v0;
	_ =	sdelay $0x1  }
0x50: {  	[tilespmem:s15+$0x50] =	vst v0  }
0x51: {  	v0 =	vld [tilespmem:s19+$0x60];
	_ =	sdelay $0x4  }
0x52: {  	v0 =	vmul.f32 $8.000000000e+00, v0;
	_ =	sdelay $0x1  }
0x53: {  	[tilespmem:s15+$0x60] =	vst v0  }
0x54: {  	v0 =	vld [tilespmem:s19+$0x70];
	_ =	sdelay $0x4  }
0x55: {  	v0 =	vmul.f32 $8.000000000e+00, v0;
	_ =	sdelay $0x1  }
0x56: {  	s5 =	simm.s32 $0x6580;
	s16 =	simm.s32 $0x0;
	[tilespmem:s15+$0x70] =	vst v0  }
.LBB2_2:
0x57: {  	v0 =	vld [tilespmem:s5+$0xFFFFFF80];
	s16 =	sadd.s32 $0x4, s16  }
0x58: {  	p0 =	slt.u32 s16, $0x7C;
	_ =	sdelay $0x3  }
0x59: {  	v0 =	vmul.f32 $8.000000000e+00, v0  }
0x5a: {  	s15 =	sadd.s32 $0x100, s15  }
0x5b: {  	[tilespmem:s15+$0xFFFFFF80] =	vst v0  }
0x5c: {  	v0 =	vld [tilespmem:s5+$0xFFFFFF90];
	_ =	sdelay $0x4  }
0x5d: {  	v0 =	vmul.f32 $8.000000000e+00, v0;
	_ =	sdelay $0x1  }
0x5e: {  	[tilespmem:s15+$0xFFFFFF90] =	vst v0  }
0x5f: {  	v0 =	vld [tilespmem:s5+$0xFFFFFFA0];
	_ =	sdelay $0x4  }
0x60: {  	v0 =	vmul.f32 $8.000000000e+00, v0;
	_ =	sdelay $0x1  }
0x61: {  	[tilespmem:s15+$0xFFFFFFA0] =	vst v0  }
0x62: {  	v0 =	vld [tilespmem:s5+$0xFFFFFFB0];
	_ =	sdelay $0x4  }
0x63: {  	v0 =	vmul.f32 $8.000000000e+00, v0;
	_ =	sdelay $0x1  }
0x64: {  	[tilespmem:s15+$0xFFFFFFB0] =	vst v0  }
0x65: {  	v0 =	vld [tilespmem:s5+$0xFFFFFFC0];
	_ =	sdelay $0x4  }
0x66: {  	v0 =	vmul.f32 $8.000000000e+00, v0;
	_ =	sdelay $0x1  }
0x67: {  	[tilespmem:s15+$0xFFFFFFC0] =	vst v0  }
0x68: {  	v0 =	vld [tilespmem:s5+$0xFFFFFFD0];
	_ =	sdelay $0x4  }
0x69: {  	v0 =	vmul.f32 $8.000000000e+00, v0;
	_ =	sdelay $0x1  }
0x6a: {  	[tilespmem:s15+$0xFFFFFFD0] =	vst v0  }
0x6b: {  	v0 =	vld [tilespmem:s5+$0xFFFFFFE0];
	_ =	sdelay $0x4  }
0x6c: {  	v0 =	vmul.f32 $8.000000000e+00, v0;
	_ =	sdelay $0x1  }
0x6d: {  	[tilespmem:s15+$0xFFFFFFE0] =	vst v0  }
0x6e: {  	v0 =	vld [tilespmem:s5+$0xFFFFFFF0];
	_ =	sdelay $0x4  }
0x6f: {  	v0 =	vmul.f32 $8.000000000e+00, v0;
	_ =	sdelay $0x1  }
0x70: {  	[tilespmem:s15+$0xFFFFFFF0] =	vst v0  }
0x71: {  	v0 =	vld [tilespmem:s5+$0x0];
	_ =	sdelay $0x4  }
0x72: {  	v0 =	vmul.f32 $8.000000000e+00, v0;
	_ =	sdelay $0x1  }
0x73: {  	[tilespmem:s15+$0x0] =	vst v0  }
0x74: {  	v0 =	vld [tilespmem:s5+$0x10];
	_ =	sdelay $0x4  }
0x75: {  	v0 =	vmul.f32 $8.000000000e+00, v0;
	_ =	sdelay $0x1  }
0x76: {  	[tilespmem:s15+$0x10] =	vst v0  }
0x77: {  	v0 =	vld [tilespmem:s5+$0x20];
	_ =	sdelay $0x4  }
0x78: {  	v0 =	vmul.f32 $8.000000000e+00, v0;
	_ =	sdelay $0x1  }
0x79: {  	[tilespmem:s15+$0x20] =	vst v0  }
0x7a: {  	v0 =	vld [tilespmem:s5+$0x30];
	_ =	sdelay $0x4  }
0x7b: {  	v0 =	vmul.f32 $8.000000000e+00, v0;
	_ =	sdelay $0x1  }
0x7c: {  	[tilespmem:s15+$0x30] =	vst v0  }
0x7d: {  	v0 =	vld [tilespmem:s5+$0x40];
	_ =	sdelay $0x4  }
0x7e: {  	v0 =	vmul.f32 $8.000000000e+00, v0;
	_ =	sdelay $0x1  }
0x7f: {  	[tilespmem:s15+$0x40] =	vst v0  }
0x80: {  	v0 =	vld [tilespmem:s5+$0x50];
	_ =	sdelay $0x4  }
0x81: {  	v0 =	vmul.f32 $8.000000000e+00, v0;
	_ =	sdelay $0x1  }
0x82: {  	[tilespmem:s15+$0x50] =	vst v0  }
0x83: {  	v0 =	vld [tilespmem:s5+$0x60];
	_ =	sdelay $0x4  }
0x84: {  	v0 =	vmul.f32 $8.000000000e+00, v0;
	_ =	sdelay $0x1  }
0x85: {  	[tilespmem:s15+$0x60] =	vst v0  }
0x86: {  	v0 =	vld [tilespmem:s5+$0x70];
	_ =	sdelay $0x2  }
.Ltmp0:
0x87: {  	(pc) =	sbr.rel @p0 .LBB2_2-.Ltmp0, $3  }
0x88: {  	_ = 	snop  }
0x89: {  	v0 =	vmul.f32 $8.000000000e+00, v0;
	_ =	sdelay $0x1  }
0x8a: {  	s5 =	sadd.s32 $0x100, s5;
	[tilespmem:s15+$0x70] =	vst v0  }
0x8b: {  	[dreg:$0xe] =	wrdreg s14;
	s5 =	simm.s32 $0x200  }
0x8c: {  	[tilespmem:s21], [sflag:$0x1] =	stream.indirect.gather [hbm4b:s4+s20], $0x40, s5, s20, $0xb8;
	[tilespmem:$0x16400] =	vst v63  }
0x8d: {  	s18 =	rddreg [dreg:$0x4]  }
0x8e: {  	[hbm4b:s18+s3] =	stream.linear.scatter [tilespmem:s30], [sflag:$0x5], $0x2000, $0x38;
	[tilespmem:$0x16400] =	vst v63  }
0x8f: {  	_ =	swait.ge [sflag:s31], $0x2000  }
0x90: {  	[sflag:s31] =	ssyncset.done $0x0  }
0x91: {  	s19 =	simm.s32 $0x84F0;
	[sflag:s31] =	ssyncadd.s32 $0xFFFFE000  }
0x92: {  	v0 =	vld [tilespmem:s19+$0xFFFFFF10];
	_ =	sdelay $0x4  }
0x93: {  	v0 =	vmul.f32 $8.000000000e+00, v0  }
0x94: {  	s15 =	simm.s32 $0x104F0  }
0x95: {  	[tilespmem:s15+$0xFFFFFF10] =	vst v0  }
0x96: {  	v0 =	vld [tilespmem:s19+$0xFFFFFF20];
	_ =	sdelay $0x4  }
0x97: {  	v0 =	vmul.f32 $8.000000000e+00, v0;
	_ =	sdelay $0x1  }
0x98: {  	[tilespmem:s15+$0xFFFFFF20] =	vst v0  }
0x99: {  	v0 =	vld [tilespmem:s19+$0xFFFFFF30];
	_ =	sdelay $0x4  }
0x9a: {  	v0 =	vmul.f32 $8.000000000e+00, v0;
	_ =	sdelay $0x1  }
0x9b: {  	[tilespmem:s15+$0xFFFFFF30] =	vst v0  }
0x9c: {  	v0 =	vld [tilespmem:s19+$0xFFFFFF40];
	_ =	sdelay $0x4  }
0x9d: {  	v0 =	vmul.f32 $8.000000000e+00, v0;
	_ =	sdelay $0x1  }
0x9e: {  	[tilespmem:s15+$0xFFFFFF40] =	vst v0  }
0x9f: {  	v0 =	vld [tilespmem:s19+$0xFFFFFF50];
	_ =	sdelay $0x4  }
0xa0: {  	v0 =	vmul.f32 $8.000000000e+00, v0;
	_ =	sdelay $0x1  }
0xa1: {  	[tilespmem:s15+$0xFFFFFF50] =	vst v0  }
0xa2: {  	v0 =	vld [tilespmem:s19+$0xFFFFFF60];
	_ =	sdelay $0x4  }
0xa3: {  	v0 =	vmul.f32 $8.000000000e+00, v0;
	_ =	sdelay $0x1  }
0xa4: {  	[tilespmem:s15+$0xFFFFFF60] =	vst v0  }
0xa5: {  	v0 =	vld [tilespmem:s19+$0xFFFFFF70];
	_ =	sdelay $0x4  }
0xa6: {  	v0 =	vmul.f32 $8.000000000e+00, v0;
	_ =	sdelay $0x1  }
0xa7: {  	[tilespmem:s15+$0xFFFFFF70] =	vst v0  }
0xa8: {  	v0 =	vld [tilespmem:s19+$0xFFFFFF80];
	_ =	sdelay $0x4  }
0xa9: {  	v0 =	vmul.f32 $8.000000000e+00, v0;
	_ =	sdelay $0x1  }
0xaa: {  	[tilespmem:s15+$0xFFFFFF80] =	vst v0  }
0xab: {  	v0 =	vld [tilespmem:s19+$0xFFFFFF90];
	_ =	sdelay $0x4  }
0xac: {  	v0 =	vmul.f32 $8.000000000e+00, v0;
	_ =	sdelay $0x1  }
0xad: {  	[tilespmem:s15+$0xFFFFFF90] =	vst v0  }
0xae: {  	v0 =	vld [tilespmem:s19+$0xFFFFFFA0];
	_ =	sdelay $0x4  }
0xaf: {  	v0 =	vmul.f32 $8.000000000e+00, v0;
	_ =	sdelay $0x1  }
0xb0: {  	[tilespmem:s15+$0xFFFFFFA0] =	vst v0  }
0xb1: {  	v0 =	vld [tilespmem:s19+$0xFFFFFFB0];
	_ =	sdelay $0x4  }
0xb2: {  	v0 =	vmul.f32 $8.000000000e+00, v0;
	_ =	sdelay $0x1  }
0xb3: {  	[tilespmem:s15+$0xFFFFFFB0] =	vst v0  }
0xb4: {  	v0 =	vld [tilespmem:s19+$0xFFFFFFC0];
	_ =	sdelay $0x4  }
0xb5: {  	v0 =	vmul.f32 $8.000000000e+00, v0;
	_ =	sdelay $0x1  }
0xb6: {  	[tilespmem:s15+$0xFFFFFFC0] =	vst v0  }
0xb7: {  	v0 =	vld [tilespmem:s19+$0xFFFFFFD0];
	_ =	sdelay $0x4  }
0xb8: {  	v0 =	vmul.f32 $8.000000000e+00, v0;
	_ =	sdelay $0x1  }
0xb9: {  	[tilespmem:s15+$0xFFFFFFD0] =	vst v0  }
0xba: {  	v0 =	vld [tilespmem:s19+$0xFFFFFFE0];
	_ =	sdelay $0x4  }
0xbb: {  	v0 =	vmul.f32 $8.000000000e+00, v0;
	_ =	sdelay $0x1  }
0xbc: {  	[tilespmem:s15+$0xFFFFFFE0] =	vst v0  }
0xbd: {  	v0 =	vld [tilespmem:s19+$0xFFFFFFF0];
	_ =	sdelay $0x4  }
0xbe: {  	v0 =	vmul.f32 $8.000000000e+00, v0;
	_ =	sdelay $0x1  }
0xbf: {  	[tilespmem:s15+$0xFFFFFFF0] =	vst v0  }
0xc0: {  	v0 =	vld [tilespmem:s19+$0x0];
	_ =	sdelay $0x4  }
0xc1: {  	v0 =	vmul.f32 $8.000000000e+00, v0;
	_ =	sdelay $0x1  }
0xc2: {  	s16 =	simm.s32 $0x0;
	s5 =	simm.s32 $0x85F0;
	[tilespmem:s15+$0x0] =	vst v0  }
.LBB2_4:
0xc3: {  	v0 =	vld [tilespmem:s5+$0xFFFFFF10];
	s16 =	sadd.s32 $0x4, s16  }
0xc4: {  	p0 =	slt.u32 s16, $0x7C;
	_ =	sdelay $0x3  }
0xc5: {  	v0 =	vmul.f32 $8.000000000e+00, v0  }
0xc6: {  	s15 =	sadd.s32 $0x100, s15  }
0xc7: {  	[tilespmem:s15+$0xFFFFFF10] =	vst v0  }
0xc8: {  	v0 =	vld [tilespmem:s5+$0xFFFFFF20];
	_ =	sdelay $0x4  }
0xc9: {  	v0 =	vmul.f32 $8.000000000e+00, v0;
	_ =	sdelay $0x1  }
0xca: {  	[tilespmem:s15+$0xFFFFFF20] =	vst v0  }
0xcb: {  	v0 =	vld [tilespmem:s5+$0xFFFFFF30];
	_ =	sdelay $0x4  }
0xcc: {  	v0 =	vmul.f32 $8.000000000e+00, v0;
	_ =	sdelay $0x1  }
0xcd: {  	[tilespmem:s15+$0xFFFFFF30] =	vst v0  }
0xce: {  	v0 =	vld [tilespmem:s5+$0xFFFFFF40];
	_ =	sdelay $0x4  }
0xcf: {  	v0 =	vmul.f32 $8.000000000e+00, v0;
	_ =	sdelay $0x1  }
0xd0: {  	[tilespmem:s15+$0xFFFFFF40] =	vst v0  }
0xd1: {  	v0 =	vld [tilespmem:s5+$0xFFFFFF50];
	_ =	sdelay $0x4  }
0xd2: {  	v0 =	vmul.f32 $8.000000000e+00, v0;
	_ =	sdelay $0x1  }
0xd3: {  	[tilespmem:s15+$0xFFFFFF50] =	vst v0  }
0xd4: {  	v0 =	vld [tilespmem:s5+$0xFFFFFF60];
	_ =	sdelay $0x4  }
0xd5: {  	v0 =	vmul.f32 $8.000000000e+00, v0;
	_ =	sdelay $0x1  }
0xd6: {  	[tilespmem:s15+$0xFFFFFF60] =	vst v0  }
0xd7: {  	v0 =	vld [tilespmem:s5+$0xFFFFFF70];
	_ =	sdelay $0x4  }
0xd8: {  	v0 =	vmul.f32 $8.000000000e+00, v0;
	_ =	sdelay $0x1  }
0xd9: {  	[tilespmem:s15+$0xFFFFFF70] =	vst v0  }
0xda: {  	v0 =	vld [tilespmem:s5+$0xFFFFFF80];
	_ =	sdelay $0x4  }
0xdb: {  	v0 =	vmul.f32 $8.000000000e+00, v0;
	_ =	sdelay $0x1  }
0xdc: {  	[tilespmem:s15+$0xFFFFFF80] =	vst v0  }
0xdd: {  	v0 =	vld [tilespmem:s5+$0xFFFFFF90];
	_ =	sdelay $0x4  }
0xde: {  	v0 =	vmul.f32 $8.000000000e+00, v0;
	_ =	sdelay $0x1  }
0xdf: {  	[tilespmem:s15+$0xFFFFFF90] =	vst v0  }
0xe0: {  	v0 =	vld [tilespmem:s5+$0xFFFFFFA0];
	_ =	sdelay $0x4  }
0xe1: {  	v0 =	vmul.f32 $8.000000000e+00, v0;
	_ =	sdelay $0x1  }
0xe2: {  	[tilespmem:s15+$0xFFFFFFA0] =	vst v0  }
0xe3: {  	v0 =	vld [tilespmem:s5+$0xFFFFFFB0];
	_ =	sdelay $0x4  }
0xe4: {  	v0 =	vmul.f32 $8.000000000e+00, v0;
	_ =	sdelay $0x1  }
0xe5: {  	[tilespmem:s15+$0xFFFFFFB0] =	vst v0  }
0xe6: {  	v0 =	vld [tilespmem:s5+$0xFFFFFFC0];
	_ =	sdelay $0x4  }
0xe7: {  	v0 =	vmul.f32 $8.000000000e+00, v0;
	_ =	sdelay $0x1  }
0xe8: {  	[tilespmem:s15+$0xFFFFFFC0] =	vst v0  }
0xe9: {  	v0 =	vld [tilespmem:s5+$0xFFFFFFD0];
	_ =	sdelay $0x4  }
0xea: {  	v0 =	vmul.f32 $8.000000000e+00, v0;
	_ =	sdelay $0x1  }
0xeb: {  	[tilespmem:s15+$0xFFFFFFD0] =	vst v0  }
0xec: {  	v0 =	vld [tilespmem:s5+$0xFFFFFFE0];
	_ =	sdelay $0x4  }
0xed: {  	v0 =	vmul.f32 $8.000000000e+00, v0;
	_ =	sdelay $0x1  }
0xee: {  	[tilespmem:s15+$0xFFFFFFE0] =	vst v0  }
0xef: {  	v0 =	vld [tilespmem:s5+$0xFFFFFFF0];
	_ =	sdelay $0x4  }
0xf0: {  	v0 =	vmul.f32 $8.000000000e+00, v0;
	_ =	sdelay $0x1  }
0xf1: {  	[tilespmem:s15+$0xFFFFFFF0] =	vst v0  }
0xf2: {  	v0 =	vld [tilespmem:s5+$0x0];
	_ =	sdelay $0x2  }
.Ltmp1:
0xf3: {  	(pc) =	sbr.rel @p0 .LBB2_4-.Ltmp1, $3  }
0xf4: {  	_ = 	snop  }
0xf5: {  	v0 =	vmul.f32 $8.000000000e+00, v0;
	_ =	sdelay $0x1  }
0xf6: {  	s5 =	sadd.s32 $0x100, s5;
	[tilespmem:s15+$0x0] =	vst v0  }
0xf7: {  	s5 =	simm.s32 $0x280  }
0xf8: {  	[tilespmem:s22], [sflag:$0x2] =	stream.indirect.gather [hbm4b:s4+s20], $0x40, s5, s20, $0xb8;
	[tilespmem:$0x16400] =	vst v63  }
0xf9: {  	s19 =	simm.s32 $0x0;
	s14 =	rddreg [dreg:$0x6]  }
0xfa: {  	[hbm4b:s14+s19] =	stream.linear.scatter [tilespmem:s0], [sflag:$0x6], $0x2000, $0x38;
	[tilespmem:$0x16400] =	vst v63  }
0xfb: {  	_ =	swait.ge [sflag:s23], $0x2000  }
0xfc: {  	[sflag:s23] =	ssyncset.done $0x0  }
0xfd: {  	s5 =	simm.s32 $0x0;
	[sflag:s23] =	ssyncadd.s32 $0xFFFFE000  }
0xfe: {  	v0 =	vld [tilespmem:s5+$0xA4F0]  }
0xff: {  	v1 =	vld [tilespmem:s5+$0xA400]  }
0x100: {  	v2 =	vld [tilespmem:s5+$0xA410]  }
0x101: {  	v3 =	vld [tilespmem:s5+$0xA420]  }
0x102: {  	v4 =	vld [tilespmem:s5+$0xA430]  }
0x103: {  	v5 =	vld [tilespmem:s5+$0xA440];
	v0 =	vmul.f32 $8.000000000e+00, v0  }
0x104: {  	v6 =	vld [tilespmem:s5+$0xA450];
	v1 =	vmul.f32 $8.000000000e+00, v1  }
0x105: {  	v7 =	vld [tilespmem:s5+$0xA460];
	[tilespmem:s5+$0x124F0] =	vst v0;
	v0 =	vmul.f32 $8.000000000e+00, v2  }
0x106: {  	v8 =	vld [tilespmem:s5+$0xA470];
	[tilespmem:s5+$0x12400] =	vst v1;
	v1 =	vmul.f32 $8.000000000e+00, v3  }
0x107: {  	v9 =	vld [tilespmem:s5+$0xA480];
	[tilespmem:s5+$0x12410] =	vst v0;
	v0 =	vmul.f32 $8.000000000e+00, v4  }
0x108: {  	v2 =	vld [tilespmem:s5+$0xA490];
	[tilespmem:s5+$0x12420] =	vst v1;
	v1 =	vmul.f32 $8.000000000e+00, v5  }
0x109: {  	v3 =	vmul.f32 $8.000000000e+00, v6;
	[tilespmem:s5+$0x12430] =	vst v0;
	v0 =	vld [tilespmem:s5+$0xA4A0]  }
0x10a: {  	v4 =	vmul.f32 $8.000000000e+00, v7;
	[tilespmem:s5+$0x12440] =	vst v1;
	v1 =	vld [tilespmem:s5+$0xA4B0]  }
0x10b: {  	v6 =	vmul.f32 $8.000000000e+00, v8;
	[tilespmem:s5+$0x12450] =	vst v3;
	v3 =	vld [tilespmem:s5+$0xA4C0]  }
0x10c: {  	s15 =	simm.s32 $0x0;
	s16 =	simm.s32 $0x400;
	v5 =	vmul.f32 $8.000000000e+00, v9;
	[tilespmem:s5+$0x12460] =	vst v4;
	v4 =	vld [tilespmem:s5+$0xA4D0]  }
.LBB2_6:
0x10d: {  	s17 =	sshra.s32 s16, $0x2;
	s15 =	sadd.s32 $0x4, s15;
	[tilespmem:s5+$0x12470] =	vst v6;
	v2 =	vmul.f32 $8.000000000e+00, v2;
	v6 =	vld [tilespmem:s5+$0xA4E0]  }
0x10e: {  	v7 =	vld [tilespmem:s17+$0xA4F0];
	p0 =	slt.u32 s15, $0x7C;
	[tilespmem:s5+$0x12480] =	vst v5;
	v0 =	vmul.f32 $8.000000000e+00, v0  }
0x10f: {  	v5 =	vld [tilespmem:s17+$0xA400];
	[tilespmem:s5+$0x12490] =	vst v2;
	v1 =	vmul.f32 $8.000000000e+00, v1  }
0x110: {  	v2 =	vld [tilespmem:s17+$0xA410];
	[tilespmem:s5+$0x124A0] =	vst v0;
	v0 =	vmul.f32 $8.000000000e+00, v3  }
0x111: {  	v3 =	vld [tilespmem:s17+$0xA420];
	[tilespmem:s5+$0x124B0] =	vst v1;
	v1 =	vmul.f32 $8.000000000e+00, v4  }
0x112: {  	v4 =	vld [tilespmem:s17+$0xA430];
	[tilespmem:s5+$0x124C0] =	vst v0;
	v0 =	vmul.f32 $8.000000000e+00, v6  }
0x113: {  	v6 =	vld [tilespmem:s17+$0xA440];
	v7 =	vmul.f32 $8.000000000e+00, v7;
	[tilespmem:s5+$0x124D0] =	vst v1  }
0x114: {  	v1 =	vmul.f32 $8.000000000e+00, v5;
	v5 =	vld [tilespmem:s17+$0xA450];
	[tilespmem:s5+$0x124E0] =	vst v0;
	s5 =	smov.u32 s17  }
0x115: {  	v0 =	vmul.f32 $8.000000000e+00, v2;
	v8 =	vld [tilespmem:s5+$0xA460];
	[tilespmem:s5+$0x124F0] =	vst v7  }
0x116: {  	[tilespmem:s5+$0x12400] =	vst v1;
	v1 =	vmul.f32 $8.000000000e+00, v3;
	v3 =	vld [tilespmem:s5+$0xA470]  }
0x117: {  	[tilespmem:s5+$0x12410] =	vst v0;
	v0 =	vmul.f32 $8.000000000e+00, v4;
	v4 =	vld [tilespmem:s5+$0xA480]  }
.Ltmp2:
0x118: {  	[tilespmem:s5+$0x12420] =	vst v1;
	v1 =	vmul.f32 $8.000000000e+00, v6;
	v2 =	vld [tilespmem:s5+$0xA490];
	(pc) =	sbr.rel @p0 .LBB2_6-.Ltmp2, $4  }
0x119: {  	[tilespmem:s5+$0x12430] =	vst v0;
	v5 =	vmul.f32 $8.000000000e+00, v5;
	v0 =	vld [tilespmem:s5+$0xA4A0]  }
0x11a: {  	[tilespmem:s5+$0x12440] =	vst v1;
	v7 =	vmul.f32 $8.000000000e+00, v8;
	v1 =	vld [tilespmem:s5+$0xA4B0]  }
0x11b: {  	[tilespmem:s5+$0x12450] =	vst v5;
	v6 =	vmul.f32 $8.000000000e+00, v3;
	v3 =	vld [tilespmem:s5+$0xA4C0]  }
0x11c: {  	s16 =	sadd.s32 $0x400, s16;
	[tilespmem:s5+$0x12460] =	vst v7;
	v5 =	vmul.f32 $8.000000000e+00, v4;
	v4 =	vld [tilespmem:s5+$0xA4D0]  }
0x11d: {  	[tilespmem:s5+$0x12470] =	vst v6;
	v2 =	vmul.f32 $8.000000000e+00, v2;
	v6 =	vld [tilespmem:s5+$0xA4E0]  }
0x11e: {  	[tilespmem:s5+$0x12480] =	vst v5;
	v0 =	vmul.f32 $8.000000000e+00, v0  }
0x11f: {  	[tilespmem:s5+$0x12490] =	vst v2;
	v1 =	vmul.f32 $8.000000000e+00, v1  }
0x120: {  	[tilespmem:s5+$0x124A0] =	vst v0;
	v0 =	vmul.f32 $8.000000000e+00, v3  }
0x121: {  	[tilespmem:s5+$0x124B0] =	vst v1;
	v1 =	vmul.f32 $8.000000000e+00, v4  }
0x122: {  	[tilespmem:s5+$0x124C0] =	vst v0;
	v0 =	vmul.f32 $8.000000000e+00, v6  }
0x123: {  	[tilespmem:s5+$0x124D0] =	vst v1  }
0x124: {  	s18 =	simm.s32 $0x300;
	[tilespmem:s5+$0x124E0] =	vst v0  }
0x125: {  	[tilespmem:s24], [sflag:$0x3] =	stream.indirect.gather [hbm4b:s4+s20], $0x40, s18, s20, $0xb8;
	[tilespmem:$0x16400] =	vst v63  }
0x126: {  	s19 =	simm.s32 $0x0;
	s14 =	rddreg [dreg:$0x7]  }
0x127: {  	[hbm4b:s14+s19] =	stream.linear.scatter [tilespmem:s29], [sflag:$0x7], $0x2000, $0x38;
	[tilespmem:$0x16400] =	vst v63  }
0x128: {  	_ =	swait.ge [sflag:s1], $0x2000  }
0x129: {  	[sflag:s1] =	ssyncset.done $0x0  }
0x12a: {  	s5 =	simm.s32 $0x0;
	[sflag:s1] =	ssyncadd.s32 $0xFFFFE000  }
0x12b: {  	v0 =	vld [tilespmem:s5+$0xC4F0]  }
0x12c: {  	v1 =	vld [tilespmem:s5+$0xC400]  }
0x12d: {  	v2 =	vld [tilespmem:s5+$0xC410]  }
0x12e: {  	v3 =	vld [tilespmem:s5+$0xC420]  }
0x12f: {  	v4 =	vld [tilespmem:s5+$0xC430]  }
0x130: {  	v5 =	vld [tilespmem:s5+$0xC440];
	v0 =	vmul.f32 $8.000000000e+00, v0  }
0x131: {  	v6 =	vld [tilespmem:s5+$0xC450];
	v1 =	vmul.f32 $8.000000000e+00, v1  }
0x132: {  	v7 =	vld [tilespmem:s5+$0xC460];
	[tilespmem:s5+$0x144F0] =	vst v0;
	v0 =	vmul.f32 $8.000000000e+00, v2  }
0x133: {  	v8 =	vld [tilespmem:s5+$0xC470];
	[tilespmem:s5+$0x14400] =	vst v1;
	v1 =	vmul.f32 $8.000000000e+00, v3  }
0x134: {  	v9 =	vld [tilespmem:s5+$0xC480];
	[tilespmem:s5+$0x14410] =	vst v0;
	v0 =	vmul.f32 $8.000000000e+00, v4  }
0x135: {  	v2 =	vld [tilespmem:s5+$0xC490];
	[tilespmem:s5+$0x14420] =	vst v1;
	v1 =	vmul.f32 $8.000000000e+00, v5  }
0x136: {  	v3 =	vmul.f32 $8.000000000e+00, v6;
	[tilespmem:s5+$0x14430] =	vst v0;
	v0 =	vld [tilespmem:s5+$0xC4A0]  }
0x137: {  	v4 =	vmul.f32 $8.000000000e+00, v7;
	[tilespmem:s5+$0x14440] =	vst v1;
	v1 =	vld [tilespmem:s5+$0xC4B0]  }
0x138: {  	v6 =	vmul.f32 $8.000000000e+00, v8;
	[tilespmem:s5+$0x14450] =	vst v3;
	v3 =	vld [tilespmem:s5+$0xC4C0]  }
0x139: {  	s15 =	simm.s32 $0x0;
	s16 =	simm.s32 $0x400;
	v5 =	vmul.f32 $8.000000000e+00, v9;
	[tilespmem:s5+$0x14460] =	vst v4;
	v4 =	vld [tilespmem:s5+$0xC4D0]  }
.LBB2_8:
0x13a: {  	s17 =	sshra.s32 s16, $0x2;
	s15 =	sadd.s32 $0x4, s15;
	[tilespmem:s5+$0x14470] =	vst v6;
	v2 =	vmul.f32 $8.000000000e+00, v2;
	v6 =	vld [tilespmem:s5+$0xC4E0]  }
0x13b: {  	v7 =	vld [tilespmem:s17+$0xC4F0];
	p0 =	slt.u32 s15, $0x7C;
	[tilespmem:s5+$0x14480] =	vst v5;
	v0 =	vmul.f32 $8.000000000e+00, v0  }
0x13c: {  	v5 =	vld [tilespmem:s17+$0xC400];
	[tilespmem:s5+$0x14490] =	vst v2;
	v1 =	vmul.f32 $8.000000000e+00, v1  }
0x13d: {  	v2 =	vld [tilespmem:s17+$0xC410];
	[tilespmem:s5+$0x144A0] =	vst v0;
	v0 =	vmul.f32 $8.000000000e+00, v3  }
0x13e: {  	v3 =	vld [tilespmem:s17+$0xC420];
	[tilespmem:s5+$0x144B0] =	vst v1;
	v1 =	vmul.f32 $8.000000000e+00, v4  }
0x13f: {  	v4 =	vld [tilespmem:s17+$0xC430];
	[tilespmem:s5+$0x144C0] =	vst v0;
	v0 =	vmul.f32 $8.000000000e+00, v6  }
0x140: {  	v6 =	vld [tilespmem:s17+$0xC440];
	v7 =	vmul.f32 $8.000000000e+00, v7;
	[tilespmem:s5+$0x144D0] =	vst v1  }
0x141: {  	v1 =	vmul.f32 $8.000000000e+00, v5;
	v5 =	vld [tilespmem:s17+$0xC450];
	[tilespmem:s5+$0x144E0] =	vst v0;
	s5 =	smov.u32 s17  }
0x142: {  	v0 =	vmul.f32 $8.000000000e+00, v2;
	v8 =	vld [tilespmem:s5+$0xC460];
	[tilespmem:s5+$0x144F0] =	vst v7  }
0x143: {  	[tilespmem:s5+$0x14400] =	vst v1;
	v1 =	vmul.f32 $8.000000000e+00, v3;
	v3 =	vld [tilespmem:s5+$0xC470]  }
0x144: {  	[tilespmem:s5+$0x14410] =	vst v0;
	v0 =	vmul.f32 $8.000000000e+00, v4;
	v4 =	vld [tilespmem:s5+$0xC480]  }
.Ltmp3:
0x145: {  	[tilespmem:s5+$0x14420] =	vst v1;
	v1 =	vmul.f32 $8.000000000e+00, v6;
	v2 =	vld [tilespmem:s5+$0xC490];
	(pc) =	sbr.rel @p0 .LBB2_8-.Ltmp3, $4  }
0x146: {  	[tilespmem:s5+$0x14430] =	vst v0;
	v5 =	vmul.f32 $8.000000000e+00, v5;
	v0 =	vld [tilespmem:s5+$0xC4A0]  }
0x147: {  	[tilespmem:s5+$0x14440] =	vst v1;
	v7 =	vmul.f32 $8.000000000e+00, v8;
	v1 =	vld [tilespmem:s5+$0xC4B0]  }
0x148: {  	[tilespmem:s5+$0x14450] =	vst v5;
	v6 =	vmul.f32 $8.000000000e+00, v3;
	v3 =	vld [tilespmem:s5+$0xC4C0]  }
0x149: {  	s16 =	sadd.s32 $0x400, s16;
	[tilespmem:s5+$0x14460] =	vst v7;
	v5 =	vmul.f32 $8.000000000e+00, v4;
	v4 =	vld [tilespmem:s5+$0xC4D0]  }
0x14a: {  	[tilespmem:s5+$0x14470] =	vst v6;
	v2 =	vmul.f32 $8.000000000e+00, v2;
	v60 =	vld [tilespmem:s5+$0xC4E0]  }
0x14b: {  	[tilespmem:s5+$0x14480] =	vst v5;
	v0 =	vmul.f32 $8.000000000e+00, v0  }
0x14c: {  	[tilespmem:s5+$0x14490] =	vst v2;
	v1 =	vmul.f32 $8.000000000e+00, v1  }
0x14d: {  	[tilespmem:s5+$0x144A0] =	vst v0;
	v61 =	vmul.f32 $8.000000000e+00, v3  }
0x14e: {  	[tilespmem:s5+$0x144B0] =	vst v1;
	v62 =	vmul.f32 $8.000000000e+00, v4  }
0x14f: {  	[tilespmem:s5+$0x144C0] =	vst v61;
	v63 =	vmul.f32 $8.000000000e+00, v60  }
0x150: {  	[tilespmem:s5+$0x144D0] =	vst v62  }
0x151: {  	s18 =	simm.s32 $0x380;
	[tilespmem:s5+$0x144E0] =	vst v63  }
0x152: {  	[tilespmem:s26], [sflag:$0x4] =	stream.indirect.gather [hbm4b:s4+s20], $0x40, s18, s20, $0xb8;
	[tilespmem:$0x16400] =	vst v63  }
0x153: {  	s19 =	rddreg [dreg:$0x8];
	s15 =	simm.s32 $0x1  }
0x154: {  	[hbm4b:s19+s3] =	stream.linear.scatter [tilespmem:s25], [sflag:$0x8], $0x2000, $0x38;
	[tilespmem:$0x16400] =	vst v63  }
.LBB2_10:
0x155: {  	_ =	swait.ge [sflag:s28], $0x2000  }
0x156: {  	[sflag:s28] =	ssyncset.done $0x0  }
0x157: {  	[sflag:s28] =	ssyncadd.s32 $0xFFFFE000  }
0x158: {  	_ =	swait.ge [sflag:s7], $0x2000  }
0x159: {  	[sflag:s7] =	ssyncset.done $0x0  }
0x15a: {  	s5 =	simm.s32 $0x6480;
	[sflag:s7] =	ssyncadd.s32 $0xFFFFE000  }
0x15b: {  	v0 =	vld [tilespmem:s5+$0xFFFFFF80];
	_ =	sdelay $0x4  }
0x15c: {  	v0 =	vmul.f32 $8.000000000e+00, v0  }
0x15d: {  	s16 =	simm.s32 $0xE480  }
0x15e: {  	[tilespmem:s16+$0xFFFFFF80] =	vst v0  }
0x15f: {  	v0 =	vld [tilespmem:s5+$0xFFFFFF90];
	_ =	sdelay $0x4  }
0x160: {  	v0 =	vmul.f32 $8.000000000e+00, v0;
	_ =	sdelay $0x1  }
0x161: {  	[tilespmem:s16+$0xFFFFFF90] =	vst v0  }
0x162: {  	v0 =	vld [tilespmem:s5+$0xFFFFFFA0];
	_ =	sdelay $0x4  }
0x163: {  	v0 =	vmul.f32 $8.000000000e+00, v0;
	_ =	sdelay $0x1  }
0x164: {  	[tilespmem:s16+$0xFFFFFFA0] =	vst v0  }
0x165: {  	v0 =	vld [tilespmem:s5+$0xFFFFFFB0];
	_ =	sdelay $0x4  }
0x166: {  	v0 =	vmul.f32 $8.000000000e+00, v0;
	_ =	sdelay $0x1  }
0x167: {  	[tilespmem:s16+$0xFFFFFFB0] =	vst v0  }
0x168: {  	v0 =	vld [tilespmem:s5+$0xFFFFFFC0];
	_ =	sdelay $0x4  }
0x169: {  	v0 =	vmul.f32 $8.000000000e+00, v0;
	_ =	sdelay $0x1  }
0x16a: {  	[tilespmem:s16+$0xFFFFFFC0] =	vst v0  }
0x16b: {  	v0 =	vld [tilespmem:s5+$0xFFFFFFD0];
	_ =	sdelay $0x4  }
0x16c: {  	v0 =	vmul.f32 $8.000000000e+00, v0;
	_ =	sdelay $0x1  }
0x16d: {  	[tilespmem:s16+$0xFFFFFFD0] =	vst v0  }
0x16e: {  	v0 =	vld [tilespmem:s5+$0xFFFFFFE0];
	_ =	sdelay $0x4  }
0x16f: {  	v0 =	vmul.f32 $8.000000000e+00, v0;
	_ =	sdelay $0x1  }
0x170: {  	[tilespmem:s16+$0xFFFFFFE0] =	vst v0  }
0x171: {  	v0 =	vld [tilespmem:s5+$0xFFFFFFF0];
	_ =	sdelay $0x4  }
0x172: {  	v0 =	vmul.f32 $8.000000000e+00, v0;
	_ =	sdelay $0x1  }
0x173: {  	[tilespmem:s16+$0xFFFFFFF0] =	vst v0  }
0x174: {  	v0 =	vld [tilespmem:s5+$0x0];
	_ =	sdelay $0x4  }
0x175: {  	v0 =	vmul.f32 $8.000000000e+00, v0;
	_ =	sdelay $0x1  }
0x176: {  	[tilespmem:s16+$0x0] =	vst v0  }
0x177: {  	v0 =	vld [tilespmem:s5+$0x10];
	_ =	sdelay $0x4  }
0x178: {  	v0 =	vmul.f32 $8.000000000e+00, v0;
	_ =	sdelay $0x1  }
0x179: {  	[tilespmem:s16+$0x10] =	vst v0  }
0x17a: {  	v0 =	vld [tilespmem:s5+$0x20];
	_ =	sdelay $0x4  }
0x17b: {  	v0 =	vmul.f32 $8.000000000e+00, v0;
	_ =	sdelay $0x1  }
0x17c: {  	[tilespmem:s16+$0x20] =	vst v0  }
0x17d: {  	v0 =	vld [tilespmem:s5+$0x30];
	_ =	sdelay $0x4  }
0x17e: {  	v0 =	vmul.f32 $8.000000000e+00, v0;
	_ =	sdelay $0x1  }
0x17f: {  	[tilespmem:s16+$0x30] =	vst v0  }
0x180: {  	v0 =	vld [tilespmem:s5+$0x40];
	_ =	sdelay $0x4  }
0x181: {  	v0 =	vmul.f32 $8.000000000e+00, v0;
	_ =	sdelay $0x1  }
0x182: {  	[tilespmem:s16+$0x40] =	vst v0  }
0x183: {  	v0 =	vld [tilespmem:s5+$0x50];
	_ =	sdelay $0x4  }
0x184: {  	v0 =	vmul.f32 $8.000000000e+00, v0;
	_ =	sdelay $0x1  }
0x185: {  	[tilespmem:s16+$0x50] =	vst v0  }
0x186: {  	v0 =	vld [tilespmem:s5+$0x60];
	_ =	sdelay $0x4  }
0x187: {  	v0 =	vmul.f32 $8.000000000e+00, v0;
	_ =	sdelay $0x1  }
0x188: {  	[tilespmem:s16+$0x60] =	vst v0  }
0x189: {  	v0 =	vld [tilespmem:s5+$0x70];
	_ =	sdelay $0x4  }
0x18a: {  	v0 =	vmul.f32 $8.000000000e+00, v0;
	_ =	sdelay $0x1  }
0x18b: {  	s17 =	simm.s32 $0x0;
	s5 =	simm.s32 $0x6580;
	[tilespmem:s16+$0x70] =	vst v0  }
.LBB2_11:
0x18c: {  	v0 =	vld [tilespmem:s5+$0xFFFFFF80];
	s17 =	sadd.s32 $0x4, s17  }
0x18d: {  	p0 =	slt.u32 s17, $0x7C;
	_ =	sdelay $0x3  }
0x18e: {  	v0 =	vmul.f32 $8.000000000e+00, v0  }
0x18f: {  	s16 =	sadd.s32 $0x100, s16  }
0x190: {  	[tilespmem:s16+$0xFFFFFF80] =	vst v0  }
0x191: {  	v0 =	vld [tilespmem:s5+$0xFFFFFF90];
	_ =	sdelay $0x4  }
0x192: {  	v0 =	vmul.f32 $8.000000000e+00, v0;
	_ =	sdelay $0x1  }
0x193: {  	[tilespmem:s16+$0xFFFFFF90] =	vst v0  }
0x194: {  	v0 =	vld [tilespmem:s5+$0xFFFFFFA0];
	_ =	sdelay $0x4  }
0x195: {  	v0 =	vmul.f32 $8.000000000e+00, v0;
	_ =	sdelay $0x1  }
0x196: {  	[tilespmem:s16+$0xFFFFFFA0] =	vst v0  }
0x197: {  	v0 =	vld [tilespmem:s5+$0xFFFFFFB0];
	_ =	sdelay $0x4  }
0x198: {  	v0 =	vmul.f32 $8.000000000e+00, v0;
	_ =	sdelay $0x1  }
0x199: {  	[tilespmem:s16+$0xFFFFFFB0] =	vst v0  }
0x19a: {  	v0 =	vld [tilespmem:s5+$0xFFFFFFC0];
	_ =	sdelay $0x4  }
0x19b: {  	v0 =	vmul.f32 $8.000000000e+00, v0;
	_ =	sdelay $0x1  }
0x19c: {  	[tilespmem:s16+$0xFFFFFFC0] =	vst v0  }
0x19d: {  	v0 =	vld [tilespmem:s5+$0xFFFFFFD0];
	_ =	sdelay $0x4  }
0x19e: {  	v0 =	vmul.f32 $8.000000000e+00, v0;
	_ =	sdelay $0x1  }
0x19f: {  	[tilespmem:s16+$0xFFFFFFD0] =	vst v0  }
0x1a0: {  	v0 =	vld [tilespmem:s5+$0xFFFFFFE0];
	_ =	sdelay $0x4  }
0x1a1: {  	v0 =	vmul.f32 $8.000000000e+00, v0;
	_ =	sdelay $0x1  }
0x1a2: {  	[tilespmem:s16+$0xFFFFFFE0] =	vst v0  }
0x1a3: {  	v0 =	vld [tilespmem:s5+$0xFFFFFFF0];
	_ =	sdelay $0x4  }
0x1a4: {  	v0 =	vmul.f32 $8.000000000e+00, v0;
	_ =	sdelay $0x1  }
0x1a5: {  	[tilespmem:s16+$0xFFFFFFF0] =	vst v0  }
0x1a6: {  	v0 =	vld [tilespmem:s5+$0x0];
	_ =	sdelay $0x4  }
0x1a7: {  	v0 =	vmul.f32 $8.000000000e+00, v0;
	_ =	sdelay $0x1  }
0x1a8: {  	[tilespmem:s16+$0x0] =	vst v0  }
0x1a9: {  	v0 =	vld [tilespmem:s5+$0x10];
	_ =	sdelay $0x4  }
0x1aa: {  	v0 =	vmul.f32 $8.000000000e+00, v0;
	_ =	sdelay $0x1  }
0x1ab: {  	[tilespmem:s16+$0x10] =	vst v0  }
0x1ac: {  	v0 =	vld [tilespmem:s5+$0x20];
	_ =	sdelay $0x4  }
0x1ad: {  	v0 =	vmul.f32 $8.000000000e+00, v0;
	_ =	sdelay $0x1  }
0x1ae: {  	[tilespmem:s16+$0x20] =	vst v0  }
0x1af: {  	v0 =	vld [tilespmem:s5+$0x30];
	_ =	sdelay $0x4  }
0x1b0: {  	v0 =	vmul.f32 $8.000000000e+00, v0;
	_ =	sdelay $0x1  }
0x1b1: {  	[tilespmem:s16+$0x30] =	vst v0  }
0x1b2: {  	v0 =	vld [tilespmem:s5+$0x40];
	_ =	sdelay $0x4  }
0x1b3: {  	v0 =	vmul.f32 $8.000000000e+00, v0;
	_ =	sdelay $0x1  }
0x1b4: {  	[tilespmem:s16+$0x40] =	vst v0  }
0x1b5: {  	v0 =	vld [tilespmem:s5+$0x50];
	_ =	sdelay $0x4  }
0x1b6: {  	v0 =	vmul.f32 $8.000000000e+00, v0;
	_ =	sdelay $0x1  }
0x1b7: {  	[tilespmem:s16+$0x50] =	vst v0  }
0x1b8: {  	v0 =	vld [tilespmem:s5+$0x60];
	_ =	sdelay $0x4  }
0x1b9: {  	v0 =	vmul.f32 $8.000000000e+00, v0;
	_ =	sdelay $0x1  }
0x1ba: {  	[tilespmem:s16+$0x60] =	vst v0  }
0x1bb: {  	v0 =	vld [tilespmem:s5+$0x70];
	_ =	sdelay $0x2  }
.Ltmp4:
0x1bc: {  	(pc) =	sbr.rel @p0 .LBB2_11-.Ltmp4, $3  }
0x1bd: {  	_ = 	snop  }
0x1be: {  	v0 =	vmul.f32 $8.000000000e+00, v0;
	_ =	sdelay $0x1  }
0x1bf: {  	s5 =	sadd.s32 $0x100, s5;
	[tilespmem:s16+$0x70] =	vst v0  }
0x1c0: {  	s16 =	sshll.u32 s15, $0x9  }
0x1c1: {  	s17 =	sand.u32 $0x3FFFFE00, s16  }
0x1c2: {  	s18 =	sshll.u32 s15, $0xF;
	s5 =	sadd.s32 $0x200, s17  }
0x1c3: {  	[tilespmem:s21], [sflag:$0x1] =	stream.indirect.gather [hbm4b:s4+s20], $0x40, s5, s20, $0xb8;
	[tilespmem:$0x16400] =	vst v63  }
0x1c4: {  	s5 =	sadd.s32 s6, s18  }
0x1c5: {  	s5 =	sshrl.u32 s5, $0x3  }
0x1c6: {  	s5 =	sadd.s32 s2, s5  }
0x1c7: {  	[hbm4b:s5+s3] =	stream.linear.scatter [tilespmem:s30], [sflag:$0x5], $0x2000, $0x38;
	[tilespmem:$0x16400] =	vst v63  }
0x1c8: {  	_ =	swait.ge [sflag:s31], $0x2000  }
0x1c9: {  	[sflag:s31] =	ssyncset.done $0x0  }
0x1ca: {  	[sflag:s31] =	ssyncadd.s32 $0xFFFFE000  }
0x1cb: {  	_ =	swait.ge [sflag:s8], $0x2000  }
0x1cc: {  	[sflag:s8] =	ssyncset.done $0x0  }
0x1cd: {  	s19 =	simm.s32 $0x84F0;
	[sflag:s8] =	ssyncadd.s32 $0xFFFFE000  }
0x1ce: {  	v0 =	vld [tilespmem:s19+$0xFFFFFF10];
	_ =	sdelay $0x4  }
0x1cf: {  	v0 =	vmul.f32 $8.000000000e+00, v0  }
0x1d0: {  	s18 =	simm.s32 $0x104F0  }
0x1d1: {  	[tilespmem:s18+$0xFFFFFF10] =	vst v0  }
0x1d2: {  	v0 =	vld [tilespmem:s19+$0xFFFFFF20];
	_ =	sdelay $0x4  }
0x1d3: {  	v0 =	vmul.f32 $8.000000000e+00, v0;
	_ =	sdelay $0x1  }
0x1d4: {  	[tilespmem:s18+$0xFFFFFF20] =	vst v0  }
0x1d5: {  	v0 =	vld [tilespmem:s19+$0xFFFFFF30];
	_ =	sdelay $0x4  }
0x1d6: {  	v0 =	vmul.f32 $8.000000000e+00, v0;
	_ =	sdelay $0x1  }
0x1d7: {  	[tilespmem:s18+$0xFFFFFF30] =	vst v0  }
0x1d8: {  	v0 =	vld [tilespmem:s19+$0xFFFFFF40];
	_ =	sdelay $0x4  }
0x1d9: {  	v0 =	vmul.f32 $8.000000000e+00, v0;
	_ =	sdelay $0x1  }
0x1da: {  	[tilespmem:s18+$0xFFFFFF40] =	vst v0  }
0x1db: {  	v0 =	vld [tilespmem:s19+$0xFFFFFF50];
	_ =	sdelay $0x4  }
0x1dc: {  	v0 =	vmul.f32 $8.000000000e+00, v0;
	_ =	sdelay $0x1  }
0x1dd: {  	[tilespmem:s18+$0xFFFFFF50] =	vst v0  }
0x1de: {  	v0 =	vld [tilespmem:s19+$0xFFFFFF60];
	_ =	sdelay $0x4  }
0x1df: {  	v0 =	vmul.f32 $8.000000000e+00, v0;
	_ =	sdelay $0x1  }
0x1e0: {  	[tilespmem:s18+$0xFFFFFF60] =	vst v0  }
0x1e1: {  	v0 =	vld [tilespmem:s19+$0xFFFFFF70];
	_ =	sdelay $0x4  }
0x1e2: {  	v0 =	vmul.f32 $8.000000000e+00, v0;
	_ =	sdelay $0x1  }
0x1e3: {  	[tilespmem:s18+$0xFFFFFF70] =	vst v0  }
0x1e4: {  	v0 =	vld [tilespmem:s19+$0xFFFFFF80];
	_ =	sdelay $0x4  }
0x1e5: {  	v0 =	vmul.f32 $8.000000000e+00, v0;
	_ =	sdelay $0x1  }
0x1e6: {  	[tilespmem:s18+$0xFFFFFF80] =	vst v0  }
0x1e7: {  	v0 =	vld [tilespmem:s19+$0xFFFFFF90];
	_ =	sdelay $0x4  }
0x1e8: {  	v0 =	vmul.f32 $8.000000000e+00, v0;
	_ =	sdelay $0x1  }
0x1e9: {  	[tilespmem:s18+$0xFFFFFF90] =	vst v0  }
0x1ea: {  	v0 =	vld [tilespmem:s19+$0xFFFFFFA0];
	_ =	sdelay $0x4  }
0x1eb: {  	v0 =	vmul.f32 $8.000000000e+00, v0;
	_ =	sdelay $0x1  }
0x1ec: {  	[tilespmem:s18+$0xFFFFFFA0] =	vst v0  }
0x1ed: {  	v0 =	vld [tilespmem:s19+$0xFFFFFFB0];
	_ =	sdelay $0x4  }
0x1ee: {  	v0 =	vmul.f32 $8.000000000e+00, v0;
	_ =	sdelay $0x1  }
0x1ef: {  	[tilespmem:s18+$0xFFFFFFB0] =	vst v0  }
0x1f0: {  	v0 =	vld [tilespmem:s19+$0xFFFFFFC0];
	_ =	sdelay $0x4  }
0x1f1: {  	v0 =	vmul.f32 $8.000000000e+00, v0;
	_ =	sdelay $0x1  }
0x1f2: {  	[tilespmem:s18+$0xFFFFFFC0] =	vst v0  }
0x1f3: {  	v0 =	vld [tilespmem:s19+$0xFFFFFFD0];
	_ =	sdelay $0x4  }
0x1f4: {  	v0 =	vmul.f32 $8.000000000e+00, v0;
	_ =	sdelay $0x1  }
0x1f5: {  	[tilespmem:s18+$0xFFFFFFD0] =	vst v0  }
0x1f6: {  	v0 =	vld [tilespmem:s19+$0xFFFFFFE0];
	_ =	sdelay $0x4  }
0x1f7: {  	v0 =	vmul.f32 $8.000000000e+00, v0;
	_ =	sdelay $0x1  }
0x1f8: {  	[tilespmem:s18+$0xFFFFFFE0] =	vst v0  }
0x1f9: {  	v0 =	vld [tilespmem:s19+$0xFFFFFFF0];
	_ =	sdelay $0x4  }
0x1fa: {  	v0 =	vmul.f32 $8.000000000e+00, v0;
	_ =	sdelay $0x1  }
0x1fb: {  	[tilespmem:s18+$0xFFFFFFF0] =	vst v0  }
0x1fc: {  	v0 =	vld [tilespmem:s19+$0x0];
	_ =	sdelay $0x4  }
0x1fd: {  	v0 =	vmul.f32 $8.000000000e+00, v0;
	_ =	sdelay $0x1  }
0x1fe: {  	s5 =	simm.s32 $0x0;
	s19 =	simm.s32 $0x85F0;
	[tilespmem:s18+$0x0] =	vst v0  }
.LBB2_13:
0x1ff: {  	v0 =	vld [tilespmem:s19+$0xFFFFFF10];
	s5 =	sadd.s32 $0x4, s5  }
0x200: {  	p0 =	slt.u32 s5, $0x7C;
	_ =	sdelay $0x3  }
0x201: {  	v0 =	vmul.f32 $8.000000000e+00, v0  }
0x202: {  	s18 =	sadd.s32 $0x100, s18  }
0x203: {  	[tilespmem:s18+$0xFFFFFF10] =	vst v0  }
0x204: {  	v0 =	vld [tilespmem:s19+$0xFFFFFF20];
	_ =	sdelay $0x4  }
0x205: {  	v0 =	vmul.f32 $8.000000000e+00, v0;
	_ =	sdelay $0x1  }
0x206: {  	[tilespmem:s18+$0xFFFFFF20] =	vst v0  }
0x207: {  	v0 =	vld [tilespmem:s19+$0xFFFFFF30];
	_ =	sdelay $0x4  }
0x208: {  	v0 =	vmul.f32 $8.000000000e+00, v0;
	_ =	sdelay $0x1  }
0x209: {  	[tilespmem:s18+$0xFFFFFF30] =	vst v0  }
0x20a: {  	v0 =	vld [tilespmem:s19+$0xFFFFFF40];
	_ =	sdelay $0x4  }
0x20b: {  	v0 =	vmul.f32 $8.000000000e+00, v0;
	_ =	sdelay $0x1  }
0x20c: {  	[tilespmem:s18+$0xFFFFFF40] =	vst v0  }
0x20d: {  	v0 =	vld [tilespmem:s19+$0xFFFFFF50];
	_ =	sdelay $0x4  }
0x20e: {  	v0 =	vmul.f32 $8.000000000e+00, v0;
	_ =	sdelay $0x1  }
0x20f: {  	[tilespmem:s18+$0xFFFFFF50] =	vst v0  }
0x210: {  	v0 =	vld [tilespmem:s19+$0xFFFFFF60];
	_ =	sdelay $0x4  }
0x211: {  	v0 =	vmul.f32 $8.000000000e+00, v0;
	_ =	sdelay $0x1  }
0x212: {  	[tilespmem:s18+$0xFFFFFF60] =	vst v0  }
0x213: {  	v0 =	vld [tilespmem:s19+$0xFFFFFF70];
	_ =	sdelay $0x4  }
0x214: {  	v0 =	vmul.f32 $8.000000000e+00, v0;
	_ =	sdelay $0x1  }
0x215: {  	[tilespmem:s18+$0xFFFFFF70] =	vst v0  }
0x216: {  	v0 =	vld [tilespmem:s19+$0xFFFFFF80];
	_ =	sdelay $0x4  }
0x217: {  	v0 =	vmul.f32 $8.000000000e+00, v0;
	_ =	sdelay $0x1  }
0x218: {  	[tilespmem:s18+$0xFFFFFF80] =	vst v0  }
0x219: {  	v0 =	vld [tilespmem:s19+$0xFFFFFF90];
	_ =	sdelay $0x4  }
0x21a: {  	v0 =	vmul.f32 $8.000000000e+00, v0;
	_ =	sdelay $0x1  }
0x21b: {  	[tilespmem:s18+$0xFFFFFF90] =	vst v0  }
0x21c: {  	v0 =	vld [tilespmem:s19+$0xFFFFFFA0];
	_ =	sdelay $0x4  }
0x21d: {  	v0 =	vmul.f32 $8.000000000e+00, v0;
	_ =	sdelay $0x1  }
0x21e: {  	[tilespmem:s18+$0xFFFFFFA0] =	vst v0  }
0x21f: {  	v0 =	vld [tilespmem:s19+$0xFFFFFFB0];
	_ =	sdelay $0x4  }
0x220: {  	v0 =	vmul.f32 $8.000000000e+00, v0;
	_ =	sdelay $0x1  }
0x221: {  	[tilespmem:s18+$0xFFFFFFB0] =	vst v0  }
0x222: {  	v0 =	vld [tilespmem:s19+$0xFFFFFFC0];
	_ =	sdelay $0x4  }
0x223: {  	v0 =	vmul.f32 $8.000000000e+00, v0;
	_ =	sdelay $0x1  }
0x224: {  	[tilespmem:s18+$0xFFFFFFC0] =	vst v0  }
0x225: {  	v0 =	vld [tilespmem:s19+$0xFFFFFFD0];
	_ =	sdelay $0x4  }
0x226: {  	v0 =	vmul.f32 $8.000000000e+00, v0;
	_ =	sdelay $0x1  }
0x227: {  	[tilespmem:s18+$0xFFFFFFD0] =	vst v0  }
0x228: {  	v0 =	vld [tilespmem:s19+$0xFFFFFFE0];
	_ =	sdelay $0x4  }
0x229: {  	v0 =	vmul.f32 $8.000000000e+00, v0;
	_ =	sdelay $0x1  }
0x22a: {  	[tilespmem:s18+$0xFFFFFFE0] =	vst v0  }
0x22b: {  	v0 =	vld [tilespmem:s19+$0xFFFFFFF0];
	_ =	sdelay $0x4  }
0x22c: {  	v0 =	vmul.f32 $8.000000000e+00, v0;
	_ =	sdelay $0x1  }
0x22d: {  	[tilespmem:s18+$0xFFFFFFF0] =	vst v0  }
0x22e: {  	v0 =	vld [tilespmem:s19+$0x0];
	_ =	sdelay $0x2  }
.Ltmp5:
0x22f: {  	(pc) =	sbr.rel @p0 .LBB2_13-.Ltmp5, $3  }
0x230: {  	_ = 	snop  }
0x231: {  	v0 =	vmul.f32 $8.000000000e+00, v0;
	_ =	sdelay $0x1  }
0x232: {  	s19 =	sadd.s32 $0x100, s19;
	[tilespmem:s18+$0x0] =	vst v0  }
0x233: {  	s5 =	sadd.s32 $0x280, s17;
	s19 =	sadd.s32 s16, s11  }
0x234: {  	[tilespmem:s22], [sflag:$0x2] =	stream.indirect.gather [hbm4b:s4+s20], $0x40, s5, s20, $0xb8;
	[tilespmem:$0x16400] =	vst v63  }
0x235: {  	s5 =	sshll.u32 s19, $0x3  }
0x236: {  	s5 =	sand.u32 $0x1FFFF400, s5  }
0x237: {  	s18 =	simm.s32 $0x0;
	s5 =	sadd.s32 s2, s5  }
0x238: {  	[hbm4b:s5+s18] =	stream.linear.scatter [tilespmem:s0], [sflag:$0x6], $0x2000, $0x38;
	[tilespmem:$0x16400] =	vst v63  }
0x239: {  	_ =	swait.ge [sflag:s23], $0x2000  }
0x23a: {  	[sflag:s23] =	ssyncset.done $0x0  }
0x23b: {  	[sflag:s23] =	ssyncadd.s32 $0xFFFFE000  }
0x23c: {  	_ =	swait.ge [sflag:s9], $0x2000  }
0x23d: {  	[sflag:s9] =	ssyncset.done $0x0  }
0x23e: {  	s5 =	simm.s32 $0x0;
	[sflag:s9] =	ssyncadd.s32 $0xFFFFE000  }
0x23f: {  	v0 =	vld [tilespmem:s5+$0xA4F0]  }
0x240: {  	v1 =	vld [tilespmem:s5+$0xA400]  }
0x241: {  	v2 =	vld [tilespmem:s5+$0xA410]  }
0x242: {  	v3 =	vld [tilespmem:s5+$0xA420]  }
0x243: {  	v4 =	vld [tilespmem:s5+$0xA430]  }
0x244: {  	v5 =	vld [tilespmem:s5+$0xA440];
	v0 =	vmul.f32 $8.000000000e+00, v0  }
0x245: {  	v6 =	vld [tilespmem:s5+$0xA450];
	v1 =	vmul.f32 $8.000000000e+00, v1  }
0x246: {  	v7 =	vld [tilespmem:s5+$0xA460];
	[tilespmem:s5+$0x124F0] =	vst v0;
	v0 =	vmul.f32 $8.000000000e+00, v2  }
0x247: {  	v8 =	vld [tilespmem:s5+$0xA470];
	[tilespmem:s5+$0x12400] =	vst v1;
	v1 =	vmul.f32 $8.000000000e+00, v3  }
0x248: {  	v9 =	vld [tilespmem:s5+$0xA480];
	[tilespmem:s5+$0x12410] =	vst v0;
	v0 =	vmul.f32 $8.000000000e+00, v4  }
0x249: {  	v2 =	vld [tilespmem:s5+$0xA490];
	[tilespmem:s5+$0x12420] =	vst v1;
	v1 =	vmul.f32 $8.000000000e+00, v5  }
0x24a: {  	v3 =	vmul.f32 $8.000000000e+00, v6;
	[tilespmem:s5+$0x12430] =	vst v0;
	v0 =	vld [tilespmem:s5+$0xA4A0]  }
0x24b: {  	v4 =	vmul.f32 $8.000000000e+00, v7;
	[tilespmem:s5+$0x12440] =	vst v1;
	v1 =	vld [tilespmem:s5+$0xA4B0]  }
0x24c: {  	v6 =	vmul.f32 $8.000000000e+00, v8;
	[tilespmem:s5+$0x12450] =	vst v3;
	v3 =	vld [tilespmem:s5+$0xA4C0]  }
0x24d: {  	s19 =	simm.s32 $0x400;
	s18 =	simm.s32 $0x0;
	v5 =	vmul.f32 $8.000000000e+00, v9;
	[tilespmem:s5+$0x12460] =	vst v4;
	v4 =	vld [tilespmem:s5+$0xA4D0]  }
.LBB2_15:
0x24e: {  	s14 =	sshra.s32 s19, $0x2;
	s18 =	sadd.s32 $0x4, s18;
	[tilespmem:s5+$0x12470] =	vst v6;
	v2 =	vmul.f32 $8.000000000e+00, v2;
	v6 =	vld [tilespmem:s5+$0xA4E0]  }
0x24f: {  	v7 =	vld [tilespmem:s14+$0xA4F0];
	p0 =	slt.u32 s18, $0x7C;
	[tilespmem:s5+$0x12480] =	vst v5;
	v0 =	vmul.f32 $8.000000000e+00, v0  }
0x250: {  	v5 =	vld [tilespmem:s14+$0xA400];
	[tilespmem:s5+$0x12490] =	vst v2;
	v1 =	vmul.f32 $8.000000000e+00, v1  }
0x251: {  	v2 =	vld [tilespmem:s14+$0xA410];
	[tilespmem:s5+$0x124A0] =	vst v0;
	v0 =	vmul.f32 $8.000000000e+00, v3  }
0x252: {  	v3 =	vld [tilespmem:s14+$0xA420];
	[tilespmem:s5+$0x124B0] =	vst v1;
	v1 =	vmul.f32 $8.000000000e+00, v4  }
0x253: {  	v4 =	vld [tilespmem:s14+$0xA430];
	[tilespmem:s5+$0x124C0] =	vst v0;
	v0 =	vmul.f32 $8.000000000e+00, v6  }
0x254: {  	v6 =	vld [tilespmem:s14+$0xA440];
	v7 =	vmul.f32 $8.000000000e+00, v7;
	[tilespmem:s5+$0x124D0] =	vst v1  }
0x255: {  	v1 =	vmul.f32 $8.000000000e+00, v5;
	v5 =	vld [tilespmem:s14+$0xA450];
	[tilespmem:s5+$0x124E0] =	vst v0;
	s5 =	smov.u32 s14  }
0x256: {  	v0 =	vmul.f32 $8.000000000e+00, v2;
	v8 =	vld [tilespmem:s5+$0xA460];
	[tilespmem:s5+$0x124F0] =	vst v7  }
0x257: {  	[tilespmem:s5+$0x12400] =	vst v1;
	v1 =	vmul.f32 $8.000000000e+00, v3;
	v3 =	vld [tilespmem:s5+$0xA470]  }
0x258: {  	[tilespmem:s5+$0x12410] =	vst v0;
	v0 =	vmul.f32 $8.000000000e+00, v4;
	v4 =	vld [tilespmem:s5+$0xA480]  }
.Ltmp6:
0x259: {  	[tilespmem:s5+$0x12420] =	vst v1;
	v1 =	vmul.f32 $8.000000000e+00, v6;
	v2 =	vld [tilespmem:s5+$0xA490];
	(pc) =	sbr.rel @p0 .LBB2_15-.Ltmp6, $4  }
0x25a: {  	[tilespmem:s5+$0x12430] =	vst v0;
	v5 =	vmul.f32 $8.000000000e+00, v5;
	v0 =	vld [tilespmem:s5+$0xA4A0]  }
0x25b: {  	[tilespmem:s5+$0x12440] =	vst v1;
	v7 =	vmul.f32 $8.000000000e+00, v8;
	v1 =	vld [tilespmem:s5+$0xA4B0]  }
0x25c: {  	[tilespmem:s5+$0x12450] =	vst v5;
	v6 =	vmul.f32 $8.000000000e+00, v3;
	v3 =	vld [tilespmem:s5+$0xA4C0]  }
0x25d: {  	s19 =	sadd.s32 $0x400, s19;
	[tilespmem:s5+$0x12460] =	vst v7;
	v5 =	vmul.f32 $8.000000000e+00, v4;
	v4 =	vld [tilespmem:s5+$0xA4D0]  }
0x25e: {  	[tilespmem:s5+$0x12470] =	vst v6;
	v2 =	vmul.f32 $8.000000000e+00, v2;
	v6 =	vld [tilespmem:s5+$0xA4E0]  }
0x25f: {  	[tilespmem:s5+$0x12480] =	vst v5;
	v0 =	vmul.f32 $8.000000000e+00, v0  }
0x260: {  	[tilespmem:s5+$0x12490] =	vst v2;
	v1 =	vmul.f32 $8.000000000e+00, v1  }
0x261: {  	[tilespmem:s5+$0x124A0] =	vst v0;
	v0 =	vmul.f32 $8.000000000e+00, v3  }
0x262: {  	[tilespmem:s5+$0x124B0] =	vst v1;
	v1 =	vmul.f32 $8.000000000e+00, v4  }
0x263: {  	[tilespmem:s5+$0x124C0] =	vst v0;
	v0 =	vmul.f32 $8.000000000e+00, v6  }
0x264: {  	s19 =	sadd.s32 s16, s12;
	[tilespmem:s5+$0x124D0] =	vst v1  }
0x265: {  	s18 =	sadd.s32 $0x300, s17;
	[tilespmem:s5+$0x124E0] =	vst v0;
	s5 =	sshll.u32 s19, $0x3  }
0x266: {  	[tilespmem:s24], [sflag:$0x3] =	stream.indirect.gather [hbm4b:s4+s20], $0x40, s18, s20, $0xb8;
	[tilespmem:$0x16400] =	vst v63  }
0x267: {  	s5 =	sand.u32 $0x1FFFF800, s5  }
0x268: {  	s14 =	simm.s32 $0x0;
	s5 =	sadd.s32 s2, s5  }
0x269: {  	[hbm4b:s5+s14] =	stream.linear.scatter [tilespmem:s29], [sflag:$0x7], $0x2000, $0x38;
	[tilespmem:$0x16400] =	vst v63  }
0x26a: {  	_ =	swait.ge [sflag:s1], $0x2000  }
0x26b: {  	[sflag:s1] =	ssyncset.done $0x0  }
0x26c: {  	[sflag:s1] =	ssyncadd.s32 $0xFFFFE000  }
0x26d: {  	_ =	swait.ge [sflag:s10], $0x2000  }
0x26e: {  	[sflag:s10] =	ssyncset.done $0x0  }
0x26f: {  	s5 =	simm.s32 $0x0;
	[sflag:s10] =	ssyncadd.s32 $0xFFFFE000  }
0x270: {  	v0 =	vld [tilespmem:s5+$0xC4F0]  }
0x271: {  	v1 =	vld [tilespmem:s5+$0xC400]  }
0x272: {  	v2 =	vld [tilespmem:s5+$0xC410]  }
0x273: {  	v3 =	vld [tilespmem:s5+$0xC420]  }
0x274: {  	v4 =	vld [tilespmem:s5+$0xC430]  }
0x275: {  	v5 =	vld [tilespmem:s5+$0xC440];
	v0 =	vmul.f32 $8.000000000e+00, v0  }
0x276: {  	v6 =	vld [tilespmem:s5+$0xC450];
	v1 =	vmul.f32 $8.000000000e+00, v1  }
0x277: {  	v7 =	vld [tilespmem:s5+$0xC460];
	[tilespmem:s5+$0x144F0] =	vst v0;
	v0 =	vmul.f32 $8.000000000e+00, v2  }
0x278: {  	v8 =	vld [tilespmem:s5+$0xC470];
	[tilespmem:s5+$0x14400] =	vst v1;
	v1 =	vmul.f32 $8.000000000e+00, v3  }
0x279: {  	v9 =	vld [tilespmem:s5+$0xC480];
	[tilespmem:s5+$0x14410] =	vst v0;
	v0 =	vmul.f32 $8.000000000e+00, v4  }
0x27a: {  	v2 =	vld [tilespmem:s5+$0xC490];
	[tilespmem:s5+$0x14420] =	vst v1;
	v1 =	vmul.f32 $8.000000000e+00, v5  }
0x27b: {  	v3 =	vmul.f32 $8.000000000e+00, v6;
	[tilespmem:s5+$0x14430] =	vst v0;
	v0 =	vld [tilespmem:s5+$0xC4A0]  }
0x27c: {  	v4 =	vmul.f32 $8.000000000e+00, v7;
	[tilespmem:s5+$0x14440] =	vst v1;
	v1 =	vld [tilespmem:s5+$0xC4B0]  }
0x27d: {  	v6 =	vmul.f32 $8.000000000e+00, v8;
	[tilespmem:s5+$0x14450] =	vst v3;
	v3 =	vld [tilespmem:s5+$0xC4C0]  }
0x27e: {  	s19 =	simm.s32 $0x400;
	s18 =	simm.s32 $0x0;
	v5 =	vmul.f32 $8.000000000e+00, v9;
	[tilespmem:s5+$0x14460] =	vst v4;
	v4 =	vld [tilespmem:s5+$0xC4D0]  }
.LBB2_17:
0x27f: {  	s14 =	sshra.s32 s19, $0x2;
	s18 =	sadd.s32 $0x4, s18;
	[tilespmem:s5+$0x14470] =	vst v6;
	v2 =	vmul.f32 $8.000000000e+00, v2;
	v6 =	vld [tilespmem:s5+$0xC4E0]  }
0x280: {  	v7 =	vld [tilespmem:s14+$0xC4F0];
	p0 =	slt.u32 s18, $0x7C;
	[tilespmem:s5+$0x14480] =	vst v5;
	v0 =	vmul.f32 $8.000000000e+00, v0  }
0x281: {  	v5 =	vld [tilespmem:s14+$0xC400];
	[tilespmem:s5+$0x14490] =	vst v2;
	v1 =	vmul.f32 $8.000000000e+00, v1  }
0x282: {  	v2 =	vld [tilespmem:s14+$0xC410];
	[tilespmem:s5+$0x144A0] =	vst v0;
	v0 =	vmul.f32 $8.000000000e+00, v3  }
0x283: {  	v3 =	vld [tilespmem:s14+$0xC420];
	[tilespmem:s5+$0x144B0] =	vst v1;
	v1 =	vmul.f32 $8.000000000e+00, v4  }
0x284: {  	v4 =	vld [tilespmem:s14+$0xC430];
	[tilespmem:s5+$0x144C0] =	vst v0;
	v0 =	vmul.f32 $8.000000000e+00, v6  }
0x285: {  	v6 =	vld [tilespmem:s14+$0xC440];
	v7 =	vmul.f32 $8.000000000e+00, v7;
	[tilespmem:s5+$0x144D0] =	vst v1  }
0x286: {  	v1 =	vmul.f32 $8.000000000e+00, v5;
	v5 =	vld [tilespmem:s14+$0xC450];
	[tilespmem:s5+$0x144E0] =	vst v0;
	s5 =	smov.u32 s14  }
0x287: {  	v0 =	vmul.f32 $8.000000000e+00, v2;
	v8 =	vld [tilespmem:s5+$0xC460];
	[tilespmem:s5+$0x144F0] =	vst v7  }
0x288: {  	[tilespmem:s5+$0x14400] =	vst v1;
	v1 =	vmul.f32 $8.000000000e+00, v3;
	v3 =	vld [tilespmem:s5+$0xC470]  }
0x289: {  	[tilespmem:s5+$0x14410] =	vst v0;
	v0 =	vmul.f32 $8.000000000e+00, v4;
	v4 =	vld [tilespmem:s5+$0xC480]  }
.Ltmp7:
0x28a: {  	[tilespmem:s5+$0x14420] =	vst v1;
	v1 =	vmul.f32 $8.000000000e+00, v6;
	v2 =	vld [tilespmem:s5+$0xC490];
	(pc) =	sbr.rel @p0 .LBB2_17-.Ltmp7, $4  }
0x28b: {  	[tilespmem:s5+$0x14430] =	vst v0;
	v5 =	vmul.f32 $8.000000000e+00, v5;
	v0 =	vld [tilespmem:s5+$0xC4A0]  }
0x28c: {  	[tilespmem:s5+$0x14440] =	vst v1;
	v7 =	vmul.f32 $8.000000000e+00, v8;
	v1 =	vld [tilespmem:s5+$0xC4B0]  }
0x28d: {  	[tilespmem:s5+$0x14450] =	vst v5;
	v6 =	vmul.f32 $8.000000000e+00, v3;
	v3 =	vld [tilespmem:s5+$0xC4C0]  }
0x28e: {  	s19 =	sadd.s32 $0x400, s19;
	[tilespmem:s5+$0x14460] =	vst v7;
	v5 =	vmul.f32 $8.000000000e+00, v4;
	v4 =	vld [tilespmem:s5+$0xC4D0]  }
0x28f: {  	[tilespmem:s5+$0x14470] =	vst v6;
	v2 =	vmul.f32 $8.000000000e+00, v2;
	v60 =	vld [tilespmem:s5+$0xC4E0]  }
0x290: {  	[tilespmem:s5+$0x14480] =	vst v5;
	v0 =	vmul.f32 $8.000000000e+00, v0  }
0x291: {  	[tilespmem:s5+$0x14490] =	vst v2;
	v1 =	vmul.f32 $8.000000000e+00, v1  }
0x292: {  	[tilespmem:s5+$0x144A0] =	vst v0;
	v61 =	vmul.f32 $8.000000000e+00, v3  }
0x293: {  	[tilespmem:s5+$0x144B0] =	vst v1;
	v62 =	vmul.f32 $8.000000000e+00, v4  }
0x294: {  	s15 =	sadd.s32 $0x1, s15;
	[tilespmem:s5+$0x144C0] =	vst v61;
	v63 =	vmul.f32 $8.000000000e+00, v60  }
0x295: {  	s19 =	sadd.s32 s16, s13;
	p0 =	sne.s32 s15, $0x31;
	[tilespmem:s5+$0x144D0] =	vst v62  }
.Ltmp8:
0x296: {  	s18 =	sadd.s32 $0x380, s17;
	[tilespmem:s5+$0x144E0] =	vst v63;
	s5 =	sshll.u32 s19, $0x3;
	(pc) =	sbr.rel @p0 .LBB2_10-.Ltmp8, $4  }
0x297: {  	[tilespmem:s26], [sflag:$0x4] =	stream.indirect.gather [hbm4b:s4+s20], $0x40, s18, s20, $0xb8;
	[tilespmem:$0x16400] =	vst v63  }
0x298: {  	s5 =	sand.u32 $0x1FFFFC00, s5  }
0x299: {  	s5 =	sadd.s32 s2, s5  }
0x29a: {  	[hbm4b:s5+s3] =	stream.linear.scatter [tilespmem:s25], [sflag:$0x8], $0x2000, $0x38;
	[tilespmem:$0x16400] =	vst v63  }
0x29b: {  	_ =	swait.ge [sflag:s28], $0x2000  }
0x29c: {  	[sflag:s28] =	ssyncset.done $0x0  }
0x29d: {  	[sflag:s28] =	ssyncadd.s32 $0xFFFFE000  }
0x29e: {  	_ =	swait.ge [sflag:s7], $0x2000  }
0x29f: {  	[sflag:s7] =	ssyncset.done $0x0  }
0x2a0: {  	s5 =	simm.s32 $0x6480;
	[sflag:s7] =	ssyncadd.s32 $0xFFFFE000  }
0x2a1: {  	v0 =	vld [tilespmem:s5+$0xFFFFFF80];
	_ =	sdelay $0x4  }
0x2a2: {  	v0 =	vmul.f32 $8.000000000e+00, v0  }
0x2a3: {  	s15 =	simm.s32 $0xE480  }
0x2a4: {  	[tilespmem:s15+$0xFFFFFF80] =	vst v0  }
0x2a5: {  	v0 =	vld [tilespmem:s5+$0xFFFFFF90];
	_ =	sdelay $0x4  }
0x2a6: {  	v0 =	vmul.f32 $8.000000000e+00, v0;
	_ =	sdelay $0x1  }
0x2a7: {  	[tilespmem:s15+$0xFFFFFF90] =	vst v0  }
0x2a8: {  	v0 =	vld [tilespmem:s5+$0xFFFFFFA0];
	_ =	sdelay $0x4  }
0x2a9: {  	v0 =	vmul.f32 $8.000000000e+00, v0;
	_ =	sdelay $0x1  }
0x2aa: {  	[tilespmem:s15+$0xFFFFFFA0] =	vst v0  }
0x2ab: {  	v0 =	vld [tilespmem:s5+$0xFFFFFFB0];
	_ =	sdelay $0x4  }
0x2ac: {  	v0 =	vmul.f32 $8.000000000e+00, v0;
	_ =	sdelay $0x1  }
0x2ad: {  	[tilespmem:s15+$0xFFFFFFB0] =	vst v0  }
0x2ae: {  	v0 =	vld [tilespmem:s5+$0xFFFFFFC0];
	_ =	sdelay $0x4  }
0x2af: {  	v0 =	vmul.f32 $8.000000000e+00, v0;
	_ =	sdelay $0x1  }
0x2b0: {  	[tilespmem:s15+$0xFFFFFFC0] =	vst v0  }
0x2b1: {  	v0 =	vld [tilespmem:s5+$0xFFFFFFD0];
	_ =	sdelay $0x4  }
0x2b2: {  	v0 =	vmul.f32 $8.000000000e+00, v0;
	_ =	sdelay $0x1  }
0x2b3: {  	[tilespmem:s15+$0xFFFFFFD0] =	vst v0  }
0x2b4: {  	v0 =	vld [tilespmem:s5+$0xFFFFFFE0];
	_ =	sdelay $0x4  }
0x2b5: {  	v0 =	vmul.f32 $8.000000000e+00, v0;
	_ =	sdelay $0x1  }
0x2b6: {  	[tilespmem:s15+$0xFFFFFFE0] =	vst v0  }
0x2b7: {  	v0 =	vld [tilespmem:s5+$0xFFFFFFF0];
	_ =	sdelay $0x4  }
0x2b8: {  	v0 =	vmul.f32 $8.000000000e+00, v0;
	_ =	sdelay $0x1  }
0x2b9: {  	[tilespmem:s15+$0xFFFFFFF0] =	vst v0  }
0x2ba: {  	v0 =	vld [tilespmem:s5+$0x0];
	_ =	sdelay $0x4  }
0x2bb: {  	v0 =	vmul.f32 $8.000000000e+00, v0;
	_ =	sdelay $0x1  }
0x2bc: {  	[tilespmem:s15+$0x0] =	vst v0  }
0x2bd: {  	v0 =	vld [tilespmem:s5+$0x10];
	_ =	sdelay $0x4  }
0x2be: {  	v0 =	vmul.f32 $8.000000000e+00, v0;
	_ =	sdelay $0x1  }
0x2bf: {  	[tilespmem:s15+$0x10] =	vst v0  }
0x2c0: {  	v0 =	vld [tilespmem:s5+$0x20];
	_ =	sdelay $0x4  }
0x2c1: {  	v0 =	vmul.f32 $8.000000000e+00, v0;
	_ =	sdelay $0x1  }
0x2c2: {  	[tilespmem:s15+$0x20] =	vst v0  }
0x2c3: {  	v0 =	vld [tilespmem:s5+$0x30];
	_ =	sdelay $0x4  }
0x2c4: {  	v0 =	vmul.f32 $8.000000000e+00, v0;
	_ =	sdelay $0x1  }
0x2c5: {  	[tilespmem:s15+$0x30] =	vst v0  }
0x2c6: {  	v0 =	vld [tilespmem:s5+$0x40];
	_ =	sdelay $0x4  }
0x2c7: {  	v0 =	vmul.f32 $8.000000000e+00, v0;
	_ =	sdelay $0x1  }
0x2c8: {  	[tilespmem:s15+$0x40] =	vst v0  }
0x2c9: {  	v0 =	vld [tilespmem:s5+$0x50];
	_ =	sdelay $0x4  }
0x2ca: {  	v0 =	vmul.f32 $8.000000000e+00, v0;
	_ =	sdelay $0x1  }
0x2cb: {  	[tilespmem:s15+$0x50] =	vst v0  }
0x2cc: {  	v0 =	vld [tilespmem:s5+$0x60];
	_ =	sdelay $0x4  }
0x2cd: {  	v0 =	vmul.f32 $8.000000000e+00, v0;
	_ =	sdelay $0x1  }
0x2ce: {  	[tilespmem:s15+$0x60] =	vst v0  }
0x2cf: {  	v0 =	vld [tilespmem:s5+$0x70];
	_ =	sdelay $0x4  }
0x2d0: {  	v0 =	vmul.f32 $8.000000000e+00, v0;
	_ =	sdelay $0x1  }
0x2d1: {  	s16 =	simm.s32 $0x6580;
	s5 =	simm.s32 $0x0;
	[tilespmem:s15+$0x70] =	vst v0  }
.LBB2_20:
0x2d2: {  	v0 =	vld [tilespmem:s16+$0xFFFFFF80];
	s5 =	sadd.s32 $0x4, s5  }
0x2d3: {  	p0 =	slt.u32 s5, $0x7C;
	_ =	sdelay $0x3  }
0x2d4: {  	v0 =	vmul.f32 $8.000000000e+00, v0  }
0x2d5: {  	s15 =	sadd.s32 $0x100, s15  }
0x2d6: {  	[tilespmem:s15+$0xFFFFFF80] =	vst v0  }
0x2d7: {  	v0 =	vld [tilespmem:s16+$0xFFFFFF90];
	_ =	sdelay $0x4  }
0x2d8: {  	v0 =	vmul.f32 $8.000000000e+00, v0;
	_ =	sdelay $0x1  }
0x2d9: {  	[tilespmem:s15+$0xFFFFFF90] =	vst v0  }
0x2da: {  	v0 =	vld [tilespmem:s16+$0xFFFFFFA0];
	_ =	sdelay $0x4  }
0x2db: {  	v0 =	vmul.f32 $8.000000000e+00, v0;
	_ =	sdelay $0x1  }
0x2dc: {  	[tilespmem:s15+$0xFFFFFFA0] =	vst v0  }
0x2dd: {  	v0 =	vld [tilespmem:s16+$0xFFFFFFB0];
	_ =	sdelay $0x4  }
0x2de: {  	v0 =	vmul.f32 $8.000000000e+00, v0;
	_ =	sdelay $0x1  }
0x2df: {  	[tilespmem:s15+$0xFFFFFFB0] =	vst v0  }
0x2e0: {  	v0 =	vld [tilespmem:s16+$0xFFFFFFC0];
	_ =	sdelay $0x4  }
0x2e1: {  	v0 =	vmul.f32 $8.000000000e+00, v0;
	_ =	sdelay $0x1  }
0x2e2: {  	[tilespmem:s15+$0xFFFFFFC0] =	vst v0  }
0x2e3: {  	v0 =	vld [tilespmem:s16+$0xFFFFFFD0];
	_ =	sdelay $0x4  }
0x2e4: {  	v0 =	vmul.f32 $8.000000000e+00, v0;
	_ =	sdelay $0x1  }
0x2e5: {  	[tilespmem:s15+$0xFFFFFFD0] =	vst v0  }
0x2e6: {  	v0 =	vld [tilespmem:s16+$0xFFFFFFE0];
	_ =	sdelay $0x4  }
0x2e7: {  	v0 =	vmul.f32 $8.000000000e+00, v0;
	_ =	sdelay $0x1  }
0x2e8: {  	[tilespmem:s15+$0xFFFFFFE0] =	vst v0  }
0x2e9: {  	v0 =	vld [tilespmem:s16+$0xFFFFFFF0];
	_ =	sdelay $0x4  }
0x2ea: {  	v0 =	vmul.f32 $8.000000000e+00, v0;
	_ =	sdelay $0x1  }
0x2eb: {  	[tilespmem:s15+$0xFFFFFFF0] =	vst v0  }
0x2ec: {  	v0 =	vld [tilespmem:s16+$0x0];
	_ =	sdelay $0x4  }
0x2ed: {  	v0 =	vmul.f32 $8.000000000e+00, v0;
	_ =	sdelay $0x1  }
0x2ee: {  	[tilespmem:s15+$0x0] =	vst v0  }
0x2ef: {  	v0 =	vld [tilespmem:s16+$0x10];
	_ =	sdelay $0x4  }
0x2f0: {  	v0 =	vmul.f32 $8.000000000e+00, v0;
	_ =	sdelay $0x1  }
0x2f1: {  	[tilespmem:s15+$0x10] =	vst v0  }
0x2f2: {  	v0 =	vld [tilespmem:s16+$0x20];
	_ =	sdelay $0x4  }
0x2f3: {  	v0 =	vmul.f32 $8.000000000e+00, v0;
	_ =	sdelay $0x1  }
0x2f4: {  	[tilespmem:s15+$0x20] =	vst v0  }
0x2f5: {  	v0 =	vld [tilespmem:s16+$0x30];
	_ =	sdelay $0x4  }
0x2f6: {  	v0 =	vmul.f32 $8.000000000e+00, v0;
	_ =	sdelay $0x1  }
0x2f7: {  	[tilespmem:s15+$0x30] =	vst v0  }
0x2f8: {  	v0 =	vld [tilespmem:s16+$0x40];
	_ =	sdelay $0x4  }
0x2f9: {  	v0 =	vmul.f32 $8.000000000e+00, v0;
	_ =	sdelay $0x1  }
0x2fa: {  	[tilespmem:s15+$0x40] =	vst v0  }
0x2fb: {  	v0 =	vld [tilespmem:s16+$0x50];
	_ =	sdelay $0x4  }
0x2fc: {  	v0 =	vmul.f32 $8.000000000e+00, v0;
	_ =	sdelay $0x1  }
0x2fd: {  	[tilespmem:s15+$0x50] =	vst v0  }
0x2fe: {  	v0 =	vld [tilespmem:s16+$0x60];
	_ =	sdelay $0x4  }
0x2ff: {  	v0 =	vmul.f32 $8.000000000e+00, v0;
	_ =	sdelay $0x1  }
0x300: {  	[tilespmem:s15+$0x60] =	vst v0  }
0x301: {  	v0 =	vld [tilespmem:s16+$0x70];
	_ =	sdelay $0x2  }
.Ltmp9:
0x302: {  	(pc) =	sbr.rel @p0 .LBB2_20-.Ltmp9, $3  }
0x303: {  	_ = 	snop  }
0x304: {  	v0 =	vmul.f32 $8.000000000e+00, v0;
	_ =	sdelay $0x1  }
0x305: {  	s16 =	sadd.s32 $0x100, s16;
	[tilespmem:s15+$0x70] =	vst v0  }
0x306: {  	s5 =	rddreg [dreg:$0x9]  }
0x307: {  	[hbm4b:s5+s3] =	stream.linear.scatter [tilespmem:s30], [sflag:$0x5], $0x2000, $0x38;
	[tilespmem:$0x16400] =	vst v63  }
0x308: {  	_ =	swait.ge [sflag:s31], $0x2000  }
0x309: {  	[sflag:s31] =	ssyncset.done $0x0  }
0x30a: {  	[sflag:s31] =	ssyncadd.s32 $0xFFFFE000  }
0x30b: {  	_ =	swait.ge [sflag:s8], $0x2000  }
0x30c: {  	[sflag:s8] =	ssyncset.done $0x0  }
0x30d: {  	s19 =	simm.s32 $0x84F0;
	[sflag:s8] =	ssyncadd.s32 $0xFFFFE000  }
0x30e: {  	v0 =	vld [tilespmem:s19+$0xFFFFFF10];
	_ =	sdelay $0x4  }
0x30f: {  	v0 =	vmul.f32 $8.000000000e+00, v0  }
0x310: {  	s15 =	simm.s32 $0x104F0  }
0x311: {  	[tilespmem:s15+$0xFFFFFF10] =	vst v0  }
0x312: {  	v0 =	vld [tilespmem:s19+$0xFFFFFF20];
	_ =	sdelay $0x4  }
0x313: {  	v0 =	vmul.f32 $8.000000000e+00, v0;
	_ =	sdelay $0x1  }
0x314: {  	[tilespmem:s15+$0xFFFFFF20] =	vst v0  }
0x315: {  	v0 =	vld [tilespmem:s19+$0xFFFFFF30];
	_ =	sdelay $0x4  }
0x316: {  	v0 =	vmul.f32 $8.000000000e+00, v0;
	_ =	sdelay $0x1  }
0x317: {  	[tilespmem:s15+$0xFFFFFF30] =	vst v0  }
0x318: {  	v0 =	vld [tilespmem:s19+$0xFFFFFF40];
	_ =	sdelay $0x4  }
0x319: {  	v0 =	vmul.f32 $8.000000000e+00, v0;
	_ =	sdelay $0x1  }
0x31a: {  	[tilespmem:s15+$0xFFFFFF40] =	vst v0  }
0x31b: {  	v0 =	vld [tilespmem:s19+$0xFFFFFF50];
	_ =	sdelay $0x4  }
0x31c: {  	v0 =	vmul.f32 $8.000000000e+00, v0;
	_ =	sdelay $0x1  }
0x31d: {  	[tilespmem:s15+$0xFFFFFF50] =	vst v0  }
0x31e: {  	v0 =	vld [tilespmem:s19+$0xFFFFFF60];
	_ =	sdelay $0x4  }
0x31f: {  	v0 =	vmul.f32 $8.000000000e+00, v0;
	_ =	sdelay $0x1  }
0x320: {  	[tilespmem:s15+$0xFFFFFF60] =	vst v0  }
0x321: {  	v0 =	vld [tilespmem:s19+$0xFFFFFF70];
	_ =	sdelay $0x4  }
0x322: {  	v0 =	vmul.f32 $8.000000000e+00, v0;
	_ =	sdelay $0x1  }
0x323: {  	[tilespmem:s15+$0xFFFFFF70] =	vst v0  }
0x324: {  	v0 =	vld [tilespmem:s19+$0xFFFFFF80];
	_ =	sdelay $0x4  }
0x325: {  	v0 =	vmul.f32 $8.000000000e+00, v0;
	_ =	sdelay $0x1  }
0x326: {  	[tilespmem:s15+$0xFFFFFF80] =	vst v0  }
0x327: {  	v0 =	vld [tilespmem:s19+$0xFFFFFF90];
	_ =	sdelay $0x4  }
0x328: {  	v0 =	vmul.f32 $8.000000000e+00, v0;
	_ =	sdelay $0x1  }
0x329: {  	[tilespmem:s15+$0xFFFFFF90] =	vst v0  }
0x32a: {  	v0 =	vld [tilespmem:s19+$0xFFFFFFA0];
	_ =	sdelay $0x4  }
0x32b: {  	v0 =	vmul.f32 $8.000000000e+00, v0;
	_ =	sdelay $0x1  }
0x32c: {  	[tilespmem:s15+$0xFFFFFFA0] =	vst v0  }
0x32d: {  	v0 =	vld [tilespmem:s19+$0xFFFFFFB0];
	_ =	sdelay $0x4  }
0x32e: {  	v0 =	vmul.f32 $8.000000000e+00, v0;
	_ =	sdelay $0x1  }
0x32f: {  	[tilespmem:s15+$0xFFFFFFB0] =	vst v0  }
0x330: {  	v0 =	vld [tilespmem:s19+$0xFFFFFFC0];
	_ =	sdelay $0x4  }
0x331: {  	v0 =	vmul.f32 $8.000000000e+00, v0;
	_ =	sdelay $0x1  }
0x332: {  	[tilespmem:s15+$0xFFFFFFC0] =	vst v0  }
0x333: {  	v0 =	vld [tilespmem:s19+$0xFFFFFFD0];
	_ =	sdelay $0x4  }
0x334: {  	v0 =	vmul.f32 $8.000000000e+00, v0;
	_ =	sdelay $0x1  }
0x335: {  	[tilespmem:s15+$0xFFFFFFD0] =	vst v0  }
0x336: {  	v0 =	vld [tilespmem:s19+$0xFFFFFFE0];
	_ =	sdelay $0x4  }
0x337: {  	v0 =	vmul.f32 $8.000000000e+00, v0;
	_ =	sdelay $0x1  }
0x338: {  	[tilespmem:s15+$0xFFFFFFE0] =	vst v0  }
0x339: {  	v0 =	vld [tilespmem:s19+$0xFFFFFFF0];
	_ =	sdelay $0x4  }
0x33a: {  	v0 =	vmul.f32 $8.000000000e+00, v0;
	_ =	sdelay $0x1  }
0x33b: {  	[tilespmem:s15+$0xFFFFFFF0] =	vst v0  }
0x33c: {  	v0 =	vld [tilespmem:s19+$0x0];
	_ =	sdelay $0x4  }
0x33d: {  	v0 =	vmul.f32 $8.000000000e+00, v0;
	_ =	sdelay $0x1  }
0x33e: {  	s16 =	simm.s32 $0x85F0;
	s5 =	simm.s32 $0x0;
	[tilespmem:s15+$0x0] =	vst v0  }
.LBB2_22:
0x33f: {  	v0 =	vld [tilespmem:s16+$0xFFFFFF10];
	s5 =	sadd.s32 $0x4, s5  }
0x340: {  	p0 =	slt.u32 s5, $0x7C;
	_ =	sdelay $0x3  }
0x341: {  	v0 =	vmul.f32 $8.000000000e+00, v0  }
0x342: {  	s15 =	sadd.s32 $0x100, s15  }
0x343: {  	[tilespmem:s15+$0xFFFFFF10] =	vst v0  }
0x344: {  	v0 =	vld [tilespmem:s16+$0xFFFFFF20];
	_ =	sdelay $0x4  }
0x345: {  	v0 =	vmul.f32 $8.000000000e+00, v0;
	_ =	sdelay $0x1  }
0x346: {  	[tilespmem:s15+$0xFFFFFF20] =	vst v0  }
0x347: {  	v0 =	vld [tilespmem:s16+$0xFFFFFF30];
	_ =	sdelay $0x4  }
0x348: {  	v0 =	vmul.f32 $8.000000000e+00, v0;
	_ =	sdelay $0x1  }
0x349: {  	[tilespmem:s15+$0xFFFFFF30] =	vst v0  }
0x34a: {  	v0 =	vld [tilespmem:s16+$0xFFFFFF40];
	_ =	sdelay $0x4  }
0x34b: {  	v0 =	vmul.f32 $8.000000000e+00, v0;
	_ =	sdelay $0x1  }
0x34c: {  	[tilespmem:s15+$0xFFFFFF40] =	vst v0  }
0x34d: {  	v0 =	vld [tilespmem:s16+$0xFFFFFF50];
	_ =	sdelay $0x4  }
0x34e: {  	v0 =	vmul.f32 $8.000000000e+00, v0;
	_ =	sdelay $0x1  }
0x34f: {  	[tilespmem:s15+$0xFFFFFF50] =	vst v0  }
0x350: {  	v0 =	vld [tilespmem:s16+$0xFFFFFF60];
	_ =	sdelay $0x4  }
0x351: {  	v0 =	vmul.f32 $8.000000000e+00, v0;
	_ =	sdelay $0x1  }
0x352: {  	[tilespmem:s15+$0xFFFFFF60] =	vst v0  }
0x353: {  	v0 =	vld [tilespmem:s16+$0xFFFFFF70];
	_ =	sdelay $0x4  }
0x354: {  	v0 =	vmul.f32 $8.000000000e+00, v0;
	_ =	sdelay $0x1  }
0x355: {  	[tilespmem:s15+$0xFFFFFF70] =	vst v0  }
0x356: {  	v0 =	vld [tilespmem:s16+$0xFFFFFF80];
	_ =	sdelay $0x4  }
0x357: {  	v0 =	vmul.f32 $8.000000000e+00, v0;
	_ =	sdelay $0x1  }
0x358: {  	[tilespmem:s15+$0xFFFFFF80] =	vst v0  }
0x359: {  	v0 =	vld [tilespmem:s16+$0xFFFFFF90];
	_ =	sdelay $0x4  }
0x35a: {  	v0 =	vmul.f32 $8.000000000e+00, v0;
	_ =	sdelay $0x1  }
0x35b: {  	[tilespmem:s15+$0xFFFFFF90] =	vst v0  }
0x35c: {  	v0 =	vld [tilespmem:s16+$0xFFFFFFA0];
	_ =	sdelay $0x4  }
0x35d: {  	v0 =	vmul.f32 $8.000000000e+00, v0;
	_ =	sdelay $0x1  }
0x35e: {  	[tilespmem:s15+$0xFFFFFFA0] =	vst v0  }
0x35f: {  	v0 =	vld [tilespmem:s16+$0xFFFFFFB0];
	_ =	sdelay $0x4  }
0x360: {  	v0 =	vmul.f32 $8.000000000e+00, v0;
	_ =	sdelay $0x1  }
0x361: {  	[tilespmem:s15+$0xFFFFFFB0] =	vst v0  }
0x362: {  	v0 =	vld [tilespmem:s16+$0xFFFFFFC0];
	_ =	sdelay $0x4  }
0x363: {  	v0 =	vmul.f32 $8.000000000e+00, v0;
	_ =	sdelay $0x1  }
0x364: {  	[tilespmem:s15+$0xFFFFFFC0] =	vst v0  }
0x365: {  	v0 =	vld [tilespmem:s16+$0xFFFFFFD0];
	_ =	sdelay $0x4  }
0x366: {  	v0 =	vmul.f32 $8.000000000e+00, v0;
	_ =	sdelay $0x1  }
0x367: {  	[tilespmem:s15+$0xFFFFFFD0] =	vst v0  }
0x368: {  	v0 =	vld [tilespmem:s16+$0xFFFFFFE0];
	_ =	sdelay $0x4  }
0x369: {  	v0 =	vmul.f32 $8.000000000e+00, v0;
	_ =	sdelay $0x1  }
0x36a: {  	[tilespmem:s15+$0xFFFFFFE0] =	vst v0  }
0x36b: {  	v0 =	vld [tilespmem:s16+$0xFFFFFFF0];
	_ =	sdelay $0x4  }
0x36c: {  	v0 =	vmul.f32 $8.000000000e+00, v0;
	_ =	sdelay $0x1  }
0x36d: {  	[tilespmem:s15+$0xFFFFFFF0] =	vst v0  }
0x36e: {  	v0 =	vld [tilespmem:s16+$0x0];
	_ =	sdelay $0x2  }
.Ltmp10:
0x36f: {  	(pc) =	sbr.rel @p0 .LBB2_22-.Ltmp10, $3  }
0x370: {  	_ = 	snop  }
0x371: {  	v0 =	vmul.f32 $8.000000000e+00, v0;
	_ =	sdelay $0x1  }
0x372: {  	s16 =	sadd.s32 $0x100, s16;
	[tilespmem:s15+$0x0] =	vst v0  }
0x373: {  	s5 =	simm.s32 $0x0;
	s14 =	rddreg [dreg:$0xa]  }
0x374: {  	[hbm4b:s14+s5] =	stream.linear.scatter [tilespmem:s0], [sflag:$0x6], $0x2000, $0x38;
	[tilespmem:$0x16400] =	vst v63  }
0x375: {  	_ =	swait.ge [sflag:s23], $0x2000  }
0x376: {  	[sflag:s23] =	ssyncset.done $0x0  }
0x377: {  	[sflag:s23] =	ssyncadd.s32 $0xFFFFE000  }
0x378: {  	_ =	swait.ge [sflag:s9], $0x2000  }
0x379: {  	[sflag:s9] =	ssyncset.done $0x0  }
0x37a: {  	s5 =	simm.s32 $0x0;
	[sflag:s9] =	ssyncadd.s32 $0xFFFFE000  }
0x37b: {  	v0 =	vld [tilespmem:s5+$0xA4F0]  }
0x37c: {  	v1 =	vld [tilespmem:s5+$0xA400]  }
0x37d: {  	v2 =	vld [tilespmem:s5+$0xA410]  }
0x37e: {  	v3 =	vld [tilespmem:s5+$0xA420]  }
0x37f: {  	v4 =	vld [tilespmem:s5+$0xA430]  }
0x380: {  	v5 =	vld [tilespmem:s5+$0xA440];
	v0 =	vmul.f32 $8.000000000e+00, v0  }
0x381: {  	v6 =	vld [tilespmem:s5+$0xA450];
	v1 =	vmul.f32 $8.000000000e+00, v1  }
0x382: {  	v7 =	vld [tilespmem:s5+$0xA460];
	[tilespmem:s5+$0x124F0] =	vst v0;
	v0 =	vmul.f32 $8.000000000e+00, v2  }
0x383: {  	v8 =	vld [tilespmem:s5+$0xA470];
	[tilespmem:s5+$0x12400] =	vst v1;
	v1 =	vmul.f32 $8.000000000e+00, v3  }
0x384: {  	v9 =	vld [tilespmem:s5+$0xA480];
	[tilespmem:s5+$0x12410] =	vst v0;
	v0 =	vmul.f32 $8.000000000e+00, v4  }
0x385: {  	v2 =	vld [tilespmem:s5+$0xA490];
	[tilespmem:s5+$0x12420] =	vst v1;
	v1 =	vmul.f32 $8.000000000e+00, v5  }
0x386: {  	v3 =	vmul.f32 $8.000000000e+00, v6;
	[tilespmem:s5+$0x12430] =	vst v0;
	v0 =	vld [tilespmem:s5+$0xA4A0]  }
0x387: {  	v4 =	vmul.f32 $8.000000000e+00, v7;
	[tilespmem:s5+$0x12440] =	vst v1;
	v1 =	vld [tilespmem:s5+$0xA4B0]  }
0x388: {  	v6 =	vmul.f32 $8.000000000e+00, v8;
	[tilespmem:s5+$0x12450] =	vst v3;
	v3 =	vld [tilespmem:s5+$0xA4C0]  }
0x389: {  	s15 =	simm.s32 $0x0;
	s16 =	simm.s32 $0x400;
	v5 =	vmul.f32 $8.000000000e+00, v9;
	[tilespmem:s5+$0x12460] =	vst v4;
	v4 =	vld [tilespmem:s5+$0xA4D0]  }
.LBB2_24:
0x38a: {  	s14 =	sshra.s32 s16, $0x2;
	s15 =	sadd.s32 $0x4, s15;
	[tilespmem:s5+$0x12470] =	vst v6;
	v2 =	vmul.f32 $8.000000000e+00, v2;
	v6 =	vld [tilespmem:s5+$0xA4E0]  }
0x38b: {  	v7 =	vld [tilespmem:s14+$0xA4F0];
	p0 =	slt.u32 s15, $0x7C;
	[tilespmem:s5+$0x12480] =	vst v5;
	v0 =	vmul.f32 $8.000000000e+00, v0  }
0x38c: {  	v5 =	vld [tilespmem:s14+$0xA400];
	[tilespmem:s5+$0x12490] =	vst v2;
	v1 =	vmul.f32 $8.000000000e+00, v1  }
0x38d: {  	v2 =	vld [tilespmem:s14+$0xA410];
	[tilespmem:s5+$0x124A0] =	vst v0;
	v0 =	vmul.f32 $8.000000000e+00, v3  }
0x38e: {  	v3 =	vld [tilespmem:s14+$0xA420];
	[tilespmem:s5+$0x124B0] =	vst v1;
	v1 =	vmul.f32 $8.000000000e+00, v4  }
0x38f: {  	v4 =	vld [tilespmem:s14+$0xA430];
	[tilespmem:s5+$0x124C0] =	vst v0;
	v0 =	vmul.f32 $8.000000000e+00, v6  }
0x390: {  	v6 =	vld [tilespmem:s14+$0xA440];
	v7 =	vmul.f32 $8.000000000e+00, v7;
	[tilespmem:s5+$0x124D0] =	vst v1  }
0x391: {  	v1 =	vmul.f32 $8.000000000e+00, v5;
	v5 =	vld [tilespmem:s14+$0xA450];
	[tilespmem:s5+$0x124E0] =	vst v0;
	s5 =	smov.u32 s14  }
0x392: {  	v0 =	vmul.f32 $8.000000000e+00, v2;
	v8 =	vld [tilespmem:s5+$0xA460];
	[tilespmem:s5+$0x124F0] =	vst v7  }
0x393: {  	[tilespmem:s5+$0x12400] =	vst v1;
	v1 =	vmul.f32 $8.000000000e+00, v3;
	v3 =	vld [tilespmem:s5+$0xA470]  }
0x394: {  	[tilespmem:s5+$0x12410] =	vst v0;
	v0 =	vmul.f32 $8.000000000e+00, v4;
	v4 =	vld [tilespmem:s5+$0xA480]  }
.Ltmp11:
0x395: {  	[tilespmem:s5+$0x12420] =	vst v1;
	v1 =	vmul.f32 $8.000000000e+00, v6;
	v2 =	vld [tilespmem:s5+$0xA490];
	(pc) =	sbr.rel @p0 .LBB2_24-.Ltmp11, $4  }
0x396: {  	[tilespmem:s5+$0x12430] =	vst v0;
	v5 =	vmul.f32 $8.000000000e+00, v5;
	v0 =	vld [tilespmem:s5+$0xA4A0]  }
0x397: {  	[tilespmem:s5+$0x12440] =	vst v1;
	v7 =	vmul.f32 $8.000000000e+00, v8;
	v1 =	vld [tilespmem:s5+$0xA4B0]  }
0x398: {  	[tilespmem:s5+$0x12450] =	vst v5;
	v6 =	vmul.f32 $8.000000000e+00, v3;
	v3 =	vld [tilespmem:s5+$0xA4C0]  }
0x399: {  	s16 =	sadd.s32 $0x400, s16;
	[tilespmem:s5+$0x12460] =	vst v7;
	v5 =	vmul.f32 $8.000000000e+00, v4;
	v4 =	vld [tilespmem:s5+$0xA4D0]  }
0x39a: {  	[tilespmem:s5+$0x12470] =	vst v6;
	v2 =	vmul.f32 $8.000000000e+00, v2;
	v6 =	vld [tilespmem:s5+$0xA4E0]  }
0x39b: {  	[tilespmem:s5+$0x12480] =	vst v5;
	v0 =	vmul.f32 $8.000000000e+00, v0  }
0x39c: {  	[tilespmem:s5+$0x12490] =	vst v2;
	v1 =	vmul.f32 $8.000000000e+00, v1  }
0x39d: {  	[tilespmem:s5+$0x124A0] =	vst v0;
	v0 =	vmul.f32 $8.000000000e+00, v3  }
0x39e: {  	[tilespmem:s5+$0x124B0] =	vst v1;
	v1 =	vmul.f32 $8.000000000e+00, v4  }
0x39f: {  	[tilespmem:s5+$0x124C0] =	vst v0;
	v0 =	vmul.f32 $8.000000000e+00, v6  }
0x3a0: {  	[tilespmem:s5+$0x124D0] =	vst v1  }
0x3a1: {  	s19 =	simm.s32 $0x0;
	s14 =	rddreg [dreg:$0xb];
	[tilespmem:s5+$0x124E0] =	vst v0  }
0x3a2: {  	[hbm4b:s14+s19] =	stream.linear.scatter [tilespmem:s29], [sflag:$0x7], $0x2000, $0x38;
	[tilespmem:$0x16400] =	vst v63  }
0x3a3: {  	_ =	swait.ge [sflag:s1], $0x2000  }
0x3a4: {  	[sflag:s1] =	ssyncset.done $0x0  }
0x3a5: {  	[sflag:s1] =	ssyncadd.s32 $0xFFFFE000  }
0x3a6: {  	_ =	swait.ge [sflag:s10], $0x2000  }
0x3a7: {  	[sflag:s10] =	ssyncset.done $0x0  }
0x3a8: {  	s5 =	simm.s32 $0x0;
	[sflag:s10] =	ssyncadd.s32 $0xFFFFE000  }
0x3a9: {  	v0 =	vld [tilespmem:s5+$0xC4F0]  }
0x3aa: {  	v1 =	vld [tilespmem:s5+$0xC400]  }
0x3ab: {  	v2 =	vld [tilespmem:s5+$0xC410]  }
0x3ac: {  	v3 =	vld [tilespmem:s5+$0xC420]  }
0x3ad: {  	v4 =	vld [tilespmem:s5+$0xC430]  }
0x3ae: {  	v5 =	vld [tilespmem:s5+$0xC440];
	v0 =	vmul.f32 $8.000000000e+00, v0  }
0x3af: {  	v6 =	vld [tilespmem:s5+$0xC450];
	v1 =	vmul.f32 $8.000000000e+00, v1  }
0x3b0: {  	v7 =	vld [tilespmem:s5+$0xC460];
	[tilespmem:s5+$0x144F0] =	vst v0;
	v0 =	vmul.f32 $8.000000000e+00, v2  }
0x3b1: {  	v8 =	vld [tilespmem:s5+$0xC470];
	[tilespmem:s5+$0x14400] =	vst v1;
	v1 =	vmul.f32 $8.000000000e+00, v3  }
0x3b2: {  	v9 =	vld [tilespmem:s5+$0xC480];
	[tilespmem:s5+$0x14410] =	vst v0;
	v0 =	vmul.f32 $8.000000000e+00, v4  }
0x3b3: {  	v2 =	vld [tilespmem:s5+$0xC490];
	[tilespmem:s5+$0x14420] =	vst v1;
	v1 =	vmul.f32 $8.000000000e+00, v5  }
0x3b4: {  	v3 =	vmul.f32 $8.000000000e+00, v6;
	[tilespmem:s5+$0x14430] =	vst v0;
	v0 =	vld [tilespmem:s5+$0xC4A0]  }
0x3b5: {  	v4 =	vmul.f32 $8.000000000e+00, v7;
	[tilespmem:s5+$0x14440] =	vst v1;
	v1 =	vld [tilespmem:s5+$0xC4B0]  }
0x3b6: {  	v6 =	vmul.f32 $8.000000000e+00, v8;
	[tilespmem:s5+$0x14450] =	vst v3;
	v3 =	vld [tilespmem:s5+$0xC4C0]  }
0x3b7: {  	s15 =	simm.s32 $0x0;
	s16 =	simm.s32 $0x400;
	v5 =	vmul.f32 $8.000000000e+00, v9;
	[tilespmem:s5+$0x14460] =	vst v4;
	v4 =	vld [tilespmem:s5+$0xC4D0]  }
.LBB2_26:
0x3b8: {  	s14 =	sshra.s32 s16, $0x2;
	s15 =	sadd.s32 $0x4, s15;
	[tilespmem:s5+$0x14470] =	vst v6;
	v2 =	vmul.f32 $8.000000000e+00, v2;
	v6 =	vld [tilespmem:s5+$0xC4E0]  }
0x3b9: {  	v7 =	vld [tilespmem:s14+$0xC4F0];
	p0 =	slt.u32 s15, $0x7C;
	[tilespmem:s5+$0x14480] =	vst v5;
	v0 =	vmul.f32 $8.000000000e+00, v0  }
0x3ba: {  	v5 =	vld [tilespmem:s14+$0xC400];
	[tilespmem:s5+$0x14490] =	vst v2;
	v1 =	vmul.f32 $8.000000000e+00, v1  }
0x3bb: {  	v2 =	vld [tilespmem:s14+$0xC410];
	[tilespmem:s5+$0x144A0] =	vst v0;
	v0 =	vmul.f32 $8.000000000e+00, v3  }
0x3bc: {  	v3 =	vld [tilespmem:s14+$0xC420];
	[tilespmem:s5+$0x144B0] =	vst v1;
	v1 =	vmul.f32 $8.000000000e+00, v4  }
0x3bd: {  	v4 =	vld [tilespmem:s14+$0xC430];
	[tilespmem:s5+$0x144C0] =	vst v0;
	v0 =	vmul.f32 $8.000000000e+00, v6  }
0x3be: {  	v6 =	vld [tilespmem:s14+$0xC440];
	v7 =	vmul.f32 $8.000000000e+00, v7;
	[tilespmem:s5+$0x144D0] =	vst v1  }
0x3bf: {  	v1 =	vmul.f32 $8.000000000e+00, v5;
	v5 =	vld [tilespmem:s14+$0xC450];
	[tilespmem:s5+$0x144E0] =	vst v0;
	s5 =	smov.u32 s14  }
0x3c0: {  	v0 =	vmul.f32 $8.000000000e+00, v2;
	v8 =	vld [tilespmem:s5+$0xC460];
	[tilespmem:s5+$0x144F0] =	vst v7  }
0x3c1: {  	[tilespmem:s5+$0x14400] =	vst v1;
	v1 =	vmul.f32 $8.000000000e+00, v3;
	v3 =	vld [tilespmem:s5+$0xC470]  }
0x3c2: {  	[tilespmem:s5+$0x14410] =	vst v0;
	v0 =	vmul.f32 $8.000000000e+00, v4;
	v4 =	vld [tilespmem:s5+$0xC480]  }
.Ltmp12:
0x3c3: {  	[tilespmem:s5+$0x14420] =	vst v1;
	v1 =	vmul.f32 $8.000000000e+00, v6;
	v2 =	vld [tilespmem:s5+$0xC490];
	(pc) =	sbr.rel @p0 .LBB2_26-.Ltmp12, $4  }
0x3c4: {  	[tilespmem:s5+$0x14430] =	vst v0;
	v5 =	vmul.f32 $8.000000000e+00, v5;
	v0 =	vld [tilespmem:s5+$0xC4A0]  }
0x3c5: {  	[tilespmem:s5+$0x14440] =	vst v1;
	v7 =	vmul.f32 $8.000000000e+00, v8;
	v1 =	vld [tilespmem:s5+$0xC4B0]  }
0x3c6: {  	[tilespmem:s5+$0x14450] =	vst v5;
	v6 =	vmul.f32 $8.000000000e+00, v3;
	v3 =	vld [tilespmem:s5+$0xC4C0]  }
0x3c7: {  	s16 =	sadd.s32 $0x400, s16;
	[tilespmem:s5+$0x14460] =	vst v7;
	v5 =	vmul.f32 $8.000000000e+00, v4;
	v4 =	vld [tilespmem:s5+$0xC4D0]  }
0x3c8: {  	[tilespmem:s5+$0x14470] =	vst v6;
	v2 =	vmul.f32 $8.000000000e+00, v2;
	v60 =	vld [tilespmem:s5+$0xC4E0]  }
0x3c9: {  	[tilespmem:s5+$0x14480] =	vst v5;
	v0 =	vmul.f32 $8.000000000e+00, v0  }
0x3ca: {  	[tilespmem:s5+$0x14490] =	vst v2;
	v1 =	vmul.f32 $8.000000000e+00, v1  }
0x3cb: {  	[tilespmem:s5+$0x144A0] =	vst v0;
	v61 =	vmul.f32 $8.000000000e+00, v3  }
0x3cc: {  	[tilespmem:s5+$0x144B0] =	vst v1;
	v62 =	vmul.f32 $8.000000000e+00, v4  }
0x3cd: {  	[tilespmem:s5+$0x144C0] =	vst v61;
	v63 =	vmul.f32 $8.000000000e+00, v60  }
0x3ce: {  	[tilespmem:s5+$0x144D0] =	vst v62  }
0x3cf: {  	s18 =	rddreg [dreg:$0xc];
	[tilespmem:s5+$0x144E0] =	vst v63  }
0x3d0: {  	[hbm4b:s18+s3] =	stream.linear.scatter [tilespmem:s25], [sflag:$0x8], $0x2000, $0x38;
	[tilespmem:$0x16400] =	vst v63  }
0x3d1: {  	_ =	swait.ge [sflag:s7], $0x2000  }
0x3d2: {  	[sflag:s7] =	ssyncset.done $0x0  }
0x3d3: {  	[sflag:s7] =	ssyncadd.s32 $0xFFFFE000  }
0x3d4: {  	_ =	swait.ge [sflag:s8], $0x2000  }
0x3d5: {  	[sflag:s8] =	ssyncset.done $0x0  }
0x3d6: {  	[sflag:s8] =	ssyncadd.s32 $0xFFFFE000  }
0x3d7: {  	_ =	swait.ge [sflag:s9], $0x2000  }
0x3d8: {  	[sflag:s9] =	ssyncset.done $0x0  }
0x3d9: {  	[sflag:s9] =	ssyncadd.s32 $0xFFFFE000  }
0x3da: {  	_ =	swait.ge [sflag:s10], $0x2000  }
0x3db: {  	s14 =	rddreg [dreg:$0xe]  }
0x3dc: {  	s19 =	rddreg [dreg:$0xd];
	s14 =	sadd.s32 $0x1, s14  }
0x3dd: {  	p0 =	sne.s32 s14, s19  }
.Ltmp13:
0x3de: {  	_ = 	snop;
	(pc) =	sbr.rel @p0 .LBB2_1-.Ltmp13, $3  }
0x3df: {  	_ =	sdelay $0x1  }
0x3e0: {  	[sflag:s10] =	ssyncset.done $0x0  }
0x3e1: {  	[sflag:s10] =	ssyncadd.s32 $0xFFFFE000  }
0x3e2: {  	_ =	sfence.sel $0x180000  }
0x3e3: {  	[bflag:$0x0] =	sbarrier.arrive $0xFFFF  }
0x3e4: {  	_ =	strace $0x90000047  }
0x3e5: {  	s0 =	stileid.u32;
	[bflag:$0x2] =	sbarrier.arrive $0xFFFF  }
0x3e6: {  	p0 =	sne.s32 s0, $0x0;
	s0 =	rddreg [dreg:$0x3]  }
0x3e7: {  	s0 =	sadd.s32 @!p0 $0x100000, s0  }
0x3e8: {  	[sflag:s0] =	ssyncadd.tile.s32 @!p0 $0x1;
	_ =	shalt  }
.Lfunc_end2:
_tile_overlayer_lowered:
.L_overlay_start_2:
0x3e9: {  	(tag) =	ssettag $0x2  }
0x3ea: {  	s0 =	rddreg [dreg:$0x0];
	s2 =	stileid.u32  }
0x3eb: {  	s1 =	rddreg [dreg:$0x1];
	p0 =	sne.s32 s2, $0x0  }
0x3ec: {  	s3 =	rddreg [dreg:$0x2];
	[bflag:$0x3] =	sbarrier.arrive $0xFFFF;
	s2 =	simm.s32 @!p0 $0x1C09  }
0x3ed: {  	[timem:s3], [sflag:s2] =	dma.local @!p0 [hbm:s0], s1  }
0x3ee: {  	s0 =	simm.s32 @!p0 $0x9  }
0x3ef: {  	_ =	swait.ge @!p0 [sflag:s0], s1  }
0x3f0: {  	s1 =	ssub.s32 @!p0 $0x0, s1;
	[sflag:s0] =	ssyncset.done @!p0 $0x0  }
0x3f1: {  	[sflag:s0] =	ssyncadd.s32 @!p0 s1  }
0x3f2: {  	[bflag:$0x3] =	sbarrier.arrive $0xFFFF  }
0x3f3: {  	_ =	shalt  }

// kernel: sparse-core-data-format-call.cloned.1.call-start
scs
called_computation_lowered:
.L_overlay_start_0:
0x0: {  	s2 =	sld [smem:$0x3FD9]  }
0x1: {  	s3 =	sld [smem:$0x3FFE];
	_ =	sdelay $0x1  }
0x2: {  	s1 =	srdreg.scid  }
0x3: {  	s0 =	sand.u32 $0x1, s1  }
0x4: {  	s18 =	sshll.u32 s0, $0xA;
	s2 =	sadd.s32 s3, s2  }
0x5: {  	s2 =	sadd.s32 s2, s18  }
0x6: {  	[smem:$0x3FC6] =	sst s2  }
0x7: {  	_ = 	snop  }
0x8: {  	s2 =	sld [smem:$0x3FD0];
	(tm) =	ssettm $0x1  }
0x9: {  	s19 =	sld [smem:$0x3FFB];
	_ =	sdelay $0x3  }
0xa: {  	_ =	strace s19  }
0xb: {  	s3 =	sld [smem:$0x3FFC];
	_ =	sdelay $0x3  }
0xc: {  	_ =	strace s3  }
0xd: {  	s3 =	sld [smem:$0x3FFD];
	_ =	sdelay $0x3  }
0xe: {  	_ =	strace s3  }
0xf: {  	_ =	strace $0x8FFFFFFF  }
0x10: {  	s20 =	sld [smem:$0x3FDB];
	_ =	sdelay $0x1  }
0x11: {  	s4 =	simm.s32 $_scs_section_size  }
0x12: {  	s5 =	simm.s32 $_size__tile_overlayer_lowered;
	s6 =	simm.s32 $_tile_overlayer_lowered  }
0x13: {  	s23 =	simm.s32 $0x1BFF;
	s22 =	sshll.u32 s6, $0x1;
	s3 =	sadd.s32 s4, s20  }
0x14: {  	s7 =	simm.s32 $0x0;
	s21 =	sshll.u32 s5, $0x1;
	s5 =	sadd.s32 s22, s3  }
0x15: {  	[timem:s7], [sflag:s23] =	dma.local [hbm:s5], s21  }
0x16: {  	_ =	swait.ge [sflag:s23], s21  }
0x17: {  	s4 =	ssub.s32 $0x0, s21;
	[sflag:s23] =	ssyncset.done $0x0  }
0x18: {  	[sflag:s23] =	ssyncadd.s32 s4;
	_ =	sdelay $0x1  }
0x19: {  	s24 =	simm.s32 $0x1B8B  }
0x1a: {  	_ =	swait.ge [sflag:s24], $0x1  }
0x1b: {  	[sflag:s24] =	ssyncset.done $0x0  }
0x1c: {  	s26 =	simm.s32 $0x1B8E;
	s25 =	sld [smem:$0x3FFE];
	[sflag:s24] =	ssyncadd.s32 $0xFFFFFFFF  }
0x1d: {  	s27 =	simm.s32 $execute0_lowered;
	[smem:$0x3FD2] =	sst s26  }
0x1e: {  	s5 =	sshll.u32 s27, $0x1;
	_ =	strace $0x80000049;
	[dreg:$0x1] =	wrdreg $0xFFFFFFFF  }
0x1f: {  	s28 =	simm.s32 $_size_execute0_lowered;
	s3 =	sadd.s32 s3, s5;
	[dreg:$0x0] =	wrdreg $0x0  }
0x20: {  	s5 =	sshll.u32 s28, $0x1;
	[dreg:$0x2] =	wrdreg s3  }
0x21: {  	[dreg:$0x3] =	wrdreg s5  }
0x22: {  	[dreg:$0x4] =	wrdreg $0xC0  }
0x23: {  	_ =	task [dreg:s7], $0x5FFFF  }
0x24: {  	[dreg:$0x1] =	wrdreg $0xFFFFFFFF  }
0x25: {  	[dreg:$0x0] =	wrdreg $0x60  }
0x26: {  	[dreg:$0x2] =	wrdreg s25  }
0x27: {  	[dreg:$0x3] =	wrdreg s2  }
0x28: {  	[dreg:$0x4] =	wrdreg $0x9  }
0x29: {  	_ =	task.clear_ibuf [dreg:s7], $0x5FFFF;
	_ =	strace $0x90000049  }
0x2a: {  	s29 =	simm.s32 $0x9;
	_ =	strace $0x8000004B  }
0x2b: {  	_ =	swait.ge [sflag:s29], $0x1  }
0x2c: {  	[sflag:s29] =	ssyncadd.s32 $0xFFFFFFFF  }
0x2d: {  	_ =	strace $0x9000004B  }
0x2e: {  	_ =	sfence  }
0x2f: {  	s30 =	sld [smem:$0x0];
	_ =	sdelay $0x2  }
0x30: {  	s31 =	sshll.u32 s1, $0xD;
	s1 =	sshrl.u32 s1, $0x2  }
0x31: {  	s3 =	sand.u32 $0x4000, s31;
	s1 =	sadd.s32 s1, s30  }
0x32: {  	s0 =	sor.u32 s3, s0;
	s1 =	sshll.u32 s1, $0x11  }
0x33: {  	s0 =	sor.u32 s1, s0  }
0x34: {  	s0 =	sadd.s32 $0x8F2B, s0  }
0x35: {  	[sflag:s0] =	ssyncadd.remote.s32 $0x1  }
0x36: {  	_ =	sfence.sel $0xFFFF  }
0x37: {  	[dreg:$0x0] =	wrdreg $0xFFFFFFFF;
	(pc) =	sbr.abs _section_cstart, $3  }
0x38: {  	[dreg:$0x1] =	wrdreg $0xFFFFFFFF  }
0x39: {  	_ =	task.clear_ibuf [dreg:s7], $0x2FFFF;
	_ =	strace $0x9FFFFFFF  }
0x3a: {  	(tm) =	ssettm $0x7FFFFFFF  }
0x3b: {  	_ =	shalt  }
tec
execute0_lowered:
.L_overlay_start_1:
0x0: {  	(tag) =	ssettag $0x1  }
0x1: {  	s0 =	srdreg.scid  }
0x2: {  	s1 =	sshll.u32 s0, $0x4  }
0x3: {  	s4 =	rddreg [dreg:$0x0];
	s0 =	stileid.u32;
	s1 =	sand.u32 $0x10, s1  }
0x4: {  	s2 =	rddreg [dreg:$0x1];
	s7 =	simm.s32 $0x1;
	s1 =	sor.u32 s0, s1  }
0x5: {  	s8 =	simm.s32 $0x2;
	s11 =	simm.s32 $0x0;
	s3 =	sshll.u32 s1, $0x7  }
0x6: {  	s10 =	simm.s32 $0x0;
	s4 =	sadd.s32 $0x800, s4;
	s6 =	ssub.s32 $0xC8000, s3  }
.Ltmp0:
0x7: {  	s1 =	rddreg [dreg:$0x2];
	s5 =	sand.u32 $0xF80, s6;
	(pc) =	sbr.rel .LBB1_1-.Ltmp0, $4  }
0x8: {  	_ =	strace $0x8000004A;
	s9 =	smov.u32 s3;
	p0 =	sne.s32 s5, $0x0  }
0x9: {  	s6 =	sshrl.u32 s6, $0xC;
	s5 =	simm.s32 $0x1;
	s7 =	simm.s32 @!p0 $0x0  }
0xa: {  	[sflag:s5] =	ssyncpa.u1 $0x0;
	p0 =	por $0x0, $0x0;
	s6 =	sadd.s32 s7, s6  }
0xb: {  	[sflag:s8] =	ssyncpa.u1 $0x0;
	s8 =	simm.s32 $0x640000;
	s7 =	sadd.s32 $0x1, s6  }
.LBB1_4:
0xc: {  	s14 =	sshll.u32 s11, $0x3  }
0xd: {  	s30 =	sand.u32 $0x7F, s11;
	s15 =	sand.u32 $0xFFFFFC00, s14  }
0xe: {  	s11 =	sor.u32 s30, s15  }
0xf: {  	s15 =	smulhi.u32 $0x51EB851F, s11  }
0x10: {  	s14 =	smulhi.u32 $0x51EB851F, s14  }
0x11: {  	s15 =	sshrl.u32 s15, $0x12  }
0x12: {  	s14 =	sshrl.u32 s14, $0x12;
	s15 =	smul.u32 $0xC8000, s15  }
0x13: {  	s14 =	sand.u32 $0x3F, s14  }
0x14: {  	s14 =	smul.u32 $0x19000, s14;
	s11 =	ssub.s32 s11, s15  }
0x15: {  	[tilespmem:s13+$0x810 ss:$0x81] =	vst.msk $0xffff, v2;
	s15 =	sand.u32 $0x7, s11  }
0x16: {  	[tilespmem:s13+$0x1020 ss:$0x81] =	vst.msk $0xffff, v0;
	s14 =	sadd.s32 s2, s14;
	s11 =	sshrl.u32 s11, $0x3;
	s15 =	sshll.u32 s15, $0x12  }
0x17: {  	[tilespmem:s13+$0x0 ss:$0x81] =	vst.msk $0xffff, v1;
	s11 =	sadd.s32 s11, s14;
	s31 =	sor.u32 $0x400, s15  }
0x18: {  	[hbm4b:s11+s31] =	stream.strided.scatter [tilespmem:s12], [sflag:$0x2], $0x2000, s8, s31, $0x20;
	[tilespmem:$0x8080] =	vst v63  }
.LBB1_5:
0x19: {  	s13 =	sadd.s32 $0x1000, s9  }
0x1a: {  	p2 =	sgt.s32 s13, $0xC7FFF  }
0x1b: {  	s13 =	smov.u32 @p2 s3;
	p2 =	sne.s32 s10, s7  }
.Ltmp1:
0x1c: {  	p1 =	slt.u32 s10, $0x2;
	(pc) =	sbr.rel @!p2 .LBB1_6-.Ltmp1, $4  }
0x1d: {  	s12 =	simm.s32 @!p1 $0x2  }
0x1e: {  	s14 =	sadd.s32 $0x1, s10;
	_ =	swait.ge @!p1 [sflag:s12], $0x2000  }
0x1f: {  	s11 =	smov.u32 s9;
	p0 =	por !p0, !p0;
	[sflag:s12] =	ssyncset.done @!p1 $0x0  }
0x20: {  	s10 =	smov.u32 s14;
	s9 =	smov.u32 s13;
	[sflag:s12] =	ssyncadd.s32 @!p1 $0xFFFFE000  }
.LBB1_1:
0x21: {  	p1 =	sge.u32 s10, s6  }
0x22: {  	s12 =	sand.u32 @!p1 $0x1FFFFFF, s9  }
0x23: {  	s13 =	smulhi.u32 @!p1 $0x147AE15, s12;
	_ =	sdelay $0x1  }
0x24: {  	s13 =	sshrl.u32 @!p1 s13, $0xC  }
0x25: {  	s13 =	smul.u32 @!p1 $0xC8000, s13;
	_ =	sdelay $0x1  }
0x26: {  	s31 =	sadd.s32 $0xFFFFFFFF, s10;
	s14 =	sxor.u32 @!p1 $0xFFFFFFFF, s10;
	s12 =	ssub.s32 @!p1 s12, s13  }
0x27: {  	s15 =	simm.s32 @!p1 $0x80;
	s14 =	sshll.u32 @!p1 s14, $0xD;
	s12 =	sshll.u32 @!p1 s12, $0x4  }
0x28: {  	s13 =	sand.u32 @!p1 $0x2000, s14;
	s14 =	simm.s32 @!p1 $0x40;
	s12 =	sadd.s32 @!p1 s4, s12  }
0x29: {  	[tilespmem:s13], [sflag:$0x1] =	stream.strided.gather @!p1 [hbm4b:s12+s14], $0x2000, s15, s14, $0x38;
	[tilespmem:$0x8080] =	vst v63  }
0x2a: {  	p1 =	sge.u32 s31, s6  }
.Ltmp2:
0x2b: {  	_ = 	snop;
	(pc) =	sbr.rel @p1 .LBB1_5-.Ltmp2, $1  }
0x2c: {  	_ =	sdelay $0x3  }
0x2d: {  	s12 =	simm.s32 $0x1  }
0x2e: {  	_ =	swait.ge [sflag:s5], $0x2000;
	s12 =	simm.s32 @!p0 $0x0  }
0x2f: {  	[sflag:s5] =	ssyncset.done $0x0;
	s13 =	sshll.u32 s12, $0xD  }
0x30: {  	[sflag:s5] =	ssyncadd.s32 $0xFFFFE000;
	s16 =	sor.u32 $0x20, s13  }
0x31: {  	s12 =	smul.u32 $0x8100, s12;
	v3 =	vld [tilespmem:s16+$0x10]  }
0x32: {  	s30 =	sand.u32 $0x1, s10;
	v2 =	vld [tilespmem:s16+$0xFFFFFFF0]  }
0x33: {  	s13 =	smul.u32 $0x8100, s30;
	s12 =	sshrl.u32 s12, $0x2;
	v0 =	vld [tilespmem:s16+$0x0]  }
0x34: {  	v1 =	vld [tilespmem:s16+$0xFFFFFFE0];
	s14 =	sor.u32 $0x4000, s12  }
0x35: {  	s31 =	sshrl.u32 s13, $0x2;
	s13 =	sadd.s32 $0x0, s14  }
0x36: {  	s15 =	simm.s32 $0x4;
	s16 =	sadd.s32 $0x40, s16;
	s12 =	sor.u32 $0x4000, s31;
	[tilespmem:s13+$0x1830 ss:$0x81] =	vst.msk $0xffff, v3  }
.LBB1_3:
0x37: {  	v3 =	vld [tilespmem:s16+$0x10];
	p1 =	sne.s32 s15, $0x1FC;
	[tilespmem:s13+$0x810 ss:$0x81] =	vst.msk $0xffff, v2;
	s17 =	smov.u32 s15;
	s15 =	sadd.s32 $0x4, s15  }
.Ltmp3:
0x38: {  	v2 =	vld [tilespmem:s16+$0xFFFFFFF0];
	[tilespmem:s13+$0x1020 ss:$0x81] =	vst.msk $0xffff, v0;
	(pc) =	sbr.rel @p1 .LBB1_3-.Ltmp3, $4  }
0x39: {  	v0 =	vld [tilespmem:s16+$0x0];
	[tilespmem:s13+$0x0 ss:$0x81] =	vst.msk $0xffff, v1  }
0x3a: {  	s13 =	sshra.s32 s17, $0x2;
	v1 =	vld [tilespmem:s16+$0xFFFFFFE0]  }
0x3b: {  	s13 =	sadd.s32 s13, s14  }
0x3c: {  	s16 =	sadd.s32 $0x40, s16;
	[tilespmem:s13+$0x1830 ss:$0x81] =	vst.msk $0xffff, v3  }
.Ltmp4:
0x3d: {  	_ = 	snop;
	(pc) =	sbr.rel .LBB1_4-.Ltmp4, $1  }
0x3e: {  	_ =	sdelay $0x3  }
.LBB1_6:
0x3f: {  	_ =	sfence.sel $0x180000  }
0x40: {  	s2 =	simm.s32 $0x1;
	[bflag:$0x0] =	sbarrier.arrive $0xFFFF  }
0x41: {  	s31 =	simm.s32 $0x2;
	[sflag:s2] =	ssyncpa.u1 $0x1  }
0x42: {  	[sflag:s31] =	ssyncpa.u1 $0x1  }
0x43: {  	p0 =	sne.s32 s0, $0x0;
	_ =	strace $0x9000004A  }
0x44: {  	s0 =	sadd.s32 @!p0 $0x100000, s1;
	[bflag:$0x2] =	sbarrier.arrive $0xFFFF  }
0x45: {  	[sflag:s0] =	ssyncadd.tile.s32 @!p0 $0x1;
	_ =	shalt  }
.Lfunc_end1:
_tile_overlayer_lowered:
.L_overlay_start_2:
0x46: {  	(tag) =	ssettag $0x2  }
0x47: {  	s0 =	rddreg [dreg:$0x0];
	s2 =	stileid.u32  }
0x48: {  	s1 =	rddreg [dreg:$0x1];
	p0 =	sne.s32 s2, $0x0  }
0x49: {  	s3 =	rddreg [dreg:$0x2];
	[bflag:$0x3] =	sbarrier.arrive $0xFFFF;
	s2 =	simm.s32 @!p0 $0x1C01  }
0x4a: {  	[timem:s3], [sflag:s2] =	dma.local @!p0 [hbm:s0], s1  }
0x4b: {  	s0 =	simm.s32 @!p0 $0x1  }
0x4c: {  	_ =	swait.ge @!p0 [sflag:s0], s1  }
0x4d: {  	s1 =	ssub.s32 @!p0 $0x0, s1;
	[sflag:s0] =	ssyncset.done @!p0 $0x0  }
0x4e: {  	[sflag:s0] =	ssyncadd.s32 @!p0 s1  }
0x4f: {  	[bflag:$0x3] =	sbarrier.arrive $0xFFFF  }
0x50: {  	_ =	shalt  }

</sc_bundles>
